<compile_context>
chip_gen: v7x
topology: tpu7x:2x2x1
jax: 0.10.2.dev20260603
libtpu: 0.0.44.dev20260713+nightly
codegen_flags: <defaults>
</compile_context>

<pallas_src>
import functools

import jax
import jax.numpy as jnp
from jax import lax
from jax.experimental import pallas as pl
from jax.experimental.pallas import tpu as pltpu
from jax.experimental.pallas import tpu_sc as plsc

N_MAP = 10000
N_ACT = 1600
D = 128
NW = 32
WROWS = 320
MPAD = NW * WROWS
SEG = 16384
E_CAP = NW * SEG
BLK = 1024
PB = SEG // BLK
RB = 2000

_INTERPRET = False


def _gn(y, g, b):
    m = jnp.mean(y, axis=1, keepdims=True)
    v = jnp.mean((y - m) ** 2, axis=1, keepdims=True)
    return (y - m) / jnp.sqrt(v + 1e-5) * g + b


def _relu(x):
    return jnp.maximum(x, 0.0)



def _k0_body(feat_ref, meta_ref, wft_ref, wmt_ref, g_ref, b_ref, o_ref):
    y = jnp.dot(feat_ref[...], wft_ref[...], preferred_element_type=jnp.float32)
    meta = meta_ref[...]
    wmt = wmt_ref[...]
    for i in range(4):
        y = y + meta[:, i:i + 1] * wmt[i:i + 1, :]
    o_ref[...] = _relu(_gn(y, g_ref[...], b_ref[...]))


def _k0(feat, meta, wft, wmt, g, b):
    grid = (N_MAP // RB,)
    return pl.pallas_call(
        _k0_body,
        grid=grid,
        in_specs=[
            pl.BlockSpec((RB, D), lambda i: (i, 0)),
            pl.BlockSpec((RB, 4), lambda i: (i, 0)),
            pl.BlockSpec((D, D), lambda i: (0, 0)),
            pl.BlockSpec((4, D), lambda i: (0, 0)),
            pl.BlockSpec((1, D), lambda i: (0, 0)),
            pl.BlockSpec((1, D), lambda i: (0, 0)),
        ],
        out_specs=pl.BlockSpec((RB, D), lambda i: (i, 0)),
        out_shape=jax.ShapeDtypeStruct((N_MAP, D), jnp.float32),
        interpret=_INTERPRET,
    )(feat, meta, wft, wmt, g, b)



def _k1_body(x_ref, act_ref, agtT_ref, qT_ref, qg_ref, qb_ref, wqT_ref,
             wcT_ref, a0_ref, qc_ref, cc_ref):
    a0_ref[...] = jnp.dot(x_ref[...], agtT_ref[...],
                          preferred_element_type=jnp.float32)
    q = _relu(_gn(jnp.dot(x_ref[...], qT_ref[...],
                          preferred_element_type=jnp.float32),
                  qg_ref[...], qb_ref[...]))
    qc_ref[...] = jnp.dot(q, wqT_ref[...], preferred_element_type=jnp.float32)

    @pl.when(pl.program_id(0) == 0)
    def _():
        cc_ref[...] = jnp.dot(act_ref[...], wcT_ref[...],
                              preferred_element_type=jnp.float32)


def _k1(x, actors, agtT, qT, qg, qb, wqT, wcT):
    grid = (N_MAP // RB,)
    return pl.pallas_call(
        _k1_body,
        grid=grid,
        in_specs=[
            pl.BlockSpec((RB, D), lambda i: (i, 0)),
            pl.BlockSpec((N_ACT, D), lambda i: (0, 0)),
            pl.BlockSpec((D, D), lambda i: (0, 0)),
            pl.BlockSpec((D, D), lambda i: (0, 0)),
            pl.BlockSpec((1, D), lambda i: (0, 0)),
            pl.BlockSpec((1, D), lambda i: (0, 0)),
            pl.BlockSpec((D, D), lambda i: (0, 0)),
            pl.BlockSpec((D, D), lambda i: (0, 0)),
        ],
        out_specs=[
            pl.BlockSpec((RB, D), lambda i: (i, 0)),
            pl.BlockSpec((RB, D), lambda i: (i, 0)),
            pl.BlockSpec((N_ACT, D), lambda i: (0, 0)),
        ],
        out_shape=[
            jax.ShapeDtypeStruct((N_MAP, D), jnp.float32),
            jax.ShapeDtypeStruct((N_MAP, D), jnp.float32),
            jax.ShapeDtypeStruct((N_ACT, D), jnp.float32),
        ],
        interpret=_INTERPRET,
    )(x, actors, agtT, qT, qg, qb, wqT, wcT)



def _k4_body(cnt_ref, relx_ref, rely_ref, qg_ref, cg_ref,
             d0x_ref, d0y_ref, d0b_ref, w1T_ref, d1g_ref, d1b_ref,
             wdT_ref, c0g_ref, c0b_ref, c1T_ref, o_ref):
    pid = pl.program_id(0)
    s = pid // PB
    base = (pid % PB) * BLK
    cnt = cnt_ref[s, 0]

    @pl.when(base < cnt)
    def _():
        d0 = _relu(relx_ref[...] * d0x_ref[...] + rely_ref[...] * d0y_ref[...]
                   + d0b_ref[...])
        d1 = _relu(_gn(jnp.dot(d0, w1T_ref[...],
                               preferred_element_type=jnp.float32),
                       d1g_ref[...], d1b_ref[...]))
        e = (jnp.dot(d1, wdT_ref[...], preferred_element_type=jnp.float32)
             + qg_ref[...] + cg_ref[...])
        c1 = _relu(_gn(e, c0g_ref[...], c0b_ref[...]))
        c = jnp.dot(c1, c1T_ref[...], preferred_element_type=jnp.float32)
        row = base + lax.broadcasted_iota(jnp.int32, (BLK, 1), 0)
        o_ref[...] = jnp.where(row < cnt, c, 0.0)


def _k4(counts, relx, rely, qg, cg, p):
    grid = (NW * PB,)
    wspec = pl.BlockSpec((D, D), lambda i: (0, 0))
    vspec = pl.BlockSpec((1, D), lambda i: (0, 0))
    espec = pl.BlockSpec((BLK, D), lambda i: (i, 0))
    sspec = pl.BlockSpec((BLK, 1), lambda i: (i, 0))
    return pl.pallas_call(
        _k4_body,
        grid=grid,
        in_specs=[
            pl.BlockSpec(memory_space=pltpu.SMEM),
            sspec, sspec, espec, espec,
            vspec, vspec, vspec, wspec, vspec, vspec,
            wspec, vspec, vspec, wspec,
        ],
        out_specs=espec,
        out_shape=jax.ShapeDtypeStruct((E_CAP, D), jnp.float32),
        interpret=_INTERPRET,
    )(counts, relx, rely, qg, cg,
      p['d0x'], p['d0y'], p['d0b'], p['w1T'], p['d1g'], p['d1b'],
      p['wdT'], p['c0g'], p['c0b'], p['c1T'])



def _k6_body(a0_ref, p0_ref, p1_ref, res_ref, linT_ref,
             ng_ref, nb_ref, lg_ref, lb_ref, o_ref):
    a = a0_ref[...] + p0_ref[...] + p1_ref[...]
    h = _relu(_gn(a, ng_ref[...], nb_ref[...]))
    h2 = _gn(jnp.dot(h, linT_ref[...], preferred_element_type=jnp.float32),
             lg_ref[...], lb_ref[...])
    o_ref[...] = _relu(h2 + res_ref[...])


def _k6(a0, p0, p1, res, linT, ng, nb, lg, lb):
    grid = (N_MAP // RB,)
    rspec = pl.BlockSpec((RB, D), lambda i: (i, 0))
    wspec = pl.BlockSpec((D, D), lambda i: (0, 0))
    vspec = pl.BlockSpec((1, D), lambda i: (0, 0))
    return pl.pallas_call(
        _k6_body,
        grid=grid,
        in_specs=[rspec, rspec, rspec, rspec, wspec,
                  vspec, vspec, vspec, vspec],
        out_specs=rspec,
        out_shape=jax.ShapeDtypeStruct((N_MAP, D), jnp.float32),
        interpret=_INTERPRET,
    )(a0, p0, p1, res, linT, ng, nb, lg, lb)



def _sc_edge_build(mxp, myp, ax, ay):
    mesh = plsc.VectorSubcoreMesh(core_axis_name="c", subcore_axis_name="s")

    @functools.partial(
        pl.kernel,
        out_type=[
            jax.ShapeDtypeStruct((NW, SEG), jnp.int32),
            jax.ShapeDtypeStruct((NW, SEG), jnp.int32),
            jax.ShapeDtypeStruct((NW, SEG), jnp.float32),
            jax.ShapeDtypeStruct((NW, SEG), jnp.float32),
            jax.ShapeDtypeStruct((NW, 16), jnp.int32),
        ],
        mesh=mesh,
        scratch_types=[
            pltpu.VMEM((N_ACT,), jnp.float32),
            pltpu.VMEM((N_ACT,), jnp.float32),
            pltpu.VMEM((WROWS + 16,), jnp.float32),
            pltpu.VMEM((WROWS + 16,), jnp.float32),
            pltpu.VMEM((SEG + 16,), jnp.int32),
            pltpu.VMEM((SEG + 16,), jnp.int32),
            pltpu.VMEM((SEG + 16,), jnp.float32),
            pltpu.VMEM((SEG + 16,), jnp.float32),
            pltpu.VMEM((16,), jnp.int32),
            pltpu.VMEM((48,), jnp.int32),
        ],
    )
    def k(mx_h, my_h, ax_h, ay_h, hi_o, wi_o, rx_o, ry_o, cnt_o,
          ax_v, ay_v, mx_v, my_v, hib, wib, rxb, ryb, cntv, pbuf):
        cid = lax.axis_index("c")
        sid = lax.axis_index("s")
        w = sid * 2 + cid
        row0 = w * WROWS
        nrows = jnp.minimum(WROWS, jnp.maximum(N_MAP - row0, 0))
        pltpu.sync_copy(ax_h, ax_v)
        pltpu.sync_copy(ay_h, ay_v)
        pltpu.sync_copy(mx_h.at[pl.ds(row0, WROWS)], mx_v.at[pl.ds(0, WROWS)])
        pltpu.sync_copy(my_h.at[pl.ds(row0, WROWS)], my_v.at[pl.ds(0, WROWS)])

        zi = jnp.zeros((16,), jnp.int32)

        def zbody(i, _):
            hib[pl.ds(i * 16, 16)] = zi
            wib[pl.ds(i * 16, 16)] = zi
            return 0

        lax.fori_loop(0, (SEG + 16) // 16, zbody, 0)

        lane = lax.iota(jnp.int32, 16)
        zi16 = jnp.zeros((16,), jnp.int32)
        zf16 = jnp.zeros((16,), jnp.float32)
        pbuf[pl.ds(0, 16)] = zi16
        pbuf[pl.ds(32, 16)] = zi16

        def row_body(r, cnt):
            mxs = jnp.full((16,), mx_v[pl.ds(r, 16)][0], jnp.float32)
            mys = jnp.full((16,), my_v[pl.ds(r, 16)][0], jnp.float32)
            hval = jnp.full((16,), row0 + r, jnp.int32)

            def ch_body(a, cnt):
                axv = ax_v[pl.ds(a * 16, 16)]
                ayv = ay_v[pl.ds(a * 16, 16)]
                dx = mxs - axv
                dy = mys - ayv
                d2 = dx * dx + dy * dy
                m = (d2 + 1e-6) <= 64.0
                sv = jnp.where(m, 1, 0)
                s = sv
                pbuf[pl.ds(16, 16)] = s
                s = s + pbuf[pl.ds(15, 16)]
                pbuf[pl.ds(16, 16)] = s
                s = s + pbuf[pl.ds(14, 16)]
                pbuf[pl.ds(16, 16)] = s
                s = s + pbuf[pl.ds(12, 16)]
                pbuf[pl.ds(16, 16)] = s
                pos = s + pbuf[pl.ds(8, 16)]
                n = pos[15]

                def do(cnt):
                    owi = zi16
                    odx = zf16
                    ody = zf16
                    for j in range(16):
                        pj = jnp.full((16,), pos[j] - 1, jnp.int32)
                        mj = jnp.full((16,), sv[j], jnp.int32)
                        eqi = jnp.where(lane == pj, mj, 0)
                        eqf = eqi.astype(jnp.float32)
                        owi = owi + eqi * jnp.full((16,), a * 16 + j,
                                                   jnp.int32)
                        odx = odx + eqf * jnp.full((16,), dx[j], jnp.float32)
                        ody = ody + eqf * jnp.full((16,), dy[j], jnp.float32)
                    hib[pl.ds(cnt, 16)] = hval
                    wib[pl.ds(cnt, 16)] = owi
                    rxb[pl.ds(cnt, 16)] = odx
                    ryb[pl.ds(cnt, 16)] = ody
                    return jnp.minimum(cnt + n, SEG)

                return lax.cond(n > 0, do, lambda c: c, cnt)

            return lax.fori_loop(0, N_ACT // 16, ch_body, cnt)

        cnt = lax.fori_loop(0, nrows, row_body, jnp.int32(0))

        cntv[...] = jnp.full((16,), cnt, jnp.int32)
        pltpu.sync_copy(hib.at[pl.ds(0, SEG)], hi_o.at[w])
        pltpu.sync_copy(wib.at[pl.ds(0, SEG)], wi_o.at[w])
        pltpu.sync_copy(rxb.at[pl.ds(0, SEG)], rx_o.at[w])
        pltpu.sync_copy(ryb.at[pl.ds(0, SEG)], ry_o.at[w])
        pltpu.sync_copy(cntv, cnt_o.at[w])

    return k(mxp, myp, ax, ay)



GCH = 128


def _sc_gather(qc, cc, hi2, wi2, counts):
    mesh = plsc.VectorSubcoreMesh(core_axis_name="c", subcore_axis_name="s")

    @functools.partial(
        pl.kernel,
        out_type=[
            jax.ShapeDtypeStruct((E_CAP, D), jnp.float32),
            jax.ShapeDtypeStruct((E_CAP, D), jnp.float32),
        ],
        mesh=mesh,
        scratch_types=[
            pltpu.VMEM((SEG,), jnp.int32),
            pltpu.VMEM((SEG,), jnp.int32),
            pltpu.VMEM((GCH, D), jnp.float32),
            pltpu.VMEM((GCH, D), jnp.float32),
            pltpu.VMEM((16,), jnp.int32),
        ],
    )
    def k(qc_h, cc_h, hi_h, wi_h, cnt_h, qg_o, cg_o,
          hi_v, wi_v, qbuf, cbuf, cntv):
        cid = lax.axis_index("c")
        sid = lax.axis_index("s")
        w = sid * 2 + cid
        pltpu.sync_copy(hi_h.at[w], hi_v)
        pltpu.sync_copy(wi_h.at[w], wi_v)
        pltpu.sync_copy(cnt_h.at[w], cntv)
        cnt = cntv[...][0]
        nch = (cnt + (GCH - 1)) // GCH

        def body(j, _):
            pltpu.sync_copy(qc_h.at[hi_v.at[pl.ds(j * GCH, GCH)]], qbuf)
            pltpu.sync_copy(cc_h.at[wi_v.at[pl.ds(j * GCH, GCH)]], cbuf)
            base = w * SEG + j * GCH
            pltpu.sync_copy(qbuf, qg_o.at[pl.ds(base, GCH)])
            pltpu.sync_copy(cbuf, cg_o.at[pl.ds(base, GCH)])
            return 0

        lax.fori_loop(0, nch, body, 0)

    return k(qc, cc, hi2, wi2, counts)



SCH = 64
RPS = 632
NMP = 16 * RPS


def _sc_scatter(c, hi3, counts, zrows):
    mesh = plsc.VectorSubcoreMesh(core_axis_name="c", subcore_axis_name="s")

    @functools.partial(
        pl.kernel,
        out_type=[
            jax.ShapeDtypeStruct((NMP, D), jnp.float32),
            jax.ShapeDtypeStruct((NMP, D), jnp.float32),
        ],
        mesh=mesh,
        scratch_types=[
            pltpu.VMEM_SHARED((NMP, D), jnp.float32),
            pltpu.VMEM((SEG // SCH, SCH), jnp.int32),
            pltpu.VMEM((SCH, D), jnp.float32),
            pltpu.VMEM((16,), jnp.int32),
        ],
    )
    def k(c_h, hi_h, cnt_h, z_h, p0_o, p1_o, acc, hiv, cbuf, cntv):
        cid = lax.axis_index("c")
        sid = lax.axis_index("s")
        w = sid * 2 + cid
        pltpu.sync_copy(z_h, acc.at[pl.ds(sid * RPS, RPS)])
        pltpu.sync_copy(hi_h.at[w], hiv)
        pltpu.sync_copy(cnt_h.at[w], cntv)
        cnt = cntv[...][0]
        nch = (cnt + (SCH - 1)) // SCH
        plsc.subcore_barrier()

        def body(j, _):
            pltpu.sync_copy(c_h.at[pl.ds(w * SEG + j * SCH, SCH)], cbuf)
            pltpu.sync_copy(cbuf, acc.at[hiv.at[j]], add=True)
            return 0

        lax.fori_loop(0, nch, body, 0)
        plsc.subcore_barrier()

        @pl.when(cid == 0)
        def _():
            pltpu.sync_copy(acc.at[pl.ds(sid * RPS, RPS)],
                            p0_o.at[pl.ds(sid * RPS, RPS)])

        @pl.when(cid == 1)
        def _():
            pltpu.sync_copy(acc.at[pl.ds(sid * RPS, RPS)],
                            p1_o.at[pl.ds(sid * RPS, RPS)])

    return k(c, hi3, counts, zrows)



def _att_params_prep(ap):
    return {
        'd0x': ap['dist0_W'][:, 0][None, :],
        'd0y': ap['dist0_W'][:, 1][None, :],
        'd0b': ap['dist0_b'][None, :],
        'w1T': ap['dist1_W'].T,
        'd1g': ap['dist1_g'][None, :],
        'd1b': ap['dist1_b'][None, :],
        'qT': ap['query_W'].T,
        'qg': ap['query_g'][None, :],
        'qb': ap['query_b'][None, :],
        'wdT': ap['ctx0_W'][:, 0:D].T,
        'wqT': ap['ctx0_W'][:, D:2 * D].T,
        'wcT': ap['ctx0_W'][:, 2 * D:3 * D].T,
        'c0g': ap['ctx0_g'][None, :],
        'c0b': ap['ctx0_b'][None, :],
        'c1T': ap['ctx1_W'].T,
        'agtT': ap['agt_W'].T,
        'ng': ap['norm_g'][None, :],
        'nb': ap['norm_b'][None, :],
        'linT': ap['lin_W'].T,
        'lg': ap['lin_g'][None, :],
        'lb': ap['lin_b'][None, :],
    }


def kernel(feat, turn, control, intersect, map_ctrs, actors, actor_ctrs, params):
    meta = jnp.concatenate([turn, control[:, None], intersect[:, None]], axis=1)
    wft = params['meta_W'][:, :D].T
    wmt = params['meta_W'][:, D:D + 4].T
    x = _k0(feat, meta, wft, wmt, params['meta_g'][None, :],
            params['meta_b'][None, :])

    mxp = jnp.zeros((MPAD,), jnp.float32).at[:N_MAP].set(map_ctrs[:, 0])
    myp = jnp.zeros((MPAD,), jnp.float32).at[:N_MAP].set(map_ctrs[:, 1])
    hi2, wi2, rx2, ry2, counts = _sc_edge_build(
        mxp, myp, actor_ctrs[:, 0], actor_ctrs[:, 1])
    hi = hi2.reshape(E_CAP)
    relx = rx2.reshape(E_CAP, 1)
    rely = ry2.reshape(E_CAP, 1)
    hi3 = hi.reshape(NW, SEG // SCH, SCH)
    zrows = jnp.zeros((RPS, D), jnp.float32)

    for l in range(2):
        p = _att_params_prep(params['att%d' % l])
        a0, qc, cc = _k1(x, actors, p['agtT'], p['qT'], p['qg'], p['qb'],
                         p['wqT'], p['wcT'])
        qg, cg = _sc_gather(qc, cc, hi2, wi2, counts)
        c = _k4(counts, relx, rely, qg, cg, p)
        p0f, p1f = _sc_scatter(c, hi3, counts, zrows)
        p0 = p0f[:N_MAP]
        p1 = p1f[:N_MAP]
        x = _k6(a0, p0, p1, x, p['linT'], p['ng'], p['nb'], p['lg'], p['lb'])
    return x

# --- scband reference (transcript-rebuilt; emitter-appended) ---
"""Pipeline reference for scband-a2-m-5738076307533 (READ-ONLY COPY).

The authoritative reference and input builder live on the scoring server;
editing this copy changes nothing except your own understanding.
"""

import jax, jax.numpy as jnp
import numpy as np

N_MAP = 10000
N_ACT = 1600
N_MAPF = 128
N_ACTF = 128
DIST_TH = 8.0


def _relu(x):
    return jnp.maximum(x, 0.0)


def _gn(x, g, b, eps=1e-5):
    # torch.nn.GroupNorm(num_groups=1, C) on [N, C] input
    m = x.mean(axis=1, keepdims=True)
    v = ((x - m) ** 2).mean(axis=1, keepdims=True)
    return (x - m) / jnp.sqrt(v + eps) * g + b


def _att_params(key, n_agt, n_ctx):
    ks = jax.random.split(key, 8)
    s = 0.02
    return {
        'dist0_W': jax.random.normal(ks[0], (n_ctx, 2), dtype=jnp.float32) * s,
        'dist0_b': jnp.zeros((n_ctx,), dtype=jnp.float32),
        'dist1_W': jax.random.normal(ks[1], (n_ctx, n_ctx), dtype=jnp.float32) * s,
        'dist1_g': jnp.ones((n_ctx,), dtype=jnp.float32),
        'dist1_b': jnp.zeros((n_ctx,), dtype=jnp.float32),
        'query_W': jax.random.normal(ks[2], (n_ctx, n_agt), dtype=jnp.float32) * s,
        'query_g': jnp.ones((n_ctx,), dtype=jnp.float32),
        'query_b': jnp.zeros((n_ctx,), dtype=jnp.float32),
        'ctx0_W': jax.random.normal(ks[3], (n_agt, 3 * n_ctx), dtype=jnp.float32) * s,
        'ctx0_g': jnp.ones((n_agt,), dtype=jnp.float32),
        'ctx0_b': jnp.zeros((n_agt,), dtype=jnp.float32),
        'ctx1_W': jax.random.normal(ks[4], (n_agt, n_agt), dtype=jnp.float32) * s,
        'agt_W': jax.random.normal(ks[5], (n_agt, n_agt), dtype=jnp.float32) * s,
        'norm_g': jnp.ones((n_agt,), dtype=jnp.float32),
        'norm_b': jnp.zeros((n_agt,), dtype=jnp.float32),
        'lin_W': jax.random.normal(ks[6], (n_agt, n_agt), dtype=jnp.float32) * s,
        'lin_g': jnp.ones((n_agt,), dtype=jnp.float32),
        'lin_b': jnp.zeros((n_agt,), dtype=jnp.float32),
    }


def setup_inputs(seed: int = 0) -> dict:
    key = jax.random.key(seed)
    ks = jax.random.split(key, 12)
    feat = jax.random.normal(ks[0], (N_MAP, N_MAPF), dtype=jnp.float32)
    turn = jax.random.uniform(ks[1], (N_MAP, 2), dtype=jnp.float32)
    control = jax.random.uniform(ks[2], (N_MAP,), dtype=jnp.float32)
    intersect = jax.random.uniform(ks[3], (N_MAP,), dtype=jnp.float32)
    map_ctrs = jax.random.uniform(ks[4], (N_MAP, 2), dtype=jnp.float32) * 100.0
    actors = jax.random.normal(ks[5], (N_ACT, N_ACTF), dtype=jnp.float32)
    actor_ctrs = jax.random.uniform(ks[6], (N_ACT, 2), dtype=jnp.float32) * 100.0
    params = {
        'meta_W': jax.random.normal(ks[7], (N_MAPF, N_MAPF + 4), dtype=jnp.float32) * 0.02,
        'meta_g': jnp.ones((N_MAPF,), dtype=jnp.float32),
        'meta_b': jnp.zeros((N_MAPF,), dtype=jnp.float32),
        'att0': _att_params(ks[8], N_MAPF, N_ACTF),
        'att1': _att_params(ks[9], N_MAPF, N_ACTF),
    }
    return {'feat': feat, 'turn': turn, 'control': control, 'intersect': intersect,
            'map_ctrs': map_ctrs, 'actors': actors, 'actor_ctrs': actor_ctrs, 'params': params}


def _att(p, agts, ctx, hi, wi, rel, valid, use_relu=True):
    res = agts
    # self.agt + index_add
    a = agts @ p['agt_W'].T

    def body(a_acc, inp):
        hi_c, wi_c, rel_c, v_c = inp
        # self.dist: nn.Linear(2, n_ctx) + ReLU + custom Linear(n_ctx, n_ctx, GN, ReLU)
        d = _relu(rel_c @ p['dist0_W'].T + p['dist0_b'])
        d = _relu(_gn(d @ p['dist1_W'].T, p['dist1_g'], p['dist1_b']))
        # self.query: custom Linear(n_agt, n_ctx)
        q = _relu(_gn(agts[hi_c] @ p['query_W'].T, p['query_g'], p['query_b']))
        c = jnp.concatenate([d, q, ctx[wi_c]], axis=1)
        # self.ctx: custom Linear(3*n_ctx, n_agt) + nn.Linear(n_agt, n_agt, bias=False)
        c = _relu(_gn(c @ p['ctx0_W'].T, p['ctx0_g'], p['ctx0_b']))
        c = c @ p['ctx1_W'].T
        c = jnp.where(v_c[:, None], c, 0.0)
        a_acc = a_acc.at[hi_c].add(c)
        return a_acc, None

    a, _ = jax.lax.scan(body, a, (hi, wi, rel, valid))
    a = _relu(_gn(a, p['norm_g'], p['norm_b']))
    # self.linear: custom Linear(n_agt, n_agt, act=False)
    a = _gn(a @ p['lin_W'].T, p['lin_g'], p['lin_b'])
    a = a + res
    if use_relu:
        a = _relu(a)
    return a


def reference(feat, turn, control, intersect, map_ctrs, actors, actor_ctrs, params):
    # A2M.forward with batch_size = 1
    meta = jnp.concatenate([turn, control[:, None], intersect[:, None]], axis=1)
    x = jnp.concatenate([feat, meta], axis=1)
    x = _relu(_gn(x @ params['meta_W'].T, params['meta_g'], params['meta_b']))
    # distance mask -> edge list (hi: map node idx, wi: actor idx)
    diff = map_ctrs[:, None, :] - actor_ctrs[None, :, :]
    dist = jnp.sqrt((diff ** 2).sum(2) + 1e-6)
    mask = dist <= DIST_TH
    n_map = map_ctrs.shape[0]
    n_act = actor_ctrs.shape[0]
    n_edges = n_map * n_act
    hi, wi = jnp.nonzero(mask, size=n_edges, fill_value=0)
    valid = jnp.arange(n_edges) < jnp.count_nonzero(mask)
    rel = map_ctrs[hi] - actor_ctrs[wi]
    hi_c = hi.reshape(n_act, n_map)
    wi_c = wi.reshape(n_act, n_map)
    rel_c = rel.reshape(n_act, n_map, 2)
    valid_c = valid.reshape(n_act, n_map)
    for i in range(2):
        x = _att(params['att%d' % i], x, actors, hi_c, wi_c, rel_c, valid_c, use_relu=True)
    return x

if __name__ == "__main__":
    import jax
    _d = setup_inputs()
    print(jax.jit(kernel)(*tuple(_d.values())))

</pallas_src>

<mosaic_0001>
#map = affine_map<(d0, d1) -> (0)>
#map1 = affine_map<(d0, d1) -> (0, 0)>
module attributes {stable_mosaic.version = 14 : i64} {
  func.func @k(%arg0: i32, %arg1: i32, %arg2: memref<10240xf32, #tpu.memory_space<hbm>>, %arg3: memref<10240xf32, #tpu.memory_space<hbm>>, %arg4: memref<1600xf32, #tpu.memory_space<hbm>>, %arg5: memref<1600xf32, #tpu.memory_space<hbm>>, %arg6: memref<32x16384xi32, #tpu.memory_space<hbm>>, %arg7: memref<32x16384xi32, #tpu.memory_space<hbm>>, %arg8: memref<32x16384xf32, #tpu.memory_space<hbm>>, %arg9: memref<32x16384xf32, #tpu.memory_space<hbm>>, %arg10: memref<32x16xi32, #tpu.memory_space<hbm>>, %arg11: memref<1600xf32, #tpu.memory_space<vmem>>, %arg12: memref<1600xf32, #tpu.memory_space<vmem>>, %arg13: memref<336xf32, #tpu.memory_space<vmem>>, %arg14: memref<336xf32, #tpu.memory_space<vmem>>, %arg15: memref<16400xi32, #tpu.memory_space<vmem>>, %arg16: memref<16400xi32, #tpu.memory_space<vmem>>, %arg17: memref<16400xf32, #tpu.memory_space<vmem>>, %arg18: memref<16400xf32, #tpu.memory_space<vmem>>, %arg19: memref<16xi32, #tpu.memory_space<vmem>>, %arg20: memref<48xi32, #tpu.memory_space<vmem>>) attributes {dimension_semantics = [#tpu.dimension_semantics<core_parallel>, #tpu.dimension_semantics<subcore_parallel>], iteration_bounds = array<i64: 2, 16>, scalar_prefetch = 0 : i64, scratch_operands = 10 : i64, tpu.core_type = #tpu.core_type<sc_vector_subcore>, window_params = [{transform_indices = #map}, {transform_indices = #map}, {transform_indices = #map}, {transform_indices = #map}, {transform_indices = #map1}, {transform_indices = #map1}, {transform_indices = #map1}, {transform_indices = #map1}, {transform_indices = #map1}]} {
    %mul3A = arith.constant 2 : i32
    %mul3A_0 = arith.muli %arg1, %mul3A : i32
    %add3A = arith.addi %mul3A_0, %arg0 : i32
    %mul3A_1 = arith.constant 320 : i32
    %mul3A_2 = arith.muli %add3A, %mul3A_1 : i32
    %sub3A = arith.constant 10000 : i32
    %sub3A_3 = arith.subi %sub3A, %mul3A_2 : i32
    %max3A = arith.constant 0 : i32
    %max3A_4 = arith.maxsi %sub3A_3, %max3A : i32
    %min3A = arith.constant 320 : i32
    %min3A_5 = arith.minsi %min3A, %max3A_4 : i32
    "tpu.region"() ({
      %run_scoped3A = tpu.sem_alloc : memref<!tpu.dma_semaphore, #tpu.memory_space<semaphore_mem>>
      tpu.enqueue_dma source(%arg4 : memref<1600xf32, #tpu.memory_space<hbm>>) target(%arg11 : memref<1600xf32, #tpu.memory_space<vmem>>) target_semaphore(%run_scoped3A : memref<!tpu.dma_semaphore, #tpu.memory_space<semaphore_mem>>)
      tpu.wait_dma2 semaphore(%run_scoped3A : memref<!tpu.dma_semaphore, #tpu.memory_space<semaphore_mem>>) src(%arg4 : memref<1600xf32, #tpu.memory_space<hbm>>) dst(%arg11 : memref<1600xf32, #tpu.memory_space<vmem>>)
      tpu.yield
    }) : () -> ()
    "tpu.region"() ({
      %run_scoped3A = tpu.sem_alloc : memref<!tpu.dma_semaphore, #tpu.memory_space<semaphore_mem>>
      tpu.enqueue_dma source(%arg5 : memref<1600xf32, #tpu.memory_space<hbm>>) target(%arg12 : memref<1600xf32, #tpu.memory_space<vmem>>) target_semaphore(%run_scoped3A : memref<!tpu.dma_semaphore, #tpu.memory_space<semaphore_mem>>)
      tpu.wait_dma2 semaphore(%run_scoped3A : memref<!tpu.dma_semaphore, #tpu.memory_space<semaphore_mem>>) src(%arg5 : memref<1600xf32, #tpu.memory_space<hbm>>) dst(%arg12 : memref<1600xf32, #tpu.memory_space<vmem>>)
      tpu.yield
    }) : () -> ()
    "tpu.region"() ({
      %run_scoped3A = tpu.sem_alloc : memref<!tpu.dma_semaphore, #tpu.memory_space<semaphore_mem>>
      %dma_start3A = arith.constant 0 : i32
      %dma_start3A_40 = tpu.memref_slice %arg13[%dma_start3A] : memref<336xf32, #tpu.memory_space<vmem>> -> memref<320xf32, #tpu.memory_space<vmem>>
      %dma_start3A_41 = tpu.memref_slice %arg2[%mul3A_2] : memref<10240xf32, #tpu.memory_space<hbm>> -> memref<320xf32, #tpu.memory_space<hbm>>
      %dma_start3A_42 = arith.constant 0 : i32
      %dma_start3A_43 = tpu.memref_slice %arg13[%dma_start3A_42] : memref<336xf32, #tpu.memory_space<vmem>> -> memref<320xf32, #tpu.memory_space<vmem>>
      %dma_start3A_44 = tpu.memref_slice %arg2[%mul3A_2] : memref<10240xf32, #tpu.memory_space<hbm>> -> memref<320xf32, #tpu.memory_space<hbm>>
      tpu.enqueue_dma source(%dma_start3A_44 : memref<320xf32, #tpu.memory_space<hbm>>) target(%dma_start3A_43 : memref<320xf32, #tpu.memory_space<vmem>>) target_semaphore(%run_scoped3A : memref<!tpu.dma_semaphore, #tpu.memory_space<semaphore_mem>>)
      %dma_wait3A = arith.constant 0 : i32
      %dma_wait3A_45 = tpu.memref_slice %arg13[%dma_wait3A] : memref<336xf32, #tpu.memory_space<vmem>> -> memref<320xf32, #tpu.memory_space<vmem>>
      %dma_wait3A_46 = tpu.memref_slice %arg2[%mul3A_2] : memref<10240xf32, #tpu.memory_space<hbm>> -> memref<320xf32, #tpu.memory_space<hbm>>
      %dma_wait3A_47 = arith.constant 0 : i32
      %dma_wait3A_48 = tpu.memref_slice %arg13[%dma_wait3A_47] : memref<336xf32, #tpu.memory_space<vmem>> -> memref<320xf32, #tpu.memory_space<vmem>>
      %dma_wait3A_49 = tpu.memref_slice %arg2[%mul3A_2] : memref<10240xf32, #tpu.memory_space<hbm>> -> memref<320xf32, #tpu.memory_space<hbm>>
      tpu.wait_dma2 semaphore(%run_scoped3A : memref<!tpu.dma_semaphore, #tpu.memory_space<semaphore_mem>>) src(%dma_wait3A_49 : memref<320xf32, #tpu.memory_space<hbm>>) dst(%dma_wait3A_48 : memref<320xf32, #tpu.memory_space<vmem>>)
      tpu.yield
    }) : () -> ()
    "tpu.region"() ({
      %run_scoped3A = tpu.sem_alloc : memref<!tpu.dma_semaphore, #tpu.memory_space<semaphore_mem>>
      %dma_start3A = arith.constant 0 : i32
      %dma_start3A_40 = tpu.memref_slice %arg14[%dma_start3A] : memref<336xf32, #tpu.memory_space<vmem>> -> memref<320xf32, #tpu.memory_space<vmem>>
      %dma_start3A_41 = tpu.memref_slice %arg3[%mul3A_2] : memref<10240xf32, #tpu.memory_space<hbm>> -> memref<320xf32, #tpu.memory_space<hbm>>
      %dma_start3A_42 = arith.constant 0 : i32
      %dma_start3A_43 = tpu.memref_slice %arg14[%dma_start3A_42] : memref<336xf32, #tpu.memory_space<vmem>> -> memref<320xf32, #tpu.memory_space<vmem>>
      %dma_start3A_44 = tpu.memref_slice %arg3[%mul3A_2] : memref<10240xf32, #tpu.memory_space<hbm>> -> memref<320xf32, #tpu.memory_space<hbm>>
      tpu.enqueue_dma source(%dma_start3A_44 : memref<320xf32, #tpu.memory_space<hbm>>) target(%dma_start3A_43 : memref<320xf32, #tpu.memory_space<vmem>>) target_semaphore(%run_scoped3A : memref<!tpu.dma_semaphore, #tpu.memory_space<semaphore_mem>>)
      %dma_wait3A = arith.constant 0 : i32
      %dma_wait3A_45 = tpu.memref_slice %arg14[%dma_wait3A] : memref<336xf32, #tpu.memory_space<vmem>> -> memref<320xf32, #tpu.memory_space<vmem>>
      %dma_wait3A_46 = tpu.memref_slice %arg3[%mul3A_2] : memref<10240xf32, #tpu.memory_space<hbm>> -> memref<320xf32, #tpu.memory_space<hbm>>
      %dma_wait3A_47 = arith.constant 0 : i32
      %dma_wait3A_48 = tpu.memref_slice %arg14[%dma_wait3A_47] : memref<336xf32, #tpu.memory_space<vmem>> -> memref<320xf32, #tpu.memory_space<vmem>>
      %dma_wait3A_49 = tpu.memref_slice %arg3[%mul3A_2] : memref<10240xf32, #tpu.memory_space<hbm>> -> memref<320xf32, #tpu.memory_space<hbm>>
      tpu.wait_dma2 semaphore(%run_scoped3A : memref<!tpu.dma_semaphore, #tpu.memory_space<semaphore_mem>>) src(%dma_wait3A_49 : memref<320xf32, #tpu.memory_space<hbm>>) dst(%dma_wait3A_48 : memref<320xf32, #tpu.memory_space<vmem>>)
      tpu.yield
    }) : () -> ()
    %broadcast_in_dim3A = arith.constant 0 : i32
    %broadcast_in_dim3A_6 = vector.broadcast %broadcast_in_dim3A : i32 to vector<16xi32>
    %scan3A = arith.constant 0 : i32
    %scan3A_7 = arith.constant 0 : i32
    %scan3A_8 = arith.constant 1025 : i32
    %scan3A_9 = arith.addi %scan3A_7, %scan3A_8 : i32
    %scan3A_10 = arith.constant 1 : i32
    %scan3A_11 = scf.for %scan3A_40 = %scan3A_7 to %scan3A_9 step %scan3A_10 iter_args(%scan3A_41 = %scan3A) -> (i32)  : i32 {
      %mul3A_42 = arith.constant 16 : i32
      %mul3A_43 = arith.muli %scan3A_40, %mul3A_42 : i32
      %swap3A_44 = arith.index_cast %mul3A_43 : i32 to index
      %swap3A_45 = tpu.vector_load %arg15[%swap3A_44] {strides = array<i32>} : memref<16400xi32, #tpu.memory_space<vmem>>, vector<16xi32>,
      %swap3A_46 = vector.shape_cast %swap3A_45 : vector<16xi32> to vector<16xi32>
      %swap3A_47 = vector.shape_cast %broadcast_in_dim3A_6 : vector<16xi32> to vector<16xi32>
      tpu.vector_store %arg15[%swap3A_44], %swap3A_47 {strides = array<i32>} : memref<16400xi32, #tpu.memory_space<vmem>>, vector<16xi32>,
      %mul3A_48 = arith.constant 16 : i32
      %mul3A_49 = arith.muli %scan3A_40, %mul3A_48 : i32
      %swap3A_50 = arith.index_cast %mul3A_49 : i32 to index
      %swap3A_51 = tpu.vector_load %arg16[%swap3A_50] {strides = array<i32>} : memref<16400xi32, #tpu.memory_space<vmem>>, vector<16xi32>,
      %swap3A_52 = vector.shape_cast %swap3A_51 : vector<16xi32> to vector<16xi32>
      %swap3A_53 = vector.shape_cast %broadcast_in_dim3A_6 : vector<16xi32> to vector<16xi32>
      tpu.vector_store %arg16[%swap3A_50], %swap3A_53 {strides = array<i32>} : memref<16400xi32, #tpu.memory_space<vmem>>, vector<16xi32>,
      %scan3A_54 = arith.constant 0 : i32
      scf.yield %scan3A_54 : i32
    }
    %scan3A_12 = arith.constant 1025 : i32
    %iota3A = tpu.iota {dimensions = array<i32: 0>} : vector<16xi32>
    %broadcast_in_dim3A_13 = arith.constant 0 : i32
    %broadcast_in_dim3A_14 = vector.broadcast %broadcast_in_dim3A_13 : i32 to vector<16xi32>
    %broadcast_in_dim3A_15 = arith.constant 0.000000e+00 : f32
    %broadcast_in_dim3A_16 = vector.broadcast %broadcast_in_dim3A_15 : f32 to vector<16xf32>
    %swap3A = arith.constant 0 : index
    %swap3A_17 = tpu.vector_load %arg20[%swap3A] {strides = array<i32>} : memref<48xi32, #tpu.memory_space<vmem>>, vector<16xi32>,
    %swap3A_18 = vector.shape_cast %swap3A_17 : vector<16xi32> to vector<16xi32>
    %swap3A_19 = vector.shape_cast %broadcast_in_dim3A_14 : vector<16xi32> to vector<16xi32>
    tpu.vector_store %arg20[%swap3A], %swap3A_19 {strides = array<i32>} : memref<48xi32, #tpu.memory_space<vmem>>, vector<16xi32>,
    %swap3A_20 = arith.constant 32 : index
    %swap3A_21 = tpu.vector_load %arg20[%swap3A_20] {strides = array<i32>} : memref<48xi32, #tpu.memory_space<vmem>>, vector<16xi32>,
    %swap3A_22 = vector.shape_cast %swap3A_21 : vector<16xi32> to vector<16xi32>
    %swap3A_23 = vector.shape_cast %broadcast_in_dim3A_14 : vector<16xi32> to vector<16xi32>
    tpu.vector_store %arg20[%swap3A_20], %swap3A_23 {strides = array<i32>} : memref<48xi32, #tpu.memory_space<vmem>>, vector<16xi32>,
    %while3A = arith.constant 0 : i32
    %while3A_24 = arith.constant 0 : i32
    %while3A_25 = arith.subi %min3A_5, %while3A : i32
    %while3A_26 = arith.addi %while3A, %while3A_25 : i32
    %while3A_27 = arith.constant 1 : i32
    %while3A_28 = arith.divsi %while3A_25, %while3A_27 : i32
    %while3A_29 = arith.muli %while3A_28, %while3A_27 : i32
    %while3A_30 = arith.addi %while3A, %while3A_29 : i32
    %while3A_31 = arith.constant 1 : i32
    %while3A_32 = scf.for %while3A_40 = %while3A to %while3A_30 step %while3A_31 iter_args(%while3A_41 = %while3A_24) -> (i32)  : i32 {
      %get3A = arith.index_cast %while3A_40 : i32 to index
      %get3A_42 = tpu.vector_load %arg13[%get3A] {strides = array<i32>} : memref<336xf32, #tpu.memory_space<vmem>>, vector<16xf32>,
      %get3A_43 = vector.shape_cast %get3A_42 : vector<16xf32> to vector<16xf32>
      %slice3A = vector.extract_strided_slice %get3A_43 {offsets = [0], sizes = [1], strides = [1]} : vector<16xf32> to vector<1xf32>
      %squeeze3A = vector.extract %slice3A[0] : f32 from vector<1xf32>
      %broadcast_in_dim3A_44 = vector.broadcast %squeeze3A : f32 to vector<16xf32>
      %get3A_45 = arith.index_cast %while3A_40 : i32 to index
      %get3A_46 = tpu.vector_load %arg14[%get3A_45] {strides = array<i32>} : memref<336xf32, #tpu.memory_space<vmem>>, vector<16xf32>,
      %get3A_47 = vector.shape_cast %get3A_46 : vector<16xf32> to vector<16xf32>
      %slice3A_48 = vector.extract_strided_slice %get3A_47 {offsets = [0], sizes = [1], strides = [1]} : vector<16xf32> to vector<1xf32>
      %squeeze3A_49 = vector.extract %slice3A_48[0] : f32 from vector<1xf32>
      %broadcast_in_dim3A_50 = vector.broadcast %squeeze3A_49 : f32 to vector<16xf32>
      %add3A_51 = arith.addi %mul3A_2, %while3A_40 : i32
      %broadcast_in_dim3A_52 = vector.broadcast %add3A_51 : i32 to vector<16xi32>
      %scan3A_53 = arith.constant 0 : i32
      %scan3A_54 = arith.constant 100 : i32
      %scan3A_55 = arith.addi %scan3A_53, %scan3A_54 : i32
      %scan3A_56 = arith.constant 1 : i32
      %scan3A_57 = scf.for %scan3A_59 = %scan3A_53 to %scan3A_55 step %scan3A_56 iter_args(%scan3A_60 = %while3A_41) -> (i32)  : i32 {
        %mul3A_61 = arith.constant 16 : i32
        %mul3A_62 = arith.muli %scan3A_59, %mul3A_61 : i32
        %get3A_63 = arith.index_cast %mul3A_62 : i32 to index
        %get3A_64 = tpu.vector_load %arg11[%get3A_63] {strides = array<i32>} : memref<1600xf32, #tpu.memory_space<vmem>>, vector<16xf32>,
        %get3A_65 = vector.shape_cast %get3A_64 : vector<16xf32> to vector<16xf32>
        %mul3A_66 = arith.constant 16 : i32
        %mul3A_67 = arith.muli %scan3A_59, %mul3A_66 : i32
        %get3A_68 = arith.index_cast %mul3A_67 : i32 to index
        %get3A_69 = tpu.vector_load %arg12[%get3A_68] {strides = array<i32>} : memref<1600xf32, #tpu.memory_space<vmem>>, vector<16xf32>,
        %get3A_70 = vector.shape_cast %get3A_69 : vector<16xf32> to vector<16xf32>
        %sub3A_71 = arith.subf %broadcast_in_dim3A_44, %get3A_65 : vector<16xf32>
        %sub3A_72 = arith.subf %broadcast_in_dim3A_50, %get3A_70 : vector<16xf32>
        %mul3A_73 = arith.mulf %sub3A_71, %sub3A_71 : vector<16xf32>
        %mul3A_74 = arith.mulf %sub3A_72, %sub3A_72 : vector<16xf32>
        %add3A_75 = arith.addf %mul3A_73, %mul3A_74 : vector<16xf32>
        %add3A_76 = arith.constant 9.99999997E-7 : f32
        %add3A_77 = vector.broadcast %add3A_76 : f32 to vector<16xf32>
        %add3A_78 = arith.addf %add3A_75, %add3A_77 : vector<16xf32>
        %le3A = arith.constant 6.400000e+01 : f32
        %le3A_79 = vector.broadcast %le3A : f32 to vector<16xf32>
        %le3A_80 = arith.cmpf ole, %add3A_78, %le3A_79 : vector<16xf32>
        %jit3A = arith.constant 1 : i32
        %jit3A_81 = arith.constant 0 : i32
        %broadcast_in_dim3A_82 = vector.broadcast %jit3A : i32 to vector<16xi32>
        %broadcast_in_dim3A_83 = vector.broadcast %jit3A_81 : i32 to vector<16xi32>
        %select_n3A = arith.select %le3A_80, %broadcast_in_dim3A_82, %broadcast_in_dim3A_83 : vector<16xi1>, vector<16xi32>
        %swap3A_84 = arith.constant 16 : index
        %swap3A_85 = tpu.vector_load %arg20[%swap3A_84] {strides = array<i32>} : memref<48xi32, #tpu.memory_space<vmem>>, vector<16xi32>,
        %swap3A_86 = vector.shape_cast %swap3A_85 : vector<16xi32> to vector<16xi32>
        %swap3A_87 = vector.shape_cast %select_n3A : vector<16xi32> to vector<16xi32>
        tpu.vector_store %arg20[%swap3A_84], %swap3A_87 {strides = array<i32>} : memref<48xi32, #tpu.memory_space<vmem>>, vector<16xi32>,
        %get3A_88 = arith.constant 15 : index
        %get3A_89 = tpu.vector_load %arg20[%get3A_88] {strides = array<i32>} : memref<48xi32, #tpu.memory_space<vmem>>, vector<16xi32>,
        %get3A_90 = vector.shape_cast %get3A_89 : vector<16xi32> to vector<16xi32>
        %add3A_91 = arith.addi %select_n3A, %get3A_90 : vector<16xi32>
        %swap3A_92 = arith.constant 16 : index
        %swap3A_93 = tpu.vector_load %arg20[%swap3A_92] {strides = array<i32>} : memref<48xi32, #tpu.memory_space<vmem>>, vector<16xi32>,
        %swap3A_94 = vector.shape_cast %swap3A_93 : vector<16xi32> to vector<16xi32>
        %swap3A_95 = vector.shape_cast %add3A_91 : vector<16xi32> to vector<16xi32>
        tpu.vector_store %arg20[%swap3A_92], %swap3A_95 {strides = array<i32>} : memref<48xi32, #tpu.memory_space<vmem>>, vector<16xi32>,
        %get3A_96 = arith.constant 14 : index
        %get3A_97 = tpu.vector_load %arg20[%get3A_96] {strides = array<i32>} : memref<48xi32, #tpu.memory_space<vmem>>, vector<16xi32>,
        %get3A_98 = vector.shape_cast %get3A_97 : vector<16xi32> to vector<16xi32>
        %add3A_99 = arith.addi %add3A_91, %get3A_98 : vector<16xi32>
        %swap3A_100 = arith.constant 16 : index
        %swap3A_101 = tpu.vector_load %arg20[%swap3A_100] {strides = array<i32>} : memref<48xi32, #tpu.memory_space<vmem>>, vector<16xi32>,
        %swap3A_102 = vector.shape_cast %swap3A_101 : vector<16xi32> to vector<16xi32>
        %swap3A_103 = vector.shape_cast %add3A_99 : vector<16xi32> to vector<16xi32>
        tpu.vector_store %arg20[%swap3A_100], %swap3A_103 {strides = array<i32>} : memref<48xi32, #tpu.memory_space<vmem>>, vector<16xi32>,
        %get3A_104 = arith.constant 12 : index
        %get3A_105 = tpu.vector_load %arg20[%get3A_104] {strides = array<i32>} : memref<48xi32, #tpu.memory_space<vmem>>, vector<16xi32>,
        %get3A_106 = vector.shape_cast %get3A_105 : vector<16xi32> to vector<16xi32>
        %add3A_107 = arith.addi %add3A_99, %get3A_106 : vector<16xi32>
        %swap3A_108 = arith.constant 16 : index
        %swap3A_109 = tpu.vector_load %arg20[%swap3A_108] {strides = array<i32>} : memref<48xi32, #tpu.memory_space<vmem>>, vector<16xi32>,
        %swap3A_110 = vector.shape_cast %swap3A_109 : vector<16xi32> to vector<16xi32>
        %swap3A_111 = vector.shape_cast %add3A_107 : vector<16xi32> to vector<16xi32>
        tpu.vector_store %arg20[%swap3A_108], %swap3A_111 {strides = array<i32>} : memref<48xi32, #tpu.memory_space<vmem>>, vector<16xi32>,
        %get3A_112 = arith.constant 8 : index
        %get3A_113 = tpu.vector_load %arg20[%get3A_112] {strides = array<i32>} : memref<48xi32, #tpu.memory_space<vmem>>, vector<16xi32>,
        %get3A_114 = vector.shape_cast %get3A_113 : vector<16xi32> to vector<16xi32>
        %add3A_115 = arith.addi %add3A_107, %get3A_114 : vector<16xi32>
        %slice3A_116 = vector.extract_strided_slice %add3A_115 {offsets = [15], sizes = [1], strides = [1]} : vector<16xi32> to vector<1xi32>
        %squeeze3A_117 = vector.extract %slice3A_116[0] : i32 from vector<1xi32>
        %gt3A = arith.constant 0 : i32
        %gt3A_118 = arith.cmpi sgt, %squeeze3A_117, %gt3A : i32
        %convert_element_type3A = arith.extui %gt3A_118 : i1 to i32
        %cond3A = arith.constant 0 : i32
        %cond3A_119 = arith.cmpi ne, %convert_element_type3A, %cond3A : i32
        %cond3A_120 = scf.if %cond3A_119 -> (i32) {
          %slice3A_121 = vector.extract_strided_slice %add3A_115 {offsets = [0], sizes = [1], strides = [1]} : vector<16xi32> to vector<1xi32>
          %squeeze3A_122 = vector.extract %slice3A_121[0] : i32 from vector<1xi32>
          %sub3A_123 = arith.constant 1 : i32
          %sub3A_124 = arith.subi %squeeze3A_122, %sub3A_123 : i32
          %broadcast_in_dim3A_125 = vector.broadcast %sub3A_124 : i32 to vector<16xi32>
          %slice3A_126 = vector.extract_strided_slice %select_n3A {offsets = [0], sizes = [1], strides = [1]} : vector<16xi32> to vector<1xi32>
          %squeeze3A_127 = vector.extract %slice3A_126[0] : i32 from vector<1xi32>
          %broadcast_in_dim3A_128 = vector.broadcast %squeeze3A_127 : i32 to vector<16xi32>
          %eq3A = arith.cmpi eq, %iota3A, %broadcast_in_dim3A_125 : vector<16xi32>
          %jit3A_129 = arith.constant 0 : i32
          %broadcast_in_dim3A_130 = vector.broadcast %jit3A_129 : i32 to vector<16xi32>
          %select_n3A_131 = arith.select %eq3A, %broadcast_in_dim3A_128, %broadcast_in_dim3A_130 : vector<16xi1>, vector<16xi32>
          %convert_element_type3A_132 = arith.sitofp %select_n3A_131 : vector<16xi32> to vector<16xf32>
          %mul3A_133 = arith.constant 16 : i32
          %mul3A_134 = arith.muli %scan3A_59, %mul3A_133 : i32
          %add3A_135 = arith.constant 0 : i32
          %add3A_136 = arith.addi %mul3A_134, %add3A_135 : i32
          %broadcast_in_dim3A_137 = vector.broadcast %add3A_136 : i32 to vector<16xi32>
          %mul3A_138 = arith.muli %select_n3A_131, %broadcast_in_dim3A_137 : vector<16xi32>
          %add3A_139 = arith.addi %broadcast_in_dim3A_14, %mul3A_138 : vector<16xi32>
          %slice3A_140 = vector.extract_strided_slice %sub3A_71 {offsets = [0], sizes = [1], strides = [1]} : vector<16xf32> to vector<1xf32>
          %squeeze3A_141 = vector.extract %slice3A_140[0] : f32 from vector<1xf32>
          %broadcast_in_dim3A_142 = vector.broadcast %squeeze3A_141 : f32 to vector<16xf32>
          %mul3A_143 = arith.mulf %convert_element_type3A_132, %broadcast_in_dim3A_142 : vector<16xf32>
          %add3A_144 = arith.addf %broadcast_in_dim3A_16, %mul3A_143 : vector<16xf32>
          %slice3A_145 = vector.extract_strided_slice %sub3A_72 {offsets = [0], sizes = [1], strides = [1]} : vector<16xf32> to vector<1xf32>
          %squeeze3A_146 = vector.extract %slice3A_145[0] : f32 from vector<1xf32>
          %broadcast_in_dim3A_147 = vector.broadcast %squeeze3A_146 : f32 to vector<16xf32>
          %mul3A_148 = arith.mulf %convert_element_type3A_132, %broadcast_in_dim3A_147 : vector<16xf32>
          %add3A_149 = arith.addf %broadcast_in_dim3A_16, %mul3A_148 : vector<16xf32>
          %slice3A_150 = vector.extract_strided_slice %add3A_115 {offsets = [1], sizes = [1], strides = [1]} : vector<16xi32> to vector<1xi32>
          %squeeze3A_151 = vector.extract %slice3A_150[0] : i32 from vector<1xi32>
          %sub3A_152 = arith.constant 1 : i32
          %sub3A_153 = arith.subi %squeeze3A_151, %sub3A_152 : i32
          %broadcast_in_dim3A_154 = vector.broadcast %sub3A_153 : i32 to vector<16xi32>
          %slice3A_155 = vector.extract_strided_slice %select_n3A {offsets = [1], sizes = [1], strides = [1]} : vector<16xi32> to vector<1xi32>
          %squeeze3A_156 = vector.extract %slice3A_155[0] : i32 from vector<1xi32>
          %broadcast_in_dim3A_157 = vector.broadcast %squeeze3A_156 : i32 to vector<16xi32>
          %eq3A_158 = arith.cmpi eq, %iota3A, %broadcast_in_dim3A_154 : vector<16xi32>
          %jit3A_159 = arith.constant 0 : i32
          %broadcast_in_dim3A_160 = vector.broadcast %jit3A_159 : i32 to vector<16xi32>
          %select_n3A_161 = arith.select %eq3A_158, %broadcast_in_dim3A_157, %broadcast_in_dim3A_160 : vector<16xi1>, vector<16xi32>
          %convert_element_type3A_162 = arith.sitofp %select_n3A_161 : vector<16xi32> to vector<16xf32>
          %mul3A_163 = arith.constant 16 : i32
          %mul3A_164 = arith.muli %scan3A_59, %mul3A_163 : i32
          %add3A_165 = arith.constant 1 : i32
          %add3A_166 = arith.addi %mul3A_164, %add3A_165 : i32
          %broadcast_in_dim3A_167 = vector.broadcast %add3A_166 : i32 to vector<16xi32>
          %mul3A_168 = arith.muli %select_n3A_161, %broadcast_in_dim3A_167 : vector<16xi32>
          %add3A_169 = arith.addi %add3A_139, %mul3A_168 : vector<16xi32>
          %slice3A_170 = vector.extract_strided_slice %sub3A_71 {offsets = [1], sizes = [1], strides = [1]} : vector<16xf32> to vector<1xf32>
          %squeeze3A_171 = vector.extract %slice3A_170[0] : f32 from vector<1xf32>
          %broadcast_in_dim3A_172 = vector.broadcast %squeeze3A_171 : f32 to vector<16xf32>
          %mul3A_173 = arith.mulf %convert_element_type3A_162, %broadcast_in_dim3A_172 : vector<16xf32>
          %add3A_174 = arith.addf %add3A_144, %mul3A_173 : vector<16xf32>
          %slice3A_175 = vector.extract_strided_slice %sub3A_72 {offsets = [1], sizes = [1], strides = [1]} : vector<16xf32> to vector<1xf32>
          %squeeze3A_176 = vector.extract %slice3A_175[0] : f32 from vector<1xf32>
          %broadcast_in_dim3A_177 = vector.broadcast %squeeze3A_176 : f32 to vector<16xf32>
          %mul3A_178 = arith.mulf %convert_element_type3A_162, %broadcast_in_dim3A_177 : vector<16xf32>
          %add3A_179 = arith.addf %add3A_149, %mul3A_178 : vector<16xf32>
          %slice3A_180 = vector.extract_strided_slice %add3A_115 {offsets = [2], sizes = [1], strides = [1]} : vector<16xi32> to vector<1xi32>
          %squeeze3A_181 = vector.extract %slice3A_180[0] : i32 from vector<1xi32>
          %sub3A_182 = arith.constant 1 : i32
          %sub3A_183 = arith.subi %squeeze3A_181, %sub3A_182 : i32
          %broadcast_in_dim3A_184 = vector.broadcast %sub3A_183 : i32 to vector<16xi32>
          %slice3A_185 = vector.extract_strided_slice %select_n3A {offsets = [2], sizes = [1], strides = [1]} : vector<16xi32> to vector<1xi32>
          %squeeze3A_186 = vector.extract %slice3A_185[0] : i32 from vector<1xi32>
          %broadcast_in_dim3A_187 = vector.broadcast %squeeze3A_186 : i32 to vector<16xi32>
          %eq3A_188 = arith.cmpi eq, %iota3A, %broadcast_in_dim3A_184 : vector<16xi32>
          %jit3A_189 = arith.constant 0 : i32
          %broadcast_in_dim3A_190 = vector.broadcast %jit3A_189 : i32 to vector<16xi32>
          %select_n3A_191 = arith.select %eq3A_188, %broadcast_in_dim3A_187, %broadcast_in_dim3A_190 : vector<16xi1>, vector<16xi32>
          %convert_element_type3A_192 = arith.sitofp %select_n3A_191 : vector<16xi32> to vector<16xf32>
          %mul3A_193 = arith.constant 16 : i32
          %mul3A_194 = arith.muli %scan3A_59, %mul3A_193 : i32
          %add3A_195 = arith.constant 2 : i32
          %add3A_196 = arith.addi %mul3A_194, %add3A_195 : i32
          %broadcast_in_dim3A_197 = vector.broadcast %add3A_196 : i32 to vector<16xi32>
          %mul3A_198 = arith.muli %select_n3A_191, %broadcast_in_dim3A_197 : vector<16xi32>
          %add3A_199 = arith.addi %add3A_169, %mul3A_198 : vector<16xi32>
          %slice3A_200 = vector.extract_strided_slice %sub3A_71 {offsets = [2], sizes = [1], strides = [1]} : vector<16xf32> to vector<1xf32>
          %squeeze3A_201 = vector.extract %slice3A_200[0] : f32 from vector<1xf32>
          %broadcast_in_dim3A_202 = vector.broadcast %squeeze3A_201 : f32 to vector<16xf32>
          %mul3A_203 = arith.mulf %convert_element_type3A_192, %broadcast_in_dim3A_202 : vector<16xf32>
          %add3A_204 = arith.addf %add3A_174, %mul3A_203 : vector<16xf32>
          %slice3A_205 = vector.extract_strided_slice %sub3A_72 {offsets = [2], sizes = [1], strides = [1]} : vector<16xf32> to vector<1xf32>
          %squeeze3A_206 = vector.extract %slice3A_205[0] : f32 from vector<1xf32>
          %broadcast_in_dim3A_207 = vector.broadcast %squeeze3A_206 : f32 to vector<16xf32>
          %mul3A_208 = arith.mulf %convert_element_type3A_192, %broadcast_in_dim3A_207 : vector<16xf32>
          %add3A_209 = arith.addf %add3A_179, %mul3A_208 : vector<16xf32>
          %slice3A_210 = vector.extract_strided_slice %add3A_115 {offsets = [3], sizes = [1], strides = [1]} : vector<16xi32> to vector<1xi32>
          %squeeze3A_211 = vector.extract %slice3A_210[0] : i32 from vector<1xi32>
          %sub3A_212 = arith.constant 1 : i32
          %sub3A_213 = arith.subi %squeeze3A_211, %sub3A_212 : i32
          %broadcast_in_dim3A_214 = vector.broadcast %sub3A_213 : i32 to vector<16xi32>
          %slice3A_215 = vector.extract_strided_slice %select_n3A {offsets = [3], sizes = [1], strides = [1]} : vector<16xi32> to vector<1xi32>
          %squeeze3A_216 = vector.extract %slice3A_215[0] : i32 from vector<1xi32>
          %broadcast_in_dim3A_217 = vector.broadcast %squeeze3A_216 : i32 to vector<16xi32>
          %eq3A_218 = arith.cmpi eq, %iota3A, %broadcast_in_dim3A_214 : vector<16xi32>
          %jit3A_219 = arith.constant 0 : i32
          %broadcast_in_dim3A_220 = vector.broadcast %jit3A_219 : i32 to vector<16xi32>
          %select_n3A_221 = arith.select %eq3A_218, %broadcast_in_dim3A_217, %broadcast_in_dim3A_220 : vector<16xi1>, vector<16xi32>
          %convert_element_type3A_222 = arith.sitofp %select_n3A_221 : vector<16xi32> to vector<16xf32>
          %mul3A_223 = arith.constant 16 : i32
          %mul3A_224 = arith.muli %scan3A_59, %mul3A_223 : i32
          %add3A_225 = arith.constant 3 : i32
          %add3A_226 = arith.addi %mul3A_224, %add3A_225 : i32
          %broadcast_in_dim3A_227 = vector.broadcast %add3A_226 : i32 to vector<16xi32>
          %mul3A_228 = arith.muli %select_n3A_221, %broadcast_in_dim3A_227 : vector<16xi32>
          %add3A_229 = arith.addi %add3A_199, %mul3A_228 : vector<16xi32>
          %slice3A_230 = vector.extract_strided_slice %sub3A_71 {offsets = [3], sizes = [1], strides = [1]} : vector<16xf32> to vector<1xf32>
          %squeeze3A_231 = vector.extract %slice3A_230[0] : f32 from vector<1xf32>
          %broadcast_in_dim3A_232 = vector.broadcast %squeeze3A_231 : f32 to vector<16xf32>
          %mul3A_233 = arith.mulf %convert_element_type3A_222, %broadcast_in_dim3A_232 : vector<16xf32>
          %add3A_234 = arith.addf %add3A_204, %mul3A_233 : vector<16xf32>
          %slice3A_235 = vector.extract_strided_slice %sub3A_72 {offsets = [3], sizes = [1], strides = [1]} : vector<16xf32> to vector<1xf32>
          %squeeze3A_236 = vector.extract %slice3A_235[0] : f32 from vector<1xf32>
          %broadcast_in_dim3A_237 = vector.broadcast %squeeze3A_236 : f32 to vector<16xf32>
          %mul3A_238 = arith.mulf %convert_element_type3A_222, %broadcast_in_dim3A_237 : vector<16xf32>
          %add3A_239 = arith.addf %add3A_209, %mul3A_238 : vector<16xf32>
          %slice3A_240 = vector.extract_strided_slice %add3A_115 {offsets = [4], sizes = [1], strides = [1]} : vector<16xi32> to vector<1xi32>
          %squeeze3A_241 = vector.extract %slice3A_240[0] : i32 from vector<1xi32>
          %sub3A_242 = arith.constant 1 : i32
          %sub3A_243 = arith.subi %squeeze3A_241, %sub3A_242 : i32
          %broadcast_in_dim3A_244 = vector.broadcast %sub3A_243 : i32 to vector<16xi32>
          %slice3A_245 = vector.extract_strided_slice %select_n3A {offsets = [4], sizes = [1], strides = [1]} : vector<16xi32> to vector<1xi32>
          %squeeze3A_246 = vector.extract %slice3A_245[0] : i32 from vector<1xi32>
          %broadcast_in_dim3A_247 = vector.broadcast %squeeze3A_246 : i32 to vector<16xi32>
          %eq3A_248 = arith.cmpi eq, %iota3A, %broadcast_in_dim3A_244 : vector<16xi32>
          %jit3A_249 = arith.constant 0 : i32
          %broadcast_in_dim3A_250 = vector.broadcast %jit3A_249 : i32 to vector<16xi32>
          %select_n3A_251 = arith.select %eq3A_248, %broadcast_in_dim3A_247, %broadcast_in_dim3A_250 : vector<16xi1>, vector<16xi32>
          %convert_element_type3A_252 = arith.sitofp %select_n3A_251 : vector<16xi32> to vector<16xf32>
          %mul3A_253 = arith.constant 16 : i32
          %mul3A_254 = arith.muli %scan3A_59, %mul3A_253 : i32
          %add3A_255 = arith.constant 4 : i32
          %add3A_256 = arith.addi %mul3A_254, %add3A_255 : i32
          %broadcast_in_dim3A_257 = vector.broadcast %add3A_256 : i32 to vector<16xi32>
          %mul3A_258 = arith.muli %select_n3A_251, %broadcast_in_dim3A_257 : vector<16xi32>
          %add3A_259 = arith.addi %add3A_229, %mul3A_258 : vector<16xi32>
          %slice3A_260 = vector.extract_strided_slice %sub3A_71 {offsets = [4], sizes = [1], strides = [1]} : vector<16xf32> to vector<1xf32>
          %squeeze3A_261 = vector.extract %slice3A_260[0] : f32 from vector<1xf32>
          %broadcast_in_dim3A_262 = vector.broadcast %squeeze3A_261 : f32 to vector<16xf32>
          %mul3A_263 = arith.mulf %convert_element_type3A_252, %broadcast_in_dim3A_262 : vector<16xf32>
          %add3A_264 = arith.addf %add3A_234, %mul3A_263 : vector<16xf32>
          %slice3A_265 = vector.extract_strided_slice %sub3A_72 {offsets = [4], sizes = [1], strides = [1]} : vector<16xf32> to vector<1xf32>
          %squeeze3A_266 = vector.extract %slice3A_265[0] : f32 from vector<1xf32>
          %broadcast_in_dim3A_267 = vector.broadcast %squeeze3A_266 : f32 to vector<16xf32>
          %mul3A_268 = arith.mulf %convert_element_type3A_252, %broadcast_in_dim3A_267 : vector<16xf32>
          %add3A_269 = arith.addf %add3A_239, %mul3A_268 : vector<16xf32>
          %slice3A_270 = vector.extract_strided_slice %add3A_115 {offsets = [5], sizes = [1], strides = [1]} : vector<16xi32> to vector<1xi32>
          %squeeze3A_271 = vector.extract %slice3A_270[0] : i32 from vector<1xi32>
          %sub3A_272 = arith.constant 1 : i32
          %sub3A_273 = arith.subi %squeeze3A_271, %sub3A_272 : i32
          %broadcast_in_dim3A_274 = vector.broadcast %sub3A_273 : i32 to vector<16xi32>
          %slice3A_275 = vector.extract_strided_slice %select_n3A {offsets = [5], sizes = [1], strides = [1]} : vector<16xi32> to vector<1xi32>
          %squeeze3A_276 = vector.extract %slice3A_275[0] : i32 from vector<1xi32>
          %broadcast_in_dim3A_277 = vector.broadcast %squeeze3A_276 : i32 to vector<16xi32>
          %eq3A_278 = arith.cmpi eq, %iota3A, %broadcast_in_dim3A_274 : vector<16xi32>
          %jit3A_279 = arith.constant 0 : i32
          %broadcast_in_dim3A_280 = vector.broadcast %jit3A_279 : i32 to vector<16xi32>
          %select_n3A_281 = arith.select %eq3A_278, %broadcast_in_dim3A_277, %broadcast_in_dim3A_280 : vector<16xi1>, vector<16xi32>
          %convert_element_type3A_282 = arith.sitofp %select_n3A_281 : vector<16xi32> to vector<16xf32>
          %mul3A_283 = arith.constant 16 : i32
          %mul3A_284 = arith.muli %scan3A_59, %mul3A_283 : i32
          %add3A_285 = arith.constant 5 : i32
          %add3A_286 = arith.addi %mul3A_284, %add3A_285 : i32
          %broadcast_in_dim3A_287 = vector.broadcast %add3A_286 : i32 to vector<16xi32>
          %mul3A_288 = arith.muli %select_n3A_281, %broadcast_in_dim3A_287 : vector<16xi32>
          %add3A_289 = arith.addi %add3A_259, %mul3A_288 : vector<16xi32>
          %slice3A_290 = vector.extract_strided_slice %sub3A_71 {offsets = [5], sizes = [1], strides = [1]} : vector<16xf32> to vector<1xf32>
          %squeeze3A_291 = vector.extract %slice3A_290[0] : f32 from vector<1xf32>
          %broadcast_in_dim3A_292 = vector.broadcast %squeeze3A_291 : f32 to vector<16xf32>
          %mul3A_293 = arith.mulf %convert_element_type3A_282, %broadcast_in_dim3A_292 : vector<16xf32>
          %add3A_294 = arith.addf %add3A_264, %mul3A_293 : vector<16xf32>
          %slice3A_295 = vector.extract_strided_slice %sub3A_72 {offsets = [5], sizes = [1], strides = [1]} : vector<16xf32> to vector<1xf32>
          %squeeze3A_296 = vector.extract %slice3A_295[0] : f32 from vector<1xf32>
          %broadcast_in_dim3A_297 = vector.broadcast %squeeze3A_296 : f32 to vector<16xf32>
          %mul3A_298 = arith.mulf %convert_element_type3A_282, %broadcast_in_dim3A_297 : vector<16xf32>
          %add3A_299 = arith.addf %add3A_269, %mul3A_298 : vector<16xf32>
          %slice3A_300 = vector.extract_strided_slice %add3A_115 {offsets = [6], sizes = [1], strides = [1]} : vector<16xi32> to vector<1xi32>
          %squeeze3A_301 = vector.extract %slice3A_300[0] : i32 from vector<1xi32>
          %sub3A_302 = arith.constant 1 : i32
          %sub3A_303 = arith.subi %squeeze3A_301, %sub3A_302 : i32
          %broadcast_in_dim3A_304 = vector.broadcast %sub3A_303 : i32 to vector<16xi32>
          %slice3A_305 = vector.extract_strided_slice %select_n3A {offsets = [6], sizes = [1], strides = [1]} : vector<16xi32> to vector<1xi32>
          %squeeze3A_306 = vector.extract %slice3A_305[0] : i32 from vector<1xi32>
          %broadcast_in_dim3A_307 = vector.broadcast %squeeze3A_306 : i32 to vector<16xi32>
          %eq3A_308 = arith.cmpi eq, %iota3A, %broadcast_in_dim3A_304 : vector<16xi32>
          %jit3A_309 = arith.constant 0 : i32
          %broadcast_in_dim3A_310 = vector.broadcast %jit3A_309 : i32 to vector<16xi32>
          %select_n3A_311 = arith.select %eq3A_308, %broadcast_in_dim3A_307, %broadcast_in_dim3A_310 : vector<16xi1>, vector<16xi32>
          %convert_element_type3A_312 = arith.sitofp %select_n3A_311 : vector<16xi32> to vector<16xf32>
          %mul3A_313 = arith.constant 16 : i32
          %mul3A_314 = arith.muli %scan3A_59, %mul3A_313 : i32
          %add3A_315 = arith.constant 6 : i32
          %add3A_316 = arith.addi %mul3A_314, %add3A_315 : i32
          %broadcast_in_dim3A_317 = vector.broadcast %add3A_316 : i32 to vector<16xi32>
          %mul3A_318 = arith.muli %select_n3A_311, %broadcast_in_dim3A_317 : vector<16xi32>
          %add3A_319 = arith.addi %add3A_289, %mul3A_318 : vector<16xi32>
          %slice3A_320 = vector.extract_strided_slice %sub3A_71 {offsets = [6], sizes = [1], strides = [1]} : vector<16xf32> to vector<1xf32>
          %squeeze3A_321 = vector.extract %slice3A_320[0] : f32 from vector<1xf32>
          %broadcast_in_dim3A_322 = vector.broadcast %squeeze3A_321 : f32 to vector<16xf32>
          %mul3A_323 = arith.mulf %convert_element_type3A_312, %broadcast_in_dim3A_322 : vector<16xf32>
          %add3A_324 = arith.addf %add3A_294, %mul3A_323 : vector<16xf32>
          %slice3A_325 = vector.extract_strided_slice %sub3A_72 {offsets = [6], sizes = [1], strides = [1]} : vector<16xf32> to vector<1xf32>
          %squeeze3A_326 = vector.extract %slice3A_325[0] : f32 from vector<1xf32>
          %broadcast_in_dim3A_327 = vector.broadcast %squeeze3A_326 : f32 to vector<16xf32>
          %mul3A_328 = arith.mulf %convert_element_type3A_312, %broadcast_in_dim3A_327 : vector<16xf32>
          %add3A_329 = arith.addf %add3A_299, %mul3A_328 : vector<16xf32>
          %slice3A_330 = vector.extract_strided_slice %add3A_115 {offsets = [7], sizes = [1], strides = [1]} : vector<16xi32> to vector<1xi32>
          %squeeze3A_331 = vector.extract %slice3A_330[0] : i32 from vector<1xi32>
          %sub3A_332 = arith.constant 1 : i32
          %sub3A_333 = arith.subi %squeeze3A_331, %sub3A_332 : i32
          %broadcast_in_dim3A_334 = vector.broadcast %sub3A_333 : i32 to vector<16xi32>
          %slice3A_335 = vector.extract_strided_slice %select_n3A {offsets = [7], sizes = [1], strides = [1]} : vector<16xi32> to vector<1xi32>
          %squeeze3A_336 = vector.extract %slice3A_335[0] : i32 from vector<1xi32>
          %broadcast_in_dim3A_337 = vector.broadcast %squeeze3A_336 : i32 to vector<16xi32>
          %eq3A_338 = arith.cmpi eq, %iota3A, %broadcast_in_dim3A_334 : vector<16xi32>
          %jit3A_339 = arith.constant 0 : i32
          %broadcast_in_dim3A_340 = vector.broadcast %jit3A_339 : i32 to vector<16xi32>
          %select_n3A_341 = arith.select %eq3A_338, %broadcast_in_dim3A_337, %broadcast_in_dim3A_340 : vector<16xi1>, vector<16xi32>
          %convert_element_type3A_342 = arith.sitofp %select_n3A_341 : vector<16xi32> to vector<16xf32>
          %mul3A_343 = arith.constant 16 : i32
          %mul3A_344 = arith.muli %scan3A_59, %mul3A_343 : i32
          %add3A_345 = arith.constant 7 : i32
          %add3A_346 = arith.addi %mul3A_344, %add3A_345 : i32
          %broadcast_in_dim3A_347 = vector.broadcast %add3A_346 : i32 to vector<16xi32>
          %mul3A_348 = arith.muli %select_n3A_341, %broadcast_in_dim3A_347 : vector<16xi32>
          %add3A_349 = arith.addi %add3A_319, %mul3A_348 : vector<16xi32>
          %slice3A_350 = vector.extract_strided_slice %sub3A_71 {offsets = [7], sizes = [1], strides = [1]} : vector<16xf32> to vector<1xf32>
          %squeeze3A_351 = vector.extract %slice3A_350[0] : f32 from vector<1xf32>
          %broadcast_in_dim3A_352 = vector.broadcast %squeeze3A_351 : f32 to vector<16xf32>
          %mul3A_353 = arith.mulf %convert_element_type3A_342, %broadcast_in_dim3A_352 : vector<16xf32>
          %add3A_354 = arith.addf %add3A_324, %mul3A_353 : vector<16xf32>
          %slice3A_355 = vector.extract_strided_slice %sub3A_72 {offsets = [7], sizes = [1], strides = [1]} : vector<16xf32> to vector<1xf32>
          %squeeze3A_356 = vector.extract %slice3A_355[0] : f32 from vector<1xf32>
          %broadcast_in_dim3A_357 = vector.broadcast %squeeze3A_356 : f32 to vector<16xf32>
          %mul3A_358 = arith.mulf %convert_element_type3A_342, %broadcast_in_dim3A_357 : vector<16xf32>
          %add3A_359 = arith.addf %add3A_329, %mul3A_358 : vector<16xf32>
          %slice3A_360 = vector.extract_strided_slice %add3A_115 {offsets = [8], sizes = [1], strides = [1]} : vector<16xi32> to vector<1xi32>
          %squeeze3A_361 = vector.extract %slice3A_360[0] : i32 from vector<1xi32>
          %sub3A_362 = arith.constant 1 : i32
          %sub3A_363 = arith.subi %squeeze3A_361, %sub3A_362 : i32
          %broadcast_in_dim3A_364 = vector.broadcast %sub3A_363 : i32 to vector<16xi32>
          %slice3A_365 = vector.extract_strided_slice %select_n3A {offsets = [8], sizes = [1], strides = [1]} : vector<16xi32> to vector<1xi32>
          %squeeze3A_366 = vector.extract %slice3A_365[0] : i32 from vector<1xi32>
          %broadcast_in_dim3A_367 = vector.broadcast %squeeze3A_366 : i32 to vector<16xi32>
          %eq3A_368 = arith.cmpi eq, %iota3A, %broadcast_in_dim3A_364 : vector<16xi32>
          %jit3A_369 = arith.constant 0 : i32
          %broadcast_in_dim3A_370 = vector.broadcast %jit3A_369 : i32 to vector<16xi32>
          %select_n3A_371 = arith.select %eq3A_368, %broadcast_in_dim3A_367, %broadcast_in_dim3A_370 : vector<16xi1>, vector<16xi32>
          %convert_element_type3A_372 = arith.sitofp %select_n3A_371 : vector<16xi32> to vector<16xf32>
          %mul3A_373 = arith.constant 16 : i32
          %mul3A_374 = arith.muli %scan3A_59, %mul3A_373 : i32
          %add3A_375 = arith.constant 8 : i32
          %add3A_376 = arith.addi %mul3A_374, %add3A_375 : i32
          %broadcast_in_dim3A_377 = vector.broadcast %add3A_376 : i32 to vector<16xi32>
          %mul3A_378 = arith.muli %select_n3A_371, %broadcast_in_dim3A_377 : vector<16xi32>
          %add3A_379 = arith.addi %add3A_349, %mul3A_378 : vector<16xi32>
          %slice3A_380 = vector.extract_strided_slice %sub3A_71 {offsets = [8], sizes = [1], strides = [1]} : vector<16xf32> to vector<1xf32>
          %squeeze3A_381 = vector.extract %slice3A_380[0] : f32 from vector<1xf32>
          %broadcast_in_dim3A_382 = vector.broadcast %squeeze3A_381 : f32 to vector<16xf32>
          %mul3A_383 = arith.mulf %convert_element_type3A_372, %broadcast_in_dim3A_382 : vector<16xf32>
          %add3A_384 = arith.addf %add3A_354, %mul3A_383 : vector<16xf32>
          %slice3A_385 = vector.extract_strided_slice %sub3A_72 {offsets = [8], sizes = [1], strides = [1]} : vector<16xf32> to vector<1xf32>
          %squeeze3A_386 = vector.extract %slice3A_385[0] : f32 from vector<1xf32>
          %broadcast_in_dim3A_387 = vector.broadcast %squeeze3A_386 : f32 to vector<16xf32>
          %mul3A_388 = arith.mulf %convert_element_type3A_372, %broadcast_in_dim3A_387 : vector<16xf32>
          %add3A_389 = arith.addf %add3A_359, %mul3A_388 : vector<16xf32>
          %slice3A_390 = vector.extract_strided_slice %add3A_115 {offsets = [9], sizes = [1], strides = [1]} : vector<16xi32> to vector<1xi32>
          %squeeze3A_391 = vector.extract %slice3A_390[0] : i32 from vector<1xi32>
          %sub3A_392 = arith.constant 1 : i32
          %sub3A_393 = arith.subi %squeeze3A_391, %sub3A_392 : i32
          %broadcast_in_dim3A_394 = vector.broadcast %sub3A_393 : i32 to vector<16xi32>
          %slice3A_395 = vector.extract_strided_slice %select_n3A {offsets = [9], sizes = [1], strides = [1]} : vector<16xi32> to vector<1xi32>
          %squeeze3A_396 = vector.extract %slice3A_395[0] : i32 from vector<1xi32>
          %broadcast_in_dim3A_397 = vector.broadcast %squeeze3A_396 : i32 to vector<16xi32>
          %eq3A_398 = arith.cmpi eq, %iota3A, %broadcast_in_dim3A_394 : vector<16xi32>
          %jit3A_399 = arith.constant 0 : i32
          %broadcast_in_dim3A_400 = vector.broadcast %jit3A_399 : i32 to vector<16xi32>
          %select_n3A_401 = arith.select %eq3A_398, %broadcast_in_dim3A_397, %broadcast_in_dim3A_400 : vector<16xi1>, vector<16xi32>
          %convert_element_type3A_402 = arith.sitofp %select_n3A_401 : vector<16xi32> to vector<16xf32>
          %mul3A_403 = arith.constant 16 : i32
          %mul3A_404 = arith.muli %scan3A_59, %mul3A_403 : i32
          %add3A_405 = arith.constant 9 : i32
          %add3A_406 = arith.addi %mul3A_404, %add3A_405 : i32
          %broadcast_in_dim3A_407 = vector.broadcast %add3A_406 : i32 to vector<16xi32>
          %mul3A_408 = arith.muli %select_n3A_401, %broadcast_in_dim3A_407 : vector<16xi32>
          %add3A_409 = arith.addi %add3A_379, %mul3A_408 : vector<16xi32>
          %slice3A_410 = vector.extract_strided_slice %sub3A_71 {offsets = [9], sizes = [1], strides = [1]} : vector<16xf32> to vector<1xf32>
          %squeeze3A_411 = vector.extract %slice3A_410[0] : f32 from vector<1xf32>
          %broadcast_in_dim3A_412 = vector.broadcast %squeeze3A_411 : f32 to vector<16xf32>
          %mul3A_413 = arith.mulf %convert_element_type3A_402, %broadcast_in_dim3A_412 : vector<16xf32>
          %add3A_414 = arith.addf %add3A_384, %mul3A_413 : vector<16xf32>
          %slice3A_415 = vector.extract_strided_slice %sub3A_72 {offsets = [9], sizes = [1], strides = [1]} : vector<16xf32> to vector<1xf32>
          %squeeze3A_416 = vector.extract %slice3A_415[0] : f32 from vector<1xf32>
          %broadcast_in_dim3A_417 = vector.broadcast %squeeze3A_416 : f32 to vector<16xf32>
          %mul3A_418 = arith.mulf %convert_element_type3A_402, %broadcast_in_dim3A_417 : vector<16xf32>
          %add3A_419 = arith.addf %add3A_389, %mul3A_418 : vector<16xf32>
          %slice3A_420 = vector.extract_strided_slice %add3A_115 {offsets = [10], sizes = [1], strides = [1]} : vector<16xi32> to vector<1xi32>
          %squeeze3A_421 = vector.extract %slice3A_420[0] : i32 from vector<1xi32>
          %sub3A_422 = arith.constant 1 : i32
          %sub3A_423 = arith.subi %squeeze3A_421, %sub3A_422 : i32
          %broadcast_in_dim3A_424 = vector.broadcast %sub3A_423 : i32 to vector<16xi32>
          %slice3A_425 = vector.extract_strided_slice %select_n3A {offsets = [10], sizes = [1], strides = [1]} : vector<16xi32> to vector<1xi32>
          %squeeze3A_426 = vector.extract %slice3A_425[0] : i32 from vector<1xi32>
          %broadcast_in_dim3A_427 = vector.broadcast %squeeze3A_426 : i32 to vector<16xi32>
          %eq3A_428 = arith.cmpi eq, %iota3A, %broadcast_in_dim3A_424 : vector<16xi32>
          %jit3A_429 = arith.constant 0 : i32
          %broadcast_in_dim3A_430 = vector.broadcast %jit3A_429 : i32 to vector<16xi32>
          %select_n3A_431 = arith.select %eq3A_428, %broadcast_in_dim3A_427, %broadcast_in_dim3A_430 : vector<16xi1>, vector<16xi32>
          %convert_element_type3A_432 = arith.sitofp %select_n3A_431 : vector<16xi32> to vector<16xf32>
          %mul3A_433 = arith.constant 16 : i32
          %mul3A_434 = arith.muli %scan3A_59, %mul3A_433 : i32
          %add3A_435 = arith.constant 10 : i32
          %add3A_436 = arith.addi %mul3A_434, %add3A_435 : i32
          %broadcast_in_dim3A_437 = vector.broadcast %add3A_436 : i32 to vector<16xi32>
          %mul3A_438 = arith.muli %select_n3A_431, %broadcast_in_dim3A_437 : vector<16xi32>
          %add3A_439 = arith.addi %add3A_409, %mul3A_438 : vector<16xi32>
          %slice3A_440 = vector.extract_strided_slice %sub3A_71 {offsets = [10], sizes = [1], strides = [1]} : vector<16xf32> to vector<1xf32>
          %squeeze3A_441 = vector.extract %slice3A_440[0] : f32 from vector<1xf32>
          %broadcast_in_dim3A_442 = vector.broadcast %squeeze3A_441 : f32 to vector<16xf32>
          %mul3A_443 = arith.mulf %convert_element_type3A_432, %broadcast_in_dim3A_442 : vector<16xf32>
          %add3A_444 = arith.addf %add3A_414, %mul3A_443 : vector<16xf32>
          %slice3A_445 = vector.extract_strided_slice %sub3A_72 {offsets = [10], sizes = [1], strides = [1]} : vector<16xf32> to vector<1xf32>
          %squeeze3A_446 = vector.extract %slice3A_445[0] : f32 from vector<1xf32>
          %broadcast_in_dim3A_447 = vector.broadcast %squeeze3A_446 : f32 to vector<16xf32>
          %mul3A_448 = arith.mulf %convert_element_type3A_432, %broadcast_in_dim3A_447 : vector<16xf32>
          %add3A_449 = arith.addf %add3A_419, %mul3A_448 : vector<16xf32>
          %slice3A_450 = vector.extract_strided_slice %add3A_115 {offsets = [11], sizes = [1], strides = [1]} : vector<16xi32> to vector<1xi32>
          %squeeze3A_451 = vector.extract %slice3A_450[0] : i32 from vector<1xi32>
          %sub3A_452 = arith.constant 1 : i32
          %sub3A_453 = arith.subi %squeeze3A_451, %sub3A_452 : i32
          %broadcast_in_dim3A_454 = vector.broadcast %sub3A_453 : i32 to vector<16xi32>
          %slice3A_455 = vector.extract_strided_slice %select_n3A {offsets = [11], sizes = [1], strides = [1]} : vector<16xi32> to vector<1xi32>
          %squeeze3A_456 = vector.extract %slice3A_455[0] : i32 from vector<1xi32>
          %broadcast_in_dim3A_457 = vector.broadcast %squeeze3A_456 : i32 to vector<16xi32>
          %eq3A_458 = arith.cmpi eq, %iota3A, %broadcast_in_dim3A_454 : vector<16xi32>
          %jit3A_459 = arith.constant 0 : i32
          %broadcast_in_dim3A_460 = vector.broadcast %jit3A_459 : i32 to vector<16xi32>
          %select_n3A_461 = arith.select %eq3A_458, %broadcast_in_dim3A_457, %broadcast_in_dim3A_460 : vector<16xi1>, vector<16xi32>
          %convert_element_type3A_462 = arith.sitofp %select_n3A_461 : vector<16xi32> to vector<16xf32>
          %mul3A_463 = arith.constant 16 : i32
          %mul3A_464 = arith.muli %scan3A_59, %mul3A_463 : i32
          %add3A_465 = arith.constant 11 : i32
          %add3A_466 = arith.addi %mul3A_464, %add3A_465 : i32
          %broadcast_in_dim3A_467 = vector.broadcast %add3A_466 : i32 to vector<16xi32>
          %mul3A_468 = arith.muli %select_n3A_461, %broadcast_in_dim3A_467 : vector<16xi32>
          %add3A_469 = arith.addi %add3A_439, %mul3A_468 : vector<16xi32>
          %slice3A_470 = vector.extract_strided_slice %sub3A_71 {offsets = [11], sizes = [1], strides = [1]} : vector<16xf32> to vector<1xf32>
          %squeeze3A_471 = vector.extract %slice3A_470[0] : f32 from vector<1xf32>
          %broadcast_in_dim3A_472 = vector.broadcast %squeeze3A_471 : f32 to vector<16xf32>
          %mul3A_473 = arith.mulf %convert_element_type3A_462, %broadcast_in_dim3A_472 : vector<16xf32>
          %add3A_474 = arith.addf %add3A_444, %mul3A_473 : vector<16xf32>
          %slice3A_475 = vector.extract_strided_slice %sub3A_72 {offsets = [11], sizes = [1], strides = [1]} : vector<16xf32> to vector<1xf32>
          %squeeze3A_476 = vector.extract %slice3A_475[0] : f32 from vector<1xf32>
          %broadcast_in_dim3A_477 = vector.broadcast %squeeze3A_476 : f32 to vector<16xf32>
          %mul3A_478 = arith.mulf %convert_element_type3A_462, %broadcast_in_dim3A_477 : vector<16xf32>
          %add3A_479 = arith.addf %add3A_449, %mul3A_478 : vector<16xf32>
          %slice3A_480 = vector.extract_strided_slice %add3A_115 {offsets = [12], sizes = [1], strides = [1]} : vector<16xi32> to vector<1xi32>
          %squeeze3A_481 = vector.extract %slice3A_480[0] : i32 from vector<1xi32>
          %sub3A_482 = arith.constant 1 : i32
          %sub3A_483 = arith.subi %squeeze3A_481, %sub3A_482 : i32
          %broadcast_in_dim3A_484 = vector.broadcast %sub3A_483 : i32 to vector<16xi32>
          %slice3A_485 = vector.extract_strided_slice %select_n3A {offsets = [12], sizes = [1], strides = [1]} : vector<16xi32> to vector<1xi32>
          %squeeze3A_486 = vector.extract %slice3A_485[0] : i32 from vector<1xi32>
          %broadcast_in_dim3A_487 = vector.broadcast %squeeze3A_486 : i32 to vector<16xi32>
          %eq3A_488 = arith.cmpi eq, %iota3A, %broadcast_in_dim3A_484 : vector<16xi32>
          %jit3A_489 = arith.constant 0 : i32
          %broadcast_in_dim3A_490 = vector.broadcast %jit3A_489 : i32 to vector<16xi32>
          %select_n3A_491 = arith.select %eq3A_488, %broadcast_in_dim3A_487, %broadcast_in_dim3A_490 : vector<16xi1>, vector<16xi32>
          %convert_element_type3A_492 = arith.sitofp %select_n3A_491 : vector<16xi32> to vector<16xf32>
          %mul3A_493 = arith.constant 16 : i32
          %mul3A_494 = arith.muli %scan3A_59, %mul3A_493 : i32
          %add3A_495 = arith.constant 12 : i32
          %add3A_496 = arith.addi %mul3A_494, %add3A_495 : i32
          %broadcast_in_dim3A_497 = vector.broadcast %add3A_496 : i32 to vector<16xi32>
          %mul3A_498 = arith.muli %select_n3A_491, %broadcast_in_dim3A_497 : vector<16xi32>
          %add3A_499 = arith.addi %add3A_469, %mul3A_498 : vector<16xi32>
          %slice3A_500 = vector.extract_strided_slice %sub3A_71 {offsets = [12], sizes = [1], strides = [1]} : vector<16xf32> to vector<1xf32>
          %squeeze3A_501 = vector.extract %slice3A_500[0] : f32 from vector<1xf32>
          %broadcast_in_dim3A_502 = vector.broadcast %squeeze3A_501 : f32 to vector<16xf32>
          %mul3A_503 = arith.mulf %convert_element_type3A_492, %broadcast_in_dim3A_502 : vector<16xf32>
          %add3A_504 = arith.addf %add3A_474, %mul3A_503 : vector<16xf32>
          %slice3A_505 = vector.extract_strided_slice %sub3A_72 {offsets = [12], sizes = [1], strides = [1]} : vector<16xf32> to vector<1xf32>
          %squeeze3A_506 = vector.extract %slice3A_505[0] : f32 from vector<1xf32>
          %broadcast_in_dim3A_507 = vector.broadcast %squeeze3A_506 : f32 to vector<16xf32>
          %mul3A_508 = arith.mulf %convert_element_type3A_492, %broadcast_in_dim3A_507 : vector<16xf32>
          %add3A_509 = arith.addf %add3A_479, %mul3A_508 : vector<16xf32>
          %slice3A_510 = vector.extract_strided_slice %add3A_115 {offsets = [13], sizes = [1], strides = [1]} : vector<16xi32> to vector<1xi32>
          %squeeze3A_511 = vector.extract %slice3A_510[0] : i32 from vector<1xi32>
          %sub3A_512 = arith.constant 1 : i32
          %sub3A_513 = arith.subi %squeeze3A_511, %sub3A_512 : i32
          %broadcast_in_dim3A_514 = vector.broadcast %sub3A_513 : i32 to vector<16xi32>
          %slice3A_515 = vector.extract_strided_slice %select_n3A {offsets = [13], sizes = [1], strides = [1]} : vector<16xi32> to vector<1xi32>
          %squeeze3A_516 = vector.extract %slice3A_515[0] : i32 from vector<1xi32>
          %broadcast_in_dim3A_517 = vector.broadcast %squeeze3A_516 : i32 to vector<16xi32>
          %eq3A_518 = arith.cmpi eq, %iota3A, %broadcast_in_dim3A_514 : vector<16xi32>
          %jit3A_519 = arith.constant 0 : i32
          %broadcast_in_dim3A_520 = vector.broadcast %jit3A_519 : i32 to vector<16xi32>
          %select_n3A_521 = arith.select %eq3A_518, %broadcast_in_dim3A_517, %broadcast_in_dim3A_520 : vector<16xi1>, vector<16xi32>
          %convert_element_type3A_522 = arith.sitofp %select_n3A_521 : vector<16xi32> to vector<16xf32>
          %mul3A_523 = arith.constant 16 : i32
          %mul3A_524 = arith.muli %scan3A_59, %mul3A_523 : i32
          %add3A_525 = arith.constant 13 : i32
          %add3A_526 = arith.addi %mul3A_524, %add3A_525 : i32
          %broadcast_in_dim3A_527 = vector.broadcast %add3A_526 : i32 to vector<16xi32>
          %mul3A_528 = arith.muli %select_n3A_521, %broadcast_in_dim3A_527 : vector<16xi32>
          %add3A_529 = arith.addi %add3A_499, %mul3A_528 : vector<16xi32>
          %slice3A_530 = vector.extract_strided_slice %sub3A_71 {offsets = [13], sizes = [1], strides = [1]} : vector<16xf32> to vector<1xf32>
          %squeeze3A_531 = vector.extract %slice3A_530[0] : f32 from vector<1xf32>
          %broadcast_in_dim3A_532 = vector.broadcast %squeeze3A_531 : f32 to vector<16xf32>
          %mul3A_533 = arith.mulf %convert_element_type3A_522, %broadcast_in_dim3A_532 : vector<16xf32>
          %add3A_534 = arith.addf %add3A_504, %mul3A_533 : vector<16xf32>
          %slice3A_535 = vector.extract_strided_slice %sub3A_72 {offsets = [13], sizes = [1], strides = [1]} : vector<16xf32> to vector<1xf32>
          %squeeze3A_536 = vector.extract %slice3A_535[0] : f32 from vector<1xf32>
          %broadcast_in_dim3A_537 = vector.broadcast %squeeze3A_536 : f32 to vector<16xf32>
          %mul3A_538 = arith.mulf %convert_element_type3A_522, %broadcast_in_dim3A_537 : vector<16xf32>
          %add3A_539 = arith.addf %add3A_509, %mul3A_538 : vector<16xf32>
          %slice3A_540 = vector.extract_strided_slice %add3A_115 {offsets = [14], sizes = [1], strides = [1]} : vector<16xi32> to vector<1xi32>
          %squeeze3A_541 = vector.extract %slice3A_540[0] : i32 from vector<1xi32>
          %sub3A_542 = arith.constant 1 : i32
          %sub3A_543 = arith.subi %squeeze3A_541, %sub3A_542 : i32
          %broadcast_in_dim3A_544 = vector.broadcast %sub3A_543 : i32 to vector<16xi32>
          %slice3A_545 = vector.extract_strided_slice %select_n3A {offsets = [14], sizes = [1], strides = [1]} : vector<16xi32> to vector<1xi32>
          %squeeze3A_546 = vector.extract %slice3A_545[0] : i32 from vector<1xi32>
          %broadcast_in_dim3A_547 = vector.broadcast %squeeze3A_546 : i32 to vector<16xi32>
          %eq3A_548 = arith.cmpi eq, %iota3A, %broadcast_in_dim3A_544 : vector<16xi32>
          %jit3A_549 = arith.constant 0 : i32
          %broadcast_in_dim3A_550 = vector.broadcast %jit3A_549 : i32 to vector<16xi32>
          %select_n3A_551 = arith.select %eq3A_548, %broadcast_in_dim3A_547, %broadcast_in_dim3A_550 : vector<16xi1>, vector<16xi32>
          %convert_element_type3A_552 = arith.sitofp %select_n3A_551 : vector<16xi32> to vector<16xf32>
          %mul3A_553 = arith.constant 16 : i32
          %mul3A_554 = arith.muli %scan3A_59, %mul3A_553 : i32
          %add3A_555 = arith.constant 14 : i32
          %add3A_556 = arith.addi %mul3A_554, %add3A_555 : i32
          %broadcast_in_dim3A_557 = vector.broadcast %add3A_556 : i32 to vector<16xi32>
          %mul3A_558 = arith.muli %select_n3A_551, %broadcast_in_dim3A_557 : vector<16xi32>
          %add3A_559 = arith.addi %add3A_529, %mul3A_558 : vector<16xi32>
          %slice3A_560 = vector.extract_strided_slice %sub3A_71 {offsets = [14], sizes = [1], strides = [1]} : vector<16xf32> to vector<1xf32>
          %squeeze3A_561 = vector.extract %slice3A_560[0] : f32 from vector<1xf32>
          %broadcast_in_dim3A_562 = vector.broadcast %squeeze3A_561 : f32 to vector<16xf32>
          %mul3A_563 = arith.mulf %convert_element_type3A_552, %broadcast_in_dim3A_562 : vector<16xf32>
          %add3A_564 = arith.addf %add3A_534, %mul3A_563 : vector<16xf32>
          %slice3A_565 = vector.extract_strided_slice %sub3A_72 {offsets = [14], sizes = [1], strides = [1]} : vector<16xf32> to vector<1xf32>
          %squeeze3A_566 = vector.extract %slice3A_565[0] : f32 from vector<1xf32>
          %broadcast_in_dim3A_567 = vector.broadcast %squeeze3A_566 : f32 to vector<16xf32>
          %mul3A_568 = arith.mulf %convert_element_type3A_552, %broadcast_in_dim3A_567 : vector<16xf32>
          %add3A_569 = arith.addf %add3A_539, %mul3A_568 : vector<16xf32>
          %slice3A_570 = vector.extract_strided_slice %add3A_115 {offsets = [15], sizes = [1], strides = [1]} : vector<16xi32> to vector<1xi32>
          %squeeze3A_571 = vector.extract %slice3A_570[0] : i32 from vector<1xi32>
          %sub3A_572 = arith.constant 1 : i32
          %sub3A_573 = arith.subi %squeeze3A_571, %sub3A_572 : i32
          %broadcast_in_dim3A_574 = vector.broadcast %sub3A_573 : i32 to vector<16xi32>
          %slice3A_575 = vector.extract_strided_slice %select_n3A {offsets = [15], sizes = [1], strides = [1]} : vector<16xi32> to vector<1xi32>
          %squeeze3A_576 = vector.extract %slice3A_575[0] : i32 from vector<1xi32>
          %broadcast_in_dim3A_577 = vector.broadcast %squeeze3A_576 : i32 to vector<16xi32>
          %eq3A_578 = arith.cmpi eq, %iota3A, %broadcast_in_dim3A_574 : vector<16xi32>
          %jit3A_579 = arith.constant 0 : i32
          %broadcast_in_dim3A_580 = vector.broadcast %jit3A_579 : i32 to vector<16xi32>
          %select_n3A_581 = arith.select %eq3A_578, %broadcast_in_dim3A_577, %broadcast_in_dim3A_580 : vector<16xi1>, vector<16xi32>
          %convert_element_type3A_582 = arith.sitofp %select_n3A_581 : vector<16xi32> to vector<16xf32>
          %mul3A_583 = arith.constant 16 : i32
          %mul3A_584 = arith.muli %scan3A_59, %mul3A_583 : i32
          %add3A_585 = arith.constant 15 : i32
          %add3A_586 = arith.addi %mul3A_584, %add3A_585 : i32
          %broadcast_in_dim3A_587 = vector.broadcast %add3A_586 : i32 to vector<16xi32>
          %mul3A_588 = arith.muli %select_n3A_581, %broadcast_in_dim3A_587 : vector<16xi32>
          %add3A_589 = arith.addi %add3A_559, %mul3A_588 : vector<16xi32>
          %slice3A_590 = vector.extract_strided_slice %sub3A_71 {offsets = [15], sizes = [1], strides = [1]} : vector<16xf32> to vector<1xf32>
          %squeeze3A_591 = vector.extract %slice3A_590[0] : f32 from vector<1xf32>
          %broadcast_in_dim3A_592 = vector.broadcast %squeeze3A_591 : f32 to vector<16xf32>
          %mul3A_593 = arith.mulf %convert_element_type3A_582, %broadcast_in_dim3A_592 : vector<16xf32>
          %add3A_594 = arith.addf %add3A_564, %mul3A_593 : vector<16xf32>
          %slice3A_595 = vector.extract_strided_slice %sub3A_72 {offsets = [15], sizes = [1], strides = [1]} : vector<16xf32> to vector<1xf32>
          %squeeze3A_596 = vector.extract %slice3A_595[0] : f32 from vector<1xf32>
          %broadcast_in_dim3A_597 = vector.broadcast %squeeze3A_596 : f32 to vector<16xf32>
          %mul3A_598 = arith.mulf %convert_element_type3A_582, %broadcast_in_dim3A_597 : vector<16xf32>
          %add3A_599 = arith.addf %add3A_569, %mul3A_598 : vector<16xf32>
          %swap3A_600 = arith.index_cast %scan3A_60 : i32 to index
          %swap3A_601 = tpu.vector_load %arg15[%swap3A_600] {strides = array<i32>} : memref<16400xi32, #tpu.memory_space<vmem>>, vector<16xi32>,
          %swap3A_602 = vector.shape_cast %swap3A_601 : vector<16xi32> to vector<16xi32>
          %swap3A_603 = vector.shape_cast %broadcast_in_dim3A_52 : vector<16xi32> to vector<16xi32>
          tpu.vector_store %arg15[%swap3A_600], %swap3A_603 {strides = array<i32>} : memref<16400xi32, #tpu.memory_space<vmem>>, vector<16xi32>,
          %swap3A_604 = arith.index_cast %scan3A_60 : i32 to index
          %swap3A_605 = tpu.vector_load %arg16[%swap3A_604] {strides = array<i32>} : memref<16400xi32, #tpu.memory_space<vmem>>, vector<16xi32>,
          %swap3A_606 = vector.shape_cast %swap3A_605 : vector<16xi32> to vector<16xi32>
          %swap3A_607 = vector.shape_cast %add3A_589 : vector<16xi32> to vector<16xi32>
          tpu.vector_store %arg16[%swap3A_604], %swap3A_607 {strides = array<i32>} : memref<16400xi32, #tpu.memory_space<vmem>>, vector<16xi32>,
          %swap3A_608 = arith.index_cast %scan3A_60 : i32 to index
          %swap3A_609 = tpu.vector_load %arg17[%swap3A_608] {strides = array<i32>} : memref<16400xf32, #tpu.memory_space<vmem>>, vector<16xf32>,
          %swap3A_610 = vector.shape_cast %swap3A_609 : vector<16xf32> to vector<16xf32>
          %swap3A_611 = vector.shape_cast %add3A_594 : vector<16xf32> to vector<16xf32>
          tpu.vector_store %arg17[%swap3A_608], %swap3A_611 {strides = array<i32>} : memref<16400xf32, #tpu.memory_space<vmem>>, vector<16xf32>,
          %swap3A_612 = arith.index_cast %scan3A_60 : i32 to index
          %swap3A_613 = tpu.vector_load %arg18[%swap3A_612] {strides = array<i32>} : memref<16400xf32, #tpu.memory_space<vmem>>, vector<16xf32>,
          %swap3A_614 = vector.shape_cast %swap3A_613 : vector<16xf32> to vector<16xf32>
          %swap3A_615 = vector.shape_cast %add3A_599 : vector<16xf32> to vector<16xf32>
          tpu.vector_store %arg18[%swap3A_612], %swap3A_615 {strides = array<i32>} : memref<16400xf32, #tpu.memory_space<vmem>>, vector<16xf32>,
          %add3A_616 = arith.addi %scan3A_60, %squeeze3A_117 : i32
          %min3A_617 = arith.constant 16384 : i32
          %min3A_618 = arith.minsi %add3A_616, %min3A_617 : i32
          scf.yield %min3A_618 : i32
        } else {
          scf.yield %scan3A_60 : i32
        }
        scf.yield %cond3A_120 : i32
      }
      %scan3A_58 = arith.constant 100 : i32
      scf.yield %scan3A_57 : i32
    }
    %while3A_33 = arith.constant 1 : i32
    %while3A_34 = scf.for %while3A_40 = %while3A_30 to %while3A_26 step %while3A_33 iter_args(%while3A_41 = %while3A_32) -> (i32)  : i32 {
      %get3A = arith.index_cast %while3A_40 : i32 to index
      %get3A_42 = tpu.vector_load %arg13[%get3A] {strides = array<i32>} : memref<336xf32, #tpu.memory_space<vmem>>, vector<16xf32>,
      %get3A_43 = vector.shape_cast %get3A_42 : vector<16xf32> to vector<16xf32>
      %slice3A = vector.extract_strided_slice %get3A_43 {offsets = [0], sizes = [1], strides = [1]} : vector<16xf32> to vector<1xf32>
      %squeeze3A = vector.extract %slice3A[0] : f32 from vector<1xf32>
      %broadcast_in_dim3A_44 = vector.broadcast %squeeze3A : f32 to vector<16xf32>
      %get3A_45 = arith.index_cast %while3A_40 : i32 to index
      %get3A_46 = tpu.vector_load %arg14[%get3A_45] {strides = array<i32>} : memref<336xf32, #tpu.memory_space<vmem>>, vector<16xf32>,
      %get3A_47 = vector.shape_cast %get3A_46 : vector<16xf32> to vector<16xf32>
      %slice3A_48 = vector.extract_strided_slice %get3A_47 {offsets = [0], sizes = [1], strides = [1]} : vector<16xf32> to vector<1xf32>
      %squeeze3A_49 = vector.extract %slice3A_48[0] : f32 from vector<1xf32>
      %broadcast_in_dim3A_50 = vector.broadcast %squeeze3A_49 : f32 to vector<16xf32>
      %add3A_51 = arith.addi %mul3A_2, %while3A_40 : i32
      %broadcast_in_dim3A_52 = vector.broadcast %add3A_51 : i32 to vector<16xi32>
      %scan3A_53 = arith.constant 0 : i32
      %scan3A_54 = arith.constant 100 : i32
      %scan3A_55 = arith.addi %scan3A_53, %scan3A_54 : i32
      %scan3A_56 = arith.constant 1 : i32
      %scan3A_57 = scf.for %scan3A_59 = %scan3A_53 to %scan3A_55 step %scan3A_56 iter_args(%scan3A_60 = %while3A_41) -> (i32)  : i32 {
        %mul3A_61 = arith.constant 16 : i32
        %mul3A_62 = arith.muli %scan3A_59, %mul3A_61 : i32
        %get3A_63 = arith.index_cast %mul3A_62 : i32 to index
        %get3A_64 = tpu.vector_load %arg11[%get3A_63] {strides = array<i32>} : memref<1600xf32, #tpu.memory_space<vmem>>, vector<16xf32>,
        %get3A_65 = vector.shape_cast %get3A_64 : vector<16xf32> to vector<16xf32>
        %mul3A_66 = arith.constant 16 : i32
        %mul3A_67 = arith.muli %scan3A_59, %mul3A_66 : i32
        %get3A_68 = arith.index_cast %mul3A_67 : i32 to index
        %get3A_69 = tpu.vector_load %arg12[%get3A_68] {strides = array<i32>} : memref<1600xf32, #tpu.memory_space<vmem>>, vector<16xf32>,
        %get3A_70 = vector.shape_cast %get3A_69 : vector<16xf32> to vector<16xf32>
        %sub3A_71 = arith.subf %broadcast_in_dim3A_44, %get3A_65 : vector<16xf32>
        %sub3A_72 = arith.subf %broadcast_in_dim3A_50, %get3A_70 : vector<16xf32>
        %mul3A_73 = arith.mulf %sub3A_71, %sub3A_71 : vector<16xf32>
        %mul3A_74 = arith.mulf %sub3A_72, %sub3A_72 : vector<16xf32>
        %add3A_75 = arith.addf %mul3A_73, %mul3A_74 : vector<16xf32>
        %add3A_76 = arith.constant 9.99999997E-7 : f32
        %add3A_77 = vector.broadcast %add3A_76 : f32 to vector<16xf32>
        %add3A_78 = arith.addf %add3A_75, %add3A_77 : vector<16xf32>
        %le3A = arith.constant 6.400000e+01 : f32
        %le3A_79 = vector.broadcast %le3A : f32 to vector<16xf32>
        %le3A_80 = arith.cmpf ole, %add3A_78, %le3A_79 : vector<16xf32>
        %jit3A = arith.constant 1 : i32
        %jit3A_81 = arith.constant 0 : i32
        %broadcast_in_dim3A_82 = vector.broadcast %jit3A : i32 to vector<16xi32>
        %broadcast_in_dim3A_83 = vector.broadcast %jit3A_81 : i32 to vector<16xi32>
        %select_n3A = arith.select %le3A_80, %broadcast_in_dim3A_82, %broadcast_in_dim3A_83 : vector<16xi1>, vector<16xi32>
        %swap3A_84 = arith.constant 16 : index
        %swap3A_85 = tpu.vector_load %arg20[%swap3A_84] {strides = array<i32>} : memref<48xi32, #tpu.memory_space<vmem>>, vector<16xi32>,
        %swap3A_86 = vector.shape_cast %swap3A_85 : vector<16xi32> to vector<16xi32>
        %swap3A_87 = vector.shape_cast %select_n3A : vector<16xi32> to vector<16xi32>
        tpu.vector_store %arg20[%swap3A_84], %swap3A_87 {strides = array<i32>} : memref<48xi32, #tpu.memory_space<vmem>>, vector<16xi32>,
        %get3A_88 = arith.constant 15 : index
        %get3A_89 = tpu.vector_load %arg20[%get3A_88] {strides = array<i32>} : memref<48xi32, #tpu.memory_space<vmem>>, vector<16xi32>,
        %get3A_90 = vector.shape_cast %get3A_89 : vector<16xi32> to vector<16xi32>
        %add3A_91 = arith.addi %select_n3A, %get3A_90 : vector<16xi32>
        %swap3A_92 = arith.constant 16 : index
        %swap3A_93 = tpu.vector_load %arg20[%swap3A_92] {strides = array<i32>} : memref<48xi32, #tpu.memory_space<vmem>>, vector<16xi32>,
        %swap3A_94 = vector.shape_cast %swap3A_93 : vector<16xi32> to vector<16xi32>
        %swap3A_95 = vector.shape_cast %add3A_91 : vector<16xi32> to vector<16xi32>
        tpu.vector_store %arg20[%swap3A_92], %swap3A_95 {strides = array<i32>} : memref<48xi32, #tpu.memory_space<vmem>>, vector<16xi32>,
        %get3A_96 = arith.constant 14 : index
        %get3A_97 = tpu.vector_load %arg20[%get3A_96] {strides = array<i32>} : memref<48xi32, #tpu.memory_space<vmem>>, vector<16xi32>,
        %get3A_98 = vector.shape_cast %get3A_97 : vector<16xi32> to vector<16xi32>
        %add3A_99 = arith.addi %add3A_91, %get3A_98 : vector<16xi32>
        %swap3A_100 = arith.constant 16 : index
        %swap3A_101 = tpu.vector_load %arg20[%swap3A_100] {strides = array<i32>} : memref<48xi32, #tpu.memory_space<vmem>>, vector<16xi32>,
        %swap3A_102 = vector.shape_cast %swap3A_101 : vector<16xi32> to vector<16xi32>
        %swap3A_103 = vector.shape_cast %add3A_99 : vector<16xi32> to vector<16xi32>
        tpu.vector_store %arg20[%swap3A_100], %swap3A_103 {strides = array<i32>} : memref<48xi32, #tpu.memory_space<vmem>>, vector<16xi32>,
        %get3A_104 = arith.constant 12 : index
        %get3A_105 = tpu.vector_load %arg20[%get3A_104] {strides = array<i32>} : memref<48xi32, #tpu.memory_space<vmem>>, vector<16xi32>,
        %get3A_106 = vector.shape_cast %get3A_105 : vector<16xi32> to vector<16xi32>
        %add3A_107 = arith.addi %add3A_99, %get3A_106 : vector<16xi32>
        %swap3A_108 = arith.constant 16 : index
        %swap3A_109 = tpu.vector_load %arg20[%swap3A_108] {strides = array<i32>} : memref<48xi32, #tpu.memory_space<vmem>>, vector<16xi32>,
        %swap3A_110 = vector.shape_cast %swap3A_109 : vector<16xi32> to vector<16xi32>
        %swap3A_111 = vector.shape_cast %add3A_107 : vector<16xi32> to vector<16xi32>
        tpu.vector_store %arg20[%swap3A_108], %swap3A_111 {strides = array<i32>} : memref<48xi32, #tpu.memory_space<vmem>>, vector<16xi32>,
        %get3A_112 = arith.constant 8 : index
        %get3A_113 = tpu.vector_load %arg20[%get3A_112] {strides = array<i32>} : memref<48xi32, #tpu.memory_space<vmem>>, vector<16xi32>,
        %get3A_114 = vector.shape_cast %get3A_113 : vector<16xi32> to vector<16xi32>
        %add3A_115 = arith.addi %add3A_107, %get3A_114 : vector<16xi32>
        %slice3A_116 = vector.extract_strided_slice %add3A_115 {offsets = [15], sizes = [1], strides = [1]} : vector<16xi32> to vector<1xi32>
        %squeeze3A_117 = vector.extract %slice3A_116[0] : i32 from vector<1xi32>
        %gt3A = arith.constant 0 : i32
        %gt3A_118 = arith.cmpi sgt, %squeeze3A_117, %gt3A : i32
        %convert_element_type3A = arith.extui %gt3A_118 : i1 to i32
        %cond3A = arith.constant 0 : i32
        %cond3A_119 = arith.cmpi ne, %convert_element_type3A, %cond3A : i32
        %cond3A_120 = scf.if %cond3A_119 -> (i32) {
          %slice3A_121 = vector.extract_strided_slice %add3A_115 {offsets = [0], sizes = [1], strides = [1]} : vector<16xi32> to vector<1xi32>
          %squeeze3A_122 = vector.extract %slice3A_121[0] : i32 from vector<1xi32>
          %sub3A_123 = arith.constant 1 : i32
          %sub3A_124 = arith.subi %squeeze3A_122, %sub3A_123 : i32
          %broadcast_in_dim3A_125 = vector.broadcast %sub3A_124 : i32 to vector<16xi32>
          %slice3A_126 = vector.extract_strided_slice %select_n3A {offsets = [0], sizes = [1], strides = [1]} : vector<16xi32> to vector<1xi32>
          %squeeze3A_127 = vector.extract %slice3A_126[0] : i32 from vector<1xi32>
          %broadcast_in_dim3A_128 = vector.broadcast %squeeze3A_127 : i32 to vector<16xi32>
          %eq3A = arith.cmpi eq, %iota3A, %broadcast_in_dim3A_125 : vector<16xi32>
          %jit3A_129 = arith.constant 0 : i32
          %broadcast_in_dim3A_130 = vector.broadcast %jit3A_129 : i32 to vector<16xi32>
          %select_n3A_131 = arith.select %eq3A, %broadcast_in_dim3A_128, %broadcast_in_dim3A_130 : vector<16xi1>, vector<16xi32>
          %convert_element_type3A_132 = arith.sitofp %select_n3A_131 : vector<16xi32> to vector<16xf32>
          %mul3A_133 = arith.constant 16 : i32
          %mul3A_134 = arith.muli %scan3A_59, %mul3A_133 : i32
          %add3A_135 = arith.constant 0 : i32
          %add3A_136 = arith.addi %mul3A_134, %add3A_135 : i32
          %broadcast_in_dim3A_137 = vector.broadcast %add3A_136 : i32 to vector<16xi32>
          %mul3A_138 = arith.muli %select_n3A_131, %broadcast_in_dim3A_137 : vector<16xi32>
          %add3A_139 = arith.addi %broadcast_in_dim3A_14, %mul3A_138 : vector<16xi32>
          %slice3A_140 = vector.extract_strided_slice %sub3A_71 {offsets = [0], sizes = [1], strides = [1]} : vector<16xf32> to vector<1xf32>
          %squeeze3A_141 = vector.extract %slice3A_140[0] : f32 from vector<1xf32>
          %broadcast_in_dim3A_142 = vector.broadcast %squeeze3A_141 : f32 to vector<16xf32>
          %mul3A_143 = arith.mulf %convert_element_type3A_132, %broadcast_in_dim3A_142 : vector<16xf32>
          %add3A_144 = arith.addf %broadcast_in_dim3A_16, %mul3A_143 : vector<16xf32>
          %slice3A_145 = vector.extract_strided_slice %sub3A_72 {offsets = [0], sizes = [1], strides = [1]} : vector<16xf32> to vector<1xf32>
          %squeeze3A_146 = vector.extract %slice3A_145[0] : f32 from vector<1xf32>
          %broadcast_in_dim3A_147 = vector.broadcast %squeeze3A_146 : f32 to vector<16xf32>
          %mul3A_148 = arith.mulf %convert_element_type3A_132, %broadcast_in_dim3A_147 : vector<16xf32>
          %add3A_149 = arith.addf %broadcast_in_dim3A_16, %mul3A_148 : vector<16xf32>
          %slice3A_150 = vector.extract_strided_slice %add3A_115 {offsets = [1], sizes = [1], strides = [1]} : vector<16xi32> to vector<1xi32>
          %squeeze3A_151 = vector.extract %slice3A_150[0] : i32 from vector<1xi32>
          %sub3A_152 = arith.constant 1 : i32
          %sub3A_153 = arith.subi %squeeze3A_151, %sub3A_152 : i32
          %broadcast_in_dim3A_154 = vector.broadcast %sub3A_153 : i32 to vector<16xi32>
          %slice3A_155 = vector.extract_strided_slice %select_n3A {offsets = [1], sizes = [1], strides = [1]} : vector<16xi32> to vector<1xi32>
          %squeeze3A_156 = vector.extract %slice3A_155[0] : i32 from vector<1xi32>
          %broadcast_in_dim3A_157 = vector.broadcast %squeeze3A_156 : i32 to vector<16xi32>
          %eq3A_158 = arith.cmpi eq, %iota3A, %broadcast_in_dim3A_154 : vector<16xi32>
          %jit3A_159 = arith.constant 0 : i32
          %broadcast_in_dim3A_160 = vector.broadcast %jit3A_159 : i32 to vector<16xi32>
          %select_n3A_161 = arith.select %eq3A_158, %broadcast_in_dim3A_157, %broadcast_in_dim3A_160 : vector<16xi1>, vector<16xi32>
          %convert_element_type3A_162 = arith.sitofp %select_n3A_161 : vector<16xi32> to vector<16xf32>
          %mul3A_163 = arith.constant 16 : i32
          %mul3A_164 = arith.muli %scan3A_59, %mul3A_163 : i32
          %add3A_165 = arith.constant 1 : i32
          %add3A_166 = arith.addi %mul3A_164, %add3A_165 : i32
          %broadcast_in_dim3A_167 = vector.broadcast %add3A_166 : i32 to vector<16xi32>
          %mul3A_168 = arith.muli %select_n3A_161, %broadcast_in_dim3A_167 : vector<16xi32>
          %add3A_169 = arith.addi %add3A_139, %mul3A_168 : vector<16xi32>
          %slice3A_170 = vector.extract_strided_slice %sub3A_71 {offsets = [1], sizes = [1], strides = [1]} : vector<16xf32> to vector<1xf32>
          %squeeze3A_171 = vector.extract %slice3A_170[0] : f32 from vector<1xf32>
          %broadcast_in_dim3A_172 = vector.broadcast %squeeze3A_171 : f32 to vector<16xf32>
          %mul3A_173 = arith.mulf %convert_element_type3A_162, %broadcast_in_dim3A_172 : vector<16xf32>
          %add3A_174 = arith.addf %add3A_144, %mul3A_173 : vector<16xf32>
          %slice3A_175 = vector.extract_strided_slice %sub3A_72 {offsets = [1], sizes = [1], strides = [1]} : vector<16xf32> to vector<1xf32>
          %squeeze3A_176 = vector.extract %slice3A_175[0] : f32 from vector<1xf32>
          %broadcast_in_dim3A_177 = vector.broadcast %squeeze3A_176 : f32 to vector<16xf32>
          %mul3A_178 = arith.mulf %convert_element_type3A_162, %broadcast_in_dim3A_177 : vector<16xf32>
          %add3A_179 = arith.addf %add3A_149, %mul3A_178 : vector<16xf32>
          %slice3A_180 = vector.extract_strided_slice %add3A_115 {offsets = [2], sizes = [1], strides = [1]} : vector<16xi32> to vector<1xi32>
          %squeeze3A_181 = vector.extract %slice3A_180[0] : i32 from vector<1xi32>
          %sub3A_182 = arith.constant 1 : i32
          %sub3A_183 = arith.subi %squeeze3A_181, %sub3A_182 : i32
          %broadcast_in_dim3A_184 = vector.broadcast %sub3A_183 : i32 to vector<16xi32>
          %slice3A_185 = vector.extract_strided_slice %select_n3A {offsets = [2], sizes = [1], strides = [1]} : vector<16xi32> to vector<1xi32>
          %squeeze3A_186 = vector.extract %slice3A_185[0] : i32 from vector<1xi32>
          %broadcast_in_dim3A_187 = vector.broadcast %squeeze3A_186 : i32 to vector<16xi32>
          %eq3A_188 = arith.cmpi eq, %iota3A, %broadcast_in_dim3A_184 : vector<16xi32>
          %jit3A_189 = arith.constant 0 : i32
          %broadcast_in_dim3A_190 = vector.broadcast %jit3A_189 : i32 to vector<16xi32>
          %select_n3A_191 = arith.select %eq3A_188, %broadcast_in_dim3A_187, %broadcast_in_dim3A_190 : vector<16xi1>, vector<16xi32>
          %convert_element_type3A_192 = arith.sitofp %select_n3A_191 : vector<16xi32> to vector<16xf32>
          %mul3A_193 = arith.constant 16 : i32
          %mul3A_194 = arith.muli %scan3A_59, %mul3A_193 : i32
          %add3A_195 = arith.constant 2 : i32
          %add3A_196 = arith.addi %mul3A_194, %add3A_195 : i32
          %broadcast_in_dim3A_197 = vector.broadcast %add3A_196 : i32 to vector<16xi32>
          %mul3A_198 = arith.muli %select_n3A_191, %broadcast_in_dim3A_197 : vector<16xi32>
          %add3A_199 = arith.addi %add3A_169, %mul3A_198 : vector<16xi32>
          %slice3A_200 = vector.extract_strided_slice %sub3A_71 {offsets = [2], sizes = [1], strides = [1]} : vector<16xf32> to vector<1xf32>
          %squeeze3A_201 = vector.extract %slice3A_200[0] : f32 from vector<1xf32>
          %broadcast_in_dim3A_202 = vector.broadcast %squeeze3A_201 : f32 to vector<16xf32>
          %mul3A_203 = arith.mulf %convert_element_type3A_192, %broadcast_in_dim3A_202 : vector<16xf32>
          %add3A_204 = arith.addf %add3A_174, %mul3A_203 : vector<16xf32>
          %slice3A_205 = vector.extract_strided_slice %sub3A_72 {offsets = [2], sizes = [1], strides = [1]} : vector<16xf32> to vector<1xf32>
          %squeeze3A_206 = vector.extract %slice3A_205[0] : f32 from vector<1xf32>
          %broadcast_in_dim3A_207 = vector.broadcast %squeeze3A_206 : f32 to vector<16xf32>
          %mul3A_208 = arith.mulf %convert_element_type3A_192, %broadcast_in_dim3A_207 : vector<16xf32>
          %add3A_209 = arith.addf %add3A_179, %mul3A_208 : vector<16xf32>
          %slice3A_210 = vector.extract_strided_slice %add3A_115 {offsets = [3], sizes = [1], strides = [1]} : vector<16xi32> to vector<1xi32>
          %squeeze3A_211 = vector.extract %slice3A_210[0] : i32 from vector<1xi32>
          %sub3A_212 = arith.constant 1 : i32
          %sub3A_213 = arith.subi %squeeze3A_211, %sub3A_212 : i32
          %broadcast_in_dim3A_214 = vector.broadcast %sub3A_213 : i32 to vector<16xi32>
          %slice3A_215 = vector.extract_strided_slice %select_n3A {offsets = [3], sizes = [1], strides = [1]} : vector<16xi32> to vector<1xi32>
          %squeeze3A_216 = vector.extract %slice3A_215[0] : i32 from vector<1xi32>
          %broadcast_in_dim3A_217 = vector.broadcast %squeeze3A_216 : i32 to vector<16xi32>
          %eq3A_218 = arith.cmpi eq, %iota3A, %broadcast_in_dim3A_214 : vector<16xi32>
          %jit3A_219 = arith.constant 0 : i32
          %broadcast_in_dim3A_220 = vector.broadcast %jit3A_219 : i32 to vector<16xi32>
          %select_n3A_221 = arith.select %eq3A_218, %broadcast_in_dim3A_217, %broadcast_in_dim3A_220 : vector<16xi1>, vector<16xi32>
          %convert_element_type3A_222 = arith.sitofp %select_n3A_221 : vector<16xi32> to vector<16xf32>
          %mul3A_223 = arith.constant 16 : i32
          %mul3A_224 = arith.muli %scan3A_59, %mul3A_223 : i32
          %add3A_225 = arith.constant 3 : i32
          %add3A_226 = arith.addi %mul3A_224, %add3A_225 : i32
          %broadcast_in_dim3A_227 = vector.broadcast %add3A_226 : i32 to vector<16xi32>
          %mul3A_228 = arith.muli %select_n3A_221, %broadcast_in_dim3A_227 : vector<16xi32>
          %add3A_229 = arith.addi %add3A_199, %mul3A_228 : vector<16xi32>
          %slice3A_230 = vector.extract_strided_slice %sub3A_71 {offsets = [3], sizes = [1], strides = [1]} : vector<16xf32> to vector<1xf32>
          %squeeze3A_231 = vector.extract %slice3A_230[0] : f32 from vector<1xf32>
          %broadcast_in_dim3A_232 = vector.broadcast %squeeze3A_231 : f32 to vector<16xf32>
          %mul3A_233 = arith.mulf %convert_element_type3A_222, %broadcast_in_dim3A_232 : vector<16xf32>
          %add3A_234 = arith.addf %add3A_204, %mul3A_233 : vector<16xf32>
          %slice3A_235 = vector.extract_strided_slice %sub3A_72 {offsets = [3], sizes = [1], strides = [1]} : vector<16xf32> to vector<1xf32>
          %squeeze3A_236 = vector.extract %slice3A_235[0] : f32 from vector<1xf32>
          %broadcast_in_dim3A_237 = vector.broadcast %squeeze3A_236 : f32 to vector<16xf32>
          %mul3A_238 = arith.mulf %convert_element_type3A_222, %broadcast_in_dim3A_237 : vector<16xf32>
          %add3A_239 = arith.addf %add3A_209, %mul3A_238 : vector<16xf32>
          %slice3A_240 = vector.extract_strided_slice %add3A_115 {offsets = [4], sizes = [1], strides = [1]} : vector<16xi32> to vector<1xi32>
          %squeeze3A_241 = vector.extract %slice3A_240[0] : i32 from vector<1xi32>
          %sub3A_242 = arith.constant 1 : i32
          %sub3A_243 = arith.subi %squeeze3A_241, %sub3A_242 : i32
          %broadcast_in_dim3A_244 = vector.broadcast %sub3A_243 : i32 to vector<16xi32>
          %slice3A_245 = vector.extract_strided_slice %select_n3A {offsets = [4], sizes = [1], strides = [1]} : vector<16xi32> to vector<1xi32>
          %squeeze3A_246 = vector.extract %slice3A_245[0] : i32 from vector<1xi32>
          %broadcast_in_dim3A_247 = vector.broadcast %squeeze3A_246 : i32 to vector<16xi32>
          %eq3A_248 = arith.cmpi eq, %iota3A, %broadcast_in_dim3A_244 : vector<16xi32>
          %jit3A_249 = arith.constant 0 : i32
          %broadcast_in_dim3A_250 = vector.broadcast %jit3A_249 : i32 to vector<16xi32>
          %select_n3A_251 = arith.select %eq3A_248, %broadcast_in_dim3A_247, %broadcast_in_dim3A_250 : vector<16xi1>, vector<16xi32>
          %convert_element_type3A_252 = arith.sitofp %select_n3A_251 : vector<16xi32> to vector<16xf32>
          %mul3A_253 = arith.constant 16 : i32
          %mul3A_254 = arith.muli %scan3A_59, %mul3A_253 : i32
          %add3A_255 = arith.constant 4 : i32
          %add3A_256 = arith.addi %mul3A_254, %add3A_255 : i32
          %broadcast_in_dim3A_257 = vector.broadcast %add3A_256 : i32 to vector<16xi32>
          %mul3A_258 = arith.muli %select_n3A_251, %broadcast_in_dim3A_257 : vector<16xi32>
          %add3A_259 = arith.addi %add3A_229, %mul3A_258 : vector<16xi32>
          %slice3A_260 = vector.extract_strided_slice %sub3A_71 {offsets = [4], sizes = [1], strides = [1]} : vector<16xf32> to vector<1xf32>
          %squeeze3A_261 = vector.extract %slice3A_260[0] : f32 from vector<1xf32>
          %broadcast_in_dim3A_262 = vector.broadcast %squeeze3A_261 : f32 to vector<16xf32>
          %mul3A_263 = arith.mulf %convert_element_type3A_252, %broadcast_in_dim3A_262 : vector<16xf32>
          %add3A_264 = arith.addf %add3A_234, %mul3A_263 : vector<16xf32>
          %slice3A_265 = vector.extract_strided_slice %sub3A_72 {offsets = [4], sizes = [1], strides = [1]} : vector<16xf32> to vector<1xf32>
          %squeeze3A_266 = vector.extract %slice3A_265[0] : f32 from vector<1xf32>
          %broadcast_in_dim3A_267 = vector.broadcast %squeeze3A_266 : f32 to vector<16xf32>
          %mul3A_268 = arith.mulf %convert_element_type3A_252, %broadcast_in_dim3A_267 : vector<16xf32>
          %add3A_269 = arith.addf %add3A_239, %mul3A_268 : vector<16xf32>
          %slice3A_270 = vector.extract_strided_slice %add3A_115 {offsets = [5], sizes = [1], strides = [1]} : vector<16xi32> to vector<1xi32>
          %squeeze3A_271 = vector.extract %slice3A_270[0] : i32 from vector<1xi32>
          %sub3A_272 = arith.constant 1 : i32
          %sub3A_273 = arith.subi %squeeze3A_271, %sub3A_272 : i32
          %broadcast_in_dim3A_274 = vector.broadcast %sub3A_273 : i32 to vector<16xi32>
          %slice3A_275 = vector.extract_strided_slice %select_n3A {offsets = [5], sizes = [1], strides = [1]} : vector<16xi32> to vector<1xi32>
          %squeeze3A_276 = vector.extract %slice3A_275[0] : i32 from vector<1xi32>
          %broadcast_in_dim3A_277 = vector.broadcast %squeeze3A_276 : i32 to vector<16xi32>
          %eq3A_278 = arith.cmpi eq, %iota3A, %broadcast_in_dim3A_274 : vector<16xi32>
          %jit3A_279 = arith.constant 0 : i32
          %broadcast_in_dim3A_280 = vector.broadcast %jit3A_279 : i32 to vector<16xi32>
          %select_n3A_281 = arith.select %eq3A_278, %broadcast_in_dim3A_277, %broadcast_in_dim3A_280 : vector<16xi1>, vector<16xi32>
          %convert_element_type3A_282 = arith.sitofp %select_n3A_281 : vector<16xi32> to vector<16xf32>
          %mul3A_283 = arith.constant 16 : i32
          %mul3A_284 = arith.muli %scan3A_59, %mul3A_283 : i32
          %add3A_285 = arith.constant 5 : i32
          %add3A_286 = arith.addi %mul3A_284, %add3A_285 : i32
          %broadcast_in_dim3A_287 = vector.broadcast %add3A_286 : i32 to vector<16xi32>
          %mul3A_288 = arith.muli %select_n3A_281, %broadcast_in_dim3A_287 : vector<16xi32>
          %add3A_289 = arith.addi %add3A_259, %mul3A_288 : vector<16xi32>
          %slice3A_290 = vector.extract_strided_slice %sub3A_71 {offsets = [5], sizes = [1], strides = [1]} : vector<16xf32> to vector<1xf32>
          %squeeze3A_291 = vector.extract %slice3A_290[0] : f32 from vector<1xf32>
          %broadcast_in_dim3A_292 = vector.broadcast %squeeze3A_291 : f32 to vector<16xf32>
          %mul3A_293 = arith.mulf %convert_element_type3A_282, %broadcast_in_dim3A_292 : vector<16xf32>
          %add3A_294 = arith.addf %add3A_264, %mul3A_293 : vector<16xf32>
          %slice3A_295 = vector.extract_strided_slice %sub3A_72 {offsets = [5], sizes = [1], strides = [1]} : vector<16xf32> to vector<1xf32>
          %squeeze3A_296 = vector.extract %slice3A_295[0] : f32 from vector<1xf32>
          %broadcast_in_dim3A_297 = vector.broadcast %squeeze3A_296 : f32 to vector<16xf32>
          %mul3A_298 = arith.mulf %convert_element_type3A_282, %broadcast_in_dim3A_297 : vector<16xf32>
          %add3A_299 = arith.addf %add3A_269, %mul3A_298 : vector<16xf32>
          %slice3A_300 = vector.extract_strided_slice %add3A_115 {offsets = [6], sizes = [1], strides = [1]} : vector<16xi32> to vector<1xi32>
          %squeeze3A_301 = vector.extract %slice3A_300[0] : i32 from vector<1xi32>
          %sub3A_302 = arith.constant 1 : i32
          %sub3A_303 = arith.subi %squeeze3A_301, %sub3A_302 : i32
          %broadcast_in_dim3A_304 = vector.broadcast %sub3A_303 : i32 to vector<16xi32>
          %slice3A_305 = vector.extract_strided_slice %select_n3A {offsets = [6], sizes = [1], strides = [1]} : vector<16xi32> to vector<1xi32>
          %squeeze3A_306 = vector.extract %slice3A_305[0] : i32 from vector<1xi32>
          %broadcast_in_dim3A_307 = vector.broadcast %squeeze3A_306 : i32 to vector<16xi32>
          %eq3A_308 = arith.cmpi eq, %iota3A, %broadcast_in_dim3A_304 : vector<16xi32>
          %jit3A_309 = arith.constant 0 : i32
          %broadcast_in_dim3A_310 = vector.broadcast %jit3A_309 : i32 to vector<16xi32>
          %select_n3A_311 = arith.select %eq3A_308, %broadcast_in_dim3A_307, %broadcast_in_dim3A_310 : vector<16xi1>, vector<16xi32>
          %convert_element_type3A_312 = arith.sitofp %select_n3A_311 : vector<16xi32> to vector<16xf32>
          %mul3A_313 = arith.constant 16 : i32
          %mul3A_314 = arith.muli %scan3A_59, %mul3A_313 : i32
          %add3A_315 = arith.constant 6 : i32
          %add3A_316 = arith.addi %mul3A_314, %add3A_315 : i32
          %broadcast_in_dim3A_317 = vector.broadcast %add3A_316 : i32 to vector<16xi32>
          %mul3A_318 = arith.muli %select_n3A_311, %broadcast_in_dim3A_317 : vector<16xi32>
          %add3A_319 = arith.addi %add3A_289, %mul3A_318 : vector<16xi32>
          %slice3A_320 = vector.extract_strided_slice %sub3A_71 {offsets = [6], sizes = [1], strides = [1]} : vector<16xf32> to vector<1xf32>
          %squeeze3A_321 = vector.extract %slice3A_320[0] : f32 from vector<1xf32>
          %broadcast_in_dim3A_322 = vector.broadcast %squeeze3A_321 : f32 to vector<16xf32>
          %mul3A_323 = arith.mulf %convert_element_type3A_312, %broadcast_in_dim3A_322 : vector<16xf32>
          %add3A_324 = arith.addf %add3A_294, %mul3A_323 : vector<16xf32>
          %slice3A_325 = vector.extract_strided_slice %sub3A_72 {offsets = [6], sizes = [1], strides = [1]} : vector<16xf32> to vector<1xf32>
          %squeeze3A_326 = vector.extract %slice3A_325[0] : f32 from vector<1xf32>
          %broadcast_in_dim3A_327 = vector.broadcast %squeeze3A_326 : f32 to vector<16xf32>
          %mul3A_328 = arith.mulf %convert_element_type3A_312, %broadcast_in_dim3A_327 : vector<16xf32>
          %add3A_329 = arith.addf %add3A_299, %mul3A_328 : vector<16xf32>
          %slice3A_330 = vector.extract_strided_slice %add3A_115 {offsets = [7], sizes = [1], strides = [1]} : vector<16xi32> to vector<1xi32>
          %squeeze3A_331 = vector.extract %slice3A_330[0] : i32 from vector<1xi32>
          %sub3A_332 = arith.constant 1 : i32
          %sub3A_333 = arith.subi %squeeze3A_331, %sub3A_332 : i32
          %broadcast_in_dim3A_334 = vector.broadcast %sub3A_333 : i32 to vector<16xi32>
          %slice3A_335 = vector.extract_strided_slice %select_n3A {offsets = [7], sizes = [1], strides = [1]} : vector<16xi32> to vector<1xi32>
          %squeeze3A_336 = vector.extract %slice3A_335[0] : i32 from vector<1xi32>
          %broadcast_in_dim3A_337 = vector.broadcast %squeeze3A_336 : i32 to vector<16xi32>
          %eq3A_338 = arith.cmpi eq, %iota3A, %broadcast_in_dim3A_334 : vector<16xi32>
          %jit3A_339 = arith.constant 0 : i32
          %broadcast_in_dim3A_340 = vector.broadcast %jit3A_339 : i32 to vector<16xi32>
          %select_n3A_341 = arith.select %eq3A_338, %broadcast_in_dim3A_337, %broadcast_in_dim3A_340 : vector<16xi1>, vector<16xi32>
          %convert_element_type3A_342 = arith.sitofp %select_n3A_341 : vector<16xi32> to vector<16xf32>
          %mul3A_343 = arith.constant 16 : i32
          %mul3A_344 = arith.muli %scan3A_59, %mul3A_343 : i32
          %add3A_345 = arith.constant 7 : i32
          %add3A_346 = arith.addi %mul3A_344, %add3A_345 : i32
          %broadcast_in_dim3A_347 = vector.broadcast %add3A_346 : i32 to vector<16xi32>
          %mul3A_348 = arith.muli %select_n3A_341, %broadcast_in_dim3A_347 : vector<16xi32>
          %add3A_349 = arith.addi %add3A_319, %mul3A_348 : vector<16xi32>
          %slice3A_350 = vector.extract_strided_slice %sub3A_71 {offsets = [7], sizes = [1], strides = [1]} : vector<16xf32> to vector<1xf32>
          %squeeze3A_351 = vector.extract %slice3A_350[0] : f32 from vector<1xf32>
          %broadcast_in_dim3A_352 = vector.broadcast %squeeze3A_351 : f32 to vector<16xf32>
          %mul3A_353 = arith.mulf %convert_element_type3A_342, %broadcast_in_dim3A_352 : vector<16xf32>
          %add3A_354 = arith.addf %add3A_324, %mul3A_353 : vector<16xf32>
          %slice3A_355 = vector.extract_strided_slice %sub3A_72 {offsets = [7], sizes = [1], strides = [1]} : vector<16xf32> to vector<1xf32>
          %squeeze3A_356 = vector.extract %slice3A_355[0] : f32 from vector<1xf32>
          %broadcast_in_dim3A_357 = vector.broadcast %squeeze3A_356 : f32 to vector<16xf32>
          %mul3A_358 = arith.mulf %convert_element_type3A_342, %broadcast_in_dim3A_357 : vector<16xf32>
          %add3A_359 = arith.addf %add3A_329, %mul3A_358 : vector<16xf32>
          %slice3A_360 = vector.extract_strided_slice %add3A_115 {offsets = [8], sizes = [1], strides = [1]} : vector<16xi32> to vector<1xi32>
          %squeeze3A_361 = vector.extract %slice3A_360[0] : i32 from vector<1xi32>
          %sub3A_362 = arith.constant 1 : i32
          %sub3A_363 = arith.subi %squeeze3A_361, %sub3A_362 : i32
          %broadcast_in_dim3A_364 = vector.broadcast %sub3A_363 : i32 to vector<16xi32>
          %slice3A_365 = vector.extract_strided_slice %select_n3A {offsets = [8], sizes = [1], strides = [1]} : vector<16xi32> to vector<1xi32>
          %squeeze3A_366 = vector.extract %slice3A_365[0] : i32 from vector<1xi32>
          %broadcast_in_dim3A_367 = vector.broadcast %squeeze3A_366 : i32 to vector<16xi32>
          %eq3A_368 = arith.cmpi eq, %iota3A, %broadcast_in_dim3A_364 : vector<16xi32>
          %jit3A_369 = arith.constant 0 : i32
          %broadcast_in_dim3A_370 = vector.broadcast %jit3A_369 : i32 to vector<16xi32>
          %select_n3A_371 = arith.select %eq3A_368, %broadcast_in_dim3A_367, %broadcast_in_dim3A_370 : vector<16xi1>, vector<16xi32>
          %convert_element_type3A_372 = arith.sitofp %select_n3A_371 : vector<16xi32> to vector<16xf32>
          %mul3A_373 = arith.constant 16 : i32
          %mul3A_374 = arith.muli %scan3A_59, %mul3A_373 : i32
          %add3A_375 = arith.constant 8 : i32
          %add3A_376 = arith.addi %mul3A_374, %add3A_375 : i32
          %broadcast_in_dim3A_377 = vector.broadcast %add3A_376 : i32 to vector<16xi32>
          %mul3A_378 = arith.muli %select_n3A_371, %broadcast_in_dim3A_377 : vector<16xi32>
          %add3A_379 = arith.addi %add3A_349, %mul3A_378 : vector<16xi32>
          %slice3A_380 = vector.extract_strided_slice %sub3A_71 {offsets = [8], sizes = [1], strides = [1]} : vector<16xf32> to vector<1xf32>
          %squeeze3A_381 = vector.extract %slice3A_380[0] : f32 from vector<1xf32>
          %broadcast_in_dim3A_382 = vector.broadcast %squeeze3A_381 : f32 to vector<16xf32>
          %mul3A_383 = arith.mulf %convert_element_type3A_372, %broadcast_in_dim3A_382 : vector<16xf32>
          %add3A_384 = arith.addf %add3A_354, %mul3A_383 : vector<16xf32>
          %slice3A_385 = vector.extract_strided_slice %sub3A_72 {offsets = [8], sizes = [1], strides = [1]} : vector<16xf32> to vector<1xf32>
          %squeeze3A_386 = vector.extract %slice3A_385[0] : f32 from vector<1xf32>
          %broadcast_in_dim3A_387 = vector.broadcast %squeeze3A_386 : f32 to vector<16xf32>
          %mul3A_388 = arith.mulf %convert_element_type3A_372, %broadcast_in_dim3A_387 : vector<16xf32>
          %add3A_389 = arith.addf %add3A_359, %mul3A_388 : vector<16xf32>
          %slice3A_390 = vector.extract_strided_slice %add3A_115 {offsets = [9], sizes = [1], strides = [1]} : vector<16xi32> to vector<1xi32>
          %squeeze3A_391 = vector.extract %slice3A_390[0] : i32 from vector<1xi32>
          %sub3A_392 = arith.constant 1 : i32
          %sub3A_393 = arith.subi %squeeze3A_391, %sub3A_392 : i32
          %broadcast_in_dim3A_394 = vector.broadcast %sub3A_393 : i32 to vector<16xi32>
          %slice3A_395 = vector.extract_strided_slice %select_n3A {offsets = [9], sizes = [1], strides = [1]} : vector<16xi32> to vector<1xi32>
          %squeeze3A_396 = vector.extract %slice3A_395[0] : i32 from vector<1xi32>
          %broadcast_in_dim3A_397 = vector.broadcast %squeeze3A_396 : i32 to vector<16xi32>
          %eq3A_398 = arith.cmpi eq, %iota3A, %broadcast_in_dim3A_394 : vector<16xi32>
          %jit3A_399 = arith.constant 0 : i32
          %broadcast_in_dim3A_400 = vector.broadcast %jit3A_399 : i32 to vector<16xi32>
          %select_n3A_401 = arith.select %eq3A_398, %broadcast_in_dim3A_397, %broadcast_in_dim3A_400 : vector<16xi1>, vector<16xi32>
          %convert_element_type3A_402 = arith.sitofp %select_n3A_401 : vector<16xi32> to vector<16xf32>
          %mul3A_403 = arith.constant 16 : i32
          %mul3A_404 = arith.muli %scan3A_59, %mul3A_403 : i32
          %add3A_405 = arith.constant 9 : i32
          %add3A_406 = arith.addi %mul3A_404, %add3A_405 : i32
          %broadcast_in_dim3A_407 = vector.broadcast %add3A_406 : i32 to vector<16xi32>
          %mul3A_408 = arith.muli %select_n3A_401, %broadcast_in_dim3A_407 : vector<16xi32>
          %add3A_409 = arith.addi %add3A_379, %mul3A_408 : vector<16xi32>
          %slice3A_410 = vector.extract_strided_slice %sub3A_71 {offsets = [9], sizes = [1], strides = [1]} : vector<16xf32> to vector<1xf32>
          %squeeze3A_411 = vector.extract %slice3A_410[0] : f32 from vector<1xf32>
          %broadcast_in_dim3A_412 = vector.broadcast %squeeze3A_411 : f32 to vector<16xf32>
          %mul3A_413 = arith.mulf %convert_element_type3A_402, %broadcast_in_dim3A_412 : vector<16xf32>
          %add3A_414 = arith.addf %add3A_384, %mul3A_413 : vector<16xf32>
          %slice3A_415 = vector.extract_strided_slice %sub3A_72 {offsets = [9], sizes = [1], strides = [1]} : vector<16xf32> to vector<1xf32>
          %squeeze3A_416 = vector.extract %slice3A_415[0] : f32 from vector<1xf32>
          %broadcast_in_dim3A_417 = vector.broadcast %squeeze3A_416 : f32 to vector<16xf32>
          %mul3A_418 = arith.mulf %convert_element_type3A_402, %broadcast_in_dim3A_417 : vector<16xf32>
          %add3A_419 = arith.addf %add3A_389, %mul3A_418 : vector<16xf32>
          %slice3A_420 = vector.extract_strided_slice %add3A_115 {offsets = [10], sizes = [1], strides = [1]} : vector<16xi32> to vector<1xi32>
          %squeeze3A_421 = vector.extract %slice3A_420[0] : i32 from vector<1xi32>
          %sub3A_422 = arith.constant 1 : i32
          %sub3A_423 = arith.subi %squeeze3A_421, %sub3A_422 : i32
          %broadcast_in_dim3A_424 = vector.broadcast %sub3A_423 : i32 to vector<16xi32>
          %slice3A_425 = vector.extract_strided_slice %select_n3A {offsets = [10], sizes = [1], strides = [1]} : vector<16xi32> to vector<1xi32>
          %squeeze3A_426 = vector.extract %slice3A_425[0] : i32 from vector<1xi32>
          %broadcast_in_dim3A_427 = vector.broadcast %squeeze3A_426 : i32 to vector<16xi32>
          %eq3A_428 = arith.cmpi eq, %iota3A, %broadcast_in_dim3A_424 : vector<16xi32>
          %jit3A_429 = arith.constant 0 : i32
          %broadcast_in_dim3A_430 = vector.broadcast %jit3A_429 : i32 to vector<16xi32>
          %select_n3A_431 = arith.select %eq3A_428, %broadcast_in_dim3A_427, %broadcast_in_dim3A_430 : vector<16xi1>, vector<16xi32>
          %convert_element_type3A_432 = arith.sitofp %select_n3A_431 : vector<16xi32> to vector<16xf32>
          %mul3A_433 = arith.constant 16 : i32
          %mul3A_434 = arith.muli %scan3A_59, %mul3A_433 : i32
          %add3A_435 = arith.constant 10 : i32
          %add3A_436 = arith.addi %mul3A_434, %add3A_435 : i32
          %broadcast_in_dim3A_437 = vector.broadcast %add3A_436 : i32 to vector<16xi32>
          %mul3A_438 = arith.muli %select_n3A_431, %broadcast_in_dim3A_437 : vector<16xi32>
          %add3A_439 = arith.addi %add3A_409, %mul3A_438 : vector<16xi32>
          %slice3A_440 = vector.extract_strided_slice %sub3A_71 {offsets = [10], sizes = [1], strides = [1]} : vector<16xf32> to vector<1xf32>
          %squeeze3A_441 = vector.extract %slice3A_440[0] : f32 from vector<1xf32>
          %broadcast_in_dim3A_442 = vector.broadcast %squeeze3A_441 : f32 to vector<16xf32>
          %mul3A_443 = arith.mulf %convert_element_type3A_432, %broadcast_in_dim3A_442 : vector<16xf32>
          %add3A_444 = arith.addf %add3A_414, %mul3A_443 : vector<16xf32>
          %slice3A_445 = vector.extract_strided_slice %sub3A_72 {offsets = [10], sizes = [1], strides = [1]} : vector<16xf32> to vector<1xf32>
          %squeeze3A_446 = vector.extract %slice3A_445[0] : f32 from vector<1xf32>
          %broadcast_in_dim3A_447 = vector.broadcast %squeeze3A_446 : f32 to vector<16xf32>
          %mul3A_448 = arith.mulf %convert_element_type3A_432, %broadcast_in_dim3A_447 : vector<16xf32>
          %add3A_449 = arith.addf %add3A_419, %mul3A_448 : vector<16xf32>
          %slice3A_450 = vector.extract_strided_slice %add3A_115 {offsets = [11], sizes = [1], strides = [1]} : vector<16xi32> to vector<1xi32>
          %squeeze3A_451 = vector.extract %slice3A_450[0] : i32 from vector<1xi32>
          %sub3A_452 = arith.constant 1 : i32
          %sub3A_453 = arith.subi %squeeze3A_451, %sub3A_452 : i32
          %broadcast_in_dim3A_454 = vector.broadcast %sub3A_453 : i32 to vector<16xi32>
          %slice3A_455 = vector.extract_strided_slice %select_n3A {offsets = [11], sizes = [1], strides = [1]} : vector<16xi32> to vector<1xi32>
          %squeeze3A_456 = vector.extract %slice3A_455[0] : i32 from vector<1xi32>
          %broadcast_in_dim3A_457 = vector.broadcast %squeeze3A_456 : i32 to vector<16xi32>
          %eq3A_458 = arith.cmpi eq, %iota3A, %broadcast_in_dim3A_454 : vector<16xi32>
          %jit3A_459 = arith.constant 0 : i32
          %broadcast_in_dim3A_460 = vector.broadcast %jit3A_459 : i32 to vector<16xi32>
          %select_n3A_461 = arith.select %eq3A_458, %broadcast_in_dim3A_457, %broadcast_in_dim3A_460 : vector<16xi1>, vector<16xi32>
          %convert_element_type3A_462 = arith.sitofp %select_n3A_461 : vector<16xi32> to vector<16xf32>
          %mul3A_463 = arith.constant 16 : i32
          %mul3A_464 = arith.muli %scan3A_59, %mul3A_463 : i32
          %add3A_465 = arith.constant 11 : i32
          %add3A_466 = arith.addi %mul3A_464, %add3A_465 : i32
          %broadcast_in_dim3A_467 = vector.broadcast %add3A_466 : i32 to vector<16xi32>
          %mul3A_468 = arith.muli %select_n3A_461, %broadcast_in_dim3A_467 : vector<16xi32>
          %add3A_469 = arith.addi %add3A_439, %mul3A_468 : vector<16xi32>
          %slice3A_470 = vector.extract_strided_slice %sub3A_71 {offsets = [11], sizes = [1], strides = [1]} : vector<16xf32> to vector<1xf32>
          %squeeze3A_471 = vector.extract %slice3A_470[0] : f32 from vector<1xf32>
          %broadcast_in_dim3A_472 = vector.broadcast %squeeze3A_471 : f32 to vector<16xf32>
          %mul3A_473 = arith.mulf %convert_element_type3A_462, %broadcast_in_dim3A_472 : vector<16xf32>
          %add3A_474 = arith.addf %add3A_444, %mul3A_473 : vector<16xf32>
          %slice3A_475 = vector.extract_strided_slice %sub3A_72 {offsets = [11], sizes = [1], strides = [1]} : vector<16xf32> to vector<1xf32>
          %squeeze3A_476 = vector.extract %slice3A_475[0] : f32 from vector<1xf32>
          %broadcast_in_dim3A_477 = vector.broadcast %squeeze3A_476 : f32 to vector<16xf32>
          %mul3A_478 = arith.mulf %convert_element_type3A_462, %broadcast_in_dim3A_477 : vector<16xf32>
          %add3A_479 = arith.addf %add3A_449, %mul3A_478 : vector<16xf32>
          %slice3A_480 = vector.extract_strided_slice %add3A_115 {offsets = [12], sizes = [1], strides = [1]} : vector<16xi32> to vector<1xi32>
          %squeeze3A_481 = vector.extract %slice3A_480[0] : i32 from vector<1xi32>
          %sub3A_482 = arith.constant 1 : i32
          %sub3A_483 = arith.subi %squeeze3A_481, %sub3A_482 : i32
          %broadcast_in_dim3A_484 = vector.broadcast %sub3A_483 : i32 to vector<16xi32>
          %slice3A_485 = vector.extract_strided_slice %select_n3A {offsets = [12], sizes = [1], strides = [1]} : vector<16xi32> to vector<1xi32>
          %squeeze3A_486 = vector.extract %slice3A_485[0] : i32 from vector<1xi32>
          %broadcast_in_dim3A_487 = vector.broadcast %squeeze3A_486 : i32 to vector<16xi32>
          %eq3A_488 = arith.cmpi eq, %iota3A, %broadcast_in_dim3A_484 : vector<16xi32>
          %jit3A_489 = arith.constant 0 : i32
          %broadcast_in_dim3A_490 = vector.broadcast %jit3A_489 : i32 to vector<16xi32>
          %select_n3A_491 = arith.select %eq3A_488, %broadcast_in_dim3A_487, %broadcast_in_dim3A_490 : vector<16xi1>, vector<16xi32>
          %convert_element_type3A_492 = arith.sitofp %select_n3A_491 : vector<16xi32> to vector<16xf32>
          %mul3A_493 = arith.constant 16 : i32
          %mul3A_494 = arith.muli %scan3A_59, %mul3A_493 : i32
          %add3A_495 = arith.constant 12 : i32
          %add3A_496 = arith.addi %mul3A_494, %add3A_495 : i32
          %broadcast_in_dim3A_497 = vector.broadcast %add3A_496 : i32 to vector<16xi32>
          %mul3A_498 = arith.muli %select_n3A_491, %broadcast_in_dim3A_497 : vector<16xi32>
          %add3A_499 = arith.addi %add3A_469, %mul3A_498 : vector<16xi32>
          %slice3A_500 = vector.extract_strided_slice %sub3A_71 {offsets = [12], sizes = [1], strides = [1]} : vector<16xf32> to vector<1xf32>
          %squeeze3A_501 = vector.extract %slice3A_500[0] : f32 from vector<1xf32>
          %broadcast_in_dim3A_502 = vector.broadcast %squeeze3A_501 : f32 to vector<16xf32>
          %mul3A_503 = arith.mulf %convert_element_type3A_492, %broadcast_in_dim3A_502 : vector<16xf32>
          %add3A_504 = arith.addf %add3A_474, %mul3A_503 : vector<16xf32>
          %slice3A_505 = vector.extract_strided_slice %sub3A_72 {offsets = [12], sizes = [1], strides = [1]} : vector<16xf32> to vector<1xf32>
          %squeeze3A_506 = vector.extract %slice3A_505[0] : f32 from vector<1xf32>
          %broadcast_in_dim3A_507 = vector.broadcast %squeeze3A_506 : f32 to vector<16xf32>
          %mul3A_508 = arith.mulf %convert_element_type3A_492, %broadcast_in_dim3A_507 : vector<16xf32>
          %add3A_509 = arith.addf %add3A_479, %mul3A_508 : vector<16xf32>
          %slice3A_510 = vector.extract_strided_slice %add3A_115 {offsets = [13], sizes = [1], strides = [1]} : vector<16xi32> to vector<1xi32>
          %squeeze3A_511 = vector.extract %slice3A_510[0] : i32 from vector<1xi32>
          %sub3A_512 = arith.constant 1 : i32
          %sub3A_513 = arith.subi %squeeze3A_511, %sub3A_512 : i32
          %broadcast_in_dim3A_514 = vector.broadcast %sub3A_513 : i32 to vector<16xi32>
          %slice3A_515 = vector.extract_strided_slice %select_n3A {offsets = [13], sizes = [1], strides = [1]} : vector<16xi32> to vector<1xi32>
          %squeeze3A_516 = vector.extract %slice3A_515[0] : i32 from vector<1xi32>
          %broadcast_in_dim3A_517 = vector.broadcast %squeeze3A_516 : i32 to vector<16xi32>
          %eq3A_518 = arith.cmpi eq, %iota3A, %broadcast_in_dim3A_514 : vector<16xi32>
          %jit3A_519 = arith.constant 0 : i32
          %broadcast_in_dim3A_520 = vector.broadcast %jit3A_519 : i32 to vector<16xi32>
          %select_n3A_521 = arith.select %eq3A_518, %broadcast_in_dim3A_517, %broadcast_in_dim3A_520 : vector<16xi1>, vector<16xi32>
          %convert_element_type3A_522 = arith.sitofp %select_n3A_521 : vector<16xi32> to vector<16xf32>
          %mul3A_523 = arith.constant 16 : i32
          %mul3A_524 = arith.muli %scan3A_59, %mul3A_523 : i32
          %add3A_525 = arith.constant 13 : i32
          %add3A_526 = arith.addi %mul3A_524, %add3A_525 : i32
          %broadcast_in_dim3A_527 = vector.broadcast %add3A_526 : i32 to vector<16xi32>
          %mul3A_528 = arith.muli %select_n3A_521, %broadcast_in_dim3A_527 : vector<16xi32>
          %add3A_529 = arith.addi %add3A_499, %mul3A_528 : vector<16xi32>
          %slice3A_530 = vector.extract_strided_slice %sub3A_71 {offsets = [13], sizes = [1], strides = [1]} : vector<16xf32> to vector<1xf32>
          %squeeze3A_531 = vector.extract %slice3A_530[0] : f32 from vector<1xf32>
          %broadcast_in_dim3A_532 = vector.broadcast %squeeze3A_531 : f32 to vector<16xf32>
          %mul3A_533 = arith.mulf %convert_element_type3A_522, %broadcast_in_dim3A_532 : vector<16xf32>
          %add3A_534 = arith.addf %add3A_504, %mul3A_533 : vector<16xf32>
          %slice3A_535 = vector.extract_strided_slice %sub3A_72 {offsets = [13], sizes = [1], strides = [1]} : vector<16xf32> to vector<1xf32>
          %squeeze3A_536 = vector.extract %slice3A_535[0] : f32 from vector<1xf32>
          %broadcast_in_dim3A_537 = vector.broadcast %squeeze3A_536 : f32 to vector<16xf32>
          %mul3A_538 = arith.mulf %convert_element_type3A_522, %broadcast_in_dim3A_537 : vector<16xf32>
          %add3A_539 = arith.addf %add3A_509, %mul3A_538 : vector<16xf32>
          %slice3A_540 = vector.extract_strided_slice %add3A_115 {offsets = [14], sizes = [1], strides = [1]} : vector<16xi32> to vector<1xi32>
          %squeeze3A_541 = vector.extract %slice3A_540[0] : i32 from vector<1xi32>
          %sub3A_542 = arith.constant 1 : i32
          %sub3A_543 = arith.subi %squeeze3A_541, %sub3A_542 : i32
          %broadcast_in_dim3A_544 = vector.broadcast %sub3A_543 : i32 to vector<16xi32>
          %slice3A_545 = vector.extract_strided_slice %select_n3A {offsets = [14], sizes = [1], strides = [1]} : vector<16xi32> to vector<1xi32>
          %squeeze3A_546 = vector.extract %slice3A_545[0] : i32 from vector<1xi32>
          %broadcast_in_dim3A_547 = vector.broadcast %squeeze3A_546 : i32 to vector<16xi32>
          %eq3A_548 = arith.cmpi eq, %iota3A, %broadcast_in_dim3A_544 : vector<16xi32>
          %jit3A_549 = arith.constant 0 : i32
          %broadcast_in_dim3A_550 = vector.broadcast %jit3A_549 : i32 to vector<16xi32>
          %select_n3A_551 = arith.select %eq3A_548, %broadcast_in_dim3A_547, %broadcast_in_dim3A_550 : vector<16xi1>, vector<16xi32>
          %convert_element_type3A_552 = arith.sitofp %select_n3A_551 : vector<16xi32> to vector<16xf32>
          %mul3A_553 = arith.constant 16 : i32
          %mul3A_554 = arith.muli %scan3A_59, %mul3A_553 : i32
          %add3A_555 = arith.constant 14 : i32
          %add3A_556 = arith.addi %mul3A_554, %add3A_555 : i32
          %broadcast_in_dim3A_557 = vector.broadcast %add3A_556 : i32 to vector<16xi32>
          %mul3A_558 = arith.muli %select_n3A_551, %broadcast_in_dim3A_557 : vector<16xi32>
          %add3A_559 = arith.addi %add3A_529, %mul3A_558 : vector<16xi32>
          %slice3A_560 = vector.extract_strided_slice %sub3A_71 {offsets = [14], sizes = [1], strides = [1]} : vector<16xf32> to vector<1xf32>
          %squeeze3A_561 = vector.extract %slice3A_560[0] : f32 from vector<1xf32>
          %broadcast_in_dim3A_562 = vector.broadcast %squeeze3A_561 : f32 to vector<16xf32>
          %mul3A_563 = arith.mulf %convert_element_type3A_552, %broadcast_in_dim3A_562 : vector<16xf32>
          %add3A_564 = arith.addf %add3A_534, %mul3A_563 : vector<16xf32>
          %slice3A_565 = vector.extract_strided_slice %sub3A_72 {offsets = [14], sizes = [1], strides = [1]} : vector<16xf32> to vector<1xf32>
          %squeeze3A_566 = vector.extract %slice3A_565[0] : f32 from vector<1xf32>
          %broadcast_in_dim3A_567 = vector.broadcast %squeeze3A_566 : f32 to vector<16xf32>
          %mul3A_568 = arith.mulf %convert_element_type3A_552, %broadcast_in_dim3A_567 : vector<16xf32>
          %add3A_569 = arith.addf %add3A_539, %mul3A_568 : vector<16xf32>
          %slice3A_570 = vector.extract_strided_slice %add3A_115 {offsets = [15], sizes = [1], strides = [1]} : vector<16xi32> to vector<1xi32>
          %squeeze3A_571 = vector.extract %slice3A_570[0] : i32 from vector<1xi32>
          %sub3A_572 = arith.constant 1 : i32
          %sub3A_573 = arith.subi %squeeze3A_571, %sub3A_572 : i32
          %broadcast_in_dim3A_574 = vector.broadcast %sub3A_573 : i32 to vector<16xi32>
          %slice3A_575 = vector.extract_strided_slice %select_n3A {offsets = [15], sizes = [1], strides = [1]} : vector<16xi32> to vector<1xi32>
          %squeeze3A_576 = vector.extract %slice3A_575[0] : i32 from vector<1xi32>
          %broadcast_in_dim3A_577 = vector.broadcast %squeeze3A_576 : i32 to vector<16xi32>
          %eq3A_578 = arith.cmpi eq, %iota3A, %broadcast_in_dim3A_574 : vector<16xi32>
          %jit3A_579 = arith.constant 0 : i32
          %broadcast_in_dim3A_580 = vector.broadcast %jit3A_579 : i32 to vector<16xi32>
          %select_n3A_581 = arith.select %eq3A_578, %broadcast_in_dim3A_577, %broadcast_in_dim3A_580 : vector<16xi1>, vector<16xi32>
          %convert_element_type3A_582 = arith.sitofp %select_n3A_581 : vector<16xi32> to vector<16xf32>
          %mul3A_583 = arith.constant 16 : i32
          %mul3A_584 = arith.muli %scan3A_59, %mul3A_583 : i32
          %add3A_585 = arith.constant 15 : i32
          %add3A_586 = arith.addi %mul3A_584, %add3A_585 : i32
          %broadcast_in_dim3A_587 = vector.broadcast %add3A_586 : i32 to vector<16xi32>
          %mul3A_588 = arith.muli %select_n3A_581, %broadcast_in_dim3A_587 : vector<16xi32>
          %add3A_589 = arith.addi %add3A_559, %mul3A_588 : vector<16xi32>
          %slice3A_590 = vector.extract_strided_slice %sub3A_71 {offsets = [15], sizes = [1], strides = [1]} : vector<16xf32> to vector<1xf32>
          %squeeze3A_591 = vector.extract %slice3A_590[0] : f32 from vector<1xf32>
          %broadcast_in_dim3A_592 = vector.broadcast %squeeze3A_591 : f32 to vector<16xf32>
          %mul3A_593 = arith.mulf %convert_element_type3A_582, %broadcast_in_dim3A_592 : vector<16xf32>
          %add3A_594 = arith.addf %add3A_564, %mul3A_593 : vector<16xf32>
          %slice3A_595 = vector.extract_strided_slice %sub3A_72 {offsets = [15], sizes = [1], strides = [1]} : vector<16xf32> to vector<1xf32>
          %squeeze3A_596 = vector.extract %slice3A_595[0] : f32 from vector<1xf32>
          %broadcast_in_dim3A_597 = vector.broadcast %squeeze3A_596 : f32 to vector<16xf32>
          %mul3A_598 = arith.mulf %convert_element_type3A_582, %broadcast_in_dim3A_597 : vector<16xf32>
          %add3A_599 = arith.addf %add3A_569, %mul3A_598 : vector<16xf32>
          %swap3A_600 = arith.index_cast %scan3A_60 : i32 to index
          %swap3A_601 = tpu.vector_load %arg15[%swap3A_600] {strides = array<i32>} : memref<16400xi32, #tpu.memory_space<vmem>>, vector<16xi32>,
          %swap3A_602 = vector.shape_cast %swap3A_601 : vector<16xi32> to vector<16xi32>
          %swap3A_603 = vector.shape_cast %broadcast_in_dim3A_52 : vector<16xi32> to vector<16xi32>
          tpu.vector_store %arg15[%swap3A_600], %swap3A_603 {strides = array<i32>} : memref<16400xi32, #tpu.memory_space<vmem>>, vector<16xi32>,
          %swap3A_604 = arith.index_cast %scan3A_60 : i32 to index
          %swap3A_605 = tpu.vector_load %arg16[%swap3A_604] {strides = array<i32>} : memref<16400xi32, #tpu.memory_space<vmem>>, vector<16xi32>,
          %swap3A_606 = vector.shape_cast %swap3A_605 : vector<16xi32> to vector<16xi32>
          %swap3A_607 = vector.shape_cast %add3A_589 : vector<16xi32> to vector<16xi32>
          tpu.vector_store %arg16[%swap3A_604], %swap3A_607 {strides = array<i32>} : memref<16400xi32, #tpu.memory_space<vmem>>, vector<16xi32>,
          %swap3A_608 = arith.index_cast %scan3A_60 : i32 to index
          %swap3A_609 = tpu.vector_load %arg17[%swap3A_608] {strides = array<i32>} : memref<16400xf32, #tpu.memory_space<vmem>>, vector<16xf32>,
          %swap3A_610 = vector.shape_cast %swap3A_609 : vector<16xf32> to vector<16xf32>
          %swap3A_611 = vector.shape_cast %add3A_594 : vector<16xf32> to vector<16xf32>
          tpu.vector_store %arg17[%swap3A_608], %swap3A_611 {strides = array<i32>} : memref<16400xf32, #tpu.memory_space<vmem>>, vector<16xf32>,
          %swap3A_612 = arith.index_cast %scan3A_60 : i32 to index
          %swap3A_613 = tpu.vector_load %arg18[%swap3A_612] {strides = array<i32>} : memref<16400xf32, #tpu.memory_space<vmem>>, vector<16xf32>,
          %swap3A_614 = vector.shape_cast %swap3A_613 : vector<16xf32> to vector<16xf32>
          %swap3A_615 = vector.shape_cast %add3A_599 : vector<16xf32> to vector<16xf32>
          tpu.vector_store %arg18[%swap3A_612], %swap3A_615 {strides = array<i32>} : memref<16400xf32, #tpu.memory_space<vmem>>, vector<16xf32>,
          %add3A_616 = arith.addi %scan3A_60, %squeeze3A_117 : i32
          %min3A_617 = arith.constant 16384 : i32
          %min3A_618 = arith.minsi %add3A_616, %min3A_617 : i32
          scf.yield %min3A_618 : i32
        } else {
          scf.yield %scan3A_60 : i32
        }
        scf.yield %cond3A_120 : i32
      }
      %scan3A_58 = arith.constant 100 : i32
      scf.yield %scan3A_57 : i32
    }
    %broadcast_in_dim3A_35 = vector.broadcast %while3A_34 : i32 to vector<16xi32>
    %swap3A_36 = arith.constant 0 : index
    %swap3A_37 = tpu.vector_load %arg19[%swap3A_36] {strides = array<i32>} : memref<16xi32, #tpu.memory_space<vmem>>, vector<16xi32>,
    %swap3A_38 = vector.shape_cast %swap3A_37 : vector<16xi32> to vector<16xi32>
    %swap3A_39 = vector.shape_cast %broadcast_in_dim3A_35 : vector<16xi32> to vector<16xi32>
    tpu.vector_store %arg19[%swap3A_36], %swap3A_39 {strides = array<i32>} : memref<16xi32, #tpu.memory_space<vmem>>, vector<16xi32>,
    "tpu.region"() ({
      %run_scoped3A = tpu.sem_alloc : memref<!tpu.dma_semaphore, #tpu.memory_space<semaphore_mem>>
      %dma_start3A = arith.constant 0 : i32
      %dma_start3A_40 = tpu.memref_slice %arg15[%dma_start3A] : memref<16400xi32, #tpu.memory_space<vmem>> -> memref<16384xi32, #tpu.memory_space<vmem>>
      %dma_start3A_41 = arith.constant 0 : i32
      %dma_start3A_42 = tpu.memref_slice %arg6[%add3A, %dma_start3A_41] : memref<32x16384xi32, #tpu.memory_space<hbm>> -> memref<1x16384xi32, #tpu.memory_space<hbm>>
      %dma_start3A_43 = tpu.memref_squeeze %dma_start3A_42 : memref<1x16384xi32, #tpu.memory_space<hbm>> -> memref<16384xi32, #tpu.memory_space<hbm>>
      %dma_start3A_44 = arith.constant 0 : i32
      %dma_start3A_45 = tpu.memref_slice %arg6[%add3A, %dma_start3A_44] : memref<32x16384xi32, #tpu.memory_space<hbm>> -> memref<1x16384xi32, #tpu.memory_space<hbm>>
      %dma_start3A_46 = tpu.memref_squeeze %dma_start3A_45 : memref<1x16384xi32, #tpu.memory_space<hbm>> -> memref<16384xi32, #tpu.memory_space<hbm>>
      %dma_start3A_47 = arith.constant 0 : i32
      %dma_start3A_48 = tpu.memref_slice %arg15[%dma_start3A_47] : memref<16400xi32, #tpu.memory_space<vmem>> -> memref<16384xi32, #tpu.memory_space<vmem>>
      tpu.enqueue_dma source(%dma_start3A_48 : memref<16384xi32, #tpu.memory_space<vmem>>) target(%dma_start3A_46 : memref<16384xi32, #tpu.memory_space<hbm>>) target_semaphore(%run_scoped3A : memref<!tpu.dma_semaphore, #tpu.memory_space<semaphore_mem>>)
      %dma_wait3A = arith.constant 0 : i32
      %dma_wait3A_49 = tpu.memref_slice %arg15[%dma_wait3A] : memref<16400xi32, #tpu.memory_space<vmem>> -> memref<16384xi32, #tpu.memory_space<vmem>>
      %dma_wait3A_50 = arith.constant 0 : i32
      %dma_wait3A_51 = tpu.memref_slice %arg6[%add3A, %dma_wait3A_50] : memref<32x16384xi32, #tpu.memory_space<hbm>> -> memref<1x16384xi32, #tpu.memory_space<hbm>>
      %dma_wait3A_52 = tpu.memref_squeeze %dma_wait3A_51 : memref<1x16384xi32, #tpu.memory_space<hbm>> -> memref<16384xi32, #tpu.memory_space<hbm>>
      %dma_wait3A_53 = arith.constant 0 : i32
      %dma_wait3A_54 = tpu.memref_slice %arg6[%add3A, %dma_wait3A_53] : memref<32x16384xi32, #tpu.memory_space<hbm>> -> memref<1x16384xi32, #tpu.memory_space<hbm>>
      %dma_wait3A_55 = tpu.memref_squeeze %dma_wait3A_54 : memref<1x16384xi32, #tpu.memory_space<hbm>> -> memref<16384xi32, #tpu.memory_space<hbm>>
      %dma_wait3A_56 = arith.constant 0 : i32
      %dma_wait3A_57 = tpu.memref_slice %arg15[%dma_wait3A_56] : memref<16400xi32, #tpu.memory_space<vmem>> -> memref<16384xi32, #tpu.memory_space<vmem>>
      tpu.wait_dma2 semaphore(%run_scoped3A : memref<!tpu.dma_semaphore, #tpu.memory_space<semaphore_mem>>) src(%dma_wait3A_57 : memref<16384xi32, #tpu.memory_space<vmem>>) dst(%dma_wait3A_55 : memref<16384xi32, #tpu.memory_space<hbm>>)
      tpu.yield
    }) : () -> ()
    "tpu.region"() ({
      %run_scoped3A = tpu.sem_alloc : memref<!tpu.dma_semaphore, #tpu.memory_space<semaphore_mem>>
      %dma_start3A = arith.constant 0 : i32
      %dma_start3A_40 = tpu.memref_slice %arg16[%dma_start3A] : memref<16400xi32, #tpu.memory_space<vmem>> -> memref<16384xi32, #tpu.memory_space<vmem>>
      %dma_start3A_41 = arith.constant 0 : i32
      %dma_start3A_42 = tpu.memref_slice %arg7[%add3A, %dma_start3A_41] : memref<32x16384xi32, #tpu.memory_space<hbm>> -> memref<1x16384xi32, #tpu.memory_space<hbm>>
      %dma_start3A_43 = tpu.memref_squeeze %dma_start3A_42 : memref<1x16384xi32, #tpu.memory_space<hbm>> -> memref<16384xi32, #tpu.memory_space<hbm>>
      %dma_start3A_44 = arith.constant 0 : i32
      %dma_start3A_45 = tpu.memref_slice %arg7[%add3A, %dma_start3A_44] : memref<32x16384xi32, #tpu.memory_space<hbm>> -> memref<1x16384xi32, #tpu.memory_space<hbm>>
      %dma_start3A_46 = tpu.memref_squeeze %dma_start3A_45 : memref<1x16384xi32, #tpu.memory_space<hbm>> -> memref<16384xi32, #tpu.memory_space<hbm>>
      %dma_start3A_47 = arith.constant 0 : i32
      %dma_start3A_48 = tpu.memref_slice %arg16[%dma_start3A_47] : memref<16400xi32, #tpu.memory_space<vmem>> -> memref<16384xi32, #tpu.memory_space<vmem>>
      tpu.enqueue_dma source(%dma_start3A_48 : memref<16384xi32, #tpu.memory_space<vmem>>) target(%dma_start3A_46 : memref<16384xi32, #tpu.memory_space<hbm>>) target_semaphore(%run_scoped3A : memref<!tpu.dma_semaphore, #tpu.memory_space<semaphore_mem>>)
      %dma_wait3A = arith.constant 0 : i32
      %dma_wait3A_49 = tpu.memref_slice %arg16[%dma_wait3A] : memref<16400xi32, #tpu.memory_space<vmem>> -> memref<16384xi32, #tpu.memory_space<vmem>>
      %dma_wait3A_50 = arith.constant 0 : i32
      %dma_wait3A_51 = tpu.memref_slice %arg7[%add3A, %dma_wait3A_50] : memref<32x16384xi32, #tpu.memory_space<hbm>> -> memref<1x16384xi32, #tpu.memory_space<hbm>>
      %dma_wait3A_52 = tpu.memref_squeeze %dma_wait3A_51 : memref<1x16384xi32, #tpu.memory_space<hbm>> -> memref<16384xi32, #tpu.memory_space<hbm>>
      %dma_wait3A_53 = arith.constant 0 : i32
      %dma_wait3A_54 = tpu.memref_slice %arg7[%add3A, %dma_wait3A_53] : memref<32x16384xi32, #tpu.memory_space<hbm>> -> memref<1x16384xi32, #tpu.memory_space<hbm>>
      %dma_wait3A_55 = tpu.memref_squeeze %dma_wait3A_54 : memref<1x16384xi32, #tpu.memory_space<hbm>> -> memref<16384xi32, #tpu.memory_space<hbm>>
      %dma_wait3A_56 = arith.constant 0 : i32
      %dma_wait3A_57 = tpu.memref_slice %arg16[%dma_wait3A_56] : memref<16400xi32, #tpu.memory_space<vmem>> -> memref<16384xi32, #tpu.memory_space<vmem>>
      tpu.wait_dma2 semaphore(%run_scoped3A : memref<!tpu.dma_semaphore, #tpu.memory_space<semaphore_mem>>) src(%dma_wait3A_57 : memref<16384xi32, #tpu.memory_space<vmem>>) dst(%dma_wait3A_55 : memref<16384xi32, #tpu.memory_space<hbm>>)
      tpu.yield
    }) : () -> ()
    "tpu.region"() ({
      %run_scoped3A = tpu.sem_alloc : memref<!tpu.dma_semaphore, #tpu.memory_space<semaphore_mem>>
      %dma_start3A = arith.constant 0 : i32
      %dma_start3A_40 = tpu.memref_slice %arg17[%dma_start3A] : memref<16400xf32, #tpu.memory_space<vmem>> -> memref<16384xf32, #tpu.memory_space<vmem>>
      %dma_start3A_41 = arith.constant 0 : i32
      %dma_start3A_42 = tpu.memref_slice %arg8[%add3A, %dma_start3A_41] : memref<32x16384xf32, #tpu.memory_space<hbm>> -> memref<1x16384xf32, #tpu.memory_space<hbm>>
      %dma_start3A_43 = tpu.memref_squeeze %dma_start3A_42 : memref<1x16384xf32, #tpu.memory_space<hbm>> -> memref<16384xf32, #tpu.memory_space<hbm>>
      %dma_start3A_44 = arith.constant 0 : i32
      %dma_start3A_45 = tpu.memref_slice %arg8[%add3A, %dma_start3A_44] : memref<32x16384xf32, #tpu.memory_space<hbm>> -> memref<1x16384xf32, #tpu.memory_space<hbm>>
      %dma_start3A_46 = tpu.memref_squeeze %dma_start3A_45 : memref<1x16384xf32, #tpu.memory_space<hbm>> -> memref<16384xf32, #tpu.memory_space<hbm>>
      %dma_start3A_47 = arith.constant 0 : i32
      %dma_start3A_48 = tpu.memref_slice %arg17[%dma_start3A_47] : memref<16400xf32, #tpu.memory_space<vmem>> -> memref<16384xf32, #tpu.memory_space<vmem>>
      tpu.enqueue_dma source(%dma_start3A_48 : memref<16384xf32, #tpu.memory_space<vmem>>) target(%dma_start3A_46 : memref<16384xf32, #tpu.memory_space<hbm>>) target_semaphore(%run_scoped3A : memref<!tpu.dma_semaphore, #tpu.memory_space<semaphore_mem>>)
      %dma_wait3A = arith.constant 0 : i32
      %dma_wait3A_49 = tpu.memref_slice %arg17[%dma_wait3A] : memref<16400xf32, #tpu.memory_space<vmem>> -> memref<16384xf32, #tpu.memory_space<vmem>>
      %dma_wait3A_50 = arith.constant 0 : i32
      %dma_wait3A_51 = tpu.memref_slice %arg8[%add3A, %dma_wait3A_50] : memref<32x16384xf32, #tpu.memory_space<hbm>> -> memref<1x16384xf32, #tpu.memory_space<hbm>>
      %dma_wait3A_52 = tpu.memref_squeeze %dma_wait3A_51 : memref<1x16384xf32, #tpu.memory_space<hbm>> -> memref<16384xf32, #tpu.memory_space<hbm>>
      %dma_wait3A_53 = arith.constant 0 : i32
      %dma_wait3A_54 = tpu.memref_slice %arg8[%add3A, %dma_wait3A_53] : memref<32x16384xf32, #tpu.memory_space<hbm>> -> memref<1x16384xf32, #tpu.memory_space<hbm>>
      %dma_wait3A_55 = tpu.memref_squeeze %dma_wait3A_54 : memref<1x16384xf32, #tpu.memory_space<hbm>> -> memref<16384xf32, #tpu.memory_space<hbm>>
      %dma_wait3A_56 = arith.constant 0 : i32
      %dma_wait3A_57 = tpu.memref_slice %arg17[%dma_wait3A_56] : memref<16400xf32, #tpu.memory_space<vmem>> -> memref<16384xf32, #tpu.memory_space<vmem>>
      tpu.wait_dma2 semaphore(%run_scoped3A : memref<!tpu.dma_semaphore, #tpu.memory_space<semaphore_mem>>) src(%dma_wait3A_57 : memref<16384xf32, #tpu.memory_space<vmem>>) dst(%dma_wait3A_55 : memref<16384xf32, #tpu.memory_space<hbm>>)
      tpu.yield
    }) : () -> ()
    "tpu.region"() ({
      %run_scoped3A = tpu.sem_alloc : memref<!tpu.dma_semaphore, #tpu.memory_space<semaphore_mem>>
      %dma_start3A = arith.constant 0 : i32
      %dma_start3A_40 = tpu.memref_slice %arg18[%dma_start3A] : memref<16400xf32, #tpu.memory_space<vmem>> -> memref<16384xf32, #tpu.memory_space<vmem>>
      %dma_start3A_41 = arith.constant 0 : i32
      %dma_start3A_42 = tpu.memref_slice %arg9[%add3A, %dma_start3A_41] : memref<32x16384xf32, #tpu.memory_space<hbm>> -> memref<1x16384xf32, #tpu.memory_space<hbm>>
      %dma_start3A_43 = tpu.memref_squeeze %dma_start3A_42 : memref<1x16384xf32, #tpu.memory_space<hbm>> -> memref<16384xf32, #tpu.memory_space<hbm>>
      %dma_start3A_44 = arith.constant 0 : i32
      %dma_start3A_45 = tpu.memref_slice %arg9[%add3A, %dma_start3A_44] : memref<32x16384xf32, #tpu.memory_space<hbm>> -> memref<1x16384xf32, #tpu.memory_space<hbm>>
      %dma_start3A_46 = tpu.memref_squeeze %dma_start3A_45 : memref<1x16384xf32, #tpu.memory_space<hbm>> -> memref<16384xf32, #tpu.memory_space<hbm>>
      %dma_start3A_47 = arith.constant 0 : i32
      %dma_start3A_48 = tpu.memref_slice %arg18[%dma_start3A_47] : memref<16400xf32, #tpu.memory_space<vmem>> -> memref<16384xf32, #tpu.memory_space<vmem>>
      tpu.enqueue_dma source(%dma_start3A_48 : memref<16384xf32, #tpu.memory_space<vmem>>) target(%dma_start3A_46 : memref<16384xf32, #tpu.memory_space<hbm>>) target_semaphore(%run_scoped3A : memref<!tpu.dma_semaphore, #tpu.memory_space<semaphore_mem>>)
      %dma_wait3A = arith.constant 0 : i32
      %dma_wait3A_49 = tpu.memref_slice %arg18[%dma_wait3A] : memref<16400xf32, #tpu.memory_space<vmem>> -> memref<16384xf32, #tpu.memory_space<vmem>>
      %dma_wait3A_50 = arith.constant 0 : i32
      %dma_wait3A_51 = tpu.memref_slice %arg9[%add3A, %dma_wait3A_50] : memref<32x16384xf32, #tpu.memory_space<hbm>> -> memref<1x16384xf32, #tpu.memory_space<hbm>>
      %dma_wait3A_52 = tpu.memref_squeeze %dma_wait3A_51 : memref<1x16384xf32, #tpu.memory_space<hbm>> -> memref<16384xf32, #tpu.memory_space<hbm>>
      %dma_wait3A_53 = arith.constant 0 : i32
      %dma_wait3A_54 = tpu.memref_slice %arg9[%add3A, %dma_wait3A_53] : memref<32x16384xf32, #tpu.memory_space<hbm>> -> memref<1x16384xf32, #tpu.memory_space<hbm>>
      %dma_wait3A_55 = tpu.memref_squeeze %dma_wait3A_54 : memref<1x16384xf32, #tpu.memory_space<hbm>> -> memref<16384xf32, #tpu.memory_space<hbm>>
      %dma_wait3A_56 = arith.constant 0 : i32
      %dma_wait3A_57 = tpu.memref_slice %arg18[%dma_wait3A_56] : memref<16400xf32, #tpu.memory_space<vmem>> -> memref<16384xf32, #tpu.memory_space<vmem>>
      tpu.wait_dma2 semaphore(%run_scoped3A : memref<!tpu.dma_semaphore, #tpu.memory_space<semaphore_mem>>) src(%dma_wait3A_57 : memref<16384xf32, #tpu.memory_space<vmem>>) dst(%dma_wait3A_55 : memref<16384xf32, #tpu.memory_space<hbm>>)
      tpu.yield
    }) : () -> ()
    "tpu.region"() ({
      %run_scoped3A = tpu.sem_alloc : memref<!tpu.dma_semaphore, #tpu.memory_space<semaphore_mem>>
      %dma_start3A = arith.constant 0 : i32
      %dma_start3A_40 = tpu.memref_slice %arg10[%add3A, %dma_start3A] : memref<32x16xi32, #tpu.memory_space<hbm>> -> memref<1x16xi32, #tpu.memory_space<hbm>>
      %dma_start3A_41 = tpu.memref_squeeze %dma_start3A_40 : memref<1x16xi32, #tpu.memory_space<hbm>> -> memref<16xi32, #tpu.memory_space<hbm>>
      %dma_start3A_42 = arith.constant 0 : i32
      %dma_start3A_43 = tpu.memref_slice %arg10[%add3A, %dma_start3A_42] : memref<32x16xi32, #tpu.memory_space<hbm>> -> memref<1x16xi32, #tpu.memory_space<hbm>>
      %dma_start3A_44 = tpu.memref_squeeze %dma_start3A_43 : memref<1x16xi32, #tpu.memory_space<hbm>> -> memref<16xi32, #tpu.memory_space<hbm>>
      tpu.enqueue_dma source(%arg19 : memref<16xi32, #tpu.memory_space<vmem>>) target(%dma_start3A_44 : memref<16xi32, #tpu.memory_space<hbm>>) target_semaphore(%run_scoped3A : memref<!tpu.dma_semaphore, #tpu.memory_space<semaphore_mem>>)
      %dma_wait3A = arith.constant 0 : i32
      %dma_wait3A_45 = tpu.memref_slice %arg10[%add3A, %dma_wait3A] : memref<32x16xi32, #tpu.memory_space<hbm>> -> memref<1x16xi32, #tpu.memory_space<hbm>>
      %dma_wait3A_46 = tpu.memref_squeeze %dma_wait3A_45 : memref<1x16xi32, #tpu.memory_space<hbm>> -> memref<16xi32, #tpu.memory_space<hbm>>
      %dma_wait3A_47 = arith.constant 0 : i32
      %dma_wait3A_48 = tpu.memref_slice %arg10[%add3A, %dma_wait3A_47] : memref<32x16xi32, #tpu.memory_space<hbm>> -> memref<1x16xi32, #tpu.memory_space<hbm>>
      %dma_wait3A_49 = tpu.memref_squeeze %dma_wait3A_48 : memref<1x16xi32, #tpu.memory_space<hbm>> -> memref<16xi32, #tpu.memory_space<hbm>>
      tpu.wait_dma2 semaphore(%run_scoped3A : memref<!tpu.dma_semaphore, #tpu.memory_space<semaphore_mem>>) src(%arg19 : memref<16xi32, #tpu.memory_space<vmem>>) dst(%dma_wait3A_49 : memref<16xi32, #tpu.memory_space<hbm>>)
      tpu.yield
    }) : () -> ()
    return
  }
}

#map = affine_map<(d0, d1) -> (0, 0)>
module attributes {stable_mosaic.version = 14 : i64} {
  func.func @k(%arg0: i32, %arg1: i32, %arg2: memref<10000x128xf32, #tpu.memory_space<hbm>>, %arg3: memref<1600x128xf32, #tpu.memory_space<hbm>>, %arg4: memref<32x16384xi32, #tpu.memory_space<hbm>>, %arg5: memref<32x16384xi32, #tpu.memory_space<hbm>>, %arg6: memref<32x16xi32, #tpu.memory_space<hbm>>, %arg7: memref<524288x128xf32, #tpu.memory_space<hbm>>, %arg8: memref<524288x128xf32, #tpu.memory_space<hbm>>, %arg9: memref<16384xi32, #tpu.memory_space<vmem>>, %arg10: memref<16384xi32, #tpu.memory_space<vmem>>, %arg11: memref<128x128xf32, #tpu.memory_space<vmem>>, %arg12: memref<128x128xf32, #tpu.memory_space<vmem>>, %arg13: memref<16xi32, #tpu.memory_space<vmem>>) attributes {dimension_semantics = [#tpu.dimension_semantics<core_parallel>, #tpu.dimension_semantics<subcore_parallel>], iteration_bounds = array<i64: 2, 16>, scalar_prefetch = 0 : i64, scratch_operands = 5 : i64, tpu.core_type = #tpu.core_type<sc_vector_subcore>, window_params = [{transform_indices = #map}, {transform_indices = #map}, {transform_indices = #map}, {transform_indices = #map}, {transform_indices = #map}, {transform_indices = #map}, {transform_indices = #map}]} {
    %mul3A = arith.constant 2 : i32
    %mul3A_0 = arith.muli %arg1, %mul3A : i32
    %add3A = arith.addi %mul3A_0, %arg0 : i32
    "tpu.region"() ({
      %run_scoped3A = tpu.sem_alloc : memref<!tpu.dma_semaphore, #tpu.memory_space<semaphore_mem>>
      %dma_start3A = arith.constant 0 : i32
      %dma_start3A_32 = tpu.memref_slice %arg4[%add3A, %dma_start3A] : memref<32x16384xi32, #tpu.memory_space<hbm>> -> memref<1x16384xi32, #tpu.memory_space<hbm>>
      %dma_start3A_33 = tpu.memref_squeeze %dma_start3A_32 : memref<1x16384xi32, #tpu.memory_space<hbm>> -> memref<16384xi32, #tpu.memory_space<hbm>>
      %dma_start3A_34 = arith.constant 0 : i32
      %dma_start3A_35 = tpu.memref_slice %arg4[%add3A, %dma_start3A_34] : memref<32x16384xi32, #tpu.memory_space<hbm>> -> memref<1x16384xi32, #tpu.memory_space<hbm>>
      %dma_start3A_36 = tpu.memref_squeeze %dma_start3A_35 : memref<1x16384xi32, #tpu.memory_space<hbm>> -> memref<16384xi32, #tpu.memory_space<hbm>>
      tpu.enqueue_dma source(%dma_start3A_36 : memref<16384xi32, #tpu.memory_space<hbm>>) target(%arg9 : memref<16384xi32, #tpu.memory_space<vmem>>) target_semaphore(%run_scoped3A : memref<!tpu.dma_semaphore, #tpu.memory_space<semaphore_mem>>)
      %dma_wait3A = arith.constant 0 : i32
      %dma_wait3A_37 = tpu.memref_slice %arg4[%add3A, %dma_wait3A] : memref<32x16384xi32, #tpu.memory_space<hbm>> -> memref<1x16384xi32, #tpu.memory_space<hbm>>
      %dma_wait3A_38 = tpu.memref_squeeze %dma_wait3A_37 : memref<1x16384xi32, #tpu.memory_space<hbm>> -> memref<16384xi32, #tpu.memory_space<hbm>>
      %dma_wait3A_39 = arith.constant 0 : i32
      %dma_wait3A_40 = tpu.memref_slice %arg4[%add3A, %dma_wait3A_39] : memref<32x16384xi32, #tpu.memory_space<hbm>> -> memref<1x16384xi32, #tpu.memory_space<hbm>>
      %dma_wait3A_41 = tpu.memref_squeeze %dma_wait3A_40 : memref<1x16384xi32, #tpu.memory_space<hbm>> -> memref<16384xi32, #tpu.memory_space<hbm>>
      tpu.wait_dma2 semaphore(%run_scoped3A : memref<!tpu.dma_semaphore, #tpu.memory_space<semaphore_mem>>) src(%dma_wait3A_41 : memref<16384xi32, #tpu.memory_space<hbm>>) dst(%arg9 : memref<16384xi32, #tpu.memory_space<vmem>>)
      tpu.yield
    }) : () -> ()
    "tpu.region"() ({
      %run_scoped3A = tpu.sem_alloc : memref<!tpu.dma_semaphore, #tpu.memory_space<semaphore_mem>>
      %dma_start3A = arith.constant 0 : i32
      %dma_start3A_32 = tpu.memref_slice %arg5[%add3A, %dma_start3A] : memref<32x16384xi32, #tpu.memory_space<hbm>> -> memref<1x16384xi32, #tpu.memory_space<hbm>>
      %dma_start3A_33 = tpu.memref_squeeze %dma_start3A_32 : memref<1x16384xi32, #tpu.memory_space<hbm>> -> memref<16384xi32, #tpu.memory_space<hbm>>
      %dma_start3A_34 = arith.constant 0 : i32
      %dma_start3A_35 = tpu.memref_slice %arg5[%add3A, %dma_start3A_34] : memref<32x16384xi32, #tpu.memory_space<hbm>> -> memref<1x16384xi32, #tpu.memory_space<hbm>>
      %dma_start3A_36 = tpu.memref_squeeze %dma_start3A_35 : memref<1x16384xi32, #tpu.memory_space<hbm>> -> memref<16384xi32, #tpu.memory_space<hbm>>
      tpu.enqueue_dma source(%dma_start3A_36 : memref<16384xi32, #tpu.memory_space<hbm>>) target(%arg10 : memref<16384xi32, #tpu.memory_space<vmem>>) target_semaphore(%run_scoped3A : memref<!tpu.dma_semaphore, #tpu.memory_space<semaphore_mem>>)
      %dma_wait3A = arith.constant 0 : i32
      %dma_wait3A_37 = tpu.memref_slice %arg5[%add3A, %dma_wait3A] : memref<32x16384xi32, #tpu.memory_space<hbm>> -> memref<1x16384xi32, #tpu.memory_space<hbm>>
      %dma_wait3A_38 = tpu.memref_squeeze %dma_wait3A_37 : memref<1x16384xi32, #tpu.memory_space<hbm>> -> memref<16384xi32, #tpu.memory_space<hbm>>
      %dma_wait3A_39 = arith.constant 0 : i32
      %dma_wait3A_40 = tpu.memref_slice %arg5[%add3A, %dma_wait3A_39] : memref<32x16384xi32, #tpu.memory_space<hbm>> -> memref<1x16384xi32, #tpu.memory_space<hbm>>
      %dma_wait3A_41 = tpu.memref_squeeze %dma_wait3A_40 : memref<1x16384xi32, #tpu.memory_space<hbm>> -> memref<16384xi32, #tpu.memory_space<hbm>>
      tpu.wait_dma2 semaphore(%run_scoped3A : memref<!tpu.dma_semaphore, #tpu.memory_space<semaphore_mem>>) src(%dma_wait3A_41 : memref<16384xi32, #tpu.memory_space<hbm>>) dst(%arg10 : memref<16384xi32, #tpu.memory_space<vmem>>)
      tpu.yield
    }) : () -> ()
    "tpu.region"() ({
      %run_scoped3A = tpu.sem_alloc : memref<!tpu.dma_semaphore, #tpu.memory_space<semaphore_mem>>
      %dma_start3A = arith.constant 0 : i32
      %dma_start3A_32 = tpu.memref_slice %arg6[%add3A, %dma_start3A] : memref<32x16xi32, #tpu.memory_space<hbm>> -> memref<1x16xi32, #tpu.memory_space<hbm>>
      %dma_start3A_33 = tpu.memref_squeeze %dma_start3A_32 : memref<1x16xi32, #tpu.memory_space<hbm>> -> memref<16xi32, #tpu.memory_space<hbm>>
      %dma_start3A_34 = arith.constant 0 : i32
      %dma_start3A_35 = tpu.memref_slice %arg6[%add3A, %dma_start3A_34] : memref<32x16xi32, #tpu.memory_space<hbm>> -> memref<1x16xi32, #tpu.memory_space<hbm>>
      %dma_start3A_36 = tpu.memref_squeeze %dma_start3A_35 : memref<1x16xi32, #tpu.memory_space<hbm>> -> memref<16xi32, #tpu.memory_space<hbm>>
      tpu.enqueue_dma source(%dma_start3A_36 : memref<16xi32, #tpu.memory_space<hbm>>) target(%arg13 : memref<16xi32, #tpu.memory_space<vmem>>) target_semaphore(%run_scoped3A : memref<!tpu.dma_semaphore, #tpu.memory_space<semaphore_mem>>)
      %dma_wait3A = arith.constant 0 : i32
      %dma_wait3A_37 = tpu.memref_slice %arg6[%add3A, %dma_wait3A] : memref<32x16xi32, #tpu.memory_space<hbm>> -> memref<1x16xi32, #tpu.memory_space<hbm>>
      %dma_wait3A_38 = tpu.memref_squeeze %dma_wait3A_37 : memref<1x16xi32, #tpu.memory_space<hbm>> -> memref<16xi32, #tpu.memory_space<hbm>>
      %dma_wait3A_39 = arith.constant 0 : i32
      %dma_wait3A_40 = tpu.memref_slice %arg6[%add3A, %dma_wait3A_39] : memref<32x16xi32, #tpu.memory_space<hbm>> -> memref<1x16xi32, #tpu.memory_space<hbm>>
      %dma_wait3A_41 = tpu.memref_squeeze %dma_wait3A_40 : memref<1x16xi32, #tpu.memory_space<hbm>> -> memref<16xi32, #tpu.memory_space<hbm>>
      tpu.wait_dma2 semaphore(%run_scoped3A : memref<!tpu.dma_semaphore, #tpu.memory_space<semaphore_mem>>) src(%dma_wait3A_41 : memref<16xi32, #tpu.memory_space<hbm>>) dst(%arg13 : memref<16xi32, #tpu.memory_space<vmem>>)
      tpu.yield
    }) : () -> ()
    %get3A = arith.constant 0 : index
    %get3A_1 = tpu.vector_load %arg13[%get3A] {strides = array<i32>} : memref<16xi32, #tpu.memory_space<vmem>>, vector<16xi32>,
    %get3A_2 = vector.shape_cast %get3A_1 : vector<16xi32> to vector<16xi32>
    %slice3A = vector.extract_strided_slice %get3A_2 {offsets = [0], sizes = [1], strides = [1]} : vector<16xi32> to vector<1xi32>
    %squeeze3A = vector.extract %slice3A[0] : i32 from vector<1xi32>
    %add3A_3 = arith.constant 127 : i32
    %add3A_4 = arith.addi %squeeze3A, %add3A_3 : i32
    %jit3A = arith.constant 128 : i32
    %div3A = arith.divsi %add3A_4, %jit3A : i32
    %sign3A = arith.constant 0 : i32
    %sign3A_5 = arith.cmpi sgt, %add3A_4, %sign3A : i32
    %sign3A_6 = arith.extui %sign3A_5 : i1 to i32
    %sign3A_7 = arith.constant 0 : i32
    %sign3A_8 = arith.cmpi slt, %add3A_4, %sign3A_7 : i32
    %sign3A_9 = arith.extui %sign3A_8 : i1 to i32
    %sign3A_10 = arith.subi %sign3A_6, %sign3A_9 : i32
    %sign3A_11 = arith.constant 0 : i32
    %sign3A_12 = arith.cmpi sgt, %jit3A, %sign3A_11 : i32
    %sign3A_13 = arith.extui %sign3A_12 : i1 to i32
    %sign3A_14 = arith.constant 0 : i32
    %sign3A_15 = arith.cmpi slt, %jit3A, %sign3A_14 : i32
    %sign3A_16 = arith.extui %sign3A_15 : i1 to i32
    %sign3A_17 = arith.subi %sign3A_13, %sign3A_16 : i32
    %ne3A = arith.cmpi ne, %sign3A_10, %sign3A_17 : i32
    %rem3A = arith.remsi %add3A_4, %jit3A : i32
    %ne3A_18 = arith.constant 0 : i32
    %ne3A_19 = arith.cmpi ne, %rem3A, %ne3A_18 : i32
    %and3A = arith.andi %ne3A, %ne3A_19 : i1
    %sub3A = arith.constant 1 : i32
    %sub3A_20 = arith.subi %div3A, %sub3A : i32
    %select_n3A = arith.select %and3A, %sub3A_20, %div3A : i32
    %while3A = arith.constant 0 : i32
    %while3A_21 = arith.constant 0 : i32
    %while3A_22 = arith.subi %select_n3A, %while3A : i32
    %while3A_23 = arith.addi %while3A, %while3A_22 : i32
    %while3A_24 = arith.constant 1 : i32
    %while3A_25 = arith.divsi %while3A_22, %while3A_24 : i32
    %while3A_26 = arith.muli %while3A_25, %while3A_24 : i32
    %while3A_27 = arith.addi %while3A, %while3A_26 : i32
    %while3A_28 = arith.constant 1 : i32
    %while3A_29 = scf.for %while3A_32 = %while3A to %while3A_27 step %while3A_28 iter_args(%while3A_33 = %while3A_21) -> (i32)  : i32 {
      %mul3A_34 = arith.constant 128 : i32
      %mul3A_35 = arith.muli %while3A_32, %mul3A_34 : i32
      "tpu.region"() ({
        %run_scoped3A = tpu.sem_alloc : memref<!tpu.dma_semaphore, #tpu.memory_space<semaphore_mem>>
        %dma_start3A = tpu.memref_slice %arg9[%mul3A_35] : memref<16384xi32, #tpu.memory_space<vmem>> -> memref<128xi32, #tpu.memory_space<vmem>>
        %dma_start3A_44 = arith.constant 0 : i32
        %dma_start3A_45 = arith.constant 0 : i32
        %dma_start3A_46 = tpu.memref_slice %arg2[%dma_start3A_44, %dma_start3A_45] : memref<10000x128xf32, #tpu.memory_space<hbm>> -> memref<10000x128xf32, #tpu.memory_space<hbm>>
        tpu.enqueue_indirect_dma source(%dma_start3A_46 : memref<10000x128xf32, #tpu.memory_space<hbm>>) target(%arg11 : memref<128x128xf32, #tpu.memory_space<vmem>>) offsets(%dma_start3A : memref<128xi32, #tpu.memory_space<vmem>>) semaphore(%run_scoped3A : memref<!tpu.dma_semaphore, #tpu.memory_space<semaphore_mem>>)
        %dma_wait3A = tpu.memref_slice %arg9[%mul3A_35] : memref<16384xi32, #tpu.memory_space<vmem>> -> memref<128xi32, #tpu.memory_space<vmem>>
        %dma_wait3A_47 = arith.constant 0 : i32
        %dma_wait3A_48 = arith.constant 0 : i32
        %dma_wait3A_49 = tpu.memref_slice %arg2[%dma_wait3A_47, %dma_wait3A_48] : memref<10000x128xf32, #tpu.memory_space<hbm>> -> memref<10000x128xf32, #tpu.memory_space<hbm>>
        tpu.wait_indirect_dma semaphore(%run_scoped3A : memref<!tpu.dma_semaphore, #tpu.memory_space<semaphore_mem>>) src(%dma_wait3A_49 : memref<10000x128xf32, #tpu.memory_space<hbm>>) dst(%arg11 : memref<128x128xf32, #tpu.memory_space<vmem>>)
        tpu.yield
      }) : () -> ()
      %mul3A_36 = arith.constant 128 : i32
      %mul3A_37 = arith.muli %while3A_32, %mul3A_36 : i32
      "tpu.region"() ({
        %run_scoped3A = tpu.sem_alloc : memref<!tpu.dma_semaphore, #tpu.memory_space<semaphore_mem>>
        %dma_start3A = tpu.memref_slice %arg10[%mul3A_37] : memref<16384xi32, #tpu.memory_space<vmem>> -> memref<128xi32, #tpu.memory_space<vmem>>
        %dma_start3A_44 = arith.constant 0 : i32
        %dma_start3A_45 = arith.constant 0 : i32
        %dma_start3A_46 = tpu.memref_slice %arg3[%dma_start3A_44, %dma_start3A_45] : memref<1600x128xf32, #tpu.memory_space<hbm>> -> memref<1600x128xf32, #tpu.memory_space<hbm>>
        tpu.enqueue_indirect_dma source(%dma_start3A_46 : memref<1600x128xf32, #tpu.memory_space<hbm>>) target(%arg12 : memref<128x128xf32, #tpu.memory_space<vmem>>) offsets(%dma_start3A : memref<128xi32, #tpu.memory_space<vmem>>) semaphore(%run_scoped3A : memref<!tpu.dma_semaphore, #tpu.memory_space<semaphore_mem>>)
        %dma_wait3A = tpu.memref_slice %arg10[%mul3A_37] : memref<16384xi32, #tpu.memory_space<vmem>> -> memref<128xi32, #tpu.memory_space<vmem>>
        %dma_wait3A_47 = arith.constant 0 : i32
        %dma_wait3A_48 = arith.constant 0 : i32
        %dma_wait3A_49 = tpu.memref_slice %arg3[%dma_wait3A_47, %dma_wait3A_48] : memref<1600x128xf32, #tpu.memory_space<hbm>> -> memref<1600x128xf32, #tpu.memory_space<hbm>>
        tpu.wait_indirect_dma semaphore(%run_scoped3A : memref<!tpu.dma_semaphore, #tpu.memory_space<semaphore_mem>>) src(%dma_wait3A_49 : memref<1600x128xf32, #tpu.memory_space<hbm>>) dst(%arg12 : memref<128x128xf32, #tpu.memory_space<vmem>>)
        tpu.yield
      }) : () -> ()
      %mul3A_38 = arith.constant 16384 : i32
      %mul3A_39 = arith.muli %add3A, %mul3A_38 : i32
      %mul3A_40 = arith.constant 128 : i32
      %mul3A_41 = arith.muli %while3A_32, %mul3A_40 : i32
      %add3A_42 = arith.addi %mul3A_39, %mul3A_41 : i32
      "tpu.region"() ({
        %run_scoped3A = tpu.sem_alloc : memref<!tpu.dma_semaphore, #tpu.memory_space<semaphore_mem>>
        %dma_start3A = arith.constant 0 : i32
        %dma_start3A_44 = tpu.memref_slice %arg7[%add3A_42, %dma_start3A] : memref<524288x128xf32, #tpu.memory_space<hbm>> -> memref<128x128xf32, #tpu.memory_space<hbm>>
        %dma_start3A_45 = arith.constant 0 : i32
        %dma_start3A_46 = tpu.memref_slice %arg7[%add3A_42, %dma_start3A_45] : memref<524288x128xf32, #tpu.memory_space<hbm>> -> memref<128x128xf32, #tpu.memory_space<hbm>>
        tpu.enqueue_dma source(%arg11 : memref<128x128xf32, #tpu.memory_space<vmem>>) target(%dma_start3A_46 : memref<128x128xf32, #tpu.memory_space<hbm>>) target_semaphore(%run_scoped3A : memref<!tpu.dma_semaphore, #tpu.memory_space<semaphore_mem>>)
        %dma_wait3A = arith.constant 0 : i32
        %dma_wait3A_47 = tpu.memref_slice %arg7[%add3A_42, %dma_wait3A] : memref<524288x128xf32, #tpu.memory_space<hbm>> -> memref<128x128xf32, #tpu.memory_space<hbm>>
        %dma_wait3A_48 = arith.constant 0 : i32
        %dma_wait3A_49 = tpu.memref_slice %arg7[%add3A_42, %dma_wait3A_48] : memref<524288x128xf32, #tpu.memory_space<hbm>> -> memref<128x128xf32, #tpu.memory_space<hbm>>
        tpu.wait_dma2 semaphore(%run_scoped3A : memref<!tpu.dma_semaphore, #tpu.memory_space<semaphore_mem>>) src(%arg11 : memref<128x128xf32, #tpu.memory_space<vmem>>) dst(%dma_wait3A_49 : memref<128x128xf32, #tpu.memory_space<hbm>>)
        tpu.yield
      }) : () -> ()
      "tpu.region"() ({
        %run_scoped3A = tpu.sem_alloc : memref<!tpu.dma_semaphore, #tpu.memory_space<semaphore_mem>>
        %dma_start3A = arith.constant 0 : i32
        %dma_start3A_44 = tpu.memref_slice %arg8[%add3A_42, %dma_start3A] : memref<524288x128xf32, #tpu.memory_space<hbm>> -> memref<128x128xf32, #tpu.memory_space<hbm>>
        %dma_start3A_45 = arith.constant 0 : i32
        %dma_start3A_46 = tpu.memref_slice %arg8[%add3A_42, %dma_start3A_45] : memref<524288x128xf32, #tpu.memory_space<hbm>> -> memref<128x128xf32, #tpu.memory_space<hbm>>
        tpu.enqueue_dma source(%arg12 : memref<128x128xf32, #tpu.memory_space<vmem>>) target(%dma_start3A_46 : memref<128x128xf32, #tpu.memory_space<hbm>>) target_semaphore(%run_scoped3A : memref<!tpu.dma_semaphore, #tpu.memory_space<semaphore_mem>>)
        %dma_wait3A = arith.constant 0 : i32
        %dma_wait3A_47 = tpu.memref_slice %arg8[%add3A_42, %dma_wait3A] : memref<524288x128xf32, #tpu.memory_space<hbm>> -> memref<128x128xf32, #tpu.memory_space<hbm>>
        %dma_wait3A_48 = arith.constant 0 : i32
        %dma_wait3A_49 = tpu.memref_slice %arg8[%add3A_42, %dma_wait3A_48] : memref<524288x128xf32, #tpu.memory_space<hbm>> -> memref<128x128xf32, #tpu.memory_space<hbm>>
        tpu.wait_dma2 semaphore(%run_scoped3A : memref<!tpu.dma_semaphore, #tpu.memory_space<semaphore_mem>>) src(%arg12 : memref<128x128xf32, #tpu.memory_space<vmem>>) dst(%dma_wait3A_49 : memref<128x128xf32, #tpu.memory_space<hbm>>)
        tpu.yield
      }) : () -> ()
      %while3A_43 = arith.constant 0 : i32
      scf.yield %while3A_43 : i32
    }
    %while3A_30 = arith.constant 1 : i32
    %while3A_31 = scf.for %while3A_32 = %while3A_27 to %while3A_23 step %while3A_30 iter_args(%while3A_33 = %while3A_29) -> (i32)  : i32 {
      %mul3A_34 = arith.constant 128 : i32
      %mul3A_35 = arith.muli %while3A_32, %mul3A_34 : i32
      "tpu.region"() ({
        %run_scoped3A = tpu.sem_alloc : memref<!tpu.dma_semaphore, #tpu.memory_space<semaphore_mem>>
        %dma_start3A = tpu.memref_slice %arg9[%mul3A_35] : memref<16384xi32, #tpu.memory_space<vmem>> -> memref<128xi32, #tpu.memory_space<vmem>>
        %dma_start3A_44 = arith.constant 0 : i32
        %dma_start3A_45 = arith.constant 0 : i32
        %dma_start3A_46 = tpu.memref_slice %arg2[%dma_start3A_44, %dma_start3A_45] : memref<10000x128xf32, #tpu.memory_space<hbm>> -> memref<10000x128xf32, #tpu.memory_space<hbm>>
        tpu.enqueue_indirect_dma source(%dma_start3A_46 : memref<10000x128xf32, #tpu.memory_space<hbm>>) target(%arg11 : memref<128x128xf32, #tpu.memory_space<vmem>>) offsets(%dma_start3A : memref<128xi32, #tpu.memory_space<vmem>>) semaphore(%run_scoped3A : memref<!tpu.dma_semaphore, #tpu.memory_space<semaphore_mem>>)
        %dma_wait3A = tpu.memref_slice %arg9[%mul3A_35] : memref<16384xi32, #tpu.memory_space<vmem>> -> memref<128xi32, #tpu.memory_space<vmem>>
        %dma_wait3A_47 = arith.constant 0 : i32
        %dma_wait3A_48 = arith.constant 0 : i32
        %dma_wait3A_49 = tpu.memref_slice %arg2[%dma_wait3A_47, %dma_wait3A_48] : memref<10000x128xf32, #tpu.memory_space<hbm>> -> memref<10000x128xf32, #tpu.memory_space<hbm>>
        tpu.wait_indirect_dma semaphore(%run_scoped3A : memref<!tpu.dma_semaphore, #tpu.memory_space<semaphore_mem>>) src(%dma_wait3A_49 : memref<10000x128xf32, #tpu.memory_space<hbm>>) dst(%arg11 : memref<128x128xf32, #tpu.memory_space<vmem>>)
        tpu.yield
      }) : () -> ()
      %mul3A_36 = arith.constant 128 : i32
      %mul3A_37 = arith.muli %while3A_32, %mul3A_36 : i32
      "tpu.region"() ({
        %run_scoped3A = tpu.sem_alloc : memref<!tpu.dma_semaphore, #tpu.memory_space<semaphore_mem>>
        %dma_start3A = tpu.memref_slice %arg10[%mul3A_37] : memref<16384xi32, #tpu.memory_space<vmem>> -> memref<128xi32, #tpu.memory_space<vmem>>
        %dma_start3A_44 = arith.constant 0 : i32
        %dma_start3A_45 = arith.constant 0 : i32
        %dma_start3A_46 = tpu.memref_slice %arg3[%dma_start3A_44, %dma_start3A_45] : memref<1600x128xf32, #tpu.memory_space<hbm>> -> memref<1600x128xf32, #tpu.memory_space<hbm>>
        tpu.enqueue_indirect_dma source(%dma_start3A_46 : memref<1600x128xf32, #tpu.memory_space<hbm>>) target(%arg12 : memref<128x128xf32, #tpu.memory_space<vmem>>) offsets(%dma_start3A : memref<128xi32, #tpu.memory_space<vmem>>) semaphore(%run_scoped3A : memref<!tpu.dma_semaphore, #tpu.memory_space<semaphore_mem>>)
        %dma_wait3A = tpu.memref_slice %arg10[%mul3A_37] : memref<16384xi32, #tpu.memory_space<vmem>> -> memref<128xi32, #tpu.memory_space<vmem>>
        %dma_wait3A_47 = arith.constant 0 : i32
        %dma_wait3A_48 = arith.constant 0 : i32
        %dma_wait3A_49 = tpu.memref_slice %arg3[%dma_wait3A_47, %dma_wait3A_48] : memref<1600x128xf32, #tpu.memory_space<hbm>> -> memref<1600x128xf32, #tpu.memory_space<hbm>>
        tpu.wait_indirect_dma semaphore(%run_scoped3A : memref<!tpu.dma_semaphore, #tpu.memory_space<semaphore_mem>>) src(%dma_wait3A_49 : memref<1600x128xf32, #tpu.memory_space<hbm>>) dst(%arg12 : memref<128x128xf32, #tpu.memory_space<vmem>>)
        tpu.yield
      }) : () -> ()
      %mul3A_38 = arith.constant 16384 : i32
      %mul3A_39 = arith.muli %add3A, %mul3A_38 : i32
      %mul3A_40 = arith.constant 128 : i32
      %mul3A_41 = arith.muli %while3A_32, %mul3A_40 : i32
      %add3A_42 = arith.addi %mul3A_39, %mul3A_41 : i32
      "tpu.region"() ({
        %run_scoped3A = tpu.sem_alloc : memref<!tpu.dma_semaphore, #tpu.memory_space<semaphore_mem>>
        %dma_start3A = arith.constant 0 : i32
        %dma_start3A_44 = tpu.memref_slice %arg7[%add3A_42, %dma_start3A] : memref<524288x128xf32, #tpu.memory_space<hbm>> -> memref<128x128xf32, #tpu.memory_space<hbm>>
        %dma_start3A_45 = arith.constant 0 : i32
        %dma_start3A_46 = tpu.memref_slice %arg7[%add3A_42, %dma_start3A_45] : memref<524288x128xf32, #tpu.memory_space<hbm>> -> memref<128x128xf32, #tpu.memory_space<hbm>>
        tpu.enqueue_dma source(%arg11 : memref<128x128xf32, #tpu.memory_space<vmem>>) target(%dma_start3A_46 : memref<128x128xf32, #tpu.memory_space<hbm>>) target_semaphore(%run_scoped3A : memref<!tpu.dma_semaphore, #tpu.memory_space<semaphore_mem>>)
        %dma_wait3A = arith.constant 0 : i32
        %dma_wait3A_47 = tpu.memref_slice %arg7[%add3A_42, %dma_wait3A] : memref<524288x128xf32, #tpu.memory_space<hbm>> -> memref<128x128xf32, #tpu.memory_space<hbm>>
        %dma_wait3A_48 = arith.constant 0 : i32
        %dma_wait3A_49 = tpu.memref_slice %arg7[%add3A_42, %dma_wait3A_48] : memref<524288x128xf32, #tpu.memory_space<hbm>> -> memref<128x128xf32, #tpu.memory_space<hbm>>
        tpu.wait_dma2 semaphore(%run_scoped3A : memref<!tpu.dma_semaphore, #tpu.memory_space<semaphore_mem>>) src(%arg11 : memref<128x128xf32, #tpu.memory_space<vmem>>) dst(%dma_wait3A_49 : memref<128x128xf32, #tpu.memory_space<hbm>>)
        tpu.yield
      }) : () -> ()
      "tpu.region"() ({
        %run_scoped3A = tpu.sem_alloc : memref<!tpu.dma_semaphore, #tpu.memory_space<semaphore_mem>>
        %dma_start3A = arith.constant 0 : i32
        %dma_start3A_44 = tpu.memref_slice %arg8[%add3A_42, %dma_start3A] : memref<524288x128xf32, #tpu.memory_space<hbm>> -> memref<128x128xf32, #tpu.memory_space<hbm>>
        %dma_start3A_45 = arith.constant 0 : i32
        %dma_start3A_46 = tpu.memref_slice %arg8[%add3A_42, %dma_start3A_45] : memref<524288x128xf32, #tpu.memory_space<hbm>> -> memref<128x128xf32, #tpu.memory_space<hbm>>
        tpu.enqueue_dma source(%arg12 : memref<128x128xf32, #tpu.memory_space<vmem>>) target(%dma_start3A_46 : memref<128x128xf32, #tpu.memory_space<hbm>>) target_semaphore(%run_scoped3A : memref<!tpu.dma_semaphore, #tpu.memory_space<semaphore_mem>>)
        %dma_wait3A = arith.constant 0 : i32
        %dma_wait3A_47 = tpu.memref_slice %arg8[%add3A_42, %dma_wait3A] : memref<524288x128xf32, #tpu.memory_space<hbm>> -> memref<128x128xf32, #tpu.memory_space<hbm>>
        %dma_wait3A_48 = arith.constant 0 : i32
        %dma_wait3A_49 = tpu.memref_slice %arg8[%add3A_42, %dma_wait3A_48] : memref<524288x128xf32, #tpu.memory_space<hbm>> -> memref<128x128xf32, #tpu.memory_space<hbm>>
        tpu.wait_dma2 semaphore(%run_scoped3A : memref<!tpu.dma_semaphore, #tpu.memory_space<semaphore_mem>>) src(%arg12 : memref<128x128xf32, #tpu.memory_space<vmem>>) dst(%dma_wait3A_49 : memref<128x128xf32, #tpu.memory_space<hbm>>)
        tpu.yield
      }) : () -> ()
      %while3A_43 = arith.constant 0 : i32
      scf.yield %while3A_43 : i32
    }
    return
  }
}

#map = affine_map<(d0, d1) -> (0, 0)>
module attributes {stable_mosaic.version = 14 : i64} {
  func.func @k(%arg0: i32, %arg1: i32, %arg2: memref<10000x128xf32, #tpu.memory_space<hbm>>, %arg3: memref<1600x128xf32, #tpu.memory_space<hbm>>, %arg4: memref<32x16384xi32, #tpu.memory_space<hbm>>, %arg5: memref<32x16384xi32, #tpu.memory_space<hbm>>, %arg6: memref<32x16xi32, #tpu.memory_space<hbm>>, %arg7: memref<524288x128xf32, #tpu.memory_space<hbm>>, %arg8: memref<524288x128xf32, #tpu.memory_space<hbm>>, %arg9: memref<16384xi32, #tpu.memory_space<vmem>>, %arg10: memref<16384xi32, #tpu.memory_space<vmem>>, %arg11: memref<128x128xf32, #tpu.memory_space<vmem>>, %arg12: memref<128x128xf32, #tpu.memory_space<vmem>>, %arg13: memref<16xi32, #tpu.memory_space<vmem>>) attributes {dimension_semantics = [#tpu.dimension_semantics<core_parallel>, #tpu.dimension_semantics<subcore_parallel>], iteration_bounds = array<i64: 2, 16>, scalar_prefetch = 0 : i64, scratch_operands = 5 : i64, tpu.core_type = #tpu.core_type<sc_vector_subcore>, window_params = [{transform_indices = #map}, {transform_indices = #map}, {transform_indices = #map}, {transform_indices = #map}, {transform_indices = #map}, {transform_indices = #map}, {transform_indices = #map}]} {
    %mul3A = arith.constant 2 : i32
    %mul3A_0 = arith.muli %arg1, %mul3A : i32
    %add3A = arith.addi %mul3A_0, %arg0 : i32
    "tpu.region"() ({
      %run_scoped3A = tpu.sem_alloc : memref<!tpu.dma_semaphore, #tpu.memory_space<semaphore_mem>>
      %dma_start3A = arith.constant 0 : i32
      %dma_start3A_32 = tpu.memref_slice %arg4[%add3A, %dma_start3A] : memref<32x16384xi32, #tpu.memory_space<hbm>> -> memref<1x16384xi32, #tpu.memory_space<hbm>>
      %dma_start3A_33 = tpu.memref_squeeze %dma_start3A_32 : memref<1x16384xi32, #tpu.memory_space<hbm>> -> memref<16384xi32, #tpu.memory_space<hbm>>
      %dma_start3A_34 = arith.constant 0 : i32
      %dma_start3A_35 = tpu.memref_slice %arg4[%add3A, %dma_start3A_34] : memref<32x16384xi32, #tpu.memory_space<hbm>> -> memref<1x16384xi32, #tpu.memory_space<hbm>>
      %dma_start3A_36 = tpu.memref_squeeze %dma_start3A_35 : memref<1x16384xi32, #tpu.memory_space<hbm>> -> memref<16384xi32, #tpu.memory_space<hbm>>
      tpu.enqueue_dma source(%dma_start3A_36 : memref<16384xi32, #tpu.memory_space<hbm>>) target(%arg9 : memref<16384xi32, #tpu.memory_space<vmem>>) target_semaphore(%run_scoped3A : memref<!tpu.dma_semaphore, #tpu.memory_space<semaphore_mem>>)
      %dma_wait3A = arith.constant 0 : i32
      %dma_wait3A_37 = tpu.memref_slice %arg4[%add3A, %dma_wait3A] : memref<32x16384xi32, #tpu.memory_space<hbm>> -> memref<1x16384xi32, #tpu.memory_space<hbm>>
      %dma_wait3A_38 = tpu.memref_squeeze %dma_wait3A_37 : memref<1x16384xi32, #tpu.memory_space<hbm>> -> memref<16384xi32, #tpu.memory_space<hbm>>
      %dma_wait3A_39 = arith.constant 0 : i32
      %dma_wait3A_40 = tpu.memref_slice %arg4[%add3A, %dma_wait3A_39] : memref<32x16384xi32, #tpu.memory_space<hbm>> -> memref<1x16384xi32, #tpu.memory_space<hbm>>
      %dma_wait3A_41 = tpu.memref_squeeze %dma_wait3A_40 : memref<1x16384xi32, #tpu.memory_space<hbm>> -> memref<16384xi32, #tpu.memory_space<hbm>>
      tpu.wait_dma2 semaphore(%run_scoped3A : memref<!tpu.dma_semaphore, #tpu.memory_space<semaphore_mem>>) src(%dma_wait3A_41 : memref<16384xi32, #tpu.memory_space<hbm>>) dst(%arg9 : memref<16384xi32, #tpu.memory_space<vmem>>)
      tpu.yield
    }) : () -> ()
    "tpu.region"() ({
      %run_scoped3A = tpu.sem_alloc : memref<!tpu.dma_semaphore, #tpu.memory_space<semaphore_mem>>
      %dma_start3A = arith.constant 0 : i32
      %dma_start3A_32 = tpu.memref_slice %arg5[%add3A, %dma_start3A] : memref<32x16384xi32, #tpu.memory_space<hbm>> -> memref<1x16384xi32, #tpu.memory_space<hbm>>
      %dma_start3A_33 = tpu.memref_squeeze %dma_start3A_32 : memref<1x16384xi32, #tpu.memory_space<hbm>> -> memref<16384xi32, #tpu.memory_space<hbm>>
      %dma_start3A_34 = arith.constant 0 : i32
      %dma_start3A_35 = tpu.memref_slice %arg5[%add3A, %dma_start3A_34] : memref<32x16384xi32, #tpu.memory_space<hbm>> -> memref<1x16384xi32, #tpu.memory_space<hbm>>
      %dma_start3A_36 = tpu.memref_squeeze %dma_start3A_35 : memref<1x16384xi32, #tpu.memory_space<hbm>> -> memref<16384xi32, #tpu.memory_space<hbm>>
      tpu.enqueue_dma source(%dma_start3A_36 : memref<16384xi32, #tpu.memory_space<hbm>>) target(%arg10 : memref<16384xi32, #tpu.memory_space<vmem>>) target_semaphore(%run_scoped3A : memref<!tpu.dma_semaphore, #tpu.memory_space<semaphore_mem>>)
      %dma_wait3A = arith.constant 0 : i32
      %dma_wait3A_37 = tpu.memref_slice %arg5[%add3A, %dma_wait3A] : memref<32x16384xi32, #tpu.memory_space<hbm>> -> memref<1x16384xi32, #tpu.memory_space<hbm>>
      %dma_wait3A_38 = tpu.memref_squeeze %dma_wait3A_37 : memref<1x16384xi32, #tpu.memory_space<hbm>> -> memref<16384xi32, #tpu.memory_space<hbm>>
      %dma_wait3A_39 = arith.constant 0 : i32
      %dma_wait3A_40 = tpu.memref_slice %arg5[%add3A, %dma_wait3A_39] : memref<32x16384xi32, #tpu.memory_space<hbm>> -> memref<1x16384xi32, #tpu.memory_space<hbm>>
      %dma_wait3A_41 = tpu.memref_squeeze %dma_wait3A_40 : memref<1x16384xi32, #tpu.memory_space<hbm>> -> memref<16384xi32, #tpu.memory_space<hbm>>
      tpu.wait_dma2 semaphore(%run_scoped3A : memref<!tpu.dma_semaphore, #tpu.memory_space<semaphore_mem>>) src(%dma_wait3A_41 : memref<16384xi32, #tpu.memory_space<hbm>>) dst(%arg10 : memref<16384xi32, #tpu.memory_space<vmem>>)
      tpu.yield
    }) : () -> ()
    "tpu.region"() ({
      %run_scoped3A = tpu.sem_alloc : memref<!tpu.dma_semaphore, #tpu.memory_space<semaphore_mem>>
      %dma_start3A = arith.constant 0 : i32
      %dma_start3A_32 = tpu.memref_slice %arg6[%add3A, %dma_start3A] : memref<32x16xi32, #tpu.memory_space<hbm>> -> memref<1x16xi32, #tpu.memory_space<hbm>>
      %dma_start3A_33 = tpu.memref_squeeze %dma_start3A_32 : memref<1x16xi32, #tpu.memory_space<hbm>> -> memref<16xi32, #tpu.memory_space<hbm>>
      %dma_start3A_34 = arith.constant 0 : i32
      %dma_start3A_35 = tpu.memref_slice %arg6[%add3A, %dma_start3A_34] : memref<32x16xi32, #tpu.memory_space<hbm>> -> memref<1x16xi32, #tpu.memory_space<hbm>>
      %dma_start3A_36 = tpu.memref_squeeze %dma_start3A_35 : memref<1x16xi32, #tpu.memory_space<hbm>> -> memref<16xi32, #tpu.memory_space<hbm>>
      tpu.enqueue_dma source(%dma_start3A_36 : memref<16xi32, #tpu.memory_space<hbm>>) target(%arg13 : memref<16xi32, #tpu.memory_space<vmem>>) target_semaphore(%run_scoped3A : memref<!tpu.dma_semaphore, #tpu.memory_space<semaphore_mem>>)
      %dma_wait3A = arith.constant 0 : i32
      %dma_wait3A_37 = tpu.memref_slice %arg6[%add3A, %dma_wait3A] : memref<32x16xi32, #tpu.memory_space<hbm>> -> memref<1x16xi32, #tpu.memory_space<hbm>>
      %dma_wait3A_38 = tpu.memref_squeeze %dma_wait3A_37 : memref<1x16xi32, #tpu.memory_space<hbm>> -> memref<16xi32, #tpu.memory_space<hbm>>
      %dma_wait3A_39 = arith.constant 0 : i32
      %dma_wait3A_40 = tpu.memref_slice %arg6[%add3A, %dma_wait3A_39] : memref<32x16xi32, #tpu.memory_space<hbm>> -> memref<1x16xi32, #tpu.memory_space<hbm>>
      %dma_wait3A_41 = tpu.memref_squeeze %dma_wait3A_40 : memref<1x16xi32, #tpu.memory_space<hbm>> -> memref<16xi32, #tpu.memory_space<hbm>>
      tpu.wait_dma2 semaphore(%run_scoped3A : memref<!tpu.dma_semaphore, #tpu.memory_space<semaphore_mem>>) src(%dma_wait3A_41 : memref<16xi32, #tpu.memory_space<hbm>>) dst(%arg13 : memref<16xi32, #tpu.memory_space<vmem>>)
      tpu.yield
    }) : () -> ()
    %get3A = arith.constant 0 : index
    %get3A_1 = tpu.vector_load %arg13[%get3A] {strides = array<i32>} : memref<16xi32, #tpu.memory_space<vmem>>, vector<16xi32>,
    %get3A_2 = vector.shape_cast %get3A_1 : vector<16xi32> to vector<16xi32>
    %slice3A = vector.extract_strided_slice %get3A_2 {offsets = [0], sizes = [1], strides = [1]} : vector<16xi32> to vector<1xi32>
    %squeeze3A = vector.extract %slice3A[0] : i32 from vector<1xi32>
    %add3A_3 = arith.constant 127 : i32
    %add3A_4 = arith.addi %squeeze3A, %add3A_3 : i32
    %jit3A = arith.constant 128 : i32
    %div3A = arith.divsi %add3A_4, %jit3A : i32
    %sign3A = arith.constant 0 : i32
    %sign3A_5 = arith.cmpi sgt, %add3A_4, %sign3A : i32
    %sign3A_6 = arith.extui %sign3A_5 : i1 to i32
    %sign3A_7 = arith.constant 0 : i32
    %sign3A_8 = arith.cmpi slt, %add3A_4, %sign3A_7 : i32
    %sign3A_9 = arith.extui %sign3A_8 : i1 to i32
    %sign3A_10 = arith.subi %sign3A_6, %sign3A_9 : i32
    %sign3A_11 = arith.constant 0 : i32
    %sign3A_12 = arith.cmpi sgt, %jit3A, %sign3A_11 : i32
    %sign3A_13 = arith.extui %sign3A_12 : i1 to i32
    %sign3A_14 = arith.constant 0 : i32
    %sign3A_15 = arith.cmpi slt, %jit3A, %sign3A_14 : i32
    %sign3A_16 = arith.extui %sign3A_15 : i1 to i32
    %sign3A_17 = arith.subi %sign3A_13, %sign3A_16 : i32
    %ne3A = arith.cmpi ne, %sign3A_10, %sign3A_17 : i32
    %rem3A = arith.remsi %add3A_4, %jit3A : i32
    %ne3A_18 = arith.constant 0 : i32
    %ne3A_19 = arith.cmpi ne, %rem3A, %ne3A_18 : i32
    %and3A = arith.andi %ne3A, %ne3A_19 : i1
    %sub3A = arith.constant 1 : i32
    %sub3A_20 = arith.subi %div3A, %sub3A : i32
    %select_n3A = arith.select %and3A, %sub3A_20, %div3A : i32
    %while3A = arith.constant 0 : i32
    %while3A_21 = arith.constant 0 : i32
    %while3A_22 = arith.subi %select_n3A, %while3A : i32
    %while3A_23 = arith.addi %while3A, %while3A_22 : i32
    %while3A_24 = arith.constant 1 : i32
    %while3A_25 = arith.divsi %while3A_22, %while3A_24 : i32
    %while3A_26 = arith.muli %while3A_25, %while3A_24 : i32
    %while3A_27 = arith.addi %while3A, %while3A_26 : i32
    %while3A_28 = arith.constant 1 : i32
    %while3A_29 = scf.for %while3A_32 = %while3A to %while3A_27 step %while3A_28 iter_args(%while3A_33 = %while3A_21) -> (i32)  : i32 {
      %mul3A_34 = arith.constant 128 : i32
      %mul3A_35 = arith.muli %while3A_32, %mul3A_34 : i32
      "tpu.region"() ({
        %run_scoped3A = tpu.sem_alloc : memref<!tpu.dma_semaphore, #tpu.memory_space<semaphore_mem>>
        %dma_start3A = tpu.memref_slice %arg9[%mul3A_35] : memref<16384xi32, #tpu.memory_space<vmem>> -> memref<128xi32, #tpu.memory_space<vmem>>
        %dma_start3A_44 = arith.constant 0 : i32
        %dma_start3A_45 = arith.constant 0 : i32
        %dma_start3A_46 = tpu.memref_slice %arg2[%dma_start3A_44, %dma_start3A_45] : memref<10000x128xf32, #tpu.memory_space<hbm>> -> memref<10000x128xf32, #tpu.memory_space<hbm>>
        tpu.enqueue_indirect_dma source(%dma_start3A_46 : memref<10000x128xf32, #tpu.memory_space<hbm>>) target(%arg11 : memref<128x128xf32, #tpu.memory_space<vmem>>) offsets(%dma_start3A : memref<128xi32, #tpu.memory_space<vmem>>) semaphore(%run_scoped3A : memref<!tpu.dma_semaphore, #tpu.memory_space<semaphore_mem>>)
        %dma_wait3A = tpu.memref_slice %arg9[%mul3A_35] : memref<16384xi32, #tpu.memory_space<vmem>> -> memref<128xi32, #tpu.memory_space<vmem>>
        %dma_wait3A_47 = arith.constant 0 : i32
        %dma_wait3A_48 = arith.constant 0 : i32
        %dma_wait3A_49 = tpu.memref_slice %arg2[%dma_wait3A_47, %dma_wait3A_48] : memref<10000x128xf32, #tpu.memory_space<hbm>> -> memref<10000x128xf32, #tpu.memory_space<hbm>>
        tpu.wait_indirect_dma semaphore(%run_scoped3A : memref<!tpu.dma_semaphore, #tpu.memory_space<semaphore_mem>>) src(%dma_wait3A_49 : memref<10000x128xf32, #tpu.memory_space<hbm>>) dst(%arg11 : memref<128x128xf32, #tpu.memory_space<vmem>>)
        tpu.yield
      }) : () -> ()
      %mul3A_36 = arith.constant 128 : i32
      %mul3A_37 = arith.muli %while3A_32, %mul3A_36 : i32
      "tpu.region"() ({
        %run_scoped3A = tpu.sem_alloc : memref<!tpu.dma_semaphore, #tpu.memory_space<semaphore_mem>>
        %dma_start3A = tpu.memref_slice %arg10[%mul3A_37] : memref<16384xi32, #tpu.memory_space<vmem>> -> memref<128xi32, #tpu.memory_space<vmem>>
        %dma_start3A_44 = arith.constant 0 : i32
        %dma_start3A_45 = arith.constant 0 : i32
        %dma_start3A_46 = tpu.memref_slice %arg3[%dma_start3A_44, %dma_start3A_45] : memref<1600x128xf32, #tpu.memory_space<hbm>> -> memref<1600x128xf32, #tpu.memory_space<hbm>>
        tpu.enqueue_indirect_dma source(%dma_start3A_46 : memref<1600x128xf32, #tpu.memory_space<hbm>>) target(%arg12 : memref<128x128xf32, #tpu.memory_space<vmem>>) offsets(%dma_start3A : memref<128xi32, #tpu.memory_space<vmem>>) semaphore(%run_scoped3A : memref<!tpu.dma_semaphore, #tpu.memory_space<semaphore_mem>>)
        %dma_wait3A = tpu.memref_slice %arg10[%mul3A_37] : memref<16384xi32, #tpu.memory_space<vmem>> -> memref<128xi32, #tpu.memory_space<vmem>>
        %dma_wait3A_47 = arith.constant 0 : i32
        %dma_wait3A_48 = arith.constant 0 : i32
        %dma_wait3A_49 = tpu.memref_slice %arg3[%dma_wait3A_47, %dma_wait3A_48] : memref<1600x128xf32, #tpu.memory_space<hbm>> -> memref<1600x128xf32, #tpu.memory_space<hbm>>
        tpu.wait_indirect_dma semaphore(%run_scoped3A : memref<!tpu.dma_semaphore, #tpu.memory_space<semaphore_mem>>) src(%dma_wait3A_49 : memref<1600x128xf32, #tpu.memory_space<hbm>>) dst(%arg12 : memref<128x128xf32, #tpu.memory_space<vmem>>)
        tpu.yield
      }) : () -> ()
      %mul3A_38 = arith.constant 16384 : i32
      %mul3A_39 = arith.muli %add3A, %mul3A_38 : i32
      %mul3A_40 = arith.constant 128 : i32
      %mul3A_41 = arith.muli %while3A_32, %mul3A_40 : i32
      %add3A_42 = arith.addi %mul3A_39, %mul3A_41 : i32
      "tpu.region"() ({
        %run_scoped3A = tpu.sem_alloc : memref<!tpu.dma_semaphore, #tpu.memory_space<semaphore_mem>>
        %dma_start3A = arith.constant 0 : i32
        %dma_start3A_44 = tpu.memref_slice %arg7[%add3A_42, %dma_start3A] : memref<524288x128xf32, #tpu.memory_space<hbm>> -> memref<128x128xf32, #tpu.memory_space<hbm>>
        %dma_start3A_45 = arith.constant 0 : i32
        %dma_start3A_46 = tpu.memref_slice %arg7[%add3A_42, %dma_start3A_45] : memref<524288x128xf32, #tpu.memory_space<hbm>> -> memref<128x128xf32, #tpu.memory_space<hbm>>
        tpu.enqueue_dma source(%arg11 : memref<128x128xf32, #tpu.memory_space<vmem>>) target(%dma_start3A_46 : memref<128x128xf32, #tpu.memory_space<hbm>>) target_semaphore(%run_scoped3A : memref<!tpu.dma_semaphore, #tpu.memory_space<semaphore_mem>>)
        %dma_wait3A = arith.constant 0 : i32
        %dma_wait3A_47 = tpu.memref_slice %arg7[%add3A_42, %dma_wait3A] : memref<524288x128xf32, #tpu.memory_space<hbm>> -> memref<128x128xf32, #tpu.memory_space<hbm>>
        %dma_wait3A_48 = arith.constant 0 : i32
        %dma_wait3A_49 = tpu.memref_slice %arg7[%add3A_42, %dma_wait3A_48] : memref<524288x128xf32, #tpu.memory_space<hbm>> -> memref<128x128xf32, #tpu.memory_space<hbm>>
        tpu.wait_dma2 semaphore(%run_scoped3A : memref<!tpu.dma_semaphore, #tpu.memory_space<semaphore_mem>>) src(%arg11 : memref<128x128xf32, #tpu.memory_space<vmem>>) dst(%dma_wait3A_49 : memref<128x128xf32, #tpu.memory_space<hbm>>)
        tpu.yield
      }) : () -> ()
      "tpu.region"() ({
        %run_scoped3A = tpu.sem_alloc : memref<!tpu.dma_semaphore, #tpu.memory_space<semaphore_mem>>
        %dma_start3A = arith.constant 0 : i32
        %dma_start3A_44 = tpu.memref_slice %arg8[%add3A_42, %dma_start3A] : memref<524288x128xf32, #tpu.memory_space<hbm>> -> memref<128x128xf32, #tpu.memory_space<hbm>>
        %dma_start3A_45 = arith.constant 0 : i32
        %dma_start3A_46 = tpu.memref_slice %arg8[%add3A_42, %dma_start3A_45] : memref<524288x128xf32, #tpu.memory_space<hbm>> -> memref<128x128xf32, #tpu.memory_space<hbm>>
        tpu.enqueue_dma source(%arg12 : memref<128x128xf32, #tpu.memory_space<vmem>>) target(%dma_start3A_46 : memref<128x128xf32, #tpu.memory_space<hbm>>) target_semaphore(%run_scoped3A : memref<!tpu.dma_semaphore, #tpu.memory_space<semaphore_mem>>)
        %dma_wait3A = arith.constant 0 : i32
        %dma_wait3A_47 = tpu.memref_slice %arg8[%add3A_42, %dma_wait3A] : memref<524288x128xf32, #tpu.memory_space<hbm>> -> memref<128x128xf32, #tpu.memory_space<hbm>>
        %dma_wait3A_48 = arith.constant 0 : i32
        %dma_wait3A_49 = tpu.memref_slice %arg8[%add3A_42, %dma_wait3A_48] : memref<524288x128xf32, #tpu.memory_space<hbm>> -> memref<128x128xf32, #tpu.memory_space<hbm>>
        tpu.wait_dma2 semaphore(%run_scoped3A : memref<!tpu.dma_semaphore, #tpu.memory_space<semaphore_mem>>) src(%arg12 : memref<128x128xf32, #tpu.memory_space<vmem>>) dst(%dma_wait3A_49 : memref<128x128xf32, #tpu.memory_space<hbm>>)
        tpu.yield
      }) : () -> ()
      %while3A_43 = arith.constant 0 : i32
      scf.yield %while3A_43 : i32
    }
    %while3A_30 = arith.constant 1 : i32
    %while3A_31 = scf.for %while3A_32 = %while3A_27 to %while3A_23 step %while3A_30 iter_args(%while3A_33 = %while3A_29) -> (i32)  : i32 {
      %mul3A_34 = arith.constant 128 : i32
      %mul3A_35 = arith.muli %while3A_32, %mul3A_34 : i32
      "tpu.region"() ({
        %run_scoped3A = tpu.sem_alloc : memref<!tpu.dma_semaphore, #tpu.memory_space<semaphore_mem>>
        %dma_start3A = tpu.memref_slice %arg9[%mul3A_35] : memref<16384xi32, #tpu.memory_space<vmem>> -> memref<128xi32, #tpu.memory_space<vmem>>
        %dma_start3A_44 = arith.constant 0 : i32
        %dma_start3A_45 = arith.constant 0 : i32
        %dma_start3A_46 = tpu.memref_slice %arg2[%dma_start3A_44, %dma_start3A_45] : memref<10000x128xf32, #tpu.memory_space<hbm>> -> memref<10000x128xf32, #tpu.memory_space<hbm>>
        tpu.enqueue_indirect_dma source(%dma_start3A_46 : memref<10000x128xf32, #tpu.memory_space<hbm>>) target(%arg11 : memref<128x128xf32, #tpu.memory_space<vmem>>) offsets(%dma_start3A : memref<128xi32, #tpu.memory_space<vmem>>) semaphore(%run_scoped3A : memref<!tpu.dma_semaphore, #tpu.memory_space<semaphore_mem>>)
        %dma_wait3A = tpu.memref_slice %arg9[%mul3A_35] : memref<16384xi32, #tpu.memory_space<vmem>> -> memref<128xi32, #tpu.memory_space<vmem>>
        %dma_wait3A_47 = arith.constant 0 : i32
        %dma_wait3A_48 = arith.constant 0 : i32
        %dma_wait3A_49 = tpu.memref_slice %arg2[%dma_wait3A_47, %dma_wait3A_48] : memref<10000x128xf32, #tpu.memory_space<hbm>> -> memref<10000x128xf32, #tpu.memory_space<hbm>>
        tpu.wait_indirect_dma semaphore(%run_scoped3A : memref<!tpu.dma_semaphore, #tpu.memory_space<semaphore_mem>>) src(%dma_wait3A_49 : memref<10000x128xf32, #tpu.memory_space<hbm>>) dst(%arg11 : memref<128x128xf32, #tpu.memory_space<vmem>>)
        tpu.yield
      }) : () -> ()
      %mul3A_36 = arith.constant 128 : i32
      %mul3A_37 = arith.muli %while3A_32, %mul3A_36 : i32
      "tpu.region"() ({
        %run_scoped3A = tpu.sem_alloc : memref<!tpu.dma_semaphore, #tpu.memory_space<semaphore_mem>>
        %dma_start3A = tpu.memref_slice %arg10[%mul3A_37] : memref<16384xi32, #tpu.memory_space<vmem>> -> memref<128xi32, #tpu.memory_space<vmem>>
        %dma_start3A_44 = arith.constant 0 : i32
        %dma_start3A_45 = arith.constant 0 : i32
        %dma_start3A_46 = tpu.memref_slice %arg3[%dma_start3A_44, %dma_start3A_45] : memref<1600x128xf32, #tpu.memory_space<hbm>> -> memref<1600x128xf32, #tpu.memory_space<hbm>>
        tpu.enqueue_indirect_dma source(%dma_start3A_46 : memref<1600x128xf32, #tpu.memory_space<hbm>>) target(%arg12 : memref<128x128xf32, #tpu.memory_space<vmem>>) offsets(%dma_start3A : memref<128xi32, #tpu.memory_space<vmem>>) semaphore(%run_scoped3A : memref<!tpu.dma_semaphore, #tpu.memory_space<semaphore_mem>>)
        %dma_wait3A = tpu.memref_slice %arg10[%mul3A_37] : memref<16384xi32, #tpu.memory_space<vmem>> -> memref<128xi32, #tpu.memory_space<vmem>>
        %dma_wait3A_47 = arith.constant 0 : i32
        %dma_wait3A_48 = arith.constant 0 : i32
        %dma_wait3A_49 = tpu.memref_slice %arg3[%dma_wait3A_47, %dma_wait3A_48] : memref<1600x128xf32, #tpu.memory_space<hbm>> -> memref<1600x128xf32, #tpu.memory_space<hbm>>
        tpu.wait_indirect_dma semaphore(%run_scoped3A : memref<!tpu.dma_semaphore, #tpu.memory_space<semaphore_mem>>) src(%dma_wait3A_49 : memref<1600x128xf32, #tpu.memory_space<hbm>>) dst(%arg12 : memref<128x128xf32, #tpu.memory_space<vmem>>)
        tpu.yield
      }) : () -> ()
      %mul3A_38 = arith.constant 16384 : i32
      %mul3A_39 = arith.muli %add3A, %mul3A_38 : i32
      %mul3A_40 = arith.constant 128 : i32
      %mul3A_41 = arith.muli %while3A_32, %mul3A_40 : i32
      %add3A_42 = arith.addi %mul3A_39, %mul3A_41 : i32
      "tpu.region"() ({
        %run_scoped3A = tpu.sem_alloc : memref<!tpu.dma_semaphore, #tpu.memory_space<semaphore_mem>>
        %dma_start3A = arith.constant 0 : i32
        %dma_start3A_44 = tpu.memref_slice %arg7[%add3A_42, %dma_start3A] : memref<524288x128xf32, #tpu.memory_space<hbm>> -> memref<128x128xf32, #tpu.memory_space<hbm>>
        %dma_start3A_45 = arith.constant 0 : i32
        %dma_start3A_46 = tpu.memref_slice %arg7[%add3A_42, %dma_start3A_45] : memref<524288x128xf32, #tpu.memory_space<hbm>> -> memref<128x128xf32, #tpu.memory_space<hbm>>
        tpu.enqueue_dma source(%arg11 : memref<128x128xf32, #tpu.memory_space<vmem>>) target(%dma_start3A_46 : memref<128x128xf32, #tpu.memory_space<hbm>>) target_semaphore(%run_scoped3A : memref<!tpu.dma_semaphore, #tpu.memory_space<semaphore_mem>>)
        %dma_wait3A = arith.constant 0 : i32
        %dma_wait3A_47 = tpu.memref_slice %arg7[%add3A_42, %dma_wait3A] : memref<524288x128xf32, #tpu.memory_space<hbm>> -> memref<128x128xf32, #tpu.memory_space<hbm>>
        %dma_wait3A_48 = arith.constant 0 : i32
        %dma_wait3A_49 = tpu.memref_slice %arg7[%add3A_42, %dma_wait3A_48] : memref<524288x128xf32, #tpu.memory_space<hbm>> -> memref<128x128xf32, #tpu.memory_space<hbm>>
        tpu.wait_dma2 semaphore(%run_scoped3A : memref<!tpu.dma_semaphore, #tpu.memory_space<semaphore_mem>>) src(%arg11 : memref<128x128xf32, #tpu.memory_space<vmem>>) dst(%dma_wait3A_49 : memref<128x128xf32, #tpu.memory_space<hbm>>)
        tpu.yield
      }) : () -> ()
      "tpu.region"() ({
        %run_scoped3A = tpu.sem_alloc : memref<!tpu.dma_semaphore, #tpu.memory_space<semaphore_mem>>
        %dma_start3A = arith.constant 0 : i32
        %dma_start3A_44 = tpu.memref_slice %arg8[%add3A_42, %dma_start3A] : memref<524288x128xf32, #tpu.memory_space<hbm>> -> memref<128x128xf32, #tpu.memory_space<hbm>>
        %dma_start3A_45 = arith.constant 0 : i32
        %dma_start3A_46 = tpu.memref_slice %arg8[%add3A_42, %dma_start3A_45] : memref<524288x128xf32, #tpu.memory_space<hbm>> -> memref<128x128xf32, #tpu.memory_space<hbm>>
        tpu.enqueue_dma source(%arg12 : memref<128x128xf32, #tpu.memory_space<vmem>>) target(%dma_start3A_46 : memref<128x128xf32, #tpu.memory_space<hbm>>) target_semaphore(%run_scoped3A : memref<!tpu.dma_semaphore, #tpu.memory_space<semaphore_mem>>)
        %dma_wait3A = arith.constant 0 : i32
        %dma_wait3A_47 = tpu.memref_slice %arg8[%add3A_42, %dma_wait3A] : memref<524288x128xf32, #tpu.memory_space<hbm>> -> memref<128x128xf32, #tpu.memory_space<hbm>>
        %dma_wait3A_48 = arith.constant 0 : i32
        %dma_wait3A_49 = tpu.memref_slice %arg8[%add3A_42, %dma_wait3A_48] : memref<524288x128xf32, #tpu.memory_space<hbm>> -> memref<128x128xf32, #tpu.memory_space<hbm>>
        tpu.wait_dma2 semaphore(%run_scoped3A : memref<!tpu.dma_semaphore, #tpu.memory_space<semaphore_mem>>) src(%arg12 : memref<128x128xf32, #tpu.memory_space<vmem>>) dst(%dma_wait3A_49 : memref<128x128xf32, #tpu.memory_space<hbm>>)
        tpu.yield
      }) : () -> ()
      %while3A_43 = arith.constant 0 : i32
      scf.yield %while3A_43 : i32
    }
    return
  }
}

#map = affine_map<(d0, d1) -> (0, 0)>
#map1 = affine_map<(d0, d1) -> (0, 0, 0)>
module attributes {stable_mosaic.version = 14 : i64} {
  func.func @k(%arg0: i32, %arg1: i32, %arg2: memref<524288x128xf32, #tpu.memory_space<hbm>>, %arg3: memref<32x256x64xi32, #tpu.memory_space<hbm>>, %arg4: memref<32x16xi32, #tpu.memory_space<hbm>>, %arg5: memref<632x128xf32, #tpu.memory_space<hbm>>, %arg6: memref<10112x128xf32, #tpu.memory_space<hbm>>, %arg7: memref<10112x128xf32, #tpu.memory_space<hbm>>, %arg8: memref<10112x128xf32, #tpu.memory_space<vmem_shared>>, %arg9: memref<256x64xi32, #tpu.memory_space<vmem>>, %arg10: memref<64x128xf32, #tpu.memory_space<vmem>>, %arg11: memref<16xi32, #tpu.memory_space<vmem>>) attributes {dimension_semantics = [#tpu.dimension_semantics<core_parallel>, #tpu.dimension_semantics<subcore_parallel>], iteration_bounds = array<i64: 2, 16>, scalar_prefetch = 0 : i64, scratch_operands = 4 : i64, tpu.core_type = #tpu.core_type<sc_vector_subcore>, window_params = [{transform_indices = #map}, {transform_indices = #map1}, {transform_indices = #map}, {transform_indices = #map}, {transform_indices = #map}, {transform_indices = #map}]} {
    %mul3A = arith.constant 2 : i32
    %mul3A_0 = arith.muli %arg1, %mul3A : i32
    %add3A = arith.addi %mul3A_0, %arg0 : i32
    %mul3A_1 = arith.constant 632 : i32
    %mul3A_2 = arith.muli %arg1, %mul3A_1 : i32
    "tpu.region"() ({
      %run_scoped3A = tpu.sem_alloc : memref<!tpu.dma_semaphore, #tpu.memory_space<semaphore_mem>>
      %dma_start3A = arith.constant 0 : i32
      %dma_start3A_42 = tpu.memref_slice %arg8[%mul3A_2, %dma_start3A] : memref<10112x128xf32, #tpu.memory_space<vmem_shared>> -> memref<632x128xf32, #tpu.memory_space<vmem_shared>>
      tpu.enqueue_dma source(%arg5 : memref<632x128xf32, #tpu.memory_space<hbm>>) target(%dma_start3A_42 : memref<632x128xf32, #tpu.memory_space<vmem_shared>>) target_semaphore(%run_scoped3A : memref<!tpu.dma_semaphore, #tpu.memory_space<semaphore_mem>>)
      %dma_wait3A = arith.constant 0 : i32
      %dma_wait3A_43 = tpu.memref_slice %arg8[%mul3A_2, %dma_wait3A] : memref<10112x128xf32, #tpu.memory_space<vmem_shared>> -> memref<632x128xf32, #tpu.memory_space<vmem_shared>>
      tpu.wait_dma2 semaphore(%run_scoped3A : memref<!tpu.dma_semaphore, #tpu.memory_space<semaphore_mem>>) src(%arg5 : memref<632x128xf32, #tpu.memory_space<hbm>>) dst(%dma_wait3A_43 : memref<632x128xf32, #tpu.memory_space<vmem_shared>>)
      tpu.yield
    }) : () -> ()
    "tpu.region"() ({
      %run_scoped3A = tpu.sem_alloc : memref<!tpu.dma_semaphore, #tpu.memory_space<semaphore_mem>>
      %dma_start3A = arith.constant 0 : i32
      %dma_start3A_42 = arith.constant 0 : i32
      %dma_start3A_43 = tpu.memref_slice %arg3[%add3A, %dma_start3A, %dma_start3A_42] : memref<32x256x64xi32, #tpu.memory_space<hbm>> -> memref<1x256x64xi32, #tpu.memory_space<hbm>>
      %dma_start3A_44 = tpu.memref_squeeze %dma_start3A_43 : memref<1x256x64xi32, #tpu.memory_space<hbm>> -> memref<256x64xi32, #tpu.memory_space<hbm>>
      %dma_start3A_45 = arith.constant 0 : i32
      %dma_start3A_46 = arith.constant 0 : i32
      %dma_start3A_47 = tpu.memref_slice %arg3[%add3A, %dma_start3A_45, %dma_start3A_46] : memref<32x256x64xi32, #tpu.memory_space<hbm>> -> memref<1x256x64xi32, #tpu.memory_space<hbm>>
      %dma_start3A_48 = tpu.memref_squeeze %dma_start3A_47 : memref<1x256x64xi32, #tpu.memory_space<hbm>> -> memref<256x64xi32, #tpu.memory_space<hbm>>
      tpu.enqueue_dma source(%dma_start3A_48 : memref<256x64xi32, #tpu.memory_space<hbm>>) target(%arg9 : memref<256x64xi32, #tpu.memory_space<vmem>>) target_semaphore(%run_scoped3A : memref<!tpu.dma_semaphore, #tpu.memory_space<semaphore_mem>>)
      %dma_wait3A = arith.constant 0 : i32
      %dma_wait3A_49 = arith.constant 0 : i32
      %dma_wait3A_50 = tpu.memref_slice %arg3[%add3A, %dma_wait3A, %dma_wait3A_49] : memref<32x256x64xi32, #tpu.memory_space<hbm>> -> memref<1x256x64xi32, #tpu.memory_space<hbm>>
      %dma_wait3A_51 = tpu.memref_squeeze %dma_wait3A_50 : memref<1x256x64xi32, #tpu.memory_space<hbm>> -> memref<256x64xi32, #tpu.memory_space<hbm>>
      %dma_wait3A_52 = arith.constant 0 : i32
      %dma_wait3A_53 = arith.constant 0 : i32
      %dma_wait3A_54 = tpu.memref_slice %arg3[%add3A, %dma_wait3A_52, %dma_wait3A_53] : memref<32x256x64xi32, #tpu.memory_space<hbm>> -> memref<1x256x64xi32, #tpu.memory_space<hbm>>
      %dma_wait3A_55 = tpu.memref_squeeze %dma_wait3A_54 : memref<1x256x64xi32, #tpu.memory_space<hbm>> -> memref<256x64xi32, #tpu.memory_space<hbm>>
      tpu.wait_dma2 semaphore(%run_scoped3A : memref<!tpu.dma_semaphore, #tpu.memory_space<semaphore_mem>>) src(%dma_wait3A_55 : memref<256x64xi32, #tpu.memory_space<hbm>>) dst(%arg9 : memref<256x64xi32, #tpu.memory_space<vmem>>)
      tpu.yield
    }) : () -> ()
    "tpu.region"() ({
      %run_scoped3A = tpu.sem_alloc : memref<!tpu.dma_semaphore, #tpu.memory_space<semaphore_mem>>
      %dma_start3A = arith.constant 0 : i32
      %dma_start3A_42 = tpu.memref_slice %arg4[%add3A, %dma_start3A] : memref<32x16xi32, #tpu.memory_space<hbm>> -> memref<1x16xi32, #tpu.memory_space<hbm>>
      %dma_start3A_43 = tpu.memref_squeeze %dma_start3A_42 : memref<1x16xi32, #tpu.memory_space<hbm>> -> memref<16xi32, #tpu.memory_space<hbm>>
      %dma_start3A_44 = arith.constant 0 : i32
      %dma_start3A_45 = tpu.memref_slice %arg4[%add3A, %dma_start3A_44] : memref<32x16xi32, #tpu.memory_space<hbm>> -> memref<1x16xi32, #tpu.memory_space<hbm>>
      %dma_start3A_46 = tpu.memref_squeeze %dma_start3A_45 : memref<1x16xi32, #tpu.memory_space<hbm>> -> memref<16xi32, #tpu.memory_space<hbm>>
      tpu.enqueue_dma source(%dma_start3A_46 : memref<16xi32, #tpu.memory_space<hbm>>) target(%arg11 : memref<16xi32, #tpu.memory_space<vmem>>) target_semaphore(%run_scoped3A : memref<!tpu.dma_semaphore, #tpu.memory_space<semaphore_mem>>)
      %dma_wait3A = arith.constant 0 : i32
      %dma_wait3A_47 = tpu.memref_slice %arg4[%add3A, %dma_wait3A] : memref<32x16xi32, #tpu.memory_space<hbm>> -> memref<1x16xi32, #tpu.memory_space<hbm>>
      %dma_wait3A_48 = tpu.memref_squeeze %dma_wait3A_47 : memref<1x16xi32, #tpu.memory_space<hbm>> -> memref<16xi32, #tpu.memory_space<hbm>>
      %dma_wait3A_49 = arith.constant 0 : i32
      %dma_wait3A_50 = tpu.memref_slice %arg4[%add3A, %dma_wait3A_49] : memref<32x16xi32, #tpu.memory_space<hbm>> -> memref<1x16xi32, #tpu.memory_space<hbm>>
      %dma_wait3A_51 = tpu.memref_squeeze %dma_wait3A_50 : memref<1x16xi32, #tpu.memory_space<hbm>> -> memref<16xi32, #tpu.memory_space<hbm>>
      tpu.wait_dma2 semaphore(%run_scoped3A : memref<!tpu.dma_semaphore, #tpu.memory_space<semaphore_mem>>) src(%dma_wait3A_51 : memref<16xi32, #tpu.memory_space<hbm>>) dst(%arg11 : memref<16xi32, #tpu.memory_space<vmem>>)
      tpu.yield
    }) : () -> ()
    %get3A = arith.constant 0 : index
    %get3A_3 = tpu.vector_load %arg11[%get3A] {strides = array<i32>} : memref<16xi32, #tpu.memory_space<vmem>>, vector<16xi32>,
    %get3A_4 = vector.shape_cast %get3A_3 : vector<16xi32> to vector<16xi32>
    %slice3A = vector.extract_strided_slice %get3A_4 {offsets = [0], sizes = [1], strides = [1]} : vector<16xi32> to vector<1xi32>
    %squeeze3A = vector.extract %slice3A[0] : i32 from vector<1xi32>
    %add3A_5 = arith.constant 63 : i32
    %add3A_6 = arith.addi %squeeze3A, %add3A_5 : i32
    %jit3A = arith.constant 64 : i32
    %div3A = arith.divsi %add3A_6, %jit3A : i32
    %sign3A = arith.constant 0 : i32
    %sign3A_7 = arith.cmpi sgt, %add3A_6, %sign3A : i32
    %sign3A_8 = arith.extui %sign3A_7 : i1 to i32
    %sign3A_9 = arith.constant 0 : i32
    %sign3A_10 = arith.cmpi slt, %add3A_6, %sign3A_9 : i32
    %sign3A_11 = arith.extui %sign3A_10 : i1 to i32
    %sign3A_12 = arith.subi %sign3A_8, %sign3A_11 : i32
    %sign3A_13 = arith.constant 0 : i32
    %sign3A_14 = arith.cmpi sgt, %jit3A, %sign3A_13 : i32
    %sign3A_15 = arith.extui %sign3A_14 : i1 to i32
    %sign3A_16 = arith.constant 0 : i32
    %sign3A_17 = arith.cmpi slt, %jit3A, %sign3A_16 : i32
    %sign3A_18 = arith.extui %sign3A_17 : i1 to i32
    %sign3A_19 = arith.subi %sign3A_15, %sign3A_18 : i32
    %ne3A = arith.cmpi ne, %sign3A_12, %sign3A_19 : i32
    %rem3A = arith.remsi %add3A_6, %jit3A : i32
    %ne3A_20 = arith.constant 0 : i32
    %ne3A_21 = arith.cmpi ne, %rem3A, %ne3A_20 : i32
    %and3A = arith.andi %ne3A, %ne3A_21 : i1
    %sub3A = arith.constant 1 : i32
    %sub3A_22 = arith.subi %div3A, %sub3A : i32
    %select_n3A = arith.select %and3A, %sub3A_22, %div3A : i32
    %barrier3A = arith.constant 0 : index
    tpu.barrier barrier_id(%barrier3A)
    %while3A = arith.constant 0 : i32
    %while3A_23 = arith.constant 0 : i32
    %while3A_24 = arith.subi %select_n3A, %while3A : i32
    %while3A_25 = arith.addi %while3A, %while3A_24 : i32
    %while3A_26 = arith.constant 1 : i32
    %while3A_27 = arith.divsi %while3A_24, %while3A_26 : i32
    %while3A_28 = arith.muli %while3A_27, %while3A_26 : i32
    %while3A_29 = arith.addi %while3A, %while3A_28 : i32
    %while3A_30 = arith.constant 1 : i32
    %while3A_31 = scf.for %while3A_42 = %while3A to %while3A_29 step %while3A_30 iter_args(%while3A_43 = %while3A_23) -> (i32)  : i32 {
      %mul3A_44 = arith.constant 16384 : i32
      %mul3A_45 = arith.muli %add3A, %mul3A_44 : i32
      %mul3A_46 = arith.constant 64 : i32
      %mul3A_47 = arith.muli %while3A_42, %mul3A_46 : i32
      %add3A_48 = arith.addi %mul3A_45, %mul3A_47 : i32
      "tpu.region"() ({
        %run_scoped3A = tpu.sem_alloc : memref<!tpu.dma_semaphore, #tpu.memory_space<semaphore_mem>>
        %dma_start3A = arith.constant 0 : i32
        %dma_start3A_50 = tpu.memref_slice %arg2[%add3A_48, %dma_start3A] : memref<524288x128xf32, #tpu.memory_space<hbm>> -> memref<64x128xf32, #tpu.memory_space<hbm>>
        %dma_start3A_51 = arith.constant 0 : i32
        %dma_start3A_52 = tpu.memref_slice %arg2[%add3A_48, %dma_start3A_51] : memref<524288x128xf32, #tpu.memory_space<hbm>> -> memref<64x128xf32, #tpu.memory_space<hbm>>
        tpu.enqueue_dma source(%dma_start3A_52 : memref<64x128xf32, #tpu.memory_space<hbm>>) target(%arg10 : memref<64x128xf32, #tpu.memory_space<vmem>>) target_semaphore(%run_scoped3A : memref<!tpu.dma_semaphore, #tpu.memory_space<semaphore_mem>>)
        %dma_wait3A = arith.constant 0 : i32
        %dma_wait3A_53 = tpu.memref_slice %arg2[%add3A_48, %dma_wait3A] : memref<524288x128xf32, #tpu.memory_space<hbm>> -> memref<64x128xf32, #tpu.memory_space<hbm>>
        %dma_wait3A_54 = arith.constant 0 : i32
        %dma_wait3A_55 = tpu.memref_slice %arg2[%add3A_48, %dma_wait3A_54] : memref<524288x128xf32, #tpu.memory_space<hbm>> -> memref<64x128xf32, #tpu.memory_space<hbm>>
        tpu.wait_dma2 semaphore(%run_scoped3A : memref<!tpu.dma_semaphore, #tpu.memory_space<semaphore_mem>>) src(%dma_wait3A_55 : memref<64x128xf32, #tpu.memory_space<hbm>>) dst(%arg10 : memref<64x128xf32, #tpu.memory_space<vmem>>)
        tpu.yield
      }) : () -> ()
      "tpu.region"() ({
        %run_scoped3A = tpu.sem_alloc : memref<!tpu.dma_semaphore, #tpu.memory_space<semaphore_mem>>
        %dma_start3A = arith.constant 0 : i32
        %dma_start3A_50 = tpu.memref_slice %arg9[%while3A_42, %dma_start3A] : memref<256x64xi32, #tpu.memory_space<vmem>> -> memref<1x64xi32, #tpu.memory_space<vmem>>
        %dma_start3A_51 = tpu.memref_squeeze %dma_start3A_50 : memref<1x64xi32, #tpu.memory_space<vmem>> -> memref<64xi32, #tpu.memory_space<vmem>>
        %dma_start3A_52 = arith.constant 0 : i32
        %dma_start3A_53 = arith.constant 0 : i32
        %dma_start3A_54 = tpu.memref_slice %arg8[%dma_start3A_52, %dma_start3A_53] : memref<10112x128xf32, #tpu.memory_space<vmem_shared>> -> memref<10112x128xf32, #tpu.memory_space<vmem_shared>>
        tpu.enqueue_indirect_dma source(%arg10 : memref<64x128xf32, #tpu.memory_space<vmem>>) target(%dma_start3A_54 : memref<10112x128xf32, #tpu.memory_space<vmem_shared>>) offsets(%dma_start3A_51 : memref<64xi32, #tpu.memory_space<vmem>>) semaphore(%run_scoped3A : memref<!tpu.dma_semaphore, #tpu.memory_space<semaphore_mem>>) {add = true}
        %dma_wait3A = arith.constant 0 : i32
        %dma_wait3A_55 = tpu.memref_slice %arg9[%while3A_42, %dma_wait3A] : memref<256x64xi32, #tpu.memory_space<vmem>> -> memref<1x64xi32, #tpu.memory_space<vmem>>
        %dma_wait3A_56 = tpu.memref_squeeze %dma_wait3A_55 : memref<1x64xi32, #tpu.memory_space<vmem>> -> memref<64xi32, #tpu.memory_space<vmem>>
        %dma_wait3A_57 = arith.constant 0 : i32
        %dma_wait3A_58 = arith.constant 0 : i32
        %dma_wait3A_59 = tpu.memref_slice %arg8[%dma_wait3A_57, %dma_wait3A_58] : memref<10112x128xf32, #tpu.memory_space<vmem_shared>> -> memref<10112x128xf32, #tpu.memory_space<vmem_shared>>
        tpu.wait_indirect_dma semaphore(%run_scoped3A : memref<!tpu.dma_semaphore, #tpu.memory_space<semaphore_mem>>) src(%arg10 : memref<64x128xf32, #tpu.memory_space<vmem>>) dst(%dma_wait3A_59 : memref<10112x128xf32, #tpu.memory_space<vmem_shared>>)
        tpu.yield
      }) : () -> ()
      %while3A_49 = arith.constant 0 : i32
      scf.yield %while3A_49 : i32
    }
    %while3A_32 = arith.constant 1 : i32
    %while3A_33 = scf.for %while3A_42 = %while3A_29 to %while3A_25 step %while3A_32 iter_args(%while3A_43 = %while3A_31) -> (i32)  : i32 {
      %mul3A_44 = arith.constant 16384 : i32
      %mul3A_45 = arith.muli %add3A, %mul3A_44 : i32
      %mul3A_46 = arith.constant 64 : i32
      %mul3A_47 = arith.muli %while3A_42, %mul3A_46 : i32
      %add3A_48 = arith.addi %mul3A_45, %mul3A_47 : i32
      "tpu.region"() ({
        %run_scoped3A = tpu.sem_alloc : memref<!tpu.dma_semaphore, #tpu.memory_space<semaphore_mem>>
        %dma_start3A = arith.constant 0 : i32
        %dma_start3A_50 = tpu.memref_slice %arg2[%add3A_48, %dma_start3A] : memref<524288x128xf32, #tpu.memory_space<hbm>> -> memref<64x128xf32, #tpu.memory_space<hbm>>
        %dma_start3A_51 = arith.constant 0 : i32
        %dma_start3A_52 = tpu.memref_slice %arg2[%add3A_48, %dma_start3A_51] : memref<524288x128xf32, #tpu.memory_space<hbm>> -> memref<64x128xf32, #tpu.memory_space<hbm>>
        tpu.enqueue_dma source(%dma_start3A_52 : memref<64x128xf32, #tpu.memory_space<hbm>>) target(%arg10 : memref<64x128xf32, #tpu.memory_space<vmem>>) target_semaphore(%run_scoped3A : memref<!tpu.dma_semaphore, #tpu.memory_space<semaphore_mem>>)
        %dma_wait3A = arith.constant 0 : i32
        %dma_wait3A_53 = tpu.memref_slice %arg2[%add3A_48, %dma_wait3A] : memref<524288x128xf32, #tpu.memory_space<hbm>> -> memref<64x128xf32, #tpu.memory_space<hbm>>
        %dma_wait3A_54 = arith.constant 0 : i32
        %dma_wait3A_55 = tpu.memref_slice %arg2[%add3A_48, %dma_wait3A_54] : memref<524288x128xf32, #tpu.memory_space<hbm>> -> memref<64x128xf32, #tpu.memory_space<hbm>>
        tpu.wait_dma2 semaphore(%run_scoped3A : memref<!tpu.dma_semaphore, #tpu.memory_space<semaphore_mem>>) src(%dma_wait3A_55 : memref<64x128xf32, #tpu.memory_space<hbm>>) dst(%arg10 : memref<64x128xf32, #tpu.memory_space<vmem>>)
        tpu.yield
      }) : () -> ()
      "tpu.region"() ({
        %run_scoped3A = tpu.sem_alloc : memref<!tpu.dma_semaphore, #tpu.memory_space<semaphore_mem>>
        %dma_start3A = arith.constant 0 : i32
        %dma_start3A_50 = tpu.memref_slice %arg9[%while3A_42, %dma_start3A] : memref<256x64xi32, #tpu.memory_space<vmem>> -> memref<1x64xi32, #tpu.memory_space<vmem>>
        %dma_start3A_51 = tpu.memref_squeeze %dma_start3A_50 : memref<1x64xi32, #tpu.memory_space<vmem>> -> memref<64xi32, #tpu.memory_space<vmem>>
        %dma_start3A_52 = arith.constant 0 : i32
        %dma_start3A_53 = arith.constant 0 : i32
        %dma_start3A_54 = tpu.memref_slice %arg8[%dma_start3A_52, %dma_start3A_53] : memref<10112x128xf32, #tpu.memory_space<vmem_shared>> -> memref<10112x128xf32, #tpu.memory_space<vmem_shared>>
        tpu.enqueue_indirect_dma source(%arg10 : memref<64x128xf32, #tpu.memory_space<vmem>>) target(%dma_start3A_54 : memref<10112x128xf32, #tpu.memory_space<vmem_shared>>) offsets(%dma_start3A_51 : memref<64xi32, #tpu.memory_space<vmem>>) semaphore(%run_scoped3A : memref<!tpu.dma_semaphore, #tpu.memory_space<semaphore_mem>>) {add = true}
        %dma_wait3A = arith.constant 0 : i32
        %dma_wait3A_55 = tpu.memref_slice %arg9[%while3A_42, %dma_wait3A] : memref<256x64xi32, #tpu.memory_space<vmem>> -> memref<1x64xi32, #tpu.memory_space<vmem>>
        %dma_wait3A_56 = tpu.memref_squeeze %dma_wait3A_55 : memref<1x64xi32, #tpu.memory_space<vmem>> -> memref<64xi32, #tpu.memory_space<vmem>>
        %dma_wait3A_57 = arith.constant 0 : i32
        %dma_wait3A_58 = arith.constant 0 : i32
        %dma_wait3A_59 = tpu.memref_slice %arg8[%dma_wait3A_57, %dma_wait3A_58] : memref<10112x128xf32, #tpu.memory_space<vmem_shared>> -> memref<10112x128xf32, #tpu.memory_space<vmem_shared>>
        tpu.wait_indirect_dma semaphore(%run_scoped3A : memref<!tpu.dma_semaphore, #tpu.memory_space<semaphore_mem>>) src(%arg10 : memref<64x128xf32, #tpu.memory_space<vmem>>) dst(%dma_wait3A_59 : memref<10112x128xf32, #tpu.memory_space<vmem_shared>>)
        tpu.yield
      }) : () -> ()
      %while3A_49 = arith.constant 0 : i32
      scf.yield %while3A_49 : i32
    }
    %barrier3A_34 = arith.constant 0 : index
    tpu.barrier barrier_id(%barrier3A_34)
    %eq3A = arith.constant 0 : i32
    %eq3A_35 = arith.cmpi eq, %arg0, %eq3A : i32
    %convert_element_type3A = arith.extui %eq3A_35 : i1 to i32
    %cond3A = arith.constant 0 : i32
    %cond3A_36 = arith.cmpi ne, %convert_element_type3A, %cond3A : i32
    scf.if %cond3A_36 {
      %mul3A_42 = arith.constant 632 : i32
      %mul3A_43 = arith.muli %arg1, %mul3A_42 : i32
      %mul3A_44 = arith.constant 632 : i32
      %mul3A_45 = arith.muli %arg1, %mul3A_44 : i32
      "tpu.region"() ({
        %run_scoped3A = tpu.sem_alloc : memref<!tpu.dma_semaphore, #tpu.memory_space<semaphore_mem>>
        %dma_start3A = arith.constant 0 : i32
        %dma_start3A_46 = tpu.memref_slice %arg6[%mul3A_45, %dma_start3A] : memref<10112x128xf32, #tpu.memory_space<hbm>> -> memref<632x128xf32, #tpu.memory_space<hbm>>
        %dma_start3A_47 = arith.constant 0 : i32
        %dma_start3A_48 = tpu.memref_slice %arg8[%mul3A_43, %dma_start3A_47] : memref<10112x128xf32, #tpu.memory_space<vmem_shared>> -> memref<632x128xf32, #tpu.memory_space<vmem_shared>>
        tpu.enqueue_dma source(%dma_start3A_48 : memref<632x128xf32, #tpu.memory_space<vmem_shared>>) target(%dma_start3A_46 : memref<632x128xf32, #tpu.memory_space<hbm>>) target_semaphore(%run_scoped3A : memref<!tpu.dma_semaphore, #tpu.memory_space<semaphore_mem>>)
        %dma_wait3A = arith.constant 0 : i32
        %dma_wait3A_49 = tpu.memref_slice %arg6[%mul3A_45, %dma_wait3A] : memref<10112x128xf32, #tpu.memory_space<hbm>> -> memref<632x128xf32, #tpu.memory_space<hbm>>
        %dma_wait3A_50 = arith.constant 0 : i32
        %dma_wait3A_51 = tpu.memref_slice %arg8[%mul3A_43, %dma_wait3A_50] : memref<10112x128xf32, #tpu.memory_space<vmem_shared>> -> memref<632x128xf32, #tpu.memory_space<vmem_shared>>
        tpu.wait_dma2 semaphore(%run_scoped3A : memref<!tpu.dma_semaphore, #tpu.memory_space<semaphore_mem>>) src(%dma_wait3A_51 : memref<632x128xf32, #tpu.memory_space<vmem_shared>>) dst(%dma_wait3A_49 : memref<632x128xf32, #tpu.memory_space<hbm>>)
        tpu.yield
      }) : () -> ()
    } else {
    }
    %eq3A_37 = arith.constant 1 : i32
    %eq3A_38 = arith.cmpi eq, %arg0, %eq3A_37 : i32
    %convert_element_type3A_39 = arith.extui %eq3A_38 : i1 to i32
    %cond3A_40 = arith.constant 0 : i32
    %cond3A_41 = arith.cmpi ne, %convert_element_type3A_39, %cond3A_40 : i32
    scf.if %cond3A_41 {
      %mul3A_42 = arith.constant 632 : i32
      %mul3A_43 = arith.muli %arg1, %mul3A_42 : i32
      %mul3A_44 = arith.constant 632 : i32
      %mul3A_45 = arith.muli %arg1, %mul3A_44 : i32
      "tpu.region"() ({
        %run_scoped3A = tpu.sem_alloc : memref<!tpu.dma_semaphore, #tpu.memory_space<semaphore_mem>>
        %dma_start3A = arith.constant 0 : i32
        %dma_start3A_46 = tpu.memref_slice %arg7[%mul3A_45, %dma_start3A] : memref<10112x128xf32, #tpu.memory_space<hbm>> -> memref<632x128xf32, #tpu.memory_space<hbm>>
        %dma_start3A_47 = arith.constant 0 : i32
        %dma_start3A_48 = tpu.memref_slice %arg8[%mul3A_43, %dma_start3A_47] : memref<10112x128xf32, #tpu.memory_space<vmem_shared>> -> memref<632x128xf32, #tpu.memory_space<vmem_shared>>
        tpu.enqueue_dma source(%dma_start3A_48 : memref<632x128xf32, #tpu.memory_space<vmem_shared>>) target(%dma_start3A_46 : memref<632x128xf32, #tpu.memory_space<hbm>>) target_semaphore(%run_scoped3A : memref<!tpu.dma_semaphore, #tpu.memory_space<semaphore_mem>>)
        %dma_wait3A = arith.constant 0 : i32
        %dma_wait3A_49 = tpu.memref_slice %arg7[%mul3A_45, %dma_wait3A] : memref<10112x128xf32, #tpu.memory_space<hbm>> -> memref<632x128xf32, #tpu.memory_space<hbm>>
        %dma_wait3A_50 = arith.constant 0 : i32
        %dma_wait3A_51 = tpu.memref_slice %arg8[%mul3A_43, %dma_wait3A_50] : memref<10112x128xf32, #tpu.memory_space<vmem_shared>> -> memref<632x128xf32, #tpu.memory_space<vmem_shared>>
        tpu.wait_dma2 semaphore(%run_scoped3A : memref<!tpu.dma_semaphore, #tpu.memory_space<semaphore_mem>>) src(%dma_wait3A_51 : memref<632x128xf32, #tpu.memory_space<vmem_shared>>) dst(%dma_wait3A_49 : memref<632x128xf32, #tpu.memory_space<hbm>>)
        tpu.yield
      }) : () -> ()
    } else {
    }
    return
  }
}

#map = affine_map<(d0, d1) -> (0, 0)>
#map1 = affine_map<(d0, d1) -> (0, 0, 0)>
module attributes {stable_mosaic.version = 14 : i64} {
  func.func @k(%arg0: i32, %arg1: i32, %arg2: memref<524288x128xf32, #tpu.memory_space<hbm>>, %arg3: memref<32x256x64xi32, #tpu.memory_space<hbm>>, %arg4: memref<32x16xi32, #tpu.memory_space<hbm>>, %arg5: memref<632x128xf32, #tpu.memory_space<hbm>>, %arg6: memref<10112x128xf32, #tpu.memory_space<hbm>>, %arg7: memref<10112x128xf32, #tpu.memory_space<hbm>>, %arg8: memref<10112x128xf32, #tpu.memory_space<vmem_shared>>, %arg9: memref<256x64xi32, #tpu.memory_space<vmem>>, %arg10: memref<64x128xf32, #tpu.memory_space<vmem>>, %arg11: memref<16xi32, #tpu.memory_space<vmem>>) attributes {dimension_semantics = [#tpu.dimension_semantics<core_parallel>, #tpu.dimension_semantics<subcore_parallel>], iteration_bounds = array<i64: 2, 16>, scalar_prefetch = 0 : i64, scratch_operands = 4 : i64, tpu.core_type = #tpu.core_type<sc_vector_subcore>, window_params = [{transform_indices = #map}, {transform_indices = #map1}, {transform_indices = #map}, {transform_indices = #map}, {transform_indices = #map}, {transform_indices = #map}]} {
    %mul3A = arith.constant 2 : i32
    %mul3A_0 = arith.muli %arg1, %mul3A : i32
    %add3A = arith.addi %mul3A_0, %arg0 : i32
    %mul3A_1 = arith.constant 632 : i32
    %mul3A_2 = arith.muli %arg1, %mul3A_1 : i32
    "tpu.region"() ({
      %run_scoped3A = tpu.sem_alloc : memref<!tpu.dma_semaphore, #tpu.memory_space<semaphore_mem>>
      %dma_start3A = arith.constant 0 : i32
      %dma_start3A_42 = tpu.memref_slice %arg8[%mul3A_2, %dma_start3A] : memref<10112x128xf32, #tpu.memory_space<vmem_shared>> -> memref<632x128xf32, #tpu.memory_space<vmem_shared>>
      tpu.enqueue_dma source(%arg5 : memref<632x128xf32, #tpu.memory_space<hbm>>) target(%dma_start3A_42 : memref<632x128xf32, #tpu.memory_space<vmem_shared>>) target_semaphore(%run_scoped3A : memref<!tpu.dma_semaphore, #tpu.memory_space<semaphore_mem>>)
      %dma_wait3A = arith.constant 0 : i32
      %dma_wait3A_43 = tpu.memref_slice %arg8[%mul3A_2, %dma_wait3A] : memref<10112x128xf32, #tpu.memory_space<vmem_shared>> -> memref<632x128xf32, #tpu.memory_space<vmem_shared>>
      tpu.wait_dma2 semaphore(%run_scoped3A : memref<!tpu.dma_semaphore, #tpu.memory_space<semaphore_mem>>) src(%arg5 : memref<632x128xf32, #tpu.memory_space<hbm>>) dst(%dma_wait3A_43 : memref<632x128xf32, #tpu.memory_space<vmem_shared>>)
      tpu.yield
    }) : () -> ()
    "tpu.region"() ({
      %run_scoped3A = tpu.sem_alloc : memref<!tpu.dma_semaphore, #tpu.memory_space<semaphore_mem>>
      %dma_start3A = arith.constant 0 : i32
      %dma_start3A_42 = arith.constant 0 : i32
      %dma_start3A_43 = tpu.memref_slice %arg3[%add3A, %dma_start3A, %dma_start3A_42] : memref<32x256x64xi32, #tpu.memory_space<hbm>> -> memref<1x256x64xi32, #tpu.memory_space<hbm>>
      %dma_start3A_44 = tpu.memref_squeeze %dma_start3A_43 : memref<1x256x64xi32, #tpu.memory_space<hbm>> -> memref<256x64xi32, #tpu.memory_space<hbm>>
      %dma_start3A_45 = arith.constant 0 : i32
      %dma_start3A_46 = arith.constant 0 : i32
      %dma_start3A_47 = tpu.memref_slice %arg3[%add3A, %dma_start3A_45, %dma_start3A_46] : memref<32x256x64xi32, #tpu.memory_space<hbm>> -> memref<1x256x64xi32, #tpu.memory_space<hbm>>
      %dma_start3A_48 = tpu.memref_squeeze %dma_start3A_47 : memref<1x256x64xi32, #tpu.memory_space<hbm>> -> memref<256x64xi32, #tpu.memory_space<hbm>>
      tpu.enqueue_dma source(%dma_start3A_48 : memref<256x64xi32, #tpu.memory_space<hbm>>) target(%arg9 : memref<256x64xi32, #tpu.memory_space<vmem>>) target_semaphore(%run_scoped3A : memref<!tpu.dma_semaphore, #tpu.memory_space<semaphore_mem>>)
      %dma_wait3A = arith.constant 0 : i32
      %dma_wait3A_49 = arith.constant 0 : i32
      %dma_wait3A_50 = tpu.memref_slice %arg3[%add3A, %dma_wait3A, %dma_wait3A_49] : memref<32x256x64xi32, #tpu.memory_space<hbm>> -> memref<1x256x64xi32, #tpu.memory_space<hbm>>
      %dma_wait3A_51 = tpu.memref_squeeze %dma_wait3A_50 : memref<1x256x64xi32, #tpu.memory_space<hbm>> -> memref<256x64xi32, #tpu.memory_space<hbm>>
      %dma_wait3A_52 = arith.constant 0 : i32
      %dma_wait3A_53 = arith.constant 0 : i32
      %dma_wait3A_54 = tpu.memref_slice %arg3[%add3A, %dma_wait3A_52, %dma_wait3A_53] : memref<32x256x64xi32, #tpu.memory_space<hbm>> -> memref<1x256x64xi32, #tpu.memory_space<hbm>>
      %dma_wait3A_55 = tpu.memref_squeeze %dma_wait3A_54 : memref<1x256x64xi32, #tpu.memory_space<hbm>> -> memref<256x64xi32, #tpu.memory_space<hbm>>
      tpu.wait_dma2 semaphore(%run_scoped3A : memref<!tpu.dma_semaphore, #tpu.memory_space<semaphore_mem>>) src(%dma_wait3A_55 : memref<256x64xi32, #tpu.memory_space<hbm>>) dst(%arg9 : memref<256x64xi32, #tpu.memory_space<vmem>>)
      tpu.yield
    }) : () -> ()
    "tpu.region"() ({
      %run_scoped3A = tpu.sem_alloc : memref<!tpu.dma_semaphore, #tpu.memory_space<semaphore_mem>>
      %dma_start3A = arith.constant 0 : i32
      %dma_start3A_42 = tpu.memref_slice %arg4[%add3A, %dma_start3A] : memref<32x16xi32, #tpu.memory_space<hbm>> -> memref<1x16xi32, #tpu.memory_space<hbm>>
      %dma_start3A_43 = tpu.memref_squeeze %dma_start3A_42 : memref<1x16xi32, #tpu.memory_space<hbm>> -> memref<16xi32, #tpu.memory_space<hbm>>
      %dma_start3A_44 = arith.constant 0 : i32
      %dma_start3A_45 = tpu.memref_slice %arg4[%add3A, %dma_start3A_44] : memref<32x16xi32, #tpu.memory_space<hbm>> -> memref<1x16xi32, #tpu.memory_space<hbm>>
      %dma_start3A_46 = tpu.memref_squeeze %dma_start3A_45 : memref<1x16xi32, #tpu.memory_space<hbm>> -> memref<16xi32, #tpu.memory_space<hbm>>
      tpu.enqueue_dma source(%dma_start3A_46 : memref<16xi32, #tpu.memory_space<hbm>>) target(%arg11 : memref<16xi32, #tpu.memory_space<vmem>>) target_semaphore(%run_scoped3A : memref<!tpu.dma_semaphore, #tpu.memory_space<semaphore_mem>>)
      %dma_wait3A = arith.constant 0 : i32
      %dma_wait3A_47 = tpu.memref_slice %arg4[%add3A, %dma_wait3A] : memref<32x16xi32, #tpu.memory_space<hbm>> -> memref<1x16xi32, #tpu.memory_space<hbm>>
      %dma_wait3A_48 = tpu.memref_squeeze %dma_wait3A_47 : memref<1x16xi32, #tpu.memory_space<hbm>> -> memref<16xi32, #tpu.memory_space<hbm>>
      %dma_wait3A_49 = arith.constant 0 : i32
      %dma_wait3A_50 = tpu.memref_slice %arg4[%add3A, %dma_wait3A_49] : memref<32x16xi32, #tpu.memory_space<hbm>> -> memref<1x16xi32, #tpu.memory_space<hbm>>
      %dma_wait3A_51 = tpu.memref_squeeze %dma_wait3A_50 : memref<1x16xi32, #tpu.memory_space<hbm>> -> memref<16xi32, #tpu.memory_space<hbm>>
      tpu.wait_dma2 semaphore(%run_scoped3A : memref<!tpu.dma_semaphore, #tpu.memory_space<semaphore_mem>>) src(%dma_wait3A_51 : memref<16xi32, #tpu.memory_space<hbm>>) dst(%arg11 : memref<16xi32, #tpu.memory_space<vmem>>)
      tpu.yield
    }) : () -> ()
    %get3A = arith.constant 0 : index
    %get3A_3 = tpu.vector_load %arg11[%get3A] {strides = array<i32>} : memref<16xi32, #tpu.memory_space<vmem>>, vector<16xi32>,
    %get3A_4 = vector.shape_cast %get3A_3 : vector<16xi32> to vector<16xi32>
    %slice3A = vector.extract_strided_slice %get3A_4 {offsets = [0], sizes = [1], strides = [1]} : vector<16xi32> to vector<1xi32>
    %squeeze3A = vector.extract %slice3A[0] : i32 from vector<1xi32>
    %add3A_5 = arith.constant 63 : i32
    %add3A_6 = arith.addi %squeeze3A, %add3A_5 : i32
    %jit3A = arith.constant 64 : i32
    %div3A = arith.divsi %add3A_6, %jit3A : i32
    %sign3A = arith.constant 0 : i32
    %sign3A_7 = arith.cmpi sgt, %add3A_6, %sign3A : i32
    %sign3A_8 = arith.extui %sign3A_7 : i1 to i32
    %sign3A_9 = arith.constant 0 : i32
    %sign3A_10 = arith.cmpi slt, %add3A_6, %sign3A_9 : i32
    %sign3A_11 = arith.extui %sign3A_10 : i1 to i32
    %sign3A_12 = arith.subi %sign3A_8, %sign3A_11 : i32
    %sign3A_13 = arith.constant 0 : i32
    %sign3A_14 = arith.cmpi sgt, %jit3A, %sign3A_13 : i32
    %sign3A_15 = arith.extui %sign3A_14 : i1 to i32
    %sign3A_16 = arith.constant 0 : i32
    %sign3A_17 = arith.cmpi slt, %jit3A, %sign3A_16 : i32
    %sign3A_18 = arith.extui %sign3A_17 : i1 to i32
    %sign3A_19 = arith.subi %sign3A_15, %sign3A_18 : i32
    %ne3A = arith.cmpi ne, %sign3A_12, %sign3A_19 : i32
    %rem3A = arith.remsi %add3A_6, %jit3A : i32
    %ne3A_20 = arith.constant 0 : i32
    %ne3A_21 = arith.cmpi ne, %rem3A, %ne3A_20 : i32
    %and3A = arith.andi %ne3A, %ne3A_21 : i1
    %sub3A = arith.constant 1 : i32
    %sub3A_22 = arith.subi %div3A, %sub3A : i32
    %select_n3A = arith.select %and3A, %sub3A_22, %div3A : i32
    %barrier3A = arith.constant 0 : index
    tpu.barrier barrier_id(%barrier3A)
    %while3A = arith.constant 0 : i32
    %while3A_23 = arith.constant 0 : i32
    %while3A_24 = arith.subi %select_n3A, %while3A : i32
    %while3A_25 = arith.addi %while3A, %while3A_24 : i32
    %while3A_26 = arith.constant 1 : i32
    %while3A_27 = arith.divsi %while3A_24, %while3A_26 : i32
    %while3A_28 = arith.muli %while3A_27, %while3A_26 : i32
    %while3A_29 = arith.addi %while3A, %while3A_28 : i32
    %while3A_30 = arith.constant 1 : i32
    %while3A_31 = scf.for %while3A_42 = %while3A to %while3A_29 step %while3A_30 iter_args(%while3A_43 = %while3A_23) -> (i32)  : i32 {
      %mul3A_44 = arith.constant 16384 : i32
      %mul3A_45 = arith.muli %add3A, %mul3A_44 : i32
      %mul3A_46 = arith.constant 64 : i32
      %mul3A_47 = arith.muli %while3A_42, %mul3A_46 : i32
      %add3A_48 = arith.addi %mul3A_45, %mul3A_47 : i32
      "tpu.region"() ({
        %run_scoped3A = tpu.sem_alloc : memref<!tpu.dma_semaphore, #tpu.memory_space<semaphore_mem>>
        %dma_start3A = arith.constant 0 : i32
        %dma_start3A_50 = tpu.memref_slice %arg2[%add3A_48, %dma_start3A] : memref<524288x128xf32, #tpu.memory_space<hbm>> -> memref<64x128xf32, #tpu.memory_space<hbm>>
        %dma_start3A_51 = arith.constant 0 : i32
        %dma_start3A_52 = tpu.memref_slice %arg2[%add3A_48, %dma_start3A_51] : memref<524288x128xf32, #tpu.memory_space<hbm>> -> memref<64x128xf32, #tpu.memory_space<hbm>>
        tpu.enqueue_dma source(%dma_start3A_52 : memref<64x128xf32, #tpu.memory_space<hbm>>) target(%arg10 : memref<64x128xf32, #tpu.memory_space<vmem>>) target_semaphore(%run_scoped3A : memref<!tpu.dma_semaphore, #tpu.memory_space<semaphore_mem>>)
        %dma_wait3A = arith.constant 0 : i32
        %dma_wait3A_53 = tpu.memref_slice %arg2[%add3A_48, %dma_wait3A] : memref<524288x128xf32, #tpu.memory_space<hbm>> -> memref<64x128xf32, #tpu.memory_space<hbm>>
        %dma_wait3A_54 = arith.constant 0 : i32
        %dma_wait3A_55 = tpu.memref_slice %arg2[%add3A_48, %dma_wait3A_54] : memref<524288x128xf32, #tpu.memory_space<hbm>> -> memref<64x128xf32, #tpu.memory_space<hbm>>
        tpu.wait_dma2 semaphore(%run_scoped3A : memref<!tpu.dma_semaphore, #tpu.memory_space<semaphore_mem>>) src(%dma_wait3A_55 : memref<64x128xf32, #tpu.memory_space<hbm>>) dst(%arg10 : memref<64x128xf32, #tpu.memory_space<vmem>>)
        tpu.yield
      }) : () -> ()
      "tpu.region"() ({
        %run_scoped3A = tpu.sem_alloc : memref<!tpu.dma_semaphore, #tpu.memory_space<semaphore_mem>>
        %dma_start3A = arith.constant 0 : i32
        %dma_start3A_50 = tpu.memref_slice %arg9[%while3A_42, %dma_start3A] : memref<256x64xi32, #tpu.memory_space<vmem>> -> memref<1x64xi32, #tpu.memory_space<vmem>>
        %dma_start3A_51 = tpu.memref_squeeze %dma_start3A_50 : memref<1x64xi32, #tpu.memory_space<vmem>> -> memref<64xi32, #tpu.memory_space<vmem>>
        %dma_start3A_52 = arith.constant 0 : i32
        %dma_start3A_53 = arith.constant 0 : i32
        %dma_start3A_54 = tpu.memref_slice %arg8[%dma_start3A_52, %dma_start3A_53] : memref<10112x128xf32, #tpu.memory_space<vmem_shared>> -> memref<10112x128xf32, #tpu.memory_space<vmem_shared>>
        tpu.enqueue_indirect_dma source(%arg10 : memref<64x128xf32, #tpu.memory_space<vmem>>) target(%dma_start3A_54 : memref<10112x128xf32, #tpu.memory_space<vmem_shared>>) offsets(%dma_start3A_51 : memref<64xi32, #tpu.memory_space<vmem>>) semaphore(%run_scoped3A : memref<!tpu.dma_semaphore, #tpu.memory_space<semaphore_mem>>) {add = true}
        %dma_wait3A = arith.constant 0 : i32
        %dma_wait3A_55 = tpu.memref_slice %arg9[%while3A_42, %dma_wait3A] : memref<256x64xi32, #tpu.memory_space<vmem>> -> memref<1x64xi32, #tpu.memory_space<vmem>>
        %dma_wait3A_56 = tpu.memref_squeeze %dma_wait3A_55 : memref<1x64xi32, #tpu.memory_space<vmem>> -> memref<64xi32, #tpu.memory_space<vmem>>
        %dma_wait3A_57 = arith.constant 0 : i32
        %dma_wait3A_58 = arith.constant 0 : i32
        %dma_wait3A_59 = tpu.memref_slice %arg8[%dma_wait3A_57, %dma_wait3A_58] : memref<10112x128xf32, #tpu.memory_space<vmem_shared>> -> memref<10112x128xf32, #tpu.memory_space<vmem_shared>>
        tpu.wait_indirect_dma semaphore(%run_scoped3A : memref<!tpu.dma_semaphore, #tpu.memory_space<semaphore_mem>>) src(%arg10 : memref<64x128xf32, #tpu.memory_space<vmem>>) dst(%dma_wait3A_59 : memref<10112x128xf32, #tpu.memory_space<vmem_shared>>)
        tpu.yield
      }) : () -> ()
      %while3A_49 = arith.constant 0 : i32
      scf.yield %while3A_49 : i32
    }
    %while3A_32 = arith.constant 1 : i32
    %while3A_33 = scf.for %while3A_42 = %while3A_29 to %while3A_25 step %while3A_32 iter_args(%while3A_43 = %while3A_31) -> (i32)  : i32 {
      %mul3A_44 = arith.constant 16384 : i32
      %mul3A_45 = arith.muli %add3A, %mul3A_44 : i32
      %mul3A_46 = arith.constant 64 : i32
      %mul3A_47 = arith.muli %while3A_42, %mul3A_46 : i32
      %add3A_48 = arith.addi %mul3A_45, %mul3A_47 : i32
      "tpu.region"() ({
        %run_scoped3A = tpu.sem_alloc : memref<!tpu.dma_semaphore, #tpu.memory_space<semaphore_mem>>
        %dma_start3A = arith.constant 0 : i32
        %dma_start3A_50 = tpu.memref_slice %arg2[%add3A_48, %dma_start3A] : memref<524288x128xf32, #tpu.memory_space<hbm>> -> memref<64x128xf32, #tpu.memory_space<hbm>>
        %dma_start3A_51 = arith.constant 0 : i32
        %dma_start3A_52 = tpu.memref_slice %arg2[%add3A_48, %dma_start3A_51] : memref<524288x128xf32, #tpu.memory_space<hbm>> -> memref<64x128xf32, #tpu.memory_space<hbm>>
        tpu.enqueue_dma source(%dma_start3A_52 : memref<64x128xf32, #tpu.memory_space<hbm>>) target(%arg10 : memref<64x128xf32, #tpu.memory_space<vmem>>) target_semaphore(%run_scoped3A : memref<!tpu.dma_semaphore, #tpu.memory_space<semaphore_mem>>)
        %dma_wait3A = arith.constant 0 : i32
        %dma_wait3A_53 = tpu.memref_slice %arg2[%add3A_48, %dma_wait3A] : memref<524288x128xf32, #tpu.memory_space<hbm>> -> memref<64x128xf32, #tpu.memory_space<hbm>>
        %dma_wait3A_54 = arith.constant 0 : i32
        %dma_wait3A_55 = tpu.memref_slice %arg2[%add3A_48, %dma_wait3A_54] : memref<524288x128xf32, #tpu.memory_space<hbm>> -> memref<64x128xf32, #tpu.memory_space<hbm>>
        tpu.wait_dma2 semaphore(%run_scoped3A : memref<!tpu.dma_semaphore, #tpu.memory_space<semaphore_mem>>) src(%dma_wait3A_55 : memref<64x128xf32, #tpu.memory_space<hbm>>) dst(%arg10 : memref<64x128xf32, #tpu.memory_space<vmem>>)
        tpu.yield
      }) : () -> ()
      "tpu.region"() ({
        %run_scoped3A = tpu.sem_alloc : memref<!tpu.dma_semaphore, #tpu.memory_space<semaphore_mem>>
        %dma_start3A = arith.constant 0 : i32
        %dma_start3A_50 = tpu.memref_slice %arg9[%while3A_42, %dma_start3A] : memref<256x64xi32, #tpu.memory_space<vmem>> -> memref<1x64xi32, #tpu.memory_space<vmem>>
        %dma_start3A_51 = tpu.memref_squeeze %dma_start3A_50 : memref<1x64xi32, #tpu.memory_space<vmem>> -> memref<64xi32, #tpu.memory_space<vmem>>
        %dma_start3A_52 = arith.constant 0 : i32
        %dma_start3A_53 = arith.constant 0 : i32
        %dma_start3A_54 = tpu.memref_slice %arg8[%dma_start3A_52, %dma_start3A_53] : memref<10112x128xf32, #tpu.memory_space<vmem_shared>> -> memref<10112x128xf32, #tpu.memory_space<vmem_shared>>
        tpu.enqueue_indirect_dma source(%arg10 : memref<64x128xf32, #tpu.memory_space<vmem>>) target(%dma_start3A_54 : memref<10112x128xf32, #tpu.memory_space<vmem_shared>>) offsets(%dma_start3A_51 : memref<64xi32, #tpu.memory_space<vmem>>) semaphore(%run_scoped3A : memref<!tpu.dma_semaphore, #tpu.memory_space<semaphore_mem>>) {add = true}
        %dma_wait3A = arith.constant 0 : i32
        %dma_wait3A_55 = tpu.memref_slice %arg9[%while3A_42, %dma_wait3A] : memref<256x64xi32, #tpu.memory_space<vmem>> -> memref<1x64xi32, #tpu.memory_space<vmem>>
        %dma_wait3A_56 = tpu.memref_squeeze %dma_wait3A_55 : memref<1x64xi32, #tpu.memory_space<vmem>> -> memref<64xi32, #tpu.memory_space<vmem>>
        %dma_wait3A_57 = arith.constant 0 : i32
        %dma_wait3A_58 = arith.constant 0 : i32
        %dma_wait3A_59 = tpu.memref_slice %arg8[%dma_wait3A_57, %dma_wait3A_58] : memref<10112x128xf32, #tpu.memory_space<vmem_shared>> -> memref<10112x128xf32, #tpu.memory_space<vmem_shared>>
        tpu.wait_indirect_dma semaphore(%run_scoped3A : memref<!tpu.dma_semaphore, #tpu.memory_space<semaphore_mem>>) src(%arg10 : memref<64x128xf32, #tpu.memory_space<vmem>>) dst(%dma_wait3A_59 : memref<10112x128xf32, #tpu.memory_space<vmem_shared>>)
        tpu.yield
      }) : () -> ()
      %while3A_49 = arith.constant 0 : i32
      scf.yield %while3A_49 : i32
    }
    %barrier3A_34 = arith.constant 0 : index
    tpu.barrier barrier_id(%barrier3A_34)
    %eq3A = arith.constant 0 : i32
    %eq3A_35 = arith.cmpi eq, %arg0, %eq3A : i32
    %convert_element_type3A = arith.extui %eq3A_35 : i1 to i32
    %cond3A = arith.constant 0 : i32
    %cond3A_36 = arith.cmpi ne, %convert_element_type3A, %cond3A : i32
    scf.if %cond3A_36 {
      %mul3A_42 = arith.constant 632 : i32
      %mul3A_43 = arith.muli %arg1, %mul3A_42 : i32
      %mul3A_44 = arith.constant 632 : i32
      %mul3A_45 = arith.muli %arg1, %mul3A_44 : i32
      "tpu.region"() ({
        %run_scoped3A = tpu.sem_alloc : memref<!tpu.dma_semaphore, #tpu.memory_space<semaphore_mem>>
        %dma_start3A = arith.constant 0 : i32
        %dma_start3A_46 = tpu.memref_slice %arg6[%mul3A_45, %dma_start3A] : memref<10112x128xf32, #tpu.memory_space<hbm>> -> memref<632x128xf32, #tpu.memory_space<hbm>>
        %dma_start3A_47 = arith.constant 0 : i32
        %dma_start3A_48 = tpu.memref_slice %arg8[%mul3A_43, %dma_start3A_47] : memref<10112x128xf32, #tpu.memory_space<vmem_shared>> -> memref<632x128xf32, #tpu.memory_space<vmem_shared>>
        tpu.enqueue_dma source(%dma_start3A_48 : memref<632x128xf32, #tpu.memory_space<vmem_shared>>) target(%dma_start3A_46 : memref<632x128xf32, #tpu.memory_space<hbm>>) target_semaphore(%run_scoped3A : memref<!tpu.dma_semaphore, #tpu.memory_space<semaphore_mem>>)
        %dma_wait3A = arith.constant 0 : i32
        %dma_wait3A_49 = tpu.memref_slice %arg6[%mul3A_45, %dma_wait3A] : memref<10112x128xf32, #tpu.memory_space<hbm>> -> memref<632x128xf32, #tpu.memory_space<hbm>>
        %dma_wait3A_50 = arith.constant 0 : i32
        %dma_wait3A_51 = tpu.memref_slice %arg8[%mul3A_43, %dma_wait3A_50] : memref<10112x128xf32, #tpu.memory_space<vmem_shared>> -> memref<632x128xf32, #tpu.memory_space<vmem_shared>>
        tpu.wait_dma2 semaphore(%run_scoped3A : memref<!tpu.dma_semaphore, #tpu.memory_space<semaphore_mem>>) src(%dma_wait3A_51 : memref<632x128xf32, #tpu.memory_space<vmem_shared>>) dst(%dma_wait3A_49 : memref<632x128xf32, #tpu.memory_space<hbm>>)
        tpu.yield
      }) : () -> ()
    } else {
    }
    %eq3A_37 = arith.constant 1 : i32
    %eq3A_38 = arith.cmpi eq, %arg0, %eq3A_37 : i32
    %convert_element_type3A_39 = arith.extui %eq3A_38 : i1 to i32
    %cond3A_40 = arith.constant 0 : i32
    %cond3A_41 = arith.cmpi ne, %convert_element_type3A_39, %cond3A_40 : i32
    scf.if %cond3A_41 {
      %mul3A_42 = arith.constant 632 : i32
      %mul3A_43 = arith.muli %arg1, %mul3A_42 : i32
      %mul3A_44 = arith.constant 632 : i32
      %mul3A_45 = arith.muli %arg1, %mul3A_44 : i32
      "tpu.region"() ({
        %run_scoped3A = tpu.sem_alloc : memref<!tpu.dma_semaphore, #tpu.memory_space<semaphore_mem>>
        %dma_start3A = arith.constant 0 : i32
        %dma_start3A_46 = tpu.memref_slice %arg7[%mul3A_45, %dma_start3A] : memref<10112x128xf32, #tpu.memory_space<hbm>> -> memref<632x128xf32, #tpu.memory_space<hbm>>
        %dma_start3A_47 = arith.constant 0 : i32
        %dma_start3A_48 = tpu.memref_slice %arg8[%mul3A_43, %dma_start3A_47] : memref<10112x128xf32, #tpu.memory_space<vmem_shared>> -> memref<632x128xf32, #tpu.memory_space<vmem_shared>>
        tpu.enqueue_dma source(%dma_start3A_48 : memref<632x128xf32, #tpu.memory_space<vmem_shared>>) target(%dma_start3A_46 : memref<632x128xf32, #tpu.memory_space<hbm>>) target_semaphore(%run_scoped3A : memref<!tpu.dma_semaphore, #tpu.memory_space<semaphore_mem>>)
        %dma_wait3A = arith.constant 0 : i32
        %dma_wait3A_49 = tpu.memref_slice %arg7[%mul3A_45, %dma_wait3A] : memref<10112x128xf32, #tpu.memory_space<hbm>> -> memref<632x128xf32, #tpu.memory_space<hbm>>
        %dma_wait3A_50 = arith.constant 0 : i32
        %dma_wait3A_51 = tpu.memref_slice %arg8[%mul3A_43, %dma_wait3A_50] : memref<10112x128xf32, #tpu.memory_space<vmem_shared>> -> memref<632x128xf32, #tpu.memory_space<vmem_shared>>
        tpu.wait_dma2 semaphore(%run_scoped3A : memref<!tpu.dma_semaphore, #tpu.memory_space<semaphore_mem>>) src(%dma_wait3A_51 : memref<632x128xf32, #tpu.memory_space<vmem_shared>>) dst(%dma_wait3A_49 : memref<632x128xf32, #tpu.memory_space<hbm>>)
        tpu.yield
      }) : () -> ()
    } else {
    }
    return
  }
}

module attributes {stable_mosaic.version = 14 : i64} {
  func.func @_k0_body(%arg0: i32, %arg1: memref<2000x128xf32, #tpu.memory_space<vmem>>, %arg2: memref<2000x4xf32, #tpu.memory_space<vmem>>, %arg3: memref<128x128xf32, #tpu.memory_space<vmem>>, %arg4: memref<4x128xf32, #tpu.memory_space<vmem>>, %arg5: memref<1x128xf32, #tpu.memory_space<vmem>>, %arg6: memref<1x128xf32, #tpu.memory_space<vmem>>, %arg7: memref<2000x128xf32, #tpu.memory_space<vmem>>) attributes {dimension_semantics = [#tpu.dimension_semantics<arbitrary>], iteration_bounds = array<i64: 5>, scalar_prefetch = 0 : i64, scratch_operands = 0 : i64, tpu.core_type = #tpu.core_type<tc>, window_params = [{transform_indices = @transform_0, window_bounds = array<i64: 2000, 128>}, {transform_indices = @transform_1, window_bounds = array<i64: 2000, 4>}, {pipeline_mode = #tpu.pipeline_mode<synchronous>, transform_indices = @transform_2, window_bounds = array<i64: 128, 128>}, {pipeline_mode = #tpu.pipeline_mode<synchronous>, transform_indices = @transform_3, window_bounds = array<i64: 4, 128>}, {pipeline_mode = #tpu.pipeline_mode<synchronous>, transform_indices = @transform_4, window_bounds = array<i64: 1, 128>}, {pipeline_mode = #tpu.pipeline_mode<synchronous>, transform_indices = @transform_5, window_bounds = array<i64: 1, 128>}, {transform_indices = @transform_6, window_bounds = array<i64: 2000, 128>}]} {
    %get3A = arith.constant 0 : index
    %get3A_0 = arith.constant 0 : index
    %get3A_1 = vector.load %arg1[%get3A, %get3A_0] : memref<2000x128xf32, #tpu.memory_space<vmem>>, vector<2000x128xf32>
    %get3A_2 = arith.constant 0 : index
    %get3A_3 = arith.constant 0 : index
    %get3A_4 = vector.load %arg3[%get3A_2, %get3A_3] : memref<128x128xf32, #tpu.memory_space<vmem>>, vector<128x128xf32>
    %dot_general3A = arith.constant dense<0.000000e+00> : vector<2000x128xf32>
    %dot_general3A_5 = tpu.matmul %get3A_1, %get3A_4, %dot_general3A {dimension_numbers = #tpu.dot_dimension_numbers<[1], [0], [0], [1], [0, 0, 1, 1], [], []>, transpose_lhs_hint = false} : vector<2000x128xf32>, vector<128x128xf32>, vector<2000x128xf32> -> vector<2000x128xf32>
    %get3A_6 = arith.constant 0 : index
    %get3A_7 = arith.constant 0 : index
    %get3A_8 = vector.load %arg2[%get3A_6, %get3A_7] : memref<2000x4xf32, #tpu.memory_space<vmem>>, vector<2000x4xf32>
    %get3A_9 = arith.constant 0 : index
    %get3A_10 = arith.constant 0 : index
    %get3A_11 = vector.load %arg4[%get3A_9, %get3A_10] : memref<4x128xf32, #tpu.memory_space<vmem>>, vector<4x128xf32>
    %slice3A = vector.extract_strided_slice %get3A_8 {offsets = [0, 0], sizes = [2000, 1], strides = [1, 1]} : vector<2000x4xf32> to vector<2000x1xf32>
    %slice3A_12 = vector.extract_strided_slice %get3A_11 {offsets = [0, 0], sizes = [1, 128], strides = [1, 1]} : vector<4x128xf32> to vector<1x128xf32>
    %mul3A = vector.broadcast %slice3A : vector<2000x1xf32> to vector<2000x128xf32>
    %mul3A_13 = vector.broadcast %slice3A_12 : vector<1x128xf32> to vector<2000x128xf32>
    %mul3A_14 = arith.mulf %mul3A, %mul3A_13 : vector<2000x128xf32>
    %add3A = arith.addf %dot_general3A_5, %mul3A_14 : vector<2000x128xf32>
    %slice3A_15 = vector.extract_strided_slice %get3A_8 {offsets = [0, 1], sizes = [2000, 1], strides = [1, 1]} : vector<2000x4xf32> to vector<2000x1xf32>
    %slice3A_16 = vector.extract_strided_slice %get3A_11 {offsets = [1, 0], sizes = [1, 128], strides = [1, 1]} : vector<4x128xf32> to vector<1x128xf32>
    %mul3A_17 = vector.broadcast %slice3A_15 : vector<2000x1xf32> to vector<2000x128xf32>
    %mul3A_18 = vector.broadcast %slice3A_16 : vector<1x128xf32> to vector<2000x128xf32>
    %mul3A_19 = arith.mulf %mul3A_17, %mul3A_18 : vector<2000x128xf32>
    %add3A_20 = arith.addf %add3A, %mul3A_19 : vector<2000x128xf32>
    %slice3A_21 = vector.extract_strided_slice %get3A_8 {offsets = [0, 2], sizes = [2000, 1], strides = [1, 1]} : vector<2000x4xf32> to vector<2000x1xf32>
    %slice3A_22 = vector.extract_strided_slice %get3A_11 {offsets = [2, 0], sizes = [1, 128], strides = [1, 1]} : vector<4x128xf32> to vector<1x128xf32>
    %mul3A_23 = vector.broadcast %slice3A_21 : vector<2000x1xf32> to vector<2000x128xf32>
    %mul3A_24 = vector.broadcast %slice3A_22 : vector<1x128xf32> to vector<2000x128xf32>
    %mul3A_25 = arith.mulf %mul3A_23, %mul3A_24 : vector<2000x128xf32>
    %add3A_26 = arith.addf %add3A_20, %mul3A_25 : vector<2000x128xf32>
    %slice3A_27 = vector.extract_strided_slice %get3A_8 {offsets = [0, 3], sizes = [2000, 1], strides = [1, 1]} : vector<2000x4xf32> to vector<2000x1xf32>
    %slice3A_28 = vector.extract_strided_slice %get3A_11 {offsets = [3, 0], sizes = [1, 128], strides = [1, 1]} : vector<4x128xf32> to vector<1x128xf32>
    %mul3A_29 = vector.broadcast %slice3A_27 : vector<2000x1xf32> to vector<2000x128xf32>
    %mul3A_30 = vector.broadcast %slice3A_28 : vector<1x128xf32> to vector<2000x128xf32>
    %mul3A_31 = arith.mulf %mul3A_29, %mul3A_30 : vector<2000x128xf32>
    %add3A_32 = arith.addf %add3A_26, %mul3A_31 : vector<2000x128xf32>
    %get3A_33 = arith.constant 0 : index
    %get3A_34 = arith.constant 0 : index
    %get3A_35 = vector.load %arg5[%get3A_33, %get3A_34] : memref<1x128xf32, #tpu.memory_space<vmem>>, vector<1x128xf32>
    %get3A_36 = arith.constant 0 : index
    %get3A_37 = arith.constant 0 : index
    %get3A_38 = vector.load %arg6[%get3A_36, %get3A_37] : memref<1x128xf32, #tpu.memory_space<vmem>>, vector<1x128xf32>
    %reduce_sum3A = arith.constant dense<0.000000e+00> : vector<2000xf32>
    %reduce_sum3A_39 = vector.multi_reduction <add>, %add3A_32, %reduce_sum3A [1] : vector<2000x128xf32> to vector<2000xf32>
    %broadcast_in_dim3A = vector.shape_cast %reduce_sum3A_39 : vector<2000xf32> to vector<2000x1xf32>
    %div3A = arith.constant 1.280000e+02 : f32
    %div3A_40 = vector.broadcast %div3A : f32 to vector<2000x1xf32>
    %div3A_41 = arith.divf %broadcast_in_dim3A, %div3A_40 : vector<2000x1xf32>
    %sub3A = vector.broadcast %div3A_41 : vector<2000x1xf32> to vector<2000x128xf32>
    %sub3A_42 = arith.subf %add3A_32, %sub3A : vector<2000x128xf32>
    %integer_pow3A = arith.mulf %sub3A_42, %sub3A_42 : vector<2000x128xf32>
    %reduce_sum3A_43 = arith.constant dense<0.000000e+00> : vector<2000xf32>
    %reduce_sum3A_44 = vector.multi_reduction <add>, %integer_pow3A, %reduce_sum3A_43 [1] : vector<2000x128xf32> to vector<2000xf32>
    %broadcast_in_dim3A_45 = vector.shape_cast %reduce_sum3A_44 : vector<2000xf32> to vector<2000x1xf32>
    %div3A_46 = arith.constant 1.280000e+02 : f32
    %div3A_47 = vector.broadcast %div3A_46 : f32 to vector<2000x1xf32>
    %div3A_48 = arith.divf %broadcast_in_dim3A_45, %div3A_47 : vector<2000x1xf32>
    %sub3A_49 = vector.broadcast %div3A_41 : vector<2000x1xf32> to vector<2000x128xf32>
    %sub3A_50 = arith.subf %add3A_32, %sub3A_49 : vector<2000x128xf32>
    %add3A_51 = arith.constant 9.99999974E-6 : f32
    %add3A_52 = vector.broadcast %add3A_51 : f32 to vector<2000x1xf32>
    %add3A_53 = arith.addf %div3A_48, %add3A_52 : vector<2000x1xf32>
    %sqrt3A = math.sqrt %add3A_53 : vector<2000x1xf32>
    %div3A_54 = vector.broadcast %sqrt3A : vector<2000x1xf32> to vector<2000x128xf32>
    %div3A_55 = arith.divf %sub3A_50, %div3A_54 : vector<2000x128xf32>
    %mul3A_56 = vector.broadcast %get3A_35 : vector<1x128xf32> to vector<2000x128xf32>
    %mul3A_57 = arith.mulf %div3A_55, %mul3A_56 : vector<2000x128xf32>
    %add3A_58 = vector.broadcast %get3A_38 : vector<1x128xf32> to vector<2000x128xf32>
    %add3A_59 = arith.addf %mul3A_57, %add3A_58 : vector<2000x128xf32>
    %max3A = arith.constant 0.000000e+00 : f32
    %max3A_60 = vector.broadcast %max3A : f32 to vector<2000x128xf32>
    %max3A_61 = arith.maximumf %add3A_59, %max3A_60 : vector<2000x128xf32>
    %swap3A = arith.constant 0 : index
    %swap3A_62 = arith.constant 0 : index
    %swap3A_63 = vector.load %arg7[%swap3A, %swap3A_62] : memref<2000x128xf32, #tpu.memory_space<vmem>>, vector<2000x128xf32>
    tpu.vector_store %arg7[%swap3A, %swap3A_62], %max3A_61 {strides = array<i32>} : memref<2000x128xf32, #tpu.memory_space<vmem>>, vector<2000x128xf32>,
    return
  }
  func.func @transform_0(%arg0: i32) -> (i32, i32) {
    %c0_i32 = arith.constant 0 : i32
    %c0_i32_0 = arith.constant 0 : i32
    return %arg0, %c0_i32 : i32, i32
  }
  func.func @transform_1(%arg0: i32) -> (i32, i32) {
    %c0_i32 = arith.constant 0 : i32
    %c0_i32_0 = arith.constant 0 : i32
    return %arg0, %c0_i32 : i32, i32
  }
  func.func @transform_2(%arg0: i32) -> (i32, i32) {
    %c0_i32 = arith.constant 0 : i32
    %c0_i32_0 = arith.constant 0 : i32
    %c0_i32_1 = arith.constant 0 : i32
    return %c0_i32, %c0_i32_0 : i32, i32
  }
  func.func @transform_3(%arg0: i32) -> (i32, i32) {
    %c0_i32 = arith.constant 0 : i32
    %c0_i32_0 = arith.constant 0 : i32
    %c0_i32_1 = arith.constant 0 : i32
    return %c0_i32, %c0_i32_0 : i32, i32
  }
  func.func @transform_4(%arg0: i32) -> (i32, i32) {
    %c0_i32 = arith.constant 0 : i32
    %c0_i32_0 = arith.constant 0 : i32
    %c0_i32_1 = arith.constant 0 : i32
    return %c0_i32, %c0_i32_0 : i32, i32
  }
  func.func @transform_5(%arg0: i32) -> (i32, i32) {
    %c0_i32 = arith.constant 0 : i32
    %c0_i32_0 = arith.constant 0 : i32
    %c0_i32_1 = arith.constant 0 : i32
    return %c0_i32, %c0_i32_0 : i32, i32
  }
  func.func @transform_6(%arg0: i32) -> (i32, i32) {
    %c0_i32 = arith.constant 0 : i32
    %c0_i32_0 = arith.constant 0 : i32
    return %arg0, %c0_i32 : i32, i32
  }
}

module attributes {stable_mosaic.version = 14 : i64} {
  func.func @_k1_body(%arg0: i32, %arg1: memref<2000x128xf32, #tpu.memory_space<vmem>>, %arg2: memref<1600x128xf32, #tpu.memory_space<vmem>>, %arg3: memref<128x128xf32, #tpu.memory_space<vmem>>, %arg4: memref<128x128xf32, #tpu.memory_space<vmem>>, %arg5: memref<1x128xf32, #tpu.memory_space<vmem>>, %arg6: memref<1x128xf32, #tpu.memory_space<vmem>>, %arg7: memref<128x128xf32, #tpu.memory_space<vmem>>, %arg8: memref<128x128xf32, #tpu.memory_space<vmem>>, %arg9: memref<2000x128xf32, #tpu.memory_space<vmem>>, %arg10: memref<2000x128xf32, #tpu.memory_space<vmem>>, %arg11: memref<1600x128xf32, #tpu.memory_space<vmem>>) attributes {dimension_semantics = [#tpu.dimension_semantics<arbitrary>], iteration_bounds = array<i64: 5>, scalar_prefetch = 0 : i64, scratch_operands = 0 : i64, tpu.core_type = #tpu.core_type<tc>, window_params = [{transform_indices = @transform_0, window_bounds = array<i64: 2000, 128>}, {pipeline_mode = #tpu.pipeline_mode<synchronous>, transform_indices = @transform_1, window_bounds = array<i64: 1600, 128>}, {pipeline_mode = #tpu.pipeline_mode<synchronous>, transform_indices = @transform_2, window_bounds = array<i64: 128, 128>}, {pipeline_mode = #tpu.pipeline_mode<synchronous>, transform_indices = @transform_3, window_bounds = array<i64: 128, 128>}, {pipeline_mode = #tpu.pipeline_mode<synchronous>, transform_indices = @transform_4, window_bounds = array<i64: 1, 128>}, {pipeline_mode = #tpu.pipeline_mode<synchronous>, transform_indices = @transform_5, window_bounds = array<i64: 1, 128>}, {pipeline_mode = #tpu.pipeline_mode<synchronous>, transform_indices = @transform_6, window_bounds = array<i64: 128, 128>}, {pipeline_mode = #tpu.pipeline_mode<synchronous>, transform_indices = @transform_7, window_bounds = array<i64: 128, 128>}, {transform_indices = @transform_8, window_bounds = array<i64: 2000, 128>}, {transform_indices = @transform_9, window_bounds = array<i64: 2000, 128>}, {pipeline_mode = #tpu.pipeline_mode<synchronous>, transform_indices = @transform_10, window_bounds = array<i64: 1600, 128>}]} {
    %get3A = arith.constant 0 : index
    %get3A_0 = arith.constant 0 : index
    %get3A_1 = vector.load %arg1[%get3A, %get3A_0] : memref<2000x128xf32, #tpu.memory_space<vmem>>, vector<2000x128xf32>
    %get3A_2 = arith.constant 0 : index
    %get3A_3 = arith.constant 0 : index
    %get3A_4 = vector.load %arg3[%get3A_2, %get3A_3] : memref<128x128xf32, #tpu.memory_space<vmem>>, vector<128x128xf32>
    %dot_general3A = arith.constant dense<0.000000e+00> : vector<2000x128xf32>
    %dot_general3A_5 = tpu.matmul %get3A_1, %get3A_4, %dot_general3A {dimension_numbers = #tpu.dot_dimension_numbers<[1], [0], [0], [1], [0, 0, 1, 1], [], []>, transpose_lhs_hint = false} : vector<2000x128xf32>, vector<128x128xf32>, vector<2000x128xf32> -> vector<2000x128xf32>
    %swap3A = arith.constant 0 : index
    %swap3A_6 = arith.constant 0 : index
    %swap3A_7 = vector.load %arg9[%swap3A, %swap3A_6] : memref<2000x128xf32, #tpu.memory_space<vmem>>, vector<2000x128xf32>
    tpu.vector_store %arg9[%swap3A, %swap3A_6], %dot_general3A_5 {strides = array<i32>} : memref<2000x128xf32, #tpu.memory_space<vmem>>, vector<2000x128xf32>,
    %get3A_8 = arith.constant 0 : index
    %get3A_9 = arith.constant 0 : index
    %get3A_10 = vector.load %arg1[%get3A_8, %get3A_9] : memref<2000x128xf32, #tpu.memory_space<vmem>>, vector<2000x128xf32>
    %get3A_11 = arith.constant 0 : index
    %get3A_12 = arith.constant 0 : index
    %get3A_13 = vector.load %arg4[%get3A_11, %get3A_12] : memref<128x128xf32, #tpu.memory_space<vmem>>, vector<128x128xf32>
    %dot_general3A_14 = arith.constant dense<0.000000e+00> : vector<2000x128xf32>
    %dot_general3A_15 = tpu.matmul %get3A_10, %get3A_13, %dot_general3A_14 {dimension_numbers = #tpu.dot_dimension_numbers<[1], [0], [0], [1], [0, 0, 1, 1], [], []>, transpose_lhs_hint = false} : vector<2000x128xf32>, vector<128x128xf32>, vector<2000x128xf32> -> vector<2000x128xf32>
    %get3A_16 = arith.constant 0 : index
    %get3A_17 = arith.constant 0 : index
    %get3A_18 = vector.load %arg5[%get3A_16, %get3A_17] : memref<1x128xf32, #tpu.memory_space<vmem>>, vector<1x128xf32>
    %get3A_19 = arith.constant 0 : index
    %get3A_20 = arith.constant 0 : index
    %get3A_21 = vector.load %arg6[%get3A_19, %get3A_20] : memref<1x128xf32, #tpu.memory_space<vmem>>, vector<1x128xf32>
    %reduce_sum3A = arith.constant dense<0.000000e+00> : vector<2000xf32>
    %reduce_sum3A_22 = vector.multi_reduction <add>, %dot_general3A_15, %reduce_sum3A [1] : vector<2000x128xf32> to vector<2000xf32>
    %broadcast_in_dim3A = vector.shape_cast %reduce_sum3A_22 : vector<2000xf32> to vector<2000x1xf32>
    %div3A = arith.constant 1.280000e+02 : f32
    %div3A_23 = vector.broadcast %div3A : f32 to vector<2000x1xf32>
    %div3A_24 = arith.divf %broadcast_in_dim3A, %div3A_23 : vector<2000x1xf32>
    %sub3A = vector.broadcast %div3A_24 : vector<2000x1xf32> to vector<2000x128xf32>
    %sub3A_25 = arith.subf %dot_general3A_15, %sub3A : vector<2000x128xf32>
    %integer_pow3A = arith.mulf %sub3A_25, %sub3A_25 : vector<2000x128xf32>
    %reduce_sum3A_26 = arith.constant dense<0.000000e+00> : vector<2000xf32>
    %reduce_sum3A_27 = vector.multi_reduction <add>, %integer_pow3A, %reduce_sum3A_26 [1] : vector<2000x128xf32> to vector<2000xf32>
    %broadcast_in_dim3A_28 = vector.shape_cast %reduce_sum3A_27 : vector<2000xf32> to vector<2000x1xf32>
    %div3A_29 = arith.constant 1.280000e+02 : f32
    %div3A_30 = vector.broadcast %div3A_29 : f32 to vector<2000x1xf32>
    %div3A_31 = arith.divf %broadcast_in_dim3A_28, %div3A_30 : vector<2000x1xf32>
    %sub3A_32 = vector.broadcast %div3A_24 : vector<2000x1xf32> to vector<2000x128xf32>
    %sub3A_33 = arith.subf %dot_general3A_15, %sub3A_32 : vector<2000x128xf32>
    %add3A = arith.constant 9.99999974E-6 : f32
    %add3A_34 = vector.broadcast %add3A : f32 to vector<2000x1xf32>
    %add3A_35 = arith.addf %div3A_31, %add3A_34 : vector<2000x1xf32>
    %sqrt3A = math.sqrt %add3A_35 : vector<2000x1xf32>
    %div3A_36 = vector.broadcast %sqrt3A : vector<2000x1xf32> to vector<2000x128xf32>
    %div3A_37 = arith.divf %sub3A_33, %div3A_36 : vector<2000x128xf32>
    %mul3A = vector.broadcast %get3A_18 : vector<1x128xf32> to vector<2000x128xf32>
    %mul3A_38 = arith.mulf %div3A_37, %mul3A : vector<2000x128xf32>
    %add3A_39 = vector.broadcast %get3A_21 : vector<1x128xf32> to vector<2000x128xf32>
    %add3A_40 = arith.addf %mul3A_38, %add3A_39 : vector<2000x128xf32>
    %max3A = arith.constant 0.000000e+00 : f32
    %max3A_41 = vector.broadcast %max3A : f32 to vector<2000x128xf32>
    %max3A_42 = arith.maximumf %add3A_40, %max3A_41 : vector<2000x128xf32>
    %get3A_43 = arith.constant 0 : index
    %get3A_44 = arith.constant 0 : index
    %get3A_45 = vector.load %arg7[%get3A_43, %get3A_44] : memref<128x128xf32, #tpu.memory_space<vmem>>, vector<128x128xf32>
    %dot_general3A_46 = arith.constant dense<0.000000e+00> : vector<2000x128xf32>
    %dot_general3A_47 = tpu.matmul %max3A_42, %get3A_45, %dot_general3A_46 {dimension_numbers = #tpu.dot_dimension_numbers<[1], [0], [0], [1], [0, 0, 1, 1], [], []>, transpose_lhs_hint = false} : vector<2000x128xf32>, vector<128x128xf32>, vector<2000x128xf32> -> vector<2000x128xf32>
    %swap3A_48 = arith.constant 0 : index
    %swap3A_49 = arith.constant 0 : index
    %swap3A_50 = vector.load %arg10[%swap3A_48, %swap3A_49] : memref<2000x128xf32, #tpu.memory_space<vmem>>, vector<2000x128xf32>
    tpu.vector_store %arg10[%swap3A_48, %swap3A_49], %dot_general3A_47 {strides = array<i32>} : memref<2000x128xf32, #tpu.memory_space<vmem>>, vector<2000x128xf32>,
    %eq3A = arith.constant 0 : i32
    %eq3A_51 = arith.cmpi eq, %arg0, %eq3A : i32
    %convert_element_type3A = arith.extui %eq3A_51 : i1 to i32
    %cond3A = arith.constant 0 : i32
    %cond3A_52 = arith.cmpi ne, %convert_element_type3A, %cond3A : i32
    scf.if %cond3A_52 {
      %get3A_53 = arith.constant 0 : index
      %get3A_54 = arith.constant 0 : index
      %get3A_55 = vector.load %arg2[%get3A_53, %get3A_54] : memref<1600x128xf32, #tpu.memory_space<vmem>>, vector<1600x128xf32>
      %get3A_56 = arith.constant 0 : index
      %get3A_57 = arith.constant 0 : index
      %get3A_58 = vector.load %arg8[%get3A_56, %get3A_57] : memref<128x128xf32, #tpu.memory_space<vmem>>, vector<128x128xf32>
      %dot_general3A_59 = arith.constant dense<0.000000e+00> : vector<1600x128xf32>
      %dot_general3A_60 = tpu.matmul %get3A_55, %get3A_58, %dot_general3A_59 {dimension_numbers = #tpu.dot_dimension_numbers<[1], [0], [0], [1], [0, 0, 1, 1], [], []>, transpose_lhs_hint = false} : vector<1600x128xf32>, vector<128x128xf32>, vector<1600x128xf32> -> vector<1600x128xf32>
      %swap3A_61 = arith.constant 0 : index
      %swap3A_62 = arith.constant 0 : index
      %swap3A_63 = vector.load %arg11[%swap3A_61, %swap3A_62] : memref<1600x128xf32, #tpu.memory_space<vmem>>, vector<1600x128xf32>
      tpu.vector_store %arg11[%swap3A_61, %swap3A_62], %dot_general3A_60 {strides = array<i32>} : memref<1600x128xf32, #tpu.memory_space<vmem>>, vector<1600x128xf32>,
    } else {
    }
    return
  }
  func.func @transform_0(%arg0: i32) -> (i32, i32) {
    %c0_i32 = arith.constant 0 : i32
    %c0_i32_0 = arith.constant 0 : i32
    return %arg0, %c0_i32 : i32, i32
  }
  func.func @transform_1(%arg0: i32) -> (i32, i32) {
    %c0_i32 = arith.constant 0 : i32
    %c0_i32_0 = arith.constant 0 : i32
    %c0_i32_1 = arith.constant 0 : i32
    return %c0_i32, %c0_i32_0 : i32, i32
  }
  func.func @transform_2(%arg0: i32) -> (i32, i32) {
    %c0_i32 = arith.constant 0 : i32
    %c0_i32_0 = arith.constant 0 : i32
    %c0_i32_1 = arith.constant 0 : i32
    return %c0_i32, %c0_i32_0 : i32, i32
  }
  func.func @transform_3(%arg0: i32) -> (i32, i32) {
    %c0_i32 = arith.constant 0 : i32
    %c0_i32_0 = arith.constant 0 : i32
    %c0_i32_1 = arith.constant 0 : i32
    return %c0_i32, %c0_i32_0 : i32, i32
  }
  func.func @transform_4(%arg0: i32) -> (i32, i32) {
    %c0_i32 = arith.constant 0 : i32
    %c0_i32_0 = arith.constant 0 : i32
    %c0_i32_1 = arith.constant 0 : i32
    return %c0_i32, %c0_i32_0 : i32, i32
  }
  func.func @transform_5(%arg0: i32) -> (i32, i32) {
    %c0_i32 = arith.constant 0 : i32
    %c0_i32_0 = arith.constant 0 : i32
    %c0_i32_1 = arith.constant 0 : i32
    return %c0_i32, %c0_i32_0 : i32, i32
  }
  func.func @transform_6(%arg0: i32) -> (i32, i32) {
    %c0_i32 = arith.constant 0 : i32
    %c0_i32_0 = arith.constant 0 : i32
    %c0_i32_1 = arith.constant 0 : i32
    return %c0_i32, %c0_i32_0 : i32, i32
  }
  func.func @transform_7(%arg0: i32) -> (i32, i32) {
    %c0_i32 = arith.constant 0 : i32
    %c0_i32_0 = arith.constant 0 : i32
    %c0_i32_1 = arith.constant 0 : i32
    return %c0_i32, %c0_i32_0 : i32, i32
  }
  func.func @transform_8(%arg0: i32) -> (i32, i32) {
    %c0_i32 = arith.constant 0 : i32
    %c0_i32_0 = arith.constant 0 : i32
    return %arg0, %c0_i32 : i32, i32
  }
  func.func @transform_9(%arg0: i32) -> (i32, i32) {
    %c0_i32 = arith.constant 0 : i32
    %c0_i32_0 = arith.constant 0 : i32
    return %arg0, %c0_i32 : i32, i32
  }
  func.func @transform_10(%arg0: i32) -> (i32, i32) {
    %c0_i32 = arith.constant 0 : i32
    %c0_i32_0 = arith.constant 0 : i32
    %c0_i32_1 = arith.constant 0 : i32
    return %c0_i32, %c0_i32_0 : i32, i32
  }
}

module attributes {stable_mosaic.version = 14 : i64} {
  func.func @_k4_body(%arg0: i32, %arg1: memref<32x16xi32, #tpu.memory_space<smem>>, %arg2: memref<1024x1xf32, #tpu.memory_space<vmem>>, %arg3: memref<1024x1xf32, #tpu.memory_space<vmem>>, %arg4: memref<1024x128xf32, #tpu.memory_space<vmem>>, %arg5: memref<1024x128xf32, #tpu.memory_space<vmem>>, %arg6: memref<1x128xf32, #tpu.memory_space<vmem>>, %arg7: memref<1x128xf32, #tpu.memory_space<vmem>>, %arg8: memref<1x128xf32, #tpu.memory_space<vmem>>, %arg9: memref<128x128xf32, #tpu.memory_space<vmem>>, %arg10: memref<1x128xf32, #tpu.memory_space<vmem>>, %arg11: memref<1x128xf32, #tpu.memory_space<vmem>>, %arg12: memref<128x128xf32, #tpu.memory_space<vmem>>, %arg13: memref<1x128xf32, #tpu.memory_space<vmem>>, %arg14: memref<1x128xf32, #tpu.memory_space<vmem>>, %arg15: memref<128x128xf32, #tpu.memory_space<vmem>>, %arg16: memref<1024x128xf32, #tpu.memory_space<vmem>>) attributes {dimension_semantics = [#tpu.dimension_semantics<arbitrary>], iteration_bounds = array<i64: 512>, scalar_prefetch = 0 : i64, scratch_operands = 0 : i64, tpu.core_type = #tpu.core_type<tc>, window_params = [{transform_indices = @transform_0, window_bounds = array<i64: 32, 16>}, {transform_indices = @transform_1, window_bounds = array<i64: 1024, 1>}, {transform_indices = @transform_2, window_bounds = array<i64: 1024, 1>}, {transform_indices = @transform_3, window_bounds = array<i64: 1024, 128>}, {transform_indices = @transform_4, window_bounds = array<i64: 1024, 128>}, {pipeline_mode = #tpu.pipeline_mode<synchronous>, transform_indices = @transform_5, window_bounds = array<i64: 1, 128>}, {pipeline_mode = #tpu.pipeline_mode<synchronous>, transform_indices = @transform_6, window_bounds = array<i64: 1, 128>}, {pipeline_mode = #tpu.pipeline_mode<synchronous>, transform_indices = @transform_7, window_bounds = array<i64: 1, 128>}, {pipeline_mode = #tpu.pipeline_mode<synchronous>, transform_indices = @transform_8, window_bounds = array<i64: 128, 128>}, {pipeline_mode = #tpu.pipeline_mode<synchronous>, transform_indices = @transform_9, window_bounds = array<i64: 1, 128>}, {pipeline_mode = #tpu.pipeline_mode<synchronous>, transform_indices = @transform_10, window_bounds = array<i64: 1, 128>}, {pipeline_mode = #tpu.pipeline_mode<synchronous>, transform_indices = @transform_11, window_bounds = array<i64: 128, 128>}, {pipeline_mode = #tpu.pipeline_mode<synchronous>, transform_indices = @transform_12, window_bounds = array<i64: 1, 128>}, {pipeline_mode = #tpu.pipeline_mode<synchronous>, transform_indices = @transform_13, window_bounds = array<i64: 1, 128>}, {pipeline_mode = #tpu.pipeline_mode<synchronous>, transform_indices = @transform_14, window_bounds = array<i64: 128, 128>}, {transform_indices = @transform_15, window_bounds = array<i64: 1024, 128>}]} {
    %jit3A = arith.constant 16 : i32
    %div3A = arith.divsi %arg0, %jit3A : i32
    %sign3A = arith.constant 0 : i32
    %sign3A_0 = arith.cmpi sgt, %arg0, %sign3A : i32
    %sign3A_1 = arith.extui %sign3A_0 : i1 to i32
    %sign3A_2 = arith.constant 0 : i32
    %sign3A_3 = arith.cmpi slt, %arg0, %sign3A_2 : i32
    %sign3A_4 = arith.extui %sign3A_3 : i1 to i32
    %sign3A_5 = arith.subi %sign3A_1, %sign3A_4 : i32
    %sign3A_6 = arith.constant 0 : i32
    %sign3A_7 = arith.cmpi sgt, %jit3A, %sign3A_6 : i32
    %sign3A_8 = arith.extui %sign3A_7 : i1 to i32
    %sign3A_9 = arith.constant 0 : i32
    %sign3A_10 = arith.cmpi slt, %jit3A, %sign3A_9 : i32
    %sign3A_11 = arith.extui %sign3A_10 : i1 to i32
    %sign3A_12 = arith.subi %sign3A_8, %sign3A_11 : i32
    %ne3A = arith.cmpi ne, %sign3A_5, %sign3A_12 : i32
    %rem3A = arith.remsi %arg0, %jit3A : i32
    %ne3A_13 = arith.constant 0 : i32
    %ne3A_14 = arith.cmpi ne, %rem3A, %ne3A_13 : i32
    %and3A = arith.andi %ne3A, %ne3A_14 : i1
    %sub3A = arith.constant 1 : i32
    %sub3A_15 = arith.subi %div3A, %sub3A : i32
    %select_n3A = arith.select %and3A, %sub3A_15, %div3A : i32
    %jit3A_16 = arith.constant 16 : i32
    %eq3A = arith.constant 0 : i32
    %eq3A_17 = arith.cmpi eq, %jit3A_16, %eq3A : i32
    %jit3A_18 = arith.constant 1 : i32
    %select_n3A_19 = arith.select %eq3A_17, %jit3A_18, %jit3A_16 : i32
    %rem3A_20 = arith.remsi %arg0, %select_n3A_19 : i32
    %ne3A_21 = arith.constant 0 : i32
    %ne3A_22 = arith.cmpi ne, %rem3A_20, %ne3A_21 : i32
    %lt3A = arith.constant 0 : i32
    %lt3A_23 = arith.cmpi slt, %rem3A_20, %lt3A : i32
    %lt3A_24 = arith.constant 0 : i32
    %lt3A_25 = arith.cmpi slt, %select_n3A_19, %lt3A_24 : i32
    %ne3A_26 = arith.xori %lt3A_23, %lt3A_25 : i1
    %and3A_27 = arith.andi %ne3A_26, %ne3A_22 : i1
    %add3A = arith.addi %rem3A_20, %select_n3A_19 : i32
    %select_n3A_28 = arith.select %and3A_27, %add3A, %rem3A_20 : i32
    %mul3A = arith.constant 1024 : i32
    %mul3A_29 = arith.muli %select_n3A_28, %mul3A : i32
    %get3A = arith.index_cast %select_n3A : i32 to index
    %get3A_30 = arith.constant 0 : index
    %get3A_31 = memref.load %arg1[%get3A, %get3A_30] : memref<32x16xi32, #tpu.memory_space<smem>>
    %lt3A_32 = arith.cmpi slt, %mul3A_29, %get3A_31 : i32
    %convert_element_type3A = arith.extui %lt3A_32 : i1 to i32
    %cond3A = arith.constant 0 : i32
    %cond3A_33 = arith.cmpi ne, %convert_element_type3A, %cond3A : i32
    scf.if %cond3A_33 {
      %get3A_34 = arith.constant 0 : index
      %get3A_35 = arith.constant 0 : index
      %get3A_36 = vector.load %arg2[%get3A_34, %get3A_35] : memref<1024x1xf32, #tpu.memory_space<vmem>>, vector<1024x1xf32>
      %get3A_37 = arith.constant 0 : index
      %get3A_38 = arith.constant 0 : index
      %get3A_39 = vector.load %arg6[%get3A_37, %get3A_38] : memref<1x128xf32, #tpu.memory_space<vmem>>, vector<1x128xf32>
      %mul3A_40 = vector.broadcast %get3A_36 : vector<1024x1xf32> to vector<1024x128xf32>
      %mul3A_41 = vector.broadcast %get3A_39 : vector<1x128xf32> to vector<1024x128xf32>
      %mul3A_42 = arith.mulf %mul3A_40, %mul3A_41 : vector<1024x128xf32>
      %get3A_43 = arith.constant 0 : index
      %get3A_44 = arith.constant 0 : index
      %get3A_45 = vector.load %arg3[%get3A_43, %get3A_44] : memref<1024x1xf32, #tpu.memory_space<vmem>>, vector<1024x1xf32>
      %get3A_46 = arith.constant 0 : index
      %get3A_47 = arith.constant 0 : index
      %get3A_48 = vector.load %arg7[%get3A_46, %get3A_47] : memref<1x128xf32, #tpu.memory_space<vmem>>, vector<1x128xf32>
      %mul3A_49 = vector.broadcast %get3A_45 : vector<1024x1xf32> to vector<1024x128xf32>
      %mul3A_50 = vector.broadcast %get3A_48 : vector<1x128xf32> to vector<1024x128xf32>
      %mul3A_51 = arith.mulf %mul3A_49, %mul3A_50 : vector<1024x128xf32>
      %add3A_52 = arith.addf %mul3A_42, %mul3A_51 : vector<1024x128xf32>
      %get3A_53 = arith.constant 0 : index
      %get3A_54 = arith.constant 0 : index
      %get3A_55 = vector.load %arg8[%get3A_53, %get3A_54] : memref<1x128xf32, #tpu.memory_space<vmem>>, vector<1x128xf32>
      %add3A_56 = vector.broadcast %get3A_55 : vector<1x128xf32> to vector<1024x128xf32>
      %add3A_57 = arith.addf %add3A_52, %add3A_56 : vector<1024x128xf32>
      %max3A = arith.constant 0.000000e+00 : f32
      %max3A_58 = vector.broadcast %max3A : f32 to vector<1024x128xf32>
      %max3A_59 = arith.maximumf %add3A_57, %max3A_58 : vector<1024x128xf32>
      %get3A_60 = arith.constant 0 : index
      %get3A_61 = arith.constant 0 : index
      %get3A_62 = vector.load %arg9[%get3A_60, %get3A_61] : memref<128x128xf32, #tpu.memory_space<vmem>>, vector<128x128xf32>
      %dot_general3A = arith.constant dense<0.000000e+00> : vector<1024x128xf32>
      %dot_general3A_63 = tpu.matmul %max3A_59, %get3A_62, %dot_general3A {dimension_numbers = #tpu.dot_dimension_numbers<[1], [0], [0], [1], [0, 0, 1, 1], [], []>, transpose_lhs_hint = false} : vector<1024x128xf32>, vector<128x128xf32>, vector<1024x128xf32> -> vector<1024x128xf32>
      %get3A_64 = arith.constant 0 : index
      %get3A_65 = arith.constant 0 : index
      %get3A_66 = vector.load %arg10[%get3A_64, %get3A_65] : memref<1x128xf32, #tpu.memory_space<vmem>>, vector<1x128xf32>
      %get3A_67 = arith.constant 0 : index
      %get3A_68 = arith.constant 0 : index
      %get3A_69 = vector.load %arg11[%get3A_67, %get3A_68] : memref<1x128xf32, #tpu.memory_space<vmem>>, vector<1x128xf32>
      %reduce_sum3A = arith.constant dense<0.000000e+00> : vector<1024xf32>
      %reduce_sum3A_70 = vector.multi_reduction <add>, %dot_general3A_63, %reduce_sum3A [1] : vector<1024x128xf32> to vector<1024xf32>
      %broadcast_in_dim3A = vector.shape_cast %reduce_sum3A_70 : vector<1024xf32> to vector<1024x1xf32>
      %div3A_71 = arith.constant 1.280000e+02 : f32
      %div3A_72 = vector.broadcast %div3A_71 : f32 to vector<1024x1xf32>
      %div3A_73 = arith.divf %broadcast_in_dim3A, %div3A_72 : vector<1024x1xf32>
      %sub3A_74 = vector.broadcast %div3A_73 : vector<1024x1xf32> to vector<1024x128xf32>
      %sub3A_75 = arith.subf %dot_general3A_63, %sub3A_74 : vector<1024x128xf32>
      %integer_pow3A = arith.mulf %sub3A_75, %sub3A_75 : vector<1024x128xf32>
      %reduce_sum3A_76 = arith.constant dense<0.000000e+00> : vector<1024xf32>
      %reduce_sum3A_77 = vector.multi_reduction <add>, %integer_pow3A, %reduce_sum3A_76 [1] : vector<1024x128xf32> to vector<1024xf32>
      %broadcast_in_dim3A_78 = vector.shape_cast %reduce_sum3A_77 : vector<1024xf32> to vector<1024x1xf32>
      %div3A_79 = arith.constant 1.280000e+02 : f32
      %div3A_80 = vector.broadcast %div3A_79 : f32 to vector<1024x1xf32>
      %div3A_81 = arith.divf %broadcast_in_dim3A_78, %div3A_80 : vector<1024x1xf32>
      %sub3A_82 = vector.broadcast %div3A_73 : vector<1024x1xf32> to vector<1024x128xf32>
      %sub3A_83 = arith.subf %dot_general3A_63, %sub3A_82 : vector<1024x128xf32>
      %add3A_84 = arith.constant 9.99999974E-6 : f32
      %add3A_85 = vector.broadcast %add3A_84 : f32 to vector<1024x1xf32>
      %add3A_86 = arith.addf %div3A_81, %add3A_85 : vector<1024x1xf32>
      %sqrt3A = math.sqrt %add3A_86 : vector<1024x1xf32>
      %div3A_87 = vector.broadcast %sqrt3A : vector<1024x1xf32> to vector<1024x128xf32>
      %div3A_88 = arith.divf %sub3A_83, %div3A_87 : vector<1024x128xf32>
      %mul3A_89 = vector.broadcast %get3A_66 : vector<1x128xf32> to vector<1024x128xf32>
      %mul3A_90 = arith.mulf %div3A_88, %mul3A_89 : vector<1024x128xf32>
      %add3A_91 = vector.broadcast %get3A_69 : vector<1x128xf32> to vector<1024x128xf32>
      %add3A_92 = arith.addf %mul3A_90, %add3A_91 : vector<1024x128xf32>
      %max3A_93 = arith.constant 0.000000e+00 : f32
      %max3A_94 = vector.broadcast %max3A_93 : f32 to vector<1024x128xf32>
      %max3A_95 = arith.maximumf %add3A_92, %max3A_94 : vector<1024x128xf32>
      %get3A_96 = arith.constant 0 : index
      %get3A_97 = arith.constant 0 : index
      %get3A_98 = vector.load %arg12[%get3A_96, %get3A_97] : memref<128x128xf32, #tpu.memory_space<vmem>>, vector<128x128xf32>
      %dot_general3A_99 = arith.constant dense<0.000000e+00> : vector<1024x128xf32>
      %dot_general3A_100 = tpu.matmul %max3A_95, %get3A_98, %dot_general3A_99 {dimension_numbers = #tpu.dot_dimension_numbers<[1], [0], [0], [1], [0, 0, 1, 1], [], []>, transpose_lhs_hint = false} : vector<1024x128xf32>, vector<128x128xf32>, vector<1024x128xf32> -> vector<1024x128xf32>
      %get3A_101 = arith.constant 0 : index
      %get3A_102 = arith.constant 0 : index
      %get3A_103 = vector.load %arg4[%get3A_101, %get3A_102] : memref<1024x128xf32, #tpu.memory_space<vmem>>, vector<1024x128xf32>
      %add3A_104 = arith.addf %dot_general3A_100, %get3A_103 : vector<1024x128xf32>
      %get3A_105 = arith.constant 0 : index
      %get3A_106 = arith.constant 0 : index
      %get3A_107 = vector.load %arg5[%get3A_105, %get3A_106] : memref<1024x128xf32, #tpu.memory_space<vmem>>, vector<1024x128xf32>
      %add3A_108 = arith.addf %add3A_104, %get3A_107 : vector<1024x128xf32>
      %get3A_109 = arith.constant 0 : index
      %get3A_110 = arith.constant 0 : index
      %get3A_111 = vector.load %arg13[%get3A_109, %get3A_110] : memref<1x128xf32, #tpu.memory_space<vmem>>, vector<1x128xf32>
      %get3A_112 = arith.constant 0 : index
      %get3A_113 = arith.constant 0 : index
      %get3A_114 = vector.load %arg14[%get3A_112, %get3A_113] : memref<1x128xf32, #tpu.memory_space<vmem>>, vector<1x128xf32>
      %reduce_sum3A_115 = arith.constant dense<0.000000e+00> : vector<1024xf32>
      %reduce_sum3A_116 = vector.multi_reduction <add>, %add3A_108, %reduce_sum3A_115 [1] : vector<1024x128xf32> to vector<1024xf32>
      %broadcast_in_dim3A_117 = vector.shape_cast %reduce_sum3A_116 : vector<1024xf32> to vector<1024x1xf32>
      %div3A_118 = arith.constant 1.280000e+02 : f32
      %div3A_119 = vector.broadcast %div3A_118 : f32 to vector<1024x1xf32>
      %div3A_120 = arith.divf %broadcast_in_dim3A_117, %div3A_119 : vector<1024x1xf32>
      %sub3A_121 = vector.broadcast %div3A_120 : vector<1024x1xf32> to vector<1024x128xf32>
      %sub3A_122 = arith.subf %add3A_108, %sub3A_121 : vector<1024x128xf32>
      %integer_pow3A_123 = arith.mulf %sub3A_122, %sub3A_122 : vector<1024x128xf32>
      %reduce_sum3A_124 = arith.constant dense<0.000000e+00> : vector<1024xf32>
      %reduce_sum3A_125 = vector.multi_reduction <add>, %integer_pow3A_123, %reduce_sum3A_124 [1] : vector<1024x128xf32> to vector<1024xf32>
      %broadcast_in_dim3A_126 = vector.shape_cast %reduce_sum3A_125 : vector<1024xf32> to vector<1024x1xf32>
      %div3A_127 = arith.constant 1.280000e+02 : f32
      %div3A_128 = vector.broadcast %div3A_127 : f32 to vector<1024x1xf32>
      %div3A_129 = arith.divf %broadcast_in_dim3A_126, %div3A_128 : vector<1024x1xf32>
      %sub3A_130 = vector.broadcast %div3A_120 : vector<1024x1xf32> to vector<1024x128xf32>
      %sub3A_131 = arith.subf %add3A_108, %sub3A_130 : vector<1024x128xf32>
      %add3A_132 = arith.constant 9.99999974E-6 : f32
      %add3A_133 = vector.broadcast %add3A_132 : f32 to vector<1024x1xf32>
      %add3A_134 = arith.addf %div3A_129, %add3A_133 : vector<1024x1xf32>
      %sqrt3A_135 = math.sqrt %add3A_134 : vector<1024x1xf32>
      %div3A_136 = vector.broadcast %sqrt3A_135 : vector<1024x1xf32> to vector<1024x128xf32>
      %div3A_137 = arith.divf %sub3A_131, %div3A_136 : vector<1024x128xf32>
      %mul3A_138 = vector.broadcast %get3A_111 : vector<1x128xf32> to vector<1024x128xf32>
      %mul3A_139 = arith.mulf %div3A_137, %mul3A_138 : vector<1024x128xf32>
      %add3A_140 = vector.broadcast %get3A_114 : vector<1x128xf32> to vector<1024x128xf32>
      %add3A_141 = arith.addf %mul3A_139, %add3A_140 : vector<1024x128xf32>
      %max3A_142 = arith.constant 0.000000e+00 : f32
      %max3A_143 = vector.broadcast %max3A_142 : f32 to vector<1024x128xf32>
      %max3A_144 = arith.maximumf %add3A_141, %max3A_143 : vector<1024x128xf32>
      %get3A_145 = arith.constant 0 : index
      %get3A_146 = arith.constant 0 : index
      %get3A_147 = vector.load %arg15[%get3A_145, %get3A_146] : memref<128x128xf32, #tpu.memory_space<vmem>>, vector<128x128xf32>
      %dot_general3A_148 = arith.constant dense<0.000000e+00> : vector<1024x128xf32>
      %dot_general3A_149 = tpu.matmul %max3A_144, %get3A_147, %dot_general3A_148 {dimension_numbers = #tpu.dot_dimension_numbers<[1], [0], [0], [1], [0, 0, 1, 1], [], []>, transpose_lhs_hint = false} : vector<1024x128xf32>, vector<128x128xf32>, vector<1024x128xf32> -> vector<1024x128xf32>
      %iota3A = tpu.iota {dimensions = array<i32: 0>} : vector<1024x1xi32>
      %add3A_150 = vector.broadcast %mul3A_29 : i32 to vector<1024x1xi32>
      %add3A_151 = arith.addi %add3A_150, %iota3A : vector<1024x1xi32>
      %lt3A_152 = vector.broadcast %get3A_31 : i32 to vector<1024x1xi32>
      %lt3A_153 = arith.cmpi slt, %add3A_151, %lt3A_152 : vector<1024x1xi32>
      %jit3A_154 = arith.constant 0.000000e+00 : f32
      %broadcast_in_dim3A_155 = vector.shape_cast %lt3A_153 : vector<1024x1xi1> to vector<1024x1xi1>
      %broadcast_in_dim3A_156 = vector.broadcast %broadcast_in_dim3A_155 : vector<1024x1xi1> to vector<1024x128xi1>
      %broadcast_in_dim3A_157 = vector.broadcast %jit3A_154 : f32 to vector<1024x128xf32>
      %select_n3A_158 = arith.select %broadcast_in_dim3A_156, %dot_general3A_149, %broadcast_in_dim3A_157 : vector<1024x128xi1>, vector<1024x128xf32>
      %swap3A = arith.constant 0 : index
      %swap3A_159 = arith.constant 0 : index
      %swap3A_160 = vector.load %arg16[%swap3A, %swap3A_159] : memref<1024x128xf32, #tpu.memory_space<vmem>>, vector<1024x128xf32>
      tpu.vector_store %arg16[%swap3A, %swap3A_159], %select_n3A_158 {strides = array<i32>} : memref<1024x128xf32, #tpu.memory_space<vmem>>, vector<1024x128xf32>,
    } else {
    }
    return
  }
  func.func @transform_0(%arg0: i32) -> (i32, i32) {
    %c0_i32 = arith.constant 0 : i32
    %c0_i32_0 = arith.constant 0 : i32
    %c0_i32_1 = arith.constant 0 : i32
    return %c0_i32, %c0_i32_0 : i32, i32
  }
  func.func @transform_1(%arg0: i32) -> (i32, i32) {
    %c0_i32 = arith.constant 0 : i32
    %c0_i32_0 = arith.constant 0 : i32
    return %arg0, %c0_i32 : i32, i32
  }
  func.func @transform_2(%arg0: i32) -> (i32, i32) {
    %c0_i32 = arith.constant 0 : i32
    %c0_i32_0 = arith.constant 0 : i32
    return %arg0, %c0_i32 : i32, i32
  }
  func.func @transform_3(%arg0: i32) -> (i32, i32) {
    %c0_i32 = arith.constant 0 : i32
    %c0_i32_0 = arith.constant 0 : i32
    return %arg0, %c0_i32 : i32, i32
  }
  func.func @transform_4(%arg0: i32) -> (i32, i32) {
    %c0_i32 = arith.constant 0 : i32
    %c0_i32_0 = arith.constant 0 : i32
    return %arg0, %c0_i32 : i32, i32
  }
  func.func @transform_5(%arg0: i32) -> (i32, i32) {
    %c0_i32 = arith.constant 0 : i32
    %c0_i32_0 = arith.constant 0 : i32
    %c0_i32_1 = arith.constant 0 : i32
    return %c0_i32, %c0_i32_0 : i32, i32
  }
  func.func @transform_6(%arg0: i32) -> (i32, i32) {
    %c0_i32 = arith.constant 0 : i32
    %c0_i32_0 = arith.constant 0 : i32
    %c0_i32_1 = arith.constant 0 : i32
    return %c0_i32, %c0_i32_0 : i32, i32
  }
  func.func @transform_7(%arg0: i32) -> (i32, i32) {
    %c0_i32 = arith.constant 0 : i32
    %c0_i32_0 = arith.constant 0 : i32
    %c0_i32_1 = arith.constant 0 : i32
    return %c0_i32, %c0_i32_0 : i32, i32
  }
  func.func @transform_8(%arg0: i32) -> (i32, i32) {
    %c0_i32 = arith.constant 0 : i32
    %c0_i32_0 = arith.constant 0 : i32
    %c0_i32_1 = arith.constant 0 : i32
    return %c0_i32, %c0_i32_0 : i32, i32
  }
  func.func @transform_9(%arg0: i32) -> (i32, i32) {
    %c0_i32 = arith.constant 0 : i32
    %c0_i32_0 = arith.constant 0 : i32
    %c0_i32_1 = arith.constant 0 : i32
    return %c0_i32, %c0_i32_0 : i32, i32
  }
  func.func @transform_10(%arg0: i32) -> (i32, i32) {
    %c0_i32 = arith.constant 0 : i32
    %c0_i32_0 = arith.constant 0 : i32
    %c0_i32_1 = arith.constant 0 : i32
    return %c0_i32, %c0_i32_0 : i32, i32
  }
  func.func @transform_11(%arg0: i32) -> (i32, i32) {
    %c0_i32 = arith.constant 0 : i32
    %c0_i32_0 = arith.constant 0 : i32
    %c0_i32_1 = arith.constant 0 : i32
    return %c0_i32, %c0_i32_0 : i32, i32
  }
  func.func @transform_12(%arg0: i32) -> (i32, i32) {
    %c0_i32 = arith.constant 0 : i32
    %c0_i32_0 = arith.constant 0 : i32
    %c0_i32_1 = arith.constant 0 : i32
    return %c0_i32, %c0_i32_0 : i32, i32
  }
  func.func @transform_13(%arg0: i32) -> (i32, i32) {
    %c0_i32 = arith.constant 0 : i32
    %c0_i32_0 = arith.constant 0 : i32
    %c0_i32_1 = arith.constant 0 : i32
    return %c0_i32, %c0_i32_0 : i32, i32
  }
  func.func @transform_14(%arg0: i32) -> (i32, i32) {
    %c0_i32 = arith.constant 0 : i32
    %c0_i32_0 = arith.constant 0 : i32
    %c0_i32_1 = arith.constant 0 : i32
    return %c0_i32, %c0_i32_0 : i32, i32
  }
  func.func @transform_15(%arg0: i32) -> (i32, i32) {
    %c0_i32 = arith.constant 0 : i32
    %c0_i32_0 = arith.constant 0 : i32
    return %arg0, %c0_i32 : i32, i32
  }
}

module attributes {stable_mosaic.version = 14 : i64} {
  func.func @_k6_body(%arg0: i32, %arg1: memref<2000x128xf32, #tpu.memory_space<vmem>>, %arg2: memref<2000x128xf32, #tpu.memory_space<vmem>>, %arg3: memref<2000x128xf32, #tpu.memory_space<vmem>>, %arg4: memref<2000x128xf32, #tpu.memory_space<vmem>>, %arg5: memref<128x128xf32, #tpu.memory_space<vmem>>, %arg6: memref<1x128xf32, #tpu.memory_space<vmem>>, %arg7: memref<1x128xf32, #tpu.memory_space<vmem>>, %arg8: memref<1x128xf32, #tpu.memory_space<vmem>>, %arg9: memref<1x128xf32, #tpu.memory_space<vmem>>, %arg10: memref<2000x128xf32, #tpu.memory_space<vmem>>) attributes {dimension_semantics = [#tpu.dimension_semantics<arbitrary>], iteration_bounds = array<i64: 5>, scalar_prefetch = 0 : i64, scratch_operands = 0 : i64, tpu.core_type = #tpu.core_type<tc>, window_params = [{transform_indices = @transform_0, window_bounds = array<i64: 2000, 128>}, {transform_indices = @transform_1, window_bounds = array<i64: 2000, 128>}, {transform_indices = @transform_2, window_bounds = array<i64: 2000, 128>}, {transform_indices = @transform_3, window_bounds = array<i64: 2000, 128>}, {pipeline_mode = #tpu.pipeline_mode<synchronous>, transform_indices = @transform_4, window_bounds = array<i64: 128, 128>}, {pipeline_mode = #tpu.pipeline_mode<synchronous>, transform_indices = @transform_5, window_bounds = array<i64: 1, 128>}, {pipeline_mode = #tpu.pipeline_mode<synchronous>, transform_indices = @transform_6, window_bounds = array<i64: 1, 128>}, {pipeline_mode = #tpu.pipeline_mode<synchronous>, transform_indices = @transform_7, window_bounds = array<i64: 1, 128>}, {pipeline_mode = #tpu.pipeline_mode<synchronous>, transform_indices = @transform_8, window_bounds = array<i64: 1, 128>}, {transform_indices = @transform_9, window_bounds = array<i64: 2000, 128>}]} {
    %get3A = arith.constant 0 : index
    %get3A_0 = arith.constant 0 : index
    %get3A_1 = vector.load %arg1[%get3A, %get3A_0] : memref<2000x128xf32, #tpu.memory_space<vmem>>, vector<2000x128xf32>
    %get3A_2 = arith.constant 0 : index
    %get3A_3 = arith.constant 0 : index
    %get3A_4 = vector.load %arg2[%get3A_2, %get3A_3] : memref<2000x128xf32, #tpu.memory_space<vmem>>, vector<2000x128xf32>
    %add3A = arith.addf %get3A_1, %get3A_4 : vector<2000x128xf32>
    %get3A_5 = arith.constant 0 : index
    %get3A_6 = arith.constant 0 : index
    %get3A_7 = vector.load %arg3[%get3A_5, %get3A_6] : memref<2000x128xf32, #tpu.memory_space<vmem>>, vector<2000x128xf32>
    %add3A_8 = arith.addf %add3A, %get3A_7 : vector<2000x128xf32>
    %get3A_9 = arith.constant 0 : index
    %get3A_10 = arith.constant 0 : index
    %get3A_11 = vector.load %arg6[%get3A_9, %get3A_10] : memref<1x128xf32, #tpu.memory_space<vmem>>, vector<1x128xf32>
    %get3A_12 = arith.constant 0 : index
    %get3A_13 = arith.constant 0 : index
    %get3A_14 = vector.load %arg7[%get3A_12, %get3A_13] : memref<1x128xf32, #tpu.memory_space<vmem>>, vector<1x128xf32>
    %reduce_sum3A = arith.constant dense<0.000000e+00> : vector<2000xf32>
    %reduce_sum3A_15 = vector.multi_reduction <add>, %add3A_8, %reduce_sum3A [1] : vector<2000x128xf32> to vector<2000xf32>
    %broadcast_in_dim3A = vector.shape_cast %reduce_sum3A_15 : vector<2000xf32> to vector<2000x1xf32>
    %div3A = arith.constant 1.280000e+02 : f32
    %div3A_16 = vector.broadcast %div3A : f32 to vector<2000x1xf32>
    %div3A_17 = arith.divf %broadcast_in_dim3A, %div3A_16 : vector<2000x1xf32>
    %sub3A = vector.broadcast %div3A_17 : vector<2000x1xf32> to vector<2000x128xf32>
    %sub3A_18 = arith.subf %add3A_8, %sub3A : vector<2000x128xf32>
    %integer_pow3A = arith.mulf %sub3A_18, %sub3A_18 : vector<2000x128xf32>
    %reduce_sum3A_19 = arith.constant dense<0.000000e+00> : vector<2000xf32>
    %reduce_sum3A_20 = vector.multi_reduction <add>, %integer_pow3A, %reduce_sum3A_19 [1] : vector<2000x128xf32> to vector<2000xf32>
    %broadcast_in_dim3A_21 = vector.shape_cast %reduce_sum3A_20 : vector<2000xf32> to vector<2000x1xf32>
    %div3A_22 = arith.constant 1.280000e+02 : f32
    %div3A_23 = vector.broadcast %div3A_22 : f32 to vector<2000x1xf32>
    %div3A_24 = arith.divf %broadcast_in_dim3A_21, %div3A_23 : vector<2000x1xf32>
    %sub3A_25 = vector.broadcast %div3A_17 : vector<2000x1xf32> to vector<2000x128xf32>
    %sub3A_26 = arith.subf %add3A_8, %sub3A_25 : vector<2000x128xf32>
    %add3A_27 = arith.constant 9.99999974E-6 : f32
    %add3A_28 = vector.broadcast %add3A_27 : f32 to vector<2000x1xf32>
    %add3A_29 = arith.addf %div3A_24, %add3A_28 : vector<2000x1xf32>
    %sqrt3A = math.sqrt %add3A_29 : vector<2000x1xf32>
    %div3A_30 = vector.broadcast %sqrt3A : vector<2000x1xf32> to vector<2000x128xf32>
    %div3A_31 = arith.divf %sub3A_26, %div3A_30 : vector<2000x128xf32>
    %mul3A = vector.broadcast %get3A_11 : vector<1x128xf32> to vector<2000x128xf32>
    %mul3A_32 = arith.mulf %div3A_31, %mul3A : vector<2000x128xf32>
    %add3A_33 = vector.broadcast %get3A_14 : vector<1x128xf32> to vector<2000x128xf32>
    %add3A_34 = arith.addf %mul3A_32, %add3A_33 : vector<2000x128xf32>
    %max3A = arith.constant 0.000000e+00 : f32
    %max3A_35 = vector.broadcast %max3A : f32 to vector<2000x128xf32>
    %max3A_36 = arith.maximumf %add3A_34, %max3A_35 : vector<2000x128xf32>
    %get3A_37 = arith.constant 0 : index
    %get3A_38 = arith.constant 0 : index
    %get3A_39 = vector.load %arg5[%get3A_37, %get3A_38] : memref<128x128xf32, #tpu.memory_space<vmem>>, vector<128x128xf32>
    %dot_general3A = arith.constant dense<0.000000e+00> : vector<2000x128xf32>
    %dot_general3A_40 = tpu.matmul %max3A_36, %get3A_39, %dot_general3A {dimension_numbers = #tpu.dot_dimension_numbers<[1], [0], [0], [1], [0, 0, 1, 1], [], []>, transpose_lhs_hint = false} : vector<2000x128xf32>, vector<128x128xf32>, vector<2000x128xf32> -> vector<2000x128xf32>
    %get3A_41 = arith.constant 0 : index
    %get3A_42 = arith.constant 0 : index
    %get3A_43 = vector.load %arg8[%get3A_41, %get3A_42] : memref<1x128xf32, #tpu.memory_space<vmem>>, vector<1x128xf32>
    %get3A_44 = arith.constant 0 : index
    %get3A_45 = arith.constant 0 : index
    %get3A_46 = vector.load %arg9[%get3A_44, %get3A_45] : memref<1x128xf32, #tpu.memory_space<vmem>>, vector<1x128xf32>
    %reduce_sum3A_47 = arith.constant dense<0.000000e+00> : vector<2000xf32>
    %reduce_sum3A_48 = vector.multi_reduction <add>, %dot_general3A_40, %reduce_sum3A_47 [1] : vector<2000x128xf32> to vector<2000xf32>
    %broadcast_in_dim3A_49 = vector.shape_cast %reduce_sum3A_48 : vector<2000xf32> to vector<2000x1xf32>
    %div3A_50 = arith.constant 1.280000e+02 : f32
    %div3A_51 = vector.broadcast %div3A_50 : f32 to vector<2000x1xf32>
    %div3A_52 = arith.divf %broadcast_in_dim3A_49, %div3A_51 : vector<2000x1xf32>
    %sub3A_53 = vector.broadcast %div3A_52 : vector<2000x1xf32> to vector<2000x128xf32>
    %sub3A_54 = arith.subf %dot_general3A_40, %sub3A_53 : vector<2000x128xf32>
    %integer_pow3A_55 = arith.mulf %sub3A_54, %sub3A_54 : vector<2000x128xf32>
    %reduce_sum3A_56 = arith.constant dense<0.000000e+00> : vector<2000xf32>
    %reduce_sum3A_57 = vector.multi_reduction <add>, %integer_pow3A_55, %reduce_sum3A_56 [1] : vector<2000x128xf32> to vector<2000xf32>
    %broadcast_in_dim3A_58 = vector.shape_cast %reduce_sum3A_57 : vector<2000xf32> to vector<2000x1xf32>
    %div3A_59 = arith.constant 1.280000e+02 : f32
    %div3A_60 = vector.broadcast %div3A_59 : f32 to vector<2000x1xf32>
    %div3A_61 = arith.divf %broadcast_in_dim3A_58, %div3A_60 : vector<2000x1xf32>
    %sub3A_62 = vector.broadcast %div3A_52 : vector<2000x1xf32> to vector<2000x128xf32>
    %sub3A_63 = arith.subf %dot_general3A_40, %sub3A_62 : vector<2000x128xf32>
    %add3A_64 = arith.constant 9.99999974E-6 : f32
    %add3A_65 = vector.broadcast %add3A_64 : f32 to vector<2000x1xf32>
    %add3A_66 = arith.addf %div3A_61, %add3A_65 : vector<2000x1xf32>
    %sqrt3A_67 = math.sqrt %add3A_66 : vector<2000x1xf32>
    %div3A_68 = vector.broadcast %sqrt3A_67 : vector<2000x1xf32> to vector<2000x128xf32>
    %div3A_69 = arith.divf %sub3A_63, %div3A_68 : vector<2000x128xf32>
    %mul3A_70 = vector.broadcast %get3A_43 : vector<1x128xf32> to vector<2000x128xf32>
    %mul3A_71 = arith.mulf %div3A_69, %mul3A_70 : vector<2000x128xf32>
    %add3A_72 = vector.broadcast %get3A_46 : vector<1x128xf32> to vector<2000x128xf32>
    %add3A_73 = arith.addf %mul3A_71, %add3A_72 : vector<2000x128xf32>
    %get3A_74 = arith.constant 0 : index
    %get3A_75 = arith.constant 0 : index
    %get3A_76 = vector.load %arg4[%get3A_74, %get3A_75] : memref<2000x128xf32, #tpu.memory_space<vmem>>, vector<2000x128xf32>
    %add3A_77 = arith.addf %add3A_73, %get3A_76 : vector<2000x128xf32>
    %max3A_78 = arith.constant 0.000000e+00 : f32
    %max3A_79 = vector.broadcast %max3A_78 : f32 to vector<2000x128xf32>
    %max3A_80 = arith.maximumf %add3A_77, %max3A_79 : vector<2000x128xf32>
    %swap3A = arith.constant 0 : index
    %swap3A_81 = arith.constant 0 : index
    %swap3A_82 = vector.load %arg10[%swap3A, %swap3A_81] : memref<2000x128xf32, #tpu.memory_space<vmem>>, vector<2000x128xf32>
    tpu.vector_store %arg10[%swap3A, %swap3A_81], %max3A_80 {strides = array<i32>} : memref<2000x128xf32, #tpu.memory_space<vmem>>, vector<2000x128xf32>,
    return
  }
  func.func @transform_0(%arg0: i32) -> (i32, i32) {
    %c0_i32 = arith.constant 0 : i32
    %c0_i32_0 = arith.constant 0 : i32
    return %arg0, %c0_i32 : i32, i32
  }
  func.func @transform_1(%arg0: i32) -> (i32, i32) {
    %c0_i32 = arith.constant 0 : i32
    %c0_i32_0 = arith.constant 0 : i32
    return %arg0, %c0_i32 : i32, i32
  }
  func.func @transform_2(%arg0: i32) -> (i32, i32) {
    %c0_i32 = arith.constant 0 : i32
    %c0_i32_0 = arith.constant 0 : i32
    return %arg0, %c0_i32 : i32, i32
  }
  func.func @transform_3(%arg0: i32) -> (i32, i32) {
    %c0_i32 = arith.constant 0 : i32
    %c0_i32_0 = arith.constant 0 : i32
    return %arg0, %c0_i32 : i32, i32
  }
  func.func @transform_4(%arg0: i32) -> (i32, i32) {
    %c0_i32 = arith.constant 0 : i32
    %c0_i32_0 = arith.constant 0 : i32
    %c0_i32_1 = arith.constant 0 : i32
    return %c0_i32, %c0_i32_0 : i32, i32
  }
  func.func @transform_5(%arg0: i32) -> (i32, i32) {
    %c0_i32 = arith.constant 0 : i32
    %c0_i32_0 = arith.constant 0 : i32
    %c0_i32_1 = arith.constant 0 : i32
    return %c0_i32, %c0_i32_0 : i32, i32
  }
  func.func @transform_6(%arg0: i32) -> (i32, i32) {
    %c0_i32 = arith.constant 0 : i32
    %c0_i32_0 = arith.constant 0 : i32
    %c0_i32_1 = arith.constant 0 : i32
    return %c0_i32, %c0_i32_0 : i32, i32
  }
  func.func @transform_7(%arg0: i32) -> (i32, i32) {
    %c0_i32 = arith.constant 0 : i32
    %c0_i32_0 = arith.constant 0 : i32
    %c0_i32_1 = arith.constant 0 : i32
    return %c0_i32, %c0_i32_0 : i32, i32
  }
  func.func @transform_8(%arg0: i32) -> (i32, i32) {
    %c0_i32 = arith.constant 0 : i32
    %c0_i32_0 = arith.constant 0 : i32
    %c0_i32_1 = arith.constant 0 : i32
    return %c0_i32, %c0_i32_0 : i32, i32
  }
  func.func @transform_9(%arg0: i32) -> (i32, i32) {
    %c0_i32 = arith.constant 0 : i32
    %c0_i32_0 = arith.constant 0 : i32
    return %arg0, %c0_i32 : i32, i32
  }
}

module attributes {stable_mosaic.version = 14 : i64} {
  func.func @_k6_body(%arg0: i32, %arg1: memref<2000x128xf32, #tpu.memory_space<vmem>>, %arg2: memref<2000x128xf32, #tpu.memory_space<vmem>>, %arg3: memref<2000x128xf32, #tpu.memory_space<vmem>>, %arg4: memref<2000x128xf32, #tpu.memory_space<vmem>>, %arg5: memref<128x128xf32, #tpu.memory_space<vmem>>, %arg6: memref<1x128xf32, #tpu.memory_space<vmem>>, %arg7: memref<1x128xf32, #tpu.memory_space<vmem>>, %arg8: memref<1x128xf32, #tpu.memory_space<vmem>>, %arg9: memref<1x128xf32, #tpu.memory_space<vmem>>, %arg10: memref<2000x128xf32, #tpu.memory_space<vmem>>) attributes {dimension_semantics = [#tpu.dimension_semantics<arbitrary>], iteration_bounds = array<i64: 5>, scalar_prefetch = 0 : i64, scratch_operands = 0 : i64, tpu.core_type = #tpu.core_type<tc>, window_params = [{transform_indices = @transform_0, window_bounds = array<i64: 2000, 128>}, {transform_indices = @transform_1, window_bounds = array<i64: 2000, 128>}, {transform_indices = @transform_2, window_bounds = array<i64: 2000, 128>}, {transform_indices = @transform_3, window_bounds = array<i64: 2000, 128>}, {pipeline_mode = #tpu.pipeline_mode<synchronous>, transform_indices = @transform_4, window_bounds = array<i64: 128, 128>}, {pipeline_mode = #tpu.pipeline_mode<synchronous>, transform_indices = @transform_5, window_bounds = array<i64: 1, 128>}, {pipeline_mode = #tpu.pipeline_mode<synchronous>, transform_indices = @transform_6, window_bounds = array<i64: 1, 128>}, {pipeline_mode = #tpu.pipeline_mode<synchronous>, transform_indices = @transform_7, window_bounds = array<i64: 1, 128>}, {pipeline_mode = #tpu.pipeline_mode<synchronous>, transform_indices = @transform_8, window_bounds = array<i64: 1, 128>}, {transform_indices = @transform_9, window_bounds = array<i64: 2000, 128>}]} {
    %get3A = arith.constant 0 : index
    %get3A_0 = arith.constant 0 : index
    %get3A_1 = vector.load %arg1[%get3A, %get3A_0] : memref<2000x128xf32, #tpu.memory_space<vmem>>, vector<2000x128xf32>
    %get3A_2 = arith.constant 0 : index
    %get3A_3 = arith.constant 0 : index
    %get3A_4 = vector.load %arg2[%get3A_2, %get3A_3] : memref<2000x128xf32, #tpu.memory_space<vmem>>, vector<2000x128xf32>
    %add3A = arith.addf %get3A_1, %get3A_4 : vector<2000x128xf32>
    %get3A_5 = arith.constant 0 : index
    %get3A_6 = arith.constant 0 : index
    %get3A_7 = vector.load %arg3[%get3A_5, %get3A_6] : memref<2000x128xf32, #tpu.memory_space<vmem>>, vector<2000x128xf32>
    %add3A_8 = arith.addf %add3A, %get3A_7 : vector<2000x128xf32>
    %get3A_9 = arith.constant 0 : index
    %get3A_10 = arith.constant 0 : index
    %get3A_11 = vector.load %arg6[%get3A_9, %get3A_10] : memref<1x128xf32, #tpu.memory_space<vmem>>, vector<1x128xf32>
    %get3A_12 = arith.constant 0 : index
    %get3A_13 = arith.constant 0 : index
    %get3A_14 = vector.load %arg7[%get3A_12, %get3A_13] : memref<1x128xf32, #tpu.memory_space<vmem>>, vector<1x128xf32>
    %reduce_sum3A = arith.constant dense<0.000000e+00> : vector<2000xf32>
    %reduce_sum3A_15 = vector.multi_reduction <add>, %add3A_8, %reduce_sum3A [1] : vector<2000x128xf32> to vector<2000xf32>
    %broadcast_in_dim3A = vector.shape_cast %reduce_sum3A_15 : vector<2000xf32> to vector<2000x1xf32>
    %div3A = arith.constant 1.280000e+02 : f32
    %div3A_16 = vector.broadcast %div3A : f32 to vector<2000x1xf32>
    %div3A_17 = arith.divf %broadcast_in_dim3A, %div3A_16 : vector<2000x1xf32>
    %sub3A = vector.broadcast %div3A_17 : vector<2000x1xf32> to vector<2000x128xf32>
    %sub3A_18 = arith.subf %add3A_8, %sub3A : vector<2000x128xf32>
    %integer_pow3A = arith.mulf %sub3A_18, %sub3A_18 : vector<2000x128xf32>
    %reduce_sum3A_19 = arith.constant dense<0.000000e+00> : vector<2000xf32>
    %reduce_sum3A_20 = vector.multi_reduction <add>, %integer_pow3A, %reduce_sum3A_19 [1] : vector<2000x128xf32> to vector<2000xf32>
    %broadcast_in_dim3A_21 = vector.shape_cast %reduce_sum3A_20 : vector<2000xf32> to vector<2000x1xf32>
    %div3A_22 = arith.constant 1.280000e+02 : f32
    %div3A_23 = vector.broadcast %div3A_22 : f32 to vector<2000x1xf32>
    %div3A_24 = arith.divf %broadcast_in_dim3A_21, %div3A_23 : vector<2000x1xf32>
    %sub3A_25 = vector.broadcast %div3A_17 : vector<2000x1xf32> to vector<2000x128xf32>
    %sub3A_26 = arith.subf %add3A_8, %sub3A_25 : vector<2000x128xf32>
    %add3A_27 = arith.constant 9.99999974E-6 : f32
    %add3A_28 = vector.broadcast %add3A_27 : f32 to vector<2000x1xf32>
    %add3A_29 = arith.addf %div3A_24, %add3A_28 : vector<2000x1xf32>
    %sqrt3A = math.sqrt %add3A_29 : vector<2000x1xf32>
    %div3A_30 = vector.broadcast %sqrt3A : vector<2000x1xf32> to vector<2000x128xf32>
    %div3A_31 = arith.divf %sub3A_26, %div3A_30 : vector<2000x128xf32>
    %mul3A = vector.broadcast %get3A_11 : vector<1x128xf32> to vector<2000x128xf32>
    %mul3A_32 = arith.mulf %div3A_31, %mul3A : vector<2000x128xf32>
    %add3A_33 = vector.broadcast %get3A_14 : vector<1x128xf32> to vector<2000x128xf32>
    %add3A_34 = arith.addf %mul3A_32, %add3A_33 : vector<2000x128xf32>
    %max3A = arith.constant 0.000000e+00 : f32
    %max3A_35 = vector.broadcast %max3A : f32 to vector<2000x128xf32>
    %max3A_36 = arith.maximumf %add3A_34, %max3A_35 : vector<2000x128xf32>
    %get3A_37 = arith.constant 0 : index
    %get3A_38 = arith.constant 0 : index
    %get3A_39 = vector.load %arg5[%get3A_37, %get3A_38] : memref<128x128xf32, #tpu.memory_space<vmem>>, vector<128x128xf32>
    %dot_general3A = arith.constant dense<0.000000e+00> : vector<2000x128xf32>
    %dot_general3A_40 = tpu.matmul %max3A_36, %get3A_39, %dot_general3A {dimension_numbers = #tpu.dot_dimension_numbers<[1], [0], [0], [1], [0, 0, 1, 1], [], []>, transpose_lhs_hint = false} : vector<2000x128xf32>, vector<128x128xf32>, vector<2000x128xf32> -> vector<2000x128xf32>
    %get3A_41 = arith.constant 0 : index
    %get3A_42 = arith.constant 0 : index
    %get3A_43 = vector.load %arg8[%get3A_41, %get3A_42] : memref<1x128xf32, #tpu.memory_space<vmem>>, vector<1x128xf32>
    %get3A_44 = arith.constant 0 : index
    %get3A_45 = arith.constant 0 : index
    %get3A_46 = vector.load %arg9[%get3A_44, %get3A_45] : memref<1x128xf32, #tpu.memory_space<vmem>>, vector<1x128xf32>
    %reduce_sum3A_47 = arith.constant dense<0.000000e+00> : vector<2000xf32>
    %reduce_sum3A_48 = vector.multi_reduction <add>, %dot_general3A_40, %reduce_sum3A_47 [1] : vector<2000x128xf32> to vector<2000xf32>
    %broadcast_in_dim3A_49 = vector.shape_cast %reduce_sum3A_48 : vector<2000xf32> to vector<2000x1xf32>
    %div3A_50 = arith.constant 1.280000e+02 : f32
    %div3A_51 = vector.broadcast %div3A_50 : f32 to vector<2000x1xf32>
    %div3A_52 = arith.divf %broadcast_in_dim3A_49, %div3A_51 : vector<2000x1xf32>
    %sub3A_53 = vector.broadcast %div3A_52 : vector<2000x1xf32> to vector<2000x128xf32>
    %sub3A_54 = arith.subf %dot_general3A_40, %sub3A_53 : vector<2000x128xf32>
    %integer_pow3A_55 = arith.mulf %sub3A_54, %sub3A_54 : vector<2000x128xf32>
    %reduce_sum3A_56 = arith.constant dense<0.000000e+00> : vector<2000xf32>
    %reduce_sum3A_57 = vector.multi_reduction <add>, %integer_pow3A_55, %reduce_sum3A_56 [1] : vector<2000x128xf32> to vector<2000xf32>
    %broadcast_in_dim3A_58 = vector.shape_cast %reduce_sum3A_57 : vector<2000xf32> to vector<2000x1xf32>
    %div3A_59 = arith.constant 1.280000e+02 : f32
    %div3A_60 = vector.broadcast %div3A_59 : f32 to vector<2000x1xf32>
    %div3A_61 = arith.divf %broadcast_in_dim3A_58, %div3A_60 : vector<2000x1xf32>
    %sub3A_62 = vector.broadcast %div3A_52 : vector<2000x1xf32> to vector<2000x128xf32>
    %sub3A_63 = arith.subf %dot_general3A_40, %sub3A_62 : vector<2000x128xf32>
    %add3A_64 = arith.constant 9.99999974E-6 : f32
    %add3A_65 = vector.broadcast %add3A_64 : f32 to vector<2000x1xf32>
    %add3A_66 = arith.addf %div3A_61, %add3A_65 : vector<2000x1xf32>
    %sqrt3A_67 = math.sqrt %add3A_66 : vector<2000x1xf32>
    %div3A_68 = vector.broadcast %sqrt3A_67 : vector<2000x1xf32> to vector<2000x128xf32>
    %div3A_69 = arith.divf %sub3A_63, %div3A_68 : vector<2000x128xf32>
    %mul3A_70 = vector.broadcast %get3A_43 : vector<1x128xf32> to vector<2000x128xf32>
    %mul3A_71 = arith.mulf %div3A_69, %mul3A_70 : vector<2000x128xf32>
    %add3A_72 = vector.broadcast %get3A_46 : vector<1x128xf32> to vector<2000x128xf32>
    %add3A_73 = arith.addf %mul3A_71, %add3A_72 : vector<2000x128xf32>
    %get3A_74 = arith.constant 0 : index
    %get3A_75 = arith.constant 0 : index
    %get3A_76 = vector.load %arg4[%get3A_74, %get3A_75] : memref<2000x128xf32, #tpu.memory_space<vmem>>, vector<2000x128xf32>
    %add3A_77 = arith.addf %add3A_73, %get3A_76 : vector<2000x128xf32>
    %max3A_78 = arith.constant 0.000000e+00 : f32
    %max3A_79 = vector.broadcast %max3A_78 : f32 to vector<2000x128xf32>
    %max3A_80 = arith.maximumf %add3A_77, %max3A_79 : vector<2000x128xf32>
    %swap3A = arith.constant 0 : index
    %swap3A_81 = arith.constant 0 : index
    %swap3A_82 = vector.load %arg10[%swap3A, %swap3A_81] : memref<2000x128xf32, #tpu.memory_space<vmem>>, vector<2000x128xf32>
    tpu.vector_store %arg10[%swap3A, %swap3A_81], %max3A_80 {strides = array<i32>} : memref<2000x128xf32, #tpu.memory_space<vmem>>, vector<2000x128xf32>,
    return
  }
  func.func @transform_0(%arg0: i32) -> (i32, i32) {
    %c0_i32 = arith.constant 0 : i32
    %c0_i32_0 = arith.constant 0 : i32
    return %arg0, %c0_i32 : i32, i32
  }
  func.func @transform_1(%arg0: i32) -> (i32, i32) {
    %c0_i32 = arith.constant 0 : i32
    %c0_i32_0 = arith.constant 0 : i32
    return %arg0, %c0_i32 : i32, i32
  }
  func.func @transform_2(%arg0: i32) -> (i32, i32) {
    %c0_i32 = arith.constant 0 : i32
    %c0_i32_0 = arith.constant 0 : i32
    return %arg0, %c0_i32 : i32, i32
  }
  func.func @transform_3(%arg0: i32) -> (i32, i32) {
    %c0_i32 = arith.constant 0 : i32
    %c0_i32_0 = arith.constant 0 : i32
    return %arg0, %c0_i32 : i32, i32
  }
  func.func @transform_4(%arg0: i32) -> (i32, i32) {
    %c0_i32 = arith.constant 0 : i32
    %c0_i32_0 = arith.constant 0 : i32
    %c0_i32_1 = arith.constant 0 : i32
    return %c0_i32, %c0_i32_0 : i32, i32
  }
  func.func @transform_5(%arg0: i32) -> (i32, i32) {
    %c0_i32 = arith.constant 0 : i32
    %c0_i32_0 = arith.constant 0 : i32
    %c0_i32_1 = arith.constant 0 : i32
    return %c0_i32, %c0_i32_0 : i32, i32
  }
  func.func @transform_6(%arg0: i32) -> (i32, i32) {
    %c0_i32 = arith.constant 0 : i32
    %c0_i32_0 = arith.constant 0 : i32
    %c0_i32_1 = arith.constant 0 : i32
    return %c0_i32, %c0_i32_0 : i32, i32
  }
  func.func @transform_7(%arg0: i32) -> (i32, i32) {
    %c0_i32 = arith.constant 0 : i32
    %c0_i32_0 = arith.constant 0 : i32
    %c0_i32_1 = arith.constant 0 : i32
    return %c0_i32, %c0_i32_0 : i32, i32
  }
  func.func @transform_8(%arg0: i32) -> (i32, i32) {
    %c0_i32 = arith.constant 0 : i32
    %c0_i32_0 = arith.constant 0 : i32
    %c0_i32_1 = arith.constant 0 : i32
    return %c0_i32, %c0_i32_0 : i32, i32
  }
  func.func @transform_9(%arg0: i32) -> (i32, i32) {
    %c0_i32 = arith.constant 0 : i32
    %c0_i32_0 = arith.constant 0 : i32
    return %arg0, %c0_i32 : i32, i32
  }
}

</mosaic_0001>

<sc_bundles>
// kernel: kernel.14.cloned.1.call-start
scs
__scs_entry_jumppad:
0x0: {  	(pc) =	sbr.rel $0x88, $3  }
0x1: {  	(tag) =	ssettag $0x0;
	lr =	simm.s32 $0x1  }
0x2: {  	[smem:$0x3F73] =	sst lr;
	_ =	strace $0xD0000000  }
0x3: {  	_ = 	snop  }
0x4: {  	_ = 	snop  }
0x5: {  	_ = 	snop  }
0x6: {  	_ = 	snop  }
0x7: {  	_ = 	snop  }
__scs_overlays_trampoline_lowered:
0x8: {  	[smem:$0x3F82] =	sst s0  }
0x9: {  	[smem:$0x3F83] =	sst s1  }
0xa: {  	[smem:$0x3F84] =	sst s2  }
0xb: {  	[smem:$0x3F85] =	sst s3  }
0xc: {  	[smem:$0x3F86] =	sst s4  }
0xd: {  	[smem:$0x3F87] =	sst s5  }
0xe: {  	[smem:$0x3F88] =	sst s6  }
0xf: {  	[smem:$0x3F89] =	sst s7  }
0x10: {  	[smem:$0x3F8A] =	sst s8  }
0x11: {  	[smem:$0x3F8B] =	sst s9;
	s0 =	simm.s32 @!p0 $0x0  }
0x12: {  	s1 =	sld [smem:$0x3F71];
	s0 =	simm.s32 @p0 $0x1  }
0x13: {  	[smem:$0x3F8C] =	sst s0;
	s0 =	simm.s32 @!p1 $0x0  }
0x14: {  	s2 =	sld [smem:$0x3F70];
	s0 =	simm.s32 @p1 $0x1  }
0x15: {  	[smem:$0x3F8D] =	sst s0;
	s0 =	simm.s32 @!p2 $0x0  }
0x16: {  	s3 =	sld [smem:$0x3FDB];
	s0 =	simm.s32 @p2 $0x1  }
0x17: {  	s4 =	simm.s32 $0x1BF5;
	[smem:$0x3F8F] =	sst s0  }
0x18: {  	s0 =	sld [smem:$0x3F72];
	_ =	swait.ge [sflag:s4], $0x0  }
0x19: {  	s7 =	sld [smem:$0x3F73]  }
0x1a: {  	s8 =	sadd.s32 $0xFFFFE003, lr  }
0x1b: {  	s9 =	sadd.s32 $0xFFFFFEF7, lr;
	s5 =	simm.s32 $0xFFFFFFFF;
	p2 =	slt.u32 s8, $0xFFFFF086  }
0x1c: {  	p1 =	slt.u32 s9, $0xF7A;
	s5 =	simm.s32 @!p2 $0x0  }
0x1d: {  	s5 =	simm.s32 @p1 $0x1;
	p0 =	seq.s32 s7, s2  }
0x1e: {  	s7 =	smul.u32 @!p0 $0xF7A, s2;
	p2 =	seq.s32 @!p0 s5, $0x0  }
0x1f: {  	s9 =	smul.u32 $0xF7A, s1;
	s8 =	simm.s32 @!p0 $0x1BF5;
	p2 =	por !p2, p0  }
0x20: {  	[sflag:s8] =	ssyncset.s32 @!p0 $0xFFFFF086;
	s6 =	sadd.s32 @!p0 s3, s7;
	s7 =	simm.s32 @!p0 $0x108  }
0x21: {  	s3 =	sadd.s32 s3, s9;
	s6 =	sadd.s32 @!p0 $0x88, s6;
	s7 =	simm.s32 @p2 $0x1082  }
0x22: {  	[simem:s7], [sflag:s8] =	dma.local @!p0 [hbm:s6], $0xF7A  }
0x23: {  	s9 =	sor.u32 $0xD0000000, s2;
	s6 =	simm.s32 $0x108;
	_ =	swait.ge @!p0 [sflag:s8], $0x0  }
0x24: {  	s3 =	sadd.s32 $0x88, s3;
	s6 =	simm.s32 @!p1 $0x1082;
	[sflag:s4] =	ssyncset.s32 $0xFFFFF086  }
0x25: {  	[simem:s6], [sflag:s4] =	dma.local [hbm:s3], $0xF7A  }
0x26: {  	[smem:$0x3F73] =	sst s1;
	(tag) =	ssettag s2;
	_ =	strace s9  }
0x27: {  	s1 =	sld [smem:$0x3F83]  }
0x28: {  	s2 =	sld [smem:$0x3F84]  }
0x29: {  	s4 =	sld [smem:$0x3F86]  }
0x2a: {  	p0 =	seq.s32 s5, $0x0;
	s5 =	sld [smem:$0x3F87]  }
0x2b: {  	s6 =	sld [smem:$0x3F88]  }
0x2c: {  	s7 =	sld [smem:$0x3F89]  }
0x2d: {  	s3 =	simm.s32 $0x108;
	s8 =	sld [smem:$0x3F8A]  }
0x2e: {  	s3 =	simm.s32 @!p0 $0x1082;
	s9 =	sld [smem:$0x3F8B]  }
0x2f: {  	lr =	sadd.s32 s0, s3;
	s0 =	sld [smem:$0x3F82]  }
0x30: {  	s3 =	sld [smem:$0x3F85]  }
0x31: {  	[smem:$0x3F8E] =	sst s10  }
0x32: {  	s10 =	sld [smem:$0x3F8C];
	_ =	sdelay $0x3  }
0x33: {  	p0 =	seq.s32 s10, $0x1;
	s10 =	sld [smem:$0x3F8E];
	_ =	sdelay $0x3  }
0x34: {  	[smem:$0x3F8E] =	sst s10  }
0x35: {  	s10 =	sld [smem:$0x3F8D];
	_ =	sdelay $0x3  }
0x36: {  	p1 =	seq.s32 s10, $0x1;
	s10 =	sld [smem:$0x3F8E];
	_ =	sdelay $0x3  }
0x37: {  	[smem:$0x3F8E] =	sst s10  }
0x38: {  	s10 =	sld [smem:$0x3F8F]  }
0x39: {  	_ = 	snop;
	(pc) =	sbr.ind lr, $3  }
0x3a: {  	_ = 	snop  }
0x3b: {  	_ = 	snop  }
0x3c: {  	p2 =	seq.s32 s10, $0x1;
	s10 =	sld [smem:$0x3F8E]  }
0x3d: {  	_ =	shalt  }
0x3e: {  	_ =	shalt  }
0x3f: {  	_ =	shalt  }
0x40: {  	_ =	shalt  }
0x41: {  	_ =	shalt  }
0x42: {  	_ =	shalt  }
0x43: {  	_ =	shalt  }
0x44: {  	_ =	shalt  }
0x45: {  	_ =	shalt  }
0x46: {  	_ =	shalt  }
0x47: {  	_ =	shalt  }
0x48: {  	_ =	shalt  }
0x49: {  	_ =	shalt  }
0x4a: {  	_ =	shalt  }
0x4b: {  	_ =	shalt  }
0x4c: {  	_ =	shalt  }
0x4d: {  	_ =	shalt  }
0x4e: {  	_ =	shalt  }
0x4f: {  	_ =	shalt  }
0x50: {  	_ =	shalt  }
0x51: {  	_ =	shalt  }
0x52: {  	_ =	shalt  }
0x53: {  	_ =	shalt  }
0x54: {  	_ =	shalt  }
0x55: {  	_ =	shalt  }
0x56: {  	_ =	shalt  }
0x57: {  	_ =	shalt  }
0x58: {  	_ =	shalt  }
0x59: {  	_ =	shalt  }
0x5a: {  	_ =	shalt  }
0x5b: {  	_ =	shalt  }
0x5c: {  	_ =	shalt  }
0x5d: {  	_ =	shalt  }
0x5e: {  	_ =	shalt  }
0x5f: {  	_ =	shalt  }
0x60: {  	_ =	shalt  }
0x61: {  	_ =	shalt  }
0x62: {  	_ =	shalt  }
0x63: {  	_ =	shalt  }
0x64: {  	_ =	shalt  }
0x65: {  	_ =	shalt  }
0x66: {  	_ =	shalt  }
0x67: {  	_ =	shalt  }
0x68: {  	_ =	shalt  }
0x69: {  	_ =	shalt  }
0x6a: {  	_ =	shalt  }
0x6b: {  	_ =	shalt  }
0x6c: {  	_ =	shalt  }
0x6d: {  	_ =	shalt  }
0x6e: {  	_ =	shalt  }
0x6f: {  	_ =	shalt  }
0x70: {  	_ =	shalt  }
0x71: {  	_ =	shalt  }
0x72: {  	_ =	shalt  }
0x73: {  	_ =	shalt  }
0x74: {  	_ =	shalt  }
0x75: {  	_ =	shalt  }
0x76: {  	_ =	shalt  }
0x77: {  	_ =	shalt  }
0x78: {  	_ =	shalt  }
0x79: {  	_ =	shalt  }
0x7a: {  	_ =	shalt  }
0x7b: {  	_ =	shalt  }
0x7c: {  	_ =	shalt  }
0x7d: {  	_ =	shalt  }
0x7e: {  	_ =	shalt  }
0x7f: {  	_ =	shalt  }
0x80: {  	_ =	shalt  }
0x81: {  	_ =	shalt  }
0x82: {  	_ =	shalt  }
0x83: {  	_ =	shalt  }
0x84: {  	_ =	shalt  }
0x85: {  	_ =	shalt  }
0x86: {  	_ =	shalt  }
0x87: {  	_ =	shalt  }
.Lfunc_end0:
.L_simem_size_0:
called_computation_lowered:
.L_overlay_start_0:
0x88: {  	s2 =	sld [smem:$0x3FD9]  }
0x89: {  	s3 =	sld [smem:$0x3FFE];
	_ =	sdelay $0x1  }
0x8a: {  	s1 =	srdreg.scid  }
0x8b: {  	s0 =	sand.u32 $0x1, s1  }
0x8c: {  	s16 =	sshll.u32 s0, $0xA;
	s2 =	sadd.s32 s3, s2  }
0x8d: {  	s2 =	sadd.s32 s2, s16  }
0x8e: {  	[smem:$0x3F9A] =	sst s2  }
0x8f: {  	_ = 	snop  }
0x90: {  	(tm) =	ssettm $0x1  }
0x91: {  	s17 =	sld [smem:$0x3FFB];
	_ =	sdelay $0x3  }
0x92: {  	_ =	strace s17  }
0x93: {  	s2 =	sld [smem:$0x3FFC];
	_ =	sdelay $0x3  }
0x94: {  	_ =	strace s2  }
0x95: {  	s2 =	sld [smem:$0x3FFD];
	_ =	sdelay $0x3  }
0x96: {  	_ =	strace s2  }
0x97: {  	_ =	strace $0x8FFFFFFF  }
0x98: {  	s18 =	sld [smem:$0x3FDB];
	_ =	sdelay $0x1  }
0x99: {  	s19 =	simm.s32 $_scs_section_size  }
0x9a: {  	s4 =	simm.s32 $_size__tile_overlayer_lowered;
	s5 =	simm.s32 $_tile_overlayer_lowered  }
0x9b: {  	s22 =	simm.s32 $0x1BFF;
	s21 =	sshll.u32 s5, $0x1;
	s2 =	sadd.s32 s19, s18  }
0x9c: {  	s6 =	simm.s32 $0x0;
	s20 =	sshll.u32 s4, $0x1;
	s4 =	sadd.s32 s21, s2  }
0x9d: {  	[timem:s6], [sflag:s22] =	dma.local [hbm:s4], s20  }
0x9e: {  	_ =	swait.ge [sflag:s22], s20  }
0x9f: {  	s3 =	ssub.s32 $0x0, s20;
	[sflag:s22] =	ssyncset.done $0x0  }
0xa0: {  	[sflag:s22] =	ssyncadd.s32 s3;
	_ =	sdelay $0x1  }
0xa1: {  	s23 =	simm.s32 $0x1B8B  }
0xa2: {  	_ =	swait.ge [sflag:s23], $0x1  }
0xa3: {  	[sflag:s23] =	ssyncset.done $0x0  }
0xa4: {  	s25 =	simm.s32 $0x1B8E;
	s24 =	sld [smem:$0x3FFE];
	[sflag:s23] =	ssyncadd.s32 $0xFFFFFFFF  }
0xa5: {  	s26 =	simm.s32 $execute0_lowered;
	[smem:$0x3FD2] =	sst s25  }
0xa6: {  	s4 =	sshll.u32 s26, $0x1;
	_ =	strace $0x80000046;
	[dreg:$0x1] =	wrdreg $0xFFFFFFFF  }
0xa7: {  	s28 =	simm.s32 $_size_execute0_lowered;
	s2 =	sadd.s32 s2, s4;
	[dreg:$0x0] =	wrdreg $0x0  }
0xa8: {  	s4 =	sshll.u32 s28, $0x1;
	[dreg:$0x2] =	wrdreg s2  }
0xa9: {  	[dreg:$0x3] =	wrdreg s4  }
0xaa: {  	[dreg:$0x4] =	wrdreg $0xC0  }
0xab: {  	_ =	task [dreg:s6], $0x5FFFF  }
0xac: {  	[dreg:$0x1] =	wrdreg $0xFFFFFFFF  }
0xad: {  	[dreg:$0x0] =	wrdreg $0x60  }
0xae: {  	[dreg:$0x2] =	wrdreg s24  }
0xaf: {  	[dreg:$0x3] =	wrdreg $0x9  }
0xb0: {  	_ =	task.clear_ibuf [dreg:s6], $0x4FFFF;
	_ =	strace $0x90000046  }
0xb1: {  	s29 =	simm.s32 $0x9;
	_ =	strace $0x80000048  }
0xb2: {  	_ =	swait.ge [sflag:s29], $0x1  }
0xb3: {  	[sflag:s29] =	ssyncadd.s32 $0xFFFFFFFF  }
0xb4: {  	_ =	strace $0x90000048  }
0xb5: {  	_ =	sfence  }
0xb6: {  	s30 =	sld [smem:$0x0];
	_ =	sdelay $0x2  }
0xb7: {  	s31 =	sshll.u32 s1, $0xD;
	s1 =	sshrl.u32 s1, $0x2  }
0xb8: {  	s3 =	sand.u32 $0x4000, s31;
	s1 =	sadd.s32 s1, s30  }
0xb9: {  	s0 =	sor.u32 s3, s0;
	s1 =	sshll.u32 s1, $0x11  }
0xba: {  	s0 =	sor.u32 s1, s0  }
0xbb: {  	s0 =	sadd.s32 $0x8F2B, s0  }
0xbc: {  	[sflag:s0] =	ssyncadd.remote.s32 $0x1  }
0xbd: {  	_ =	sfence.sel $0xFFFF  }
0xbe: {  	[dreg:$0x0] =	wrdreg $0xFFFFFFFF;
	(pc) =	sbr.abs _section_cstart, $3  }
0xbf: {  	[dreg:$0x1] =	wrdreg $0xFFFFFFFF  }
0xc0: {  	_ =	task.clear_ibuf [dreg:s6], $0x2FFFF;
	_ =	strace $0x9FFFFFFF  }
0xc1: {  	(tm) =	ssettm $0x7FFFFFFF  }
tec
execute0_lowered:
.L_overlay_start_1:
0x0: {  	(tag) =	ssettag $0x1  }
0x1: {  	s0 =	srdreg.scid;
	s10 =	stileid.u32  }
0x2: {  	s6 =	rddreg [dreg:$0x0];
	s2 =	simm.s32 $0x0;
	s15 =	simm.s32 $0x1  }
0x3: {  	s17 =	simm.s32 $0xD00;
	s18 =	simm.s32 $0xE80;
	s19 =	simm.s32 $0x80  }
0x4: {  	s20 =	simm.s32 $0x400;
	s21 =	simm.s32 $0x1000;
	s22 =	simm.s32 $0x5080  }
0x5: {  	s23 =	simm.s32 $0x9100;
	s24 =	simm.s32 $0xD180;
	s25 =	simm.s32 $0x11200  }
0x6: {  	s26 =	simm.s32 $0x0;
	s0 =	sand.u32 $0x1, s0;
	s1 =	sshll.u32 s10, $0x1  }
0x7: {  	[smem:$0x7FF] =	sst s2;
	s5 =	sshrl.u32 s10, $0x2;
	s10 =	smul.u32 $0xFFFFFD80, s10  }
0x8: {  	s1 =	sor.u32 s0, s1;
	s7 =	sshll.u32 s5, $0x11;
	_ =	strace $0x80000047  }
0x9: {  	s9 =	sshll.u32 s5, $0xA;
	s30 =	ssub.s32 $0x2, s0;
	s0 =	smul.u32 $0xFFFFFEC0, s0  }
0xa: {  	s3 =	smul.u32 $0x140, s1;
	s1 =	sshll.u32 s1, $0x7;
	s31 =	sshrl.u32 s30, $0x1  }
0xb: {  	s5 =	sadd.s32 $0xC000, s6;
	s1 =	sand.u32 $0x380, s1;
	s14 =	ssub.s32 s30, s31  }
0xc: {  	s0 =	sadd.s32 s10, s0;
	s4 =	sshrl.u32 s3, $0x3;
	s7 =	sor.u32 s7, s1  }
0xd: {  	s1 =	sor.u32 s9, s1;
	s0 =	sadd.s32 $0x2710, s0;
	s14 =	smax.u32 s14, $0x1  }
.Ltmp0:
0xe: {  	s8 =	sadd.s32 s4, s6;
	s4 =	sadd.s32 $0xC200, s6;
	(pc) =	sbr.rel .LBB2_1-.Ltmp0, $4  }
0xf: {  	s7 =	sshrl.u32 s7, $0x3;
	s1 =	sshrl.u32 s1, $0x3;
	s13 =	smin.u32 s0, $0x140  }
0x10: {  	s11 =	sadd.s32 s7, s6;
	s1 =	sadd.s32 s1, s6;
	s6 =	sadd.s32 $0xB400, s8  }
0x11: {  	s7 =	sadd.s32 $0xBA00, s8;
	s8 =	sadd.s32 $0x2C400, s11;
	s9 =	sadd.s32 $0x3C400, s11  }
0x12: {  	v0 =	vimm.s32 $0x0;
	v1 =	vlaneseq.u32;
	s10 =	sadd.s32 $0xC400, s11;
	s11 =	sadd.s32 $0x1C400, s11;
	s12 =	sadd.s32 $0x4C400, s1  }
.LBB2_9:
0x13: {  	v2 =	vmov s28  }
0x14: {  	[tilespmem:$0x11200] =	vst v2  }
0x15: {  	[hbm4b:s8+s19] =	stream.strided.scatter [tilespmem:s21], [sflag:$0x1], $0x4000, s20, s19, $0x38;
	[tilespmem:$0x11300] =	vst v63  }
0x16: {  	_ =	swait.ge [sflag:s15], $0x4000  }
0x17: {  	[sflag:s15] =	ssyncset.done $0x0  }
0x18: {  	[sflag:s15] =	ssyncadd.s32 $0xFFFFC000  }
0x19: {  	[hbm4b:s9+s19] =	stream.strided.scatter [tilespmem:s22], [sflag:$0x1], $0x4000, s20, s19, $0x38;
	[tilespmem:$0x11300] =	vst v63  }
0x1a: {  	_ =	swait.ge [sflag:s15], $0x4000  }
0x1b: {  	[sflag:s15] =	ssyncset.done $0x0  }
0x1c: {  	[sflag:s15] =	ssyncadd.s32 $0xFFFFC000  }
0x1d: {  	[hbm4b:s10+s19] =	stream.strided.scatter [tilespmem:s23], [sflag:$0x1], $0x4000, s20, s19, $0x38;
	[tilespmem:$0x11300] =	vst v63  }
0x1e: {  	_ =	swait.ge [sflag:s15], $0x4000  }
0x1f: {  	[sflag:s15] =	ssyncset.done $0x0  }
0x20: {  	[sflag:s15] =	ssyncadd.s32 $0xFFFFC000  }
0x21: {  	[hbm4b:s11+s19] =	stream.strided.scatter [tilespmem:s24], [sflag:$0x1], $0x4000, s20, s19, $0x38;
	[tilespmem:$0x11300] =	vst v63  }
0x22: {  	s26 =	sadd.s32 $0x1, s26;
	_ =	swait.ge [sflag:s15], $0x4000  }
0x23: {  	p0 =	sne.s32 s26, s14;
	[sflag:s15] =	ssyncset.done $0x0  }
.Ltmp1:
0x24: {  	[sflag:s15] =	ssyncadd.s32 $0xFFFFC000;
	(pc) =	sbr.rel @!p0 .LBB2_10-.Ltmp1, $4  }
0x25: {  	[hbm4b:s12+s2] =	stream.linear.scatter [tilespmem:s25], [sflag:$0x1], $0x80, $0x38;
	[tilespmem:$0x11300] =	vst v63  }
0x26: {  	_ =	swait.ge [sflag:s15], $0x80  }
0x27: {  	[sflag:s15] =	ssyncset.done $0x0  }
0x28: {  	[sflag:s15] =	ssyncadd.s32 $0xFFFFFF80  }
.LBB2_1:
0x29: {  	[tilespmem:s2], [sflag:$0x1] =	stream.linear.gather [hbm4b:s4+s2], $0x680, $0x38;
	[tilespmem:$0x11300] =	vst v63  }
0x2a: {  	_ =	swait.ge [sflag:s15], $0x680  }
0x2b: {  	[sflag:s15] =	ssyncset.done $0x0  }
0x2c: {  	s0 =	simm.s32 $0x680;
	[sflag:s15] =	ssyncadd.s32 $0xFFFFF980  }
0x2d: {  	[tilespmem:s0], [sflag:$0x1] =	stream.linear.gather [hbm4b:s5+s2], $0x680, $0x38;
	[tilespmem:$0x11300] =	vst v63  }
0x2e: {  	_ =	swait.ge [sflag:s15], $0x680  }
0x2f: {  	[sflag:s15] =	ssyncset.done $0x0  }
0x30: {  	[sflag:s15] =	ssyncadd.s32 $0xFFFFF980  }
0x31: {  	[tilespmem:s17], [sflag:$0x1] =	stream.linear.gather [hbm4b:s6+s2], $0x140, $0x38;
	[tilespmem:$0x11300] =	vst v63  }
0x32: {  	_ =	swait.ge [sflag:s15], $0x140  }
0x33: {  	[sflag:s15] =	ssyncset.done $0x0  }
0x34: {  	[sflag:s15] =	ssyncadd.s32 $0xFFFFFEC0  }
0x35: {  	[tilespmem:s18], [sflag:$0x1] =	stream.linear.gather [hbm4b:s7+s2], $0x140, $0x38;
	[tilespmem:$0x11300] =	vst v63  }
0x36: {  	_ =	swait.ge [sflag:s15], $0x140  }
0x37: {  	[sflag:s15] =	ssyncset.done $0x0  }
0x38: {  	s1 =	simm.s32 $0x0;
	s0 =	simm.s32 $0x40;
	[sflag:s15] =	ssyncadd.s32 $0xFFFFFEC0  }
.LBB2_2:
0x39: {  	p0 =	sne.s32 s0, $0x10000;
	[tilespmem:s1+$0x1000] =	vst v0;
	s28 =	smov.u32 s0;
	s0 =	sadd.s32 $0x40, s0  }
.Ltmp2:
0x3a: {  	[tilespmem:s1+$0x5080] =	vst v0;
	(pc) =	sbr.rel @p0 .LBB2_2-.Ltmp2, $2  }
0x3b: {  	_ =	sdelay $0x2  }
0x3c: {  	s1 =	sshra.s32 s28, $0x2  }
.Ltmp3:
0x3d: {  	(pc) =	sbr.rel .LBB2_4-.Ltmp3, $4  }
0x3e: {  	[tilespmem:s1+$0x1000] =	vst v0  }
0x3f: {  	[tilespmem:s1+$0x5080] =	vst v0  }
0x40: {  	[tilespmem:$0x11280] =	vst v0  }
0x41: {  	s28 =	simm.s32 $0x0;
	s29 =	simm.s32 $0x0;
	[tilespmem:$0x112A0] =	vst v0  }
.LBB2_8:
0x42: {  	s29 =	sadd.s32 $0x1, s29  }
0x43: {  	p0 =	sne.s32 s29, s13  }
.Ltmp4:
0x44: {  	_ = 	snop;
	(pc) =	sbr.rel @!p0 .LBB2_9-.Ltmp4, $1  }
0x45: {  	_ =	sdelay $0x3  }
.LBB2_4:
.Ltmp5:
0x46: {  	(pc) =	sbr.rel .LBB2_5-.Ltmp5, $3  }
0x47: {  	_ =	sdelay $0x1  }
0x48: {  	v2 =	vld.msk [tilespmem:s29+$0xD00 ss:$0x0], $0xffff;
	s0 =	sadd.s32 s3, s29  }
0x49: {  	v3 =	vld.msk [tilespmem:s29+$0xE80 ss:$0x0], $0xffff;
	s30 =	simm.s32 $0xF;
	s31 =	simm.s32 $0x680;
	s1 =	simm.s32 $0x0;
	v4 =	vmov s0  }
.LBB2_7:
0x4a: {  	s30 =	sadd.s32 $0x10, s30  }
0x4b: {  	p0 =	sne.s32 s30, $0x64F  }
.Ltmp6:
0x4c: {  	_ = 	snop;
	(pc) =	sbr.rel @!p0 .LBB2_8-.Ltmp6, $2  }
0x4d: {  	_ =	sdelay $0x2  }
0x4e: {  	s1 =	sadd.s32 $0x10, s1;
	s31 =	sadd.s32 $0x10, s31  }
.LBB2_5:
0x4f: {  	v5 =	vld [tilespmem:s1+$0x0]  }
0x50: {  	v7 =	vld [tilespmem:s31+$0x0];
	_ =	sdelay $0x4  }
0x51: {  	v6 =	vsub.f32 v2, v5;
	v5 =	vsub.f32 v3, v7;
	_ =	sdelay $0x1  }
0x52: {  	v7 =	vmul.f32 v6, v6;
	v8 =	vmul.f32 v5, v5;
	_ =	sdelay $0x1  }
0x53: {  	v7 =	vadd.f32 v8, v7;
	_ =	sdelay $0x1  }
0x54: {  	v7 =	vadd.f32 $9.999999970e-07, v7;
	_ =	sdelay $0x1  }
0x55: {  	vm0 =	vle.f32 v7, $6.400000000e+01  }
0x56: {  	v7 =	vsel vm0, $0x1, v0  }
0x57: {  	[tilespmem:$0x11290] =	vst v7  }
0x58: {  	v8 =	vld [tilespmem:$0x1128F];
	_ =	sdelay $0x4  }
0x59: {  	v8 =	vadd.s32 v7, v8  }
0x5a: {  	[tilespmem:$0x11290] =	vst v8  }
0x5b: {  	v9 =	vld [tilespmem:$0x1128E];
	_ =	sdelay $0x4  }
0x5c: {  	v8 =	vadd.s32 v9, v8  }
0x5d: {  	[tilespmem:$0x11290] =	vst v8  }
0x5e: {  	v9 =	vld [tilespmem:$0x1128C];
	_ =	sdelay $0x4  }
0x5f: {  	v8 =	vadd.s32 v9, v8  }
0x60: {  	[tilespmem:$0x11290] =	vst v8  }
0x61: {  	v9 =	vld [tilespmem:$0x11288];
	_ =	sdelay $0x4  }
0x62: {  	v8 =	vadd.s32 v9, v8  }
0x63: {  	(v2sf) =	vpush v8, $0xF;
	_ =	sdelay $0xe  }
0x64: {  	s0 =	spop (v2sf)  }
0x65: {  	p0 =	slt.s32 s0, $0x1  }
.Ltmp7:
0x66: {  	_ = 	snop;
	(pc) =	sbr.rel @p0 .LBB2_7-.Ltmp7, $1  }
0x67: {  	_ =	sdelay $0x3  }
0x68: {  	v10 =	vbroadcast v7, $0x0;
	v12 =	vbroadcast v6, $0x0  }
0x69: {  	v13 =	vbroadcast v7, $0x1;
	v60 =	vbroadcast v5, $0x0  }
0x6a: {  	v16 =	vbroadcast v6, $0x1;
	v17 =	vbroadcast v7, $0x2  }
0x6b: {  	v61 =	vbroadcast v5, $0x1;
	v22 =	vbroadcast v6, $0x2  }
0x6c: {  	v24 =	vbroadcast v5, $0x2;
	v18 =	vbroadcast v7, $0x3  }
0x6d: {  	v29 =	vbroadcast v6, $0x3;
	v30 =	vbroadcast v7, $0x4  }
0x6e: {  	v32 =	vbroadcast v5, $0x3;
	v35 =	vbroadcast v6, $0x4  }
0x6f: {  	v36 =	vbroadcast v7, $0x5;
	v37 =	vbroadcast v5, $0x4  }
0x70: {  	v40 =	vbroadcast v6, $0x5;
	v42 =	vbroadcast v5, $0x5  }
0x71: {  	v43 =	vbroadcast v7, $0x6;
	v48 =	vbroadcast v6, $0x6  }
0x72: {  	v49 =	vbroadcast v7, $0x7;
	v52 =	vbroadcast v5, $0x6  }
0x73: {  	v8 =	vadd.s32 $0xFFFFFFFF, v8;
	v55 =	vbroadcast v6, $0x7;
	v56 =	vbroadcast v7, $0x8  }
0x74: {  	v57 =	vbroadcast v5, $0x7;
	v9 =	vbroadcast v8, $0x0  }
0x75: {  	v11 =	vbroadcast v8, $0x1;
	v15 =	vbroadcast v8, $0x2  }
0x76: {  	v23 =	vbroadcast v8, $0x3;
	v28 =	vbroadcast v8, $0x4  }
0x77: {  	v34 =	vbroadcast v8, $0x5;
	v41 =	vbroadcast v8, $0x6  }
0x78: {  	v47 =	vbroadcast v8, $0x7;
	v54 =	vbroadcast v8, $0x8  }
0x79: {  	vm0 =	veq.s32 v9, v1;
	vm13 =	veq.s32 v11, v1;
	vm14 =	veq.s32 v15, v1  }
0x7a: {  	vm15 =	veq.s32 v23, v1;
	vm5 =	veq.s32 v34, v1;
	vm6 =	veq.s32 v41, v1  }
0x7b: {  	v23 =	vbroadcast v6, $0x9;
	v41 =	vbroadcast v6, $0xC;
	v9 =	vnsel vm0, $0x0, v10  }
0x7c: {  	v13 =	vnsel vm13, $0x0, v13;
	v63 =	vnsel vm14, $0x0, v17;
	v17 =	vnsel vm5, $0x0, v36  }
0x7d: {  	v45 =	vnsel vm6, $0x0, v43;
	v36 =	vbroadcast v6, $0xB;
	v43 =	vbroadcast v5, $0xC  }
0x7e: {  	v26 =	vnsel vm15, $0x0, v18;
	v10 =	vcvt.s32.f32 v9;
	v14 =	vcvt.s32.f32 v13  }
0x7f: {  	v21 =	vcvt.s32.f32 v63;
	v27 =	vcvt.s32.f32 v26  }
0x80: {  	vm4 =	veq.s32 v28, v1;
	v39 =	vcvt.s32.f32 v17;
	v46 =	vcvt.s32.f32 v45  }
0x81: {  	vm7 =	veq.s32 v47, v1;
	v59 =	vmul.f32 v10, v12;
	v10 =	vmul.f32 v10, v60  }
0x82: {  	s16 =	sadd.s32 $0xFFFFFFF1, s30;
	vm8 =	veq.s32 v54, v1;
	v62 =	vmul.f32 v14, v16;
	v12 =	vmul.f32 v14, v61  }
0x83: {  	v9 =	vmul.u32 s16, v9;
	s16 =	sadd.s32 $0xFFFFFFF2, s30;
	v14 =	vmul.f32 v21, v24;
	v15 =	vmul.f32 v39, v40  }
0x84: {  	v13 =	vmul.u32 s16, v13;
	s16 =	sadd.s32 $0xFFFFFFF3, s30;
	v51 =	vmul.f32 v46, v48;
	v60 =	vbroadcast v6, $0x8  }
0x85: {  	v25 =	vmul.u32 s16, v63;
	v61 =	vbroadcast v8, $0x9;
	v63 =	vbroadcast v7, $0x9  }
0x86: {  	s16 =	sadd.s32 $0xFFFFFFF4, s30;
	v16 =	vnsel vm4, $0x0, v30;
	v24 =	vbroadcast v7, $0xA;
	v30 =	vbroadcast v6, $0xA  }
0x87: {  	v9 =	vadd.s32 v13, v9;
	v13 =	vmul.f32 v21, v22;
	v31 =	vmul.u32 s16, v26  }
0x88: {  	v33 =	vcvt.s32.f32 v16;
	s16 =	sadd.s32 $0xFFFFFFF5, s30;
	v22 =	vbroadcast v8, $0xA;
	v11 =	vadd.f32 $0.0e+00, v59  }
0x89: {  	v10 =	vadd.f32 $0.0e+00, v10;
	v9 =	vadd.s32 v25, v9;
	v16 =	vmul.u32 s16, v16  }
0x8a: {  	s16 =	sadd.s32 $0xFFFFFFF6, s30;
	vm9 =	veq.s32 v61, v1;
	v9 =	vadd.s32 v31, v9;
	v38 =	vmul.f32 v33, v37  }
0x8b: {  	v44 =	vmul.u32 s16, v17;
	v17 =	vnsel vm8, $0x0, v56;
	v20 =	vnsel vm9, $0x0, v63  }
0x8c: {  	vm10 =	veq.s32 v22, v1;
	v31 =	vbroadcast v7, $0xB;
	v56 =	vbroadcast v5, $0xD  }
0x8d: {  	s16 =	sadd.s32 $0xFFFFFFF7, s30;
	v11 =	vadd.f32 v11, v62;
	v10 =	vadd.f32 v10, v12;
	v12 =	vmul.f32 v27, v32  }
0x8e: {  	v9 =	vadd.s32 v16, v9;
	v50 =	vmul.u32 s16, v45;
	v59 =	vcvt.s32.f32 v17  }
0x8f: {  	v16 =	vnsel vm7, $0x0, v49;
	s16 =	sadd.s32 $0xFFFFFFF8, s30;
	v62 =	vbroadcast v5, $0x8;
	v21 =	vcvt.s32.f32 v20  }
0x90: {  	v9 =	vadd.s32 v44, v9;
	v53 =	vcvt.s32.f32 v16;
	v16 =	vmul.u32 s16, v16  }
0x91: {  	v44 =	vbroadcast v7, $0xD;
	v11 =	vadd.f32 v11, v13;
	v13 =	vmul.f32 v27, v29  }
0x92: {  	v10 =	vadd.f32 v10, v14;
	v26 =	vmul.f32 v21, v23;
	v27 =	vbroadcast v5, $0x9  }
0x93: {  	s16 =	sadd.s32 $0xFFFFFFF9, s30;
	v9 =	vadd.s32 v50, v9;
	v29 =	vbroadcast v8, $0xB;
	v50 =	vbroadcast v6, $0xD  }
0x94: {  	v19 =	vmul.u32 s16, v17;
	s16 =	sadd.s32 $0xFFFFFFFA, s30;
	v14 =	vmul.f32 v53, v55;
	v58 =	vmul.f32 v53, v57  }
0x95: {  	v9 =	vadd.s32 v16, v9;
	v25 =	vmul.u32 s16, v20;
	v16 =	vnsel vm10, $0x0, v24  }
0x96: {  	v11 =	vadd.f32 v11, v13;
	v13 =	vmul.f32 v33, v35;
	v10 =	vadd.f32 v10, v12  }
0x97: {  	s16 =	sadd.s32 $0xFFFFFFFB, s30;
	v12 =	vmul.f32 v46, v52;
	v9 =	vadd.s32 v19, v9;
	v28 =	vcvt.s32.f32 v16  }
0x98: {  	v32 =	vmul.u32 s16, v16;
	vm11 =	veq.s32 v29, v1;
	v33 =	vbroadcast v5, $0xA  }
0x99: {  	v35 =	vbroadcast v8, $0xC;
	v19 =	vbroadcast v7, $0xC;
	v9 =	vadd.s32 v25, v9  }
0x9a: {  	v17 =	vnsel vm11, $0x0, v31;
	v11 =	vadd.f32 v11, v13;
	v10 =	vadd.f32 v10, v38  }
0x9b: {  	s16 =	sadd.s32 $0xFFFFFFFC, s30;
	v13 =	vmul.f32 v39, v42;
	v34 =	vcvt.s32.f32 v17;
	v9 =	vadd.s32 v32, v9  }
0x9c: {  	vm12 =	veq.s32 v35, v1;
	v37 =	vmul.u32 s16, v17;
	v39 =	vbroadcast v5, $0xB  }
0x9d: {  	v42 =	vbroadcast v8, $0xD;
	v8 =	vbroadcast v8, $0xE;
	v38 =	vnsel vm12, $0x0, v19  }
0x9e: {  	v11 =	vadd.f32 v11, v15;
	v10 =	vadd.f32 v10, v13;
	v15 =	vmul.f32 v59, v60  }
0x9f: {  	s16 =	sadd.s32 $0xFFFFFFFD, s30;
	v13 =	vmul.f32 v59, v62;
	v40 =	vcvt.s32.f32 v38;
	v9 =	vadd.s32 v37, v9  }
0xa0: {  	vm13 =	veq.s32 v42, v1;
	v47 =	vmul.u32 s16, v38;
	v11 =	vadd.f32 v11, v51  }
0xa1: {  	vm14 =	veq.s32 v8, v1;
	v62 =	vbroadcast v5, $0xE;
	v10 =	vadd.f32 v10, v12  }
0xa2: {  	v5 =	vbroadcast v5, $0xF;
	v48 =	vnsel vm13, $0x0, v44;
	v11 =	vadd.f32 v11, v14  }
0xa3: {  	v12 =	vmul.f32 v21, v27;
	v45 =	vmul.f32 v40, v41;
	v10 =	vadd.f32 v10, v58  }
0xa4: {  	v46 =	vmul.f32 v40, v43;
	v49 =	vcvt.s32.f32 v48;
	v11 =	vadd.f32 v11, v15  }
0xa5: {  	s16 =	sadd.s32 $0xFFFFFFFE, s30;
	v9 =	vadd.s32 v47, v9;
	v51 =	vbroadcast v7, $0xE;
	v10 =	vadd.f32 v10, v13  }
0xa6: {  	v52 =	vmul.u32 s16, v48;
	v14 =	vmul.f32 v28, v30;
	v11 =	vadd.f32 v11, v26  }
0xa7: {  	s16 =	sadd.s32 $0xFFFFFFFF, s0;
	v7 =	vbroadcast v7, $0xF;
	v13 =	vmul.f32 v28, v33;
	v10 =	vadd.f32 v10, v12  }
0xa8: {  	v59 =	vmov s16;
	v15 =	vmul.f32 v34, v36;
	v11 =	vadd.f32 v11, v14  }
0xa9: {  	v54 =	vmul.f32 v49, v50;
	v12 =	vmul.f32 v34, v39;
	v10 =	vadd.f32 v10, v13  }
0xaa: {  	v55 =	vnsel vm14, $0x0, v51;
	v9 =	vadd.s32 v52, v9;
	v11 =	vadd.f32 v11, v15  }
0xab: {  	v58 =	vbroadcast v6, $0xE;
	v60 =	vmul.f32 v49, v56;
	v10 =	vadd.f32 v10, v12  }
0xac: {  	vm15 =	veq.s32 v59, v1;
	v57 =	vcvt.s32.f32 v55;
	v11 =	vadd.f32 v11, v45  }
0xad: {  	v6 =	vbroadcast v6, $0xF;
	v7 =	vnsel vm15, $0x0, v7;
	v53 =	vadd.f32 v10, v46  }
0xae: {  	s16 =	sadd.s32 $0xFFFFFFFF, s30;
	v63 =	vcvt.s32.f32 v7;
	v61 =	vmul.f32 v57, v58;
	v10 =	vadd.f32 v11, v54  }
0xaf: {  	v13 =	vmul.f32 v57, v62;
	v14 =	vmul.u32 s16, v55;
	v8 =	vadd.f32 v53, v60  }
0xb0: {  	v7 =	vmul.u32 s30, v7;
	v6 =	vmul.f32 v63, v6;
	v10 =	vadd.f32 v10, v61  }
0xb1: {  	v5 =	vmul.f32 v63, v5;
	v9 =	vadd.s32 v14, v9;
	v8 =	vadd.f32 v8, v13  }
0xb2: {  	[tilespmem:s28+$0x1000] =	vst v4;
	v7 =	vadd.s32 v7, v9;
	v6 =	vadd.f32 v10, v6  }
.Ltmp8:
0xb3: {  	[tilespmem:s28+$0x5080] =	vst v7;
	v5 =	vadd.f32 v8, v5;
	(pc) =	sbr.rel .LBB2_7-.Ltmp8, $4  }
0xb4: {  	[tilespmem:s28+$0x9100] =	vst v6  }
0xb5: {  	[tilespmem:s28+$0xD180] =	vst v5;
	s28 =	sadd.s32 s28, s0  }
0xb6: {  	p0 =	slt.s32 s28, $0x4000  }
0xb7: {  	s28 =	simm.s32 @!p0 $0x4000  }
.LBB2_10:
0xb8: {  	_ =	sfence.sel $0x180000  }
0xb9: {  	[bflag:$0x0] =	sbarrier.arrive $0xFFFF  }
0xba: {  	_ =	strace $0x90000047  }
0xbb: {  	s0 =	stileid.u32;
	[bflag:$0x2] =	sbarrier.arrive $0xFFFF  }
0xbc: {  	p0 =	sne.s32 s0, $0x0;
	s0 =	rddreg [dreg:$0x1]  }
0xbd: {  	s0 =	sadd.s32 @!p0 $0x100000, s0  }
0xbe: {  	[sflag:s0] =	ssyncadd.tile.s32 @!p0 $0x1;
	_ =	shalt  }
.Lfunc_end2:
_tile_overlayer_lowered:
.L_overlay_start_2:
0xbf: {  	(tag) =	ssettag $0x2  }
0xc0: {  	s0 =	rddreg [dreg:$0x0];
	s2 =	stileid.u32  }
0xc1: {  	s1 =	rddreg [dreg:$0x1];
	p0 =	sne.s32 s2, $0x0  }
0xc2: {  	s3 =	rddreg [dreg:$0x2];
	[bflag:$0x3] =	sbarrier.arrive $0xFFFF;
	s2 =	simm.s32 @!p0 $0x1C01  }
0xc3: {  	[timem:s3], [sflag:s2] =	dma.local @!p0 [hbm:s0], s1  }
0xc4: {  	s0 =	simm.s32 @!p0 $0x1  }
0xc5: {  	_ =	swait.ge @!p0 [sflag:s0], s1  }
0xc6: {  	s1 =	ssub.s32 @!p0 $0x0, s1;
	[sflag:s0] =	ssyncset.done @!p0 $0x0  }
0xc7: {  	[sflag:s0] =	ssyncadd.s32 @!p0 s1  }
0xc8: {  	[bflag:$0x3] =	sbarrier.arrive $0xFFFF  }
0xc9: {  	_ =	shalt  }

// kernel: kernel.17.cloned.1.call-start
scs
__scs_entry_jumppad:
0x0: {  	(pc) =	sbr.rel $0x88, $3  }
0x1: {  	(tag) =	ssettag $0x0;
	lr =	simm.s32 $0x1  }
0x2: {  	[smem:$0x3F73] =	sst lr;
	_ =	strace $0xD0000000  }
0x3: {  	_ = 	snop  }
0x4: {  	_ = 	snop  }
0x5: {  	_ = 	snop  }
0x6: {  	_ = 	snop  }
0x7: {  	_ = 	snop  }
__scs_overlays_trampoline_lowered:
0x8: {  	[smem:$0x3F82] =	sst s0  }
0x9: {  	[smem:$0x3F83] =	sst s1  }
0xa: {  	[smem:$0x3F84] =	sst s2  }
0xb: {  	[smem:$0x3F85] =	sst s3  }
0xc: {  	[smem:$0x3F86] =	sst s4  }
0xd: {  	[smem:$0x3F87] =	sst s5  }
0xe: {  	[smem:$0x3F88] =	sst s6  }
0xf: {  	[smem:$0x3F89] =	sst s7  }
0x10: {  	[smem:$0x3F8A] =	sst s8  }
0x11: {  	[smem:$0x3F8B] =	sst s9;
	s0 =	simm.s32 @!p0 $0x0  }
0x12: {  	s1 =	sld [smem:$0x3F71];
	s0 =	simm.s32 @p0 $0x1  }
0x13: {  	[smem:$0x3F8C] =	sst s0;
	s0 =	simm.s32 @!p1 $0x0  }
0x14: {  	s2 =	sld [smem:$0x3F70];
	s0 =	simm.s32 @p1 $0x1  }
0x15: {  	[smem:$0x3F8D] =	sst s0;
	s0 =	simm.s32 @!p2 $0x0  }
0x16: {  	s3 =	sld [smem:$0x3FDB];
	s0 =	simm.s32 @p2 $0x1  }
0x17: {  	s4 =	simm.s32 $0x1BF5;
	[smem:$0x3F8F] =	sst s0  }
0x18: {  	s0 =	sld [smem:$0x3F72];
	_ =	swait.ge [sflag:s4], $0x0  }
0x19: {  	s7 =	sld [smem:$0x3F73]  }
0x1a: {  	s8 =	sadd.s32 $0xFFFFE003, lr  }
0x1b: {  	s9 =	sadd.s32 $0xFFFFFEF7, lr;
	s5 =	simm.s32 $0xFFFFFFFF;
	p2 =	slt.u32 s8, $0xFFFFF086  }
0x1c: {  	p1 =	slt.u32 s9, $0xF7A;
	s5 =	simm.s32 @!p2 $0x0  }
0x1d: {  	s5 =	simm.s32 @p1 $0x1;
	p0 =	seq.s32 s7, s2  }
0x1e: {  	s7 =	smul.u32 @!p0 $0xF7A, s2;
	p2 =	seq.s32 @!p0 s5, $0x0  }
0x1f: {  	s9 =	smul.u32 $0xF7A, s1;
	s8 =	simm.s32 @!p0 $0x1BF5;
	p2 =	por !p2, p0  }
0x20: {  	[sflag:s8] =	ssyncset.s32 @!p0 $0xFFFFF086;
	s6 =	sadd.s32 @!p0 s3, s7;
	s7 =	simm.s32 @!p0 $0x108  }
0x21: {  	s3 =	sadd.s32 s3, s9;
	s6 =	sadd.s32 @!p0 $0x88, s6;
	s7 =	simm.s32 @p2 $0x1082  }
0x22: {  	[simem:s7], [sflag:s8] =	dma.local @!p0 [hbm:s6], $0xF7A  }
0x23: {  	s9 =	sor.u32 $0xD0000000, s2;
	s6 =	simm.s32 $0x108;
	_ =	swait.ge @!p0 [sflag:s8], $0x0  }
0x24: {  	s3 =	sadd.s32 $0x88, s3;
	s6 =	simm.s32 @!p1 $0x1082;
	[sflag:s4] =	ssyncset.s32 $0xFFFFF086  }
0x25: {  	[simem:s6], [sflag:s4] =	dma.local [hbm:s3], $0xF7A  }
0x26: {  	[smem:$0x3F73] =	sst s1;
	(tag) =	ssettag s2;
	_ =	strace s9  }
0x27: {  	s1 =	sld [smem:$0x3F83]  }
0x28: {  	s2 =	sld [smem:$0x3F84]  }
0x29: {  	s4 =	sld [smem:$0x3F86]  }
0x2a: {  	p0 =	seq.s32 s5, $0x0;
	s5 =	sld [smem:$0x3F87]  }
0x2b: {  	s6 =	sld [smem:$0x3F88]  }
0x2c: {  	s7 =	sld [smem:$0x3F89]  }
0x2d: {  	s3 =	simm.s32 $0x108;
	s8 =	sld [smem:$0x3F8A]  }
0x2e: {  	s3 =	simm.s32 @!p0 $0x1082;
	s9 =	sld [smem:$0x3F8B]  }
0x2f: {  	lr =	sadd.s32 s0, s3;
	s0 =	sld [smem:$0x3F82]  }
0x30: {  	s3 =	sld [smem:$0x3F85]  }
0x31: {  	[smem:$0x3F8E] =	sst s10  }
0x32: {  	s10 =	sld [smem:$0x3F8C];
	_ =	sdelay $0x3  }
0x33: {  	p0 =	seq.s32 s10, $0x1;
	s10 =	sld [smem:$0x3F8E];
	_ =	sdelay $0x3  }
0x34: {  	[smem:$0x3F8E] =	sst s10  }
0x35: {  	s10 =	sld [smem:$0x3F8D];
	_ =	sdelay $0x3  }
0x36: {  	p1 =	seq.s32 s10, $0x1;
	s10 =	sld [smem:$0x3F8E];
	_ =	sdelay $0x3  }
0x37: {  	[smem:$0x3F8E] =	sst s10  }
0x38: {  	s10 =	sld [smem:$0x3F8F]  }
0x39: {  	_ = 	snop;
	(pc) =	sbr.ind lr, $3  }
0x3a: {  	_ = 	snop  }
0x3b: {  	_ = 	snop  }
0x3c: {  	p2 =	seq.s32 s10, $0x1;
	s10 =	sld [smem:$0x3F8E]  }
0x3d: {  	_ =	shalt  }
0x3e: {  	_ =	shalt  }
0x3f: {  	_ =	shalt  }
0x40: {  	_ =	shalt  }
0x41: {  	_ =	shalt  }
0x42: {  	_ =	shalt  }
0x43: {  	_ =	shalt  }
0x44: {  	_ =	shalt  }
0x45: {  	_ =	shalt  }
0x46: {  	_ =	shalt  }
0x47: {  	_ =	shalt  }
0x48: {  	_ =	shalt  }
0x49: {  	_ =	shalt  }
0x4a: {  	_ =	shalt  }
0x4b: {  	_ =	shalt  }
0x4c: {  	_ =	shalt  }
0x4d: {  	_ =	shalt  }
0x4e: {  	_ =	shalt  }
0x4f: {  	_ =	shalt  }
0x50: {  	_ =	shalt  }
0x51: {  	_ =	shalt  }
0x52: {  	_ =	shalt  }
0x53: {  	_ =	shalt  }
0x54: {  	_ =	shalt  }
0x55: {  	_ =	shalt  }
0x56: {  	_ =	shalt  }
0x57: {  	_ =	shalt  }
0x58: {  	_ =	shalt  }
0x59: {  	_ =	shalt  }
0x5a: {  	_ =	shalt  }
0x5b: {  	_ =	shalt  }
0x5c: {  	_ =	shalt  }
0x5d: {  	_ =	shalt  }
0x5e: {  	_ =	shalt  }
0x5f: {  	_ =	shalt  }
0x60: {  	_ =	shalt  }
0x61: {  	_ =	shalt  }
0x62: {  	_ =	shalt  }
0x63: {  	_ =	shalt  }
0x64: {  	_ =	shalt  }
0x65: {  	_ =	shalt  }
0x66: {  	_ =	shalt  }
0x67: {  	_ =	shalt  }
0x68: {  	_ =	shalt  }
0x69: {  	_ =	shalt  }
0x6a: {  	_ =	shalt  }
0x6b: {  	_ =	shalt  }
0x6c: {  	_ =	shalt  }
0x6d: {  	_ =	shalt  }
0x6e: {  	_ =	shalt  }
0x6f: {  	_ =	shalt  }
0x70: {  	_ =	shalt  }
0x71: {  	_ =	shalt  }
0x72: {  	_ =	shalt  }
0x73: {  	_ =	shalt  }
0x74: {  	_ =	shalt  }
0x75: {  	_ =	shalt  }
0x76: {  	_ =	shalt  }
0x77: {  	_ =	shalt  }
0x78: {  	_ =	shalt  }
0x79: {  	_ =	shalt  }
0x7a: {  	_ =	shalt  }
0x7b: {  	_ =	shalt  }
0x7c: {  	_ =	shalt  }
0x7d: {  	_ =	shalt  }
0x7e: {  	_ =	shalt  }
0x7f: {  	_ =	shalt  }
0x80: {  	_ =	shalt  }
0x81: {  	_ =	shalt  }
0x82: {  	_ =	shalt  }
0x83: {  	_ =	shalt  }
0x84: {  	_ =	shalt  }
0x85: {  	_ =	shalt  }
0x86: {  	_ =	shalt  }
0x87: {  	_ =	shalt  }
.Lfunc_end0:
.L_simem_size_0:
called_computation.1_lowered:
.L_overlay_start_0:
0x88: {  	s2 =	sld [smem:$0x3FD9]  }
0x89: {  	s3 =	sld [smem:$0x3FFE];
	_ =	sdelay $0x1  }
0x8a: {  	s1 =	srdreg.scid  }
0x8b: {  	s0 =	sand.u32 $0x1, s1  }
0x8c: {  	s16 =	sshll.u32 s0, $0xA;
	s2 =	sadd.s32 s3, s2  }
0x8d: {  	s2 =	sadd.s32 s2, s16  }
0x8e: {  	[smem:$0x3F9A] =	sst s2  }
0x8f: {  	_ = 	snop  }
0x90: {  	(tm) =	ssettm $0x1  }
0x91: {  	s17 =	sld [smem:$0x3FFB];
	_ =	sdelay $0x3  }
0x92: {  	_ =	strace s17  }
0x93: {  	s2 =	sld [smem:$0x3FFC];
	_ =	sdelay $0x3  }
0x94: {  	_ =	strace s2  }
0x95: {  	s2 =	sld [smem:$0x3FFD];
	_ =	sdelay $0x3  }
0x96: {  	_ =	strace s2  }
0x97: {  	_ =	strace $0x8FFFFFFF  }
0x98: {  	s18 =	sld [smem:$0x3FDB];
	_ =	sdelay $0x1  }
0x99: {  	s19 =	simm.s32 $_scs_section_size  }
0x9a: {  	s4 =	simm.s32 $_size__tile_overlayer_lowered;
	s5 =	simm.s32 $_tile_overlayer_lowered  }
0x9b: {  	s22 =	simm.s32 $0x1BFF;
	s21 =	sshll.u32 s5, $0x1;
	s2 =	sadd.s32 s19, s18  }
0x9c: {  	s6 =	simm.s32 $0x0;
	s20 =	sshll.u32 s4, $0x1;
	s4 =	sadd.s32 s21, s2  }
0x9d: {  	[timem:s6], [sflag:s22] =	dma.local [hbm:s4], s20  }
0x9e: {  	_ =	swait.ge [sflag:s22], s20  }
0x9f: {  	s3 =	ssub.s32 $0x0, s20;
	[sflag:s22] =	ssyncset.done $0x0  }
0xa0: {  	[sflag:s22] =	ssyncadd.s32 s3;
	_ =	sdelay $0x1  }
0xa1: {  	s23 =	simm.s32 $0x1B8B  }
0xa2: {  	_ =	swait.ge [sflag:s23], $0x1  }
0xa3: {  	[sflag:s23] =	ssyncset.done $0x0  }
0xa4: {  	s25 =	simm.s32 $0x1B8E;
	s24 =	sld [smem:$0x3FFE];
	[sflag:s23] =	ssyncadd.s32 $0xFFFFFFFF  }
0xa5: {  	s26 =	simm.s32 $execute0_lowered;
	[smem:$0x3FD2] =	sst s25  }
0xa6: {  	s4 =	sshll.u32 s26, $0x1;
	_ =	strace $0x80000049;
	[dreg:$0x1] =	wrdreg $0xFFFFFFFF  }
0xa7: {  	s28 =	simm.s32 $_size_execute0_lowered;
	s2 =	sadd.s32 s2, s4;
	[dreg:$0x0] =	wrdreg $0x0  }
0xa8: {  	s4 =	sshll.u32 s28, $0x1;
	[dreg:$0x2] =	wrdreg s2  }
0xa9: {  	[dreg:$0x3] =	wrdreg s4  }
0xaa: {  	[dreg:$0x4] =	wrdreg $0xC0  }
0xab: {  	_ =	task [dreg:s6], $0x5FFFF  }
0xac: {  	[dreg:$0x1] =	wrdreg $0xFFFFFFFF  }
0xad: {  	[dreg:$0x0] =	wrdreg $0x60  }
0xae: {  	[dreg:$0x2] =	wrdreg s24  }
0xaf: {  	[dreg:$0x3] =	wrdreg $0x9  }
0xb0: {  	_ =	task.clear_ibuf [dreg:s6], $0x4FFFF;
	_ =	strace $0x90000049  }
0xb1: {  	s29 =	simm.s32 $0x9;
	_ =	strace $0x8000004B  }
0xb2: {  	_ =	swait.ge [sflag:s29], $0x1  }
0xb3: {  	[sflag:s29] =	ssyncadd.s32 $0xFFFFFFFF  }
0xb4: {  	_ =	strace $0x9000004B  }
0xb5: {  	_ =	sfence  }
0xb6: {  	s30 =	sld [smem:$0x0];
	_ =	sdelay $0x2  }
0xb7: {  	s31 =	sshll.u32 s1, $0xD;
	s1 =	sshrl.u32 s1, $0x2  }
0xb8: {  	s3 =	sand.u32 $0x4000, s31;
	s1 =	sadd.s32 s1, s30  }
0xb9: {  	s0 =	sor.u32 s3, s0;
	s1 =	sshll.u32 s1, $0x11  }
0xba: {  	s0 =	sor.u32 s1, s0  }
0xbb: {  	s0 =	sadd.s32 $0x8F2B, s0  }
0xbc: {  	[sflag:s0] =	ssyncadd.remote.s32 $0x1  }
0xbd: {  	_ =	sfence.sel $0xFFFF  }
0xbe: {  	[dreg:$0x0] =	wrdreg $0xFFFFFFFF;
	(pc) =	sbr.abs _section_cstart, $3  }
0xbf: {  	[dreg:$0x1] =	wrdreg $0xFFFFFFFF  }
0xc0: {  	_ =	task.clear_ibuf [dreg:s6], $0x2FFFF;
	_ =	strace $0x9FFFFFFF  }
0xc1: {  	(tm) =	ssettm $0x7FFFFFFF  }
tec
execute0_lowered:
.L_overlay_start_1:
0x0: {  	(tag) =	ssettag $0x1  }
0x1: {  	s6 =	rddreg [dreg:$0x0]  }
0x2: {  	s0 =	rddreg [dreg:$0x1];
	s3 =	srdreg.scid;
	s2 =	simm.s32 $0x0  }
0x3: {  	s1 =	stileid.u32;
	s14 =	simm.s32 $0x1;
	s15 =	simm.s32 $0x10000  }
0x4: {  	s16 =	simm.s32 $0x8000;
	s17 =	simm.s32 $0xC000;
	s18 =	simm.s32 $0x0  }
0x5: {  	s10 =	sand.u32 $0x1, s3;
	[smem:$0x7FF] =	sst s2;
	s30 =	sshll.u32 s1, $0x8  }
0x6: {  	s5 =	sshrl.u32 s1, $0x2;
	s12 =	sshll.u32 s1, $0x16;
	s4 =	sshll.u32 s10, $0x7  }
0x7: {  	_ =	strace $0x8000004A;
	s7 =	sshll.u32 s5, $0x11;
	s5 =	sshll.u32 s5, $0xA  }
0x8: {  	s31 =	ssub.s32 $0x2, s10;
	s13 =	sshll.u32 s10, $0x15;
	s3 =	sor.u32 s4, s30  }
0x9: {  	s11 =	sshrl.u32 s31, $0x1;
	s4 =	sand.u32 $0x380, s3;
	s3 =	sadd.s32 $0x73800, s6  }
0xa: {  	s11 =	ssub.s32 s31, s11;
	s7 =	sor.u32 s7, s4;
	s5 =	sor.u32 s5, s4  }
.Ltmp0:
0xb: {  	s4 =	sadd.s32 $0x9AA00, s6;
	s10 =	smax.u32 s11, $0x1;
	(pc) =	sbr.rel .LBB2_1-.Ltmp0, $4  }
0xc: {  	s11 =	sor.u32 s13, s12;
	s12 =	simm.s32 $0x80;
	s7 =	sshrl.u32 s7, $0x3  }
0xd: {  	s13 =	simm.s32 $0x400;
	s5 =	sshrl.u32 s5, $0x3;
	s8 =	sadd.s32 s7, s6  }
0xe: {  	s9 =	sadd.s32 s5, s6;
	s5 =	sadd.s32 $0xA0E00, s6;
	s6 =	sadd.s32 $0x8A0E00, s6  }
0xf: {  	s7 =	sadd.s32 $0x2C400, s8;
	s8 =	sadd.s32 $0x3C400, s8;
	s9 =	sadd.s32 $0x4C400, s9  }
.LBB2_4:
0x10: {  	[sflag:s14] =	ssyncadd.s32 $0xFFFFC000  }
.LBB2_5:
0x11: {  	s18 =	sadd.s32 $0x1, s18  }
0x12: {  	p0 =	sne.s32 s18, s10  }
.Ltmp1:
0x13: {  	_ = 	snop;
	(pc) =	sbr.rel @!p0 .LBB2_6-.Ltmp1, $1  }
0x14: {  	_ =	sdelay $0x3  }
.LBB2_1:
0x15: {  	[tilespmem:s2], [sflag:$0x1] =	stream.strided.gather [hbm4b:s7+s12], $0x4000, s13, s12, $0x38;
	[tilespmem:$0x10080] =	vst v63  }
0x16: {  	_ =	swait.ge [sflag:s14], $0x4000  }
0x17: {  	[sflag:s14] =	ssyncset.done $0x0  }
0x18: {  	s20 =	simm.s32 $0x4000;
	[sflag:s14] =	ssyncadd.s32 $0xFFFFC000  }
0x19: {  	[tilespmem:s20], [sflag:$0x1] =	stream.strided.gather [hbm4b:s8+s12], $0x4000, s13, s12, $0x38;
	[tilespmem:$0x10080] =	vst v63  }
0x1a: {  	_ =	swait.ge [sflag:s14], $0x4000  }
0x1b: {  	[sflag:s14] =	ssyncset.done $0x0  }
0x1c: {  	[sflag:s14] =	ssyncadd.s32 $0xFFFFC000  }
0x1d: {  	[tilespmem:s15], [sflag:$0x1] =	stream.linear.gather [hbm4b:s9+s2], $0x80, $0x38;
	[tilespmem:$0x10080] =	vst v63  }
0x1e: {  	_ =	swait.ge [sflag:s14], $0x80  }
0x1f: {  	[sflag:s14] =	ssyncset.done $0x0  }
0x20: {  	[sflag:s14] =	ssyncadd.s32 $0xFFFFFF80  }
0x21: {  	v0 =	vld [tilespmem:$0x10000];
	_ =	sdelay $0x4  }
0x22: {  	(v2sf) =	vpush v0, $0x0;
	_ =	sdelay $0xe  }
0x23: {  	s19 =	spop (v2sf)  }
0x24: {  	s19 =	sadd.s32 $0x7F, s19  }
0x25: {  	s21 =	sand.u32 $0x7F, s19  }
0x26: {  	s31 =	sshra.s32 s19, $0x1F;
	p1 =	slt.s32 s19, $0x1;
	p0 =	sne.s32 s21, $0x0  }
0x27: {  	s21 =	sshrl.u32 s31, $0x19;
	p0 =	por !p1, !p0  }
0x28: {  	s19 =	sadd.s32 s21, s19;
	s21 =	simm.s32 $0x1;
	p0 =	por !p0, !p0  }
0x29: {  	s19 =	sshra.s32 s19, $0x7;
	s21 =	simm.s32 @!p0 $0x0  }
0x2a: {  	s19 =	ssub.s32 s19, s21  }
0x2b: {  	p0 =	slt.s32 s19, $0x1  }
.Ltmp2:
0x2c: {  	_ = 	snop;
	(pc) =	sbr.rel @p0 .LBB2_5-.Ltmp2, $1  }
0x2d: {  	_ =	sdelay $0x3  }
0x2e: {  	[tilespmem:s16], [sflag:$0x1] =	stream.indirect.gather [hbm4b:s3+s12], $0x80, s2, s12, $0xb8;
	[tilespmem:$0x10080] =	vst v63  }
0x2f: {  	_ =	swait.ge [sflag:s14], $0x4000  }
0x30: {  	[sflag:s14] =	ssyncset.done $0x0  }
0x31: {  	[sflag:s14] =	ssyncadd.s32 $0xFFFFC000  }
0x32: {  	[tilespmem:s17], [sflag:$0x1] =	stream.indirect.gather [hbm4b:s4+s12], $0x80, s20, s12, $0xb8;
	[tilespmem:$0x10080] =	vst v63  }
0x33: {  	_ =	swait.ge [sflag:s14], $0x4000  }
0x34: {  	s21 =	sshrl.u32 s11, $0x3;
	[sflag:s14] =	ssyncset.done $0x0  }
0x35: {  	s22 =	sadd.s32 s5, s21;
	[sflag:s14] =	ssyncadd.s32 $0xFFFFC000  }
0x36: {  	[hbm4b:s22+s2] =	stream.linear.scatter [tilespmem:s16], [sflag:$0x1], $0x4000, $0x38;
	[tilespmem:$0x10080] =	vst v63  }
0x37: {  	p0 =	sne.s32 s19, $0x1;
	_ =	swait.ge [sflag:s14], $0x4000  }
.Ltmp3:
0x38: {  	[sflag:s14] =	ssyncset.done $0x0;
	(pc) =	sbr.rel @!p0 .LBB2_4-.Ltmp3, $4  }
0x39: {  	s21 =	sadd.s32 s6, s21;
	[sflag:s14] =	ssyncadd.s32 $0xFFFFC000  }
0x3a: {  	[hbm4b:s21+s2] =	stream.linear.scatter [tilespmem:s17], [sflag:$0x1], $0x4000, $0x38;
	[tilespmem:$0x10080] =	vst v63  }
0x3b: {  	s19 =	sadd.s32 $0xFFFFFFFF, s19;
	s20 =	sadd.s32 $0x80, s20;
	_ =	swait.ge [sflag:s14], $0x4000  }
0x3c: {  	s22 =	simm.s32 $0x0;
	s21 =	smov.u32 s11;
	[sflag:s14] =	ssyncset.done $0x0  }
.LBB2_3:
0x3d: {  	[sflag:s14] =	ssyncadd.s32 $0xFFFFC000;
	s21 =	sadd.s32 $0x4000, s21;
	s22 =	sadd.s32 $0x80, s22  }
0x3e: {  	[tilespmem:s16], [sflag:$0x1] =	stream.indirect.gather [hbm4b:s3+s12], $0x80, s22, s12, $0xb8;
	[tilespmem:$0x10080] =	vst v63  }
0x3f: {  	p0 =	sne.s32 s19, $0x1;
	s19 =	sadd.s32 $0xFFFFFFFF, s19;
	_ =	swait.ge [sflag:s14], $0x4000  }
0x40: {  	[sflag:s14] =	ssyncset.done $0x0  }
0x41: {  	[sflag:s14] =	ssyncadd.s32 $0xFFFFC000  }
0x42: {  	[tilespmem:s17], [sflag:$0x1] =	stream.indirect.gather [hbm4b:s4+s12], $0x80, s20, s12, $0xb8;
	[tilespmem:$0x10080] =	vst v63  }
0x43: {  	_ =	swait.ge [sflag:s14], $0x4000  }
0x44: {  	s23 =	sshrl.u32 s21, $0x3;
	[sflag:s14] =	ssyncset.done $0x0  }
0x45: {  	s24 =	sadd.s32 s5, s23;
	[sflag:s14] =	ssyncadd.s32 $0xFFFFC000  }
0x46: {  	[hbm4b:s24+s2] =	stream.linear.scatter [tilespmem:s16], [sflag:$0x1], $0x4000, $0x38;
	[tilespmem:$0x10080] =	vst v63  }
0x47: {  	_ =	swait.ge [sflag:s14], $0x4000  }
.Ltmp4:
0x48: {  	[sflag:s14] =	ssyncset.done $0x0;
	(pc) =	sbr.rel @p0 .LBB2_3-.Ltmp4, $4  }
0x49: {  	s23 =	sadd.s32 s6, s23;
	[sflag:s14] =	ssyncadd.s32 $0xFFFFC000  }
0x4a: {  	[hbm4b:s23+s2] =	stream.linear.scatter [tilespmem:s17], [sflag:$0x1], $0x4000, $0x38;
	[tilespmem:$0x10080] =	vst v63  }
0x4b: {  	_ =	swait.ge [sflag:s14], $0x4000  }
0x4c: {  	s20 =	sadd.s32 $0x80, s20;
	[sflag:s14] =	ssyncset.done $0x0  }
.Ltmp5:
0x4d: {  	_ = 	snop;
	(pc) =	sbr.rel .LBB2_4-.Ltmp5, $1  }
0x4e: {  	_ =	sdelay $0x3  }
.LBB2_6:
0x4f: {  	_ =	sfence.sel $0x180000  }
0x50: {  	[bflag:$0x0] =	sbarrier.arrive $0xFFFF  }
0x51: {  	p0 =	sne.s32 s1, $0x0;
	_ =	strace $0x9000004A  }
0x52: {  	s0 =	sadd.s32 @!p0 $0x100000, s0;
	[bflag:$0x2] =	sbarrier.arrive $0xFFFF  }
0x53: {  	[sflag:s0] =	ssyncadd.tile.s32 @!p0 $0x1;
	_ =	shalt  }
.Lfunc_end2:
_tile_overlayer_lowered:
.L_overlay_start_2:
0x54: {  	(tag) =	ssettag $0x2  }
0x55: {  	s0 =	rddreg [dreg:$0x0];
	s2 =	stileid.u32  }
0x56: {  	s1 =	rddreg [dreg:$0x1];
	p0 =	sne.s32 s2, $0x0  }
0x57: {  	s3 =	rddreg [dreg:$0x2];
	[bflag:$0x3] =	sbarrier.arrive $0xFFFF;
	s2 =	simm.s32 @!p0 $0x1C01  }
0x58: {  	[timem:s3], [sflag:s2] =	dma.local @!p0 [hbm:s0], s1  }
0x59: {  	s0 =	simm.s32 @!p0 $0x1  }
0x5a: {  	_ =	swait.ge @!p0 [sflag:s0], s1  }
0x5b: {  	s1 =	ssub.s32 @!p0 $0x0, s1;
	[sflag:s0] =	ssyncset.done @!p0 $0x0  }
0x5c: {  	[sflag:s0] =	ssyncadd.s32 @!p0 s1  }
0x5d: {  	[bflag:$0x3] =	sbarrier.arrive $0xFFFF  }
0x5e: {  	_ =	shalt  }

// kernel: kernel.20.cloned.1.call-start
scs
__scs_entry_jumppad:
0x0: {  	(pc) =	sbr.rel $0x88, $3  }
0x1: {  	(tag) =	ssettag $0x0;
	lr =	simm.s32 $0x1  }
0x2: {  	[smem:$0x3F73] =	sst lr;
	_ =	strace $0xD0000000  }
0x3: {  	_ = 	snop  }
0x4: {  	_ = 	snop  }
0x5: {  	_ = 	snop  }
0x6: {  	_ = 	snop  }
0x7: {  	_ = 	snop  }
__scs_overlays_trampoline_lowered:
0x8: {  	[smem:$0x3F82] =	sst s0  }
0x9: {  	[smem:$0x3F83] =	sst s1  }
0xa: {  	[smem:$0x3F84] =	sst s2  }
0xb: {  	[smem:$0x3F85] =	sst s3  }
0xc: {  	[smem:$0x3F86] =	sst s4  }
0xd: {  	[smem:$0x3F87] =	sst s5  }
0xe: {  	[smem:$0x3F88] =	sst s6  }
0xf: {  	[smem:$0x3F89] =	sst s7  }
0x10: {  	[smem:$0x3F8A] =	sst s8  }
0x11: {  	[smem:$0x3F8B] =	sst s9;
	s0 =	simm.s32 @!p0 $0x0  }
0x12: {  	s1 =	sld [smem:$0x3F71];
	s0 =	simm.s32 @p0 $0x1  }
0x13: {  	[smem:$0x3F8C] =	sst s0;
	s0 =	simm.s32 @!p1 $0x0  }
0x14: {  	s2 =	sld [smem:$0x3F70];
	s0 =	simm.s32 @p1 $0x1  }
0x15: {  	[smem:$0x3F8D] =	sst s0;
	s0 =	simm.s32 @!p2 $0x0  }
0x16: {  	s3 =	sld [smem:$0x3FDB];
	s0 =	simm.s32 @p2 $0x1  }
0x17: {  	s4 =	simm.s32 $0x1BF5;
	[smem:$0x3F8F] =	sst s0  }
0x18: {  	s0 =	sld [smem:$0x3F72];
	_ =	swait.ge [sflag:s4], $0x0  }
0x19: {  	s7 =	sld [smem:$0x3F73]  }
0x1a: {  	s8 =	sadd.s32 $0xFFFFE003, lr  }
0x1b: {  	s9 =	sadd.s32 $0xFFFFFEF7, lr;
	s5 =	simm.s32 $0xFFFFFFFF;
	p2 =	slt.u32 s8, $0xFFFFF086  }
0x1c: {  	p1 =	slt.u32 s9, $0xF7A;
	s5 =	simm.s32 @!p2 $0x0  }
0x1d: {  	s5 =	simm.s32 @p1 $0x1;
	p0 =	seq.s32 s7, s2  }
0x1e: {  	s7 =	smul.u32 @!p0 $0xF7A, s2;
	p2 =	seq.s32 @!p0 s5, $0x0  }
0x1f: {  	s9 =	smul.u32 $0xF7A, s1;
	s8 =	simm.s32 @!p0 $0x1BF5;
	p2 =	por !p2, p0  }
0x20: {  	[sflag:s8] =	ssyncset.s32 @!p0 $0xFFFFF086;
	s6 =	sadd.s32 @!p0 s3, s7;
	s7 =	simm.s32 @!p0 $0x108  }
0x21: {  	s3 =	sadd.s32 s3, s9;
	s6 =	sadd.s32 @!p0 $0x88, s6;
	s7 =	simm.s32 @p2 $0x1082  }
0x22: {  	[simem:s7], [sflag:s8] =	dma.local @!p0 [hbm:s6], $0xF7A  }
0x23: {  	s9 =	sor.u32 $0xD0000000, s2;
	s6 =	simm.s32 $0x108;
	_ =	swait.ge @!p0 [sflag:s8], $0x0  }
0x24: {  	s3 =	sadd.s32 $0x88, s3;
	s6 =	simm.s32 @!p1 $0x1082;
	[sflag:s4] =	ssyncset.s32 $0xFFFFF086  }
0x25: {  	[simem:s6], [sflag:s4] =	dma.local [hbm:s3], $0xF7A  }
0x26: {  	[smem:$0x3F73] =	sst s1;
	(tag) =	ssettag s2;
	_ =	strace s9  }
0x27: {  	s1 =	sld [smem:$0x3F83]  }
0x28: {  	s2 =	sld [smem:$0x3F84]  }
0x29: {  	s4 =	sld [smem:$0x3F86]  }
0x2a: {  	p0 =	seq.s32 s5, $0x0;
	s5 =	sld [smem:$0x3F87]  }
0x2b: {  	s6 =	sld [smem:$0x3F88]  }
0x2c: {  	s7 =	sld [smem:$0x3F89]  }
0x2d: {  	s3 =	simm.s32 $0x108;
	s8 =	sld [smem:$0x3F8A]  }
0x2e: {  	s3 =	simm.s32 @!p0 $0x1082;
	s9 =	sld [smem:$0x3F8B]  }
0x2f: {  	lr =	sadd.s32 s0, s3;
	s0 =	sld [smem:$0x3F82]  }
0x30: {  	s3 =	sld [smem:$0x3F85]  }
0x31: {  	[smem:$0x3F8E] =	sst s10  }
0x32: {  	s10 =	sld [smem:$0x3F8C];
	_ =	sdelay $0x3  }
0x33: {  	p0 =	seq.s32 s10, $0x1;
	s10 =	sld [smem:$0x3F8E];
	_ =	sdelay $0x3  }
0x34: {  	[smem:$0x3F8E] =	sst s10  }
0x35: {  	s10 =	sld [smem:$0x3F8D];
	_ =	sdelay $0x3  }
0x36: {  	p1 =	seq.s32 s10, $0x1;
	s10 =	sld [smem:$0x3F8E];
	_ =	sdelay $0x3  }
0x37: {  	[smem:$0x3F8E] =	sst s10  }
0x38: {  	s10 =	sld [smem:$0x3F8F]  }
0x39: {  	_ = 	snop;
	(pc) =	sbr.ind lr, $3  }
0x3a: {  	_ = 	snop  }
0x3b: {  	_ = 	snop  }
0x3c: {  	p2 =	seq.s32 s10, $0x1;
	s10 =	sld [smem:$0x3F8E]  }
0x3d: {  	_ =	shalt  }
0x3e: {  	_ =	shalt  }
0x3f: {  	_ =	shalt  }
0x40: {  	_ =	shalt  }
0x41: {  	_ =	shalt  }
0x42: {  	_ =	shalt  }
0x43: {  	_ =	shalt  }
0x44: {  	_ =	shalt  }
0x45: {  	_ =	shalt  }
0x46: {  	_ =	shalt  }
0x47: {  	_ =	shalt  }
0x48: {  	_ =	shalt  }
0x49: {  	_ =	shalt  }
0x4a: {  	_ =	shalt  }
0x4b: {  	_ =	shalt  }
0x4c: {  	_ =	shalt  }
0x4d: {  	_ =	shalt  }
0x4e: {  	_ =	shalt  }
0x4f: {  	_ =	shalt  }
0x50: {  	_ =	shalt  }
0x51: {  	_ =	shalt  }
0x52: {  	_ =	shalt  }
0x53: {  	_ =	shalt  }
0x54: {  	_ =	shalt  }
0x55: {  	_ =	shalt  }
0x56: {  	_ =	shalt  }
0x57: {  	_ =	shalt  }
0x58: {  	_ =	shalt  }
0x59: {  	_ =	shalt  }
0x5a: {  	_ =	shalt  }
0x5b: {  	_ =	shalt  }
0x5c: {  	_ =	shalt  }
0x5d: {  	_ =	shalt  }
0x5e: {  	_ =	shalt  }
0x5f: {  	_ =	shalt  }
0x60: {  	_ =	shalt  }
0x61: {  	_ =	shalt  }
0x62: {  	_ =	shalt  }
0x63: {  	_ =	shalt  }
0x64: {  	_ =	shalt  }
0x65: {  	_ =	shalt  }
0x66: {  	_ =	shalt  }
0x67: {  	_ =	shalt  }
0x68: {  	_ =	shalt  }
0x69: {  	_ =	shalt  }
0x6a: {  	_ =	shalt  }
0x6b: {  	_ =	shalt  }
0x6c: {  	_ =	shalt  }
0x6d: {  	_ =	shalt  }
0x6e: {  	_ =	shalt  }
0x6f: {  	_ =	shalt  }
0x70: {  	_ =	shalt  }
0x71: {  	_ =	shalt  }
0x72: {  	_ =	shalt  }
0x73: {  	_ =	shalt  }
0x74: {  	_ =	shalt  }
0x75: {  	_ =	shalt  }
0x76: {  	_ =	shalt  }
0x77: {  	_ =	shalt  }
0x78: {  	_ =	shalt  }
0x79: {  	_ =	shalt  }
0x7a: {  	_ =	shalt  }
0x7b: {  	_ =	shalt  }
0x7c: {  	_ =	shalt  }
0x7d: {  	_ =	shalt  }
0x7e: {  	_ =	shalt  }
0x7f: {  	_ =	shalt  }
0x80: {  	_ =	shalt  }
0x81: {  	_ =	shalt  }
0x82: {  	_ =	shalt  }
0x83: {  	_ =	shalt  }
0x84: {  	_ =	shalt  }
0x85: {  	_ =	shalt  }
0x86: {  	_ =	shalt  }
0x87: {  	_ =	shalt  }
.Lfunc_end0:
.L_simem_size_0:
called_computation.2_lowered:
.L_overlay_start_0:
0x88: {  	s2 =	sld [smem:$0x3FD9]  }
0x89: {  	s3 =	sld [smem:$0x3FFE];
	_ =	sdelay $0x1  }
0x8a: {  	s1 =	srdreg.scid  }
0x8b: {  	s0 =	sand.u32 $0x1, s1  }
0x8c: {  	s16 =	sshll.u32 s0, $0xA;
	s2 =	sadd.s32 s3, s2  }
0x8d: {  	s2 =	sadd.s32 s2, s16  }
0x8e: {  	[smem:$0x3F9A] =	sst s2  }
0x8f: {  	_ = 	snop  }
0x90: {  	(tm) =	ssettm $0x1  }
0x91: {  	s17 =	sld [smem:$0x3FFB];
	_ =	sdelay $0x3  }
0x92: {  	_ =	strace s17  }
0x93: {  	s2 =	sld [smem:$0x3FFC];
	_ =	sdelay $0x3  }
0x94: {  	_ =	strace s2  }
0x95: {  	s2 =	sld [smem:$0x3FFD];
	_ =	sdelay $0x3  }
0x96: {  	_ =	strace s2  }
0x97: {  	_ =	strace $0x8FFFFFFF  }
0x98: {  	s18 =	sld [smem:$0x3FDB];
	_ =	sdelay $0x1  }
0x99: {  	s19 =	simm.s32 $_scs_section_size  }
0x9a: {  	s4 =	simm.s32 $_size__tile_overlayer_lowered;
	s5 =	simm.s32 $_tile_overlayer_lowered  }
0x9b: {  	s22 =	simm.s32 $0x1BFF;
	s21 =	sshll.u32 s5, $0x1;
	s2 =	sadd.s32 s19, s18  }
0x9c: {  	s6 =	simm.s32 $0x0;
	s20 =	sshll.u32 s4, $0x1;
	s4 =	sadd.s32 s21, s2  }
0x9d: {  	[timem:s6], [sflag:s22] =	dma.local [hbm:s4], s20  }
0x9e: {  	_ =	swait.ge [sflag:s22], s20  }
0x9f: {  	s3 =	ssub.s32 $0x0, s20;
	[sflag:s22] =	ssyncset.done $0x0  }
0xa0: {  	[sflag:s22] =	ssyncadd.s32 s3;
	_ =	sdelay $0x1  }
0xa1: {  	s23 =	simm.s32 $0x1B8B  }
0xa2: {  	_ =	swait.ge [sflag:s23], $0x1  }
0xa3: {  	[sflag:s23] =	ssyncset.done $0x0  }
0xa4: {  	s25 =	simm.s32 $0x1B8E;
	s24 =	sld [smem:$0x3FFE];
	[sflag:s23] =	ssyncadd.s32 $0xFFFFFFFF  }
0xa5: {  	s26 =	simm.s32 $execute0_lowered;
	[smem:$0x3FD2] =	sst s25  }
0xa6: {  	s4 =	sshll.u32 s26, $0x1;
	_ =	strace $0x8000004C;
	[dreg:$0x1] =	wrdreg $0xFFFFFFFF  }
0xa7: {  	s28 =	simm.s32 $_size_execute0_lowered;
	s2 =	sadd.s32 s2, s4;
	[dreg:$0x0] =	wrdreg $0x0  }
0xa8: {  	s4 =	sshll.u32 s28, $0x1;
	[dreg:$0x2] =	wrdreg s2  }
0xa9: {  	[dreg:$0x3] =	wrdreg s4  }
0xaa: {  	[dreg:$0x4] =	wrdreg $0xC0  }
0xab: {  	_ =	task [dreg:s6], $0x5FFFF  }
0xac: {  	[dreg:$0x1] =	wrdreg $0xFFFFFFFF  }
0xad: {  	[dreg:$0x0] =	wrdreg $0x60  }
0xae: {  	[dreg:$0x2] =	wrdreg s24  }
0xaf: {  	[dreg:$0x3] =	wrdreg $0x0  }
0xb0: {  	[dreg:$0x4] =	wrdreg $0x9  }
0xb1: {  	_ =	task.clear_ibuf [dreg:s6], $0x5FFFF;
	_ =	strace $0x9000004C  }
0xb2: {  	s29 =	simm.s32 $0x9;
	_ =	strace $0x8000004E  }
0xb3: {  	_ =	swait.ge [sflag:s29], $0x1  }
0xb4: {  	[sflag:s29] =	ssyncadd.s32 $0xFFFFFFFF  }
0xb5: {  	_ =	strace $0x9000004E  }
0xb6: {  	_ =	sfence  }
0xb7: {  	s30 =	sld [smem:$0x0];
	_ =	sdelay $0x2  }
0xb8: {  	s31 =	sshll.u32 s1, $0xD;
	s1 =	sshrl.u32 s1, $0x2  }
0xb9: {  	s3 =	sand.u32 $0x4000, s31;
	s1 =	sadd.s32 s1, s30  }
0xba: {  	s0 =	sor.u32 s3, s0;
	s1 =	sshll.u32 s1, $0x11  }
0xbb: {  	s0 =	sor.u32 s1, s0  }
0xbc: {  	s0 =	sadd.s32 $0x8F2B, s0  }
0xbd: {  	[sflag:s0] =	ssyncadd.remote.s32 $0x1  }
0xbe: {  	_ =	sfence.sel $0xFFFF  }
0xbf: {  	[dreg:$0x0] =	wrdreg $0xFFFFFFFF;
	(pc) =	sbr.abs _section_cstart, $3  }
0xc0: {  	[dreg:$0x1] =	wrdreg $0xFFFFFFFF  }
0xc1: {  	_ =	task.clear_ibuf [dreg:s6], $0x2FFFF;
	_ =	strace $0x9FFFFFFF  }
0xc2: {  	(tm) =	ssettm $0x7FFFFFFF  }
0xc3: {  	_ =	shalt  }
tec
execute0_lowered:
.L_overlay_start_1:
0x0: {  	(tag) =	ssettag $0x1  }
0x1: {  	s9 =	rddreg [dreg:$0x0]  }
0x2: {  	s2 =	rddreg [dreg:$0x1]  }
0x3: {  	s0 =	rddreg [dreg:$0x2];
	s3 =	simm.s32 $0x0;
	s4 =	srdreg.scid  }
0x4: {  	s1 =	stileid.u32;
	s17 =	simm.s32 $0x0;
	[smem:$0x7FF] =	sst s3  }
0x5: {  	s10 =	sand.u32 $0x1, s4;
	s29 =	sshll.u32 s1, $0x1;
	s30 =	smul.u32 $0x4F000, s1  }
0x6: {  	s4 =	sadd.s32 $0x20C1E00, s9;
	s13 =	sshll.u32 s1, $0x6;
	s14 =	smul.u32 $0x2780, s1  }
0x7: {  	s15 =	sshll.u32 s1, $0x16;
	_ =	strace $0x8000004D;
	s5 =	sor.u32 s10, s29  }
0x8: {  	s11 =	ssub.s32 $0x2, s10;
	p0 =	seq.s32 s10, $0x1;
	s16 =	sshll.u32 s10, $0x15  }
0x9: {  	s6 =	sshll.u32 s5, $0xC;
	s5 =	sshll.u32 s5, $0x4;
	s12 =	sshrl.u32 s11, $0x1  }
0xa: {  	s7 =	sadd.s32 s6, s9;
	s8 =	sadd.s32 s5, s9;
	s6 =	sshrl.u32 s30, $0x2  }
0xb: {  	s5 =	sadd.s32 $0xB400, s9;
	s11 =	ssub.s32 s11, s12;
	s31 =	sadd.s32 s6, s2  }
.Ltmp0:
0xc: {  	s6 =	sor.u32 $0x1C01, s13;
	s13 =	simm.s32 $0x9B000;
	(pc) =	sbr.rel .LBB2_1-.Ltmp0, $4  }
0xd: {  	s7 =	sadd.s32 $0x10A1E00, s7;
	s8 =	sadd.s32 $0x4C400, s8;
	s13 =	simm.s32 @!p0 $0x73800  }
0xe: {  	s12 =	sshrl.u32 s31, $0x3;
	s13 =	sadd.s32 s13, s9;
	s9 =	smax.u32 s11, $0x1  }
0xf: {  	s11 =	sor.u32 s16, s15;
	s15 =	simm.s32 $0x1BC00;
	s16 =	simm.s32 $0x40  }
0x10: {  	s10 =	sadd.s32 s13, s14;
	s13 =	simm.s32 $0x1;
	s14 =	simm.s32 $0x1DC00  }
.LBB2_3:
0x11: {  	s19 =	simm.s32 $0x13C00  }
.LBB2_7:
0x12: {  	s20 =	sadd.s32 s4, s22;
	[sflag:s13] =	ssyncadd.s32 @p0 $0xFFFFE000  }
0x13: {  	[tilespmem:s15], [sflag:$0x1] =	stream.linear.gather [hbm4b:s20+s3], $0x2000, $0x38;
	[tilespmem:$0x1DC80] =	vst v63  }
0x14: {  	_ =	swait.ge [sflag:s13], $0x2000  }
0x15: {  	s19 =	sadd.s32 @p0 $0x80, s19;
	[sflag:s13] =	ssyncset.done $0x0  }
0x16: {  	s18 =	smov.u32 @p0 s19;
	[sflag:s13] =	ssyncadd.s32 $0xFFFFE000  }
0x17: {  	[spmem:s2] =	stream.indirect.scatter.add.f32 [tilespmem:s15], [sflag:$0x1], $0x80, s18, s16, $0xb8;
	[tilespmem:$0x1DC80] =	vst v63  }
0x18: {  	_ =	swait.ge [sflag:s13], $0x2000  }
0x19: {  	[sflag:s13] =	ssyncset.done $0x0  }
0x1a: {  	[sflag:s13] =	ssyncadd.s32 $0xFFFFE000  }
.LBB2_8:
0x1b: {  	s17 =	sadd.s32 $0x1, s17  }
0x1c: {  	p0 =	sne.s32 s17, s9  }
.Ltmp1:
0x1d: {  	[bflag:$0x0] =	sbarrier.arrive $0xFFFF;
	(pc) =	sbr.rel @!p0 .LBB2_9-.Ltmp1, $4  }
0x1e: {  	[hbm:s10], [sflag:s6] =	dma.local [spmem:s12], $0x2780  }
0x1f: {  	_ =	swait.ge [sflag:s13], $0x2780  }
0x20: {  	[sflag:s13] =	ssyncset.done $0x0  }
0x21: {  	[sflag:s13] =	ssyncadd.s32 $0xFFFFD880  }
.LBB2_1:
0x22: {  	[spmem:s12], [sflag:s6] =	dma.local [hbm:s5], $0x2780  }
0x23: {  	_ =	swait.ge [sflag:s13], $0x2780  }
0x24: {  	[sflag:s13] =	ssyncset.done $0x0  }
0x25: {  	s18 =	simm.s32 $0x13C00;
	[sflag:s13] =	ssyncadd.s32 $0xFFFFD880  }
0x26: {  	[tilespmem:s18], [sflag:$0x1] =	stream.linear.gather [hbm4b:s7+s3], $0x8000, $0x38;
	[tilespmem:$0x1DC80] =	vst v63  }
0x27: {  	_ =	swait.ge [sflag:s13], $0x8000  }
0x28: {  	[sflag:s13] =	ssyncset.done $0x0  }
0x29: {  	[sflag:s13] =	ssyncadd.s32 $0xFFFF8000  }
0x2a: {  	[tilespmem:s14], [sflag:$0x1] =	stream.linear.gather [hbm4b:s8+s3], $0x80, $0x38;
	[tilespmem:$0x1DC80] =	vst v63  }
0x2b: {  	_ =	swait.ge [sflag:s13], $0x80  }
0x2c: {  	[sflag:s13] =	ssyncset.done $0x0  }
0x2d: {  	[sflag:s13] =	ssyncadd.s32 $0xFFFFFF80  }
0x2e: {  	v0 =	vld [tilespmem:$0x1DC00];
	_ =	sdelay $0x4  }
0x2f: {  	(v2sf) =	vpush v0, $0x0;
	_ =	sdelay $0xe  }
0x30: {  	s19 =	spop (v2sf)  }
0x31: {  	s19 =	sadd.s32 $0x3F, s19  }
0x32: {  	s20 =	sand.u32 $0x3F, s19  }
0x33: {  	s31 =	sshra.s32 s19, $0x1F;
	p1 =	slt.s32 s19, $0x1;
	p0 =	sne.s32 s20, $0x0  }
0x34: {  	s20 =	sshrl.u32 s31, $0x1A;
	p0 =	por !p1, !p0  }
0x35: {  	s19 =	sadd.s32 s20, s19;
	s20 =	simm.s32 $0x1;
	p0 =	por !p0, !p0  }
0x36: {  	s19 =	sshra.s32 s19, $0x6;
	s20 =	simm.s32 @!p0 $0x0  }
0x37: {  	s19 =	ssub.s32 s19, s20  }
0x38: {  	p0 =	slt.s32 s19, $0x1  }
.Ltmp2:
0x39: {  	_ = 	snop;
	(pc) =	sbr.rel @p0 .LBB2_8-.Ltmp2, $2  }
0x3a: {  	_ =	sdelay $0x1  }
0x3b: {  	[bflag:$0x0] =	sbarrier.arrive $0xFFFF;
	_ =	sdelay $0x1  }
0x3c: {  	p1 =	sne.s32 s19, $0x1  }
.Ltmp3:
0x3d: {  	_ = 	snop;
	(pc) =	sbr.rel @!p1 .LBB2_3-.Ltmp3, $2  }
0x3e: {  	_ =	sdelay $0x2  }
0x3f: {  	s19 =	sadd.s32 $0xFFFFFFFF, s19;
	s22 =	sshrl.u32 s11, $0x3;
	p0 =	por $0x0, $0x0  }
0x40: {  	s20 =	sadd.s32 s4, s22  }
0x41: {  	[tilespmem:s15], [sflag:$0x1] =	stream.linear.gather [hbm4b:s20+s3], $0x2000, $0x38;
	[tilespmem:$0x1DC80] =	vst v63  }
0x42: {  	p1 =	sne.s32 s19, $0x1;
	_ =	swait.ge [sflag:s13], $0x2000  }
.Ltmp4:
0x43: {  	[sflag:s13] =	ssyncset.done $0x0;
	(pc) =	sbr.rel @!p1 .LBB2_5-.Ltmp4, $4  }
0x44: {  	s21 =	sadd.s32 $0xFFFFFFFF, s19;
	[sflag:s13] =	ssyncadd.s32 $0xFFFFE000  }
0x45: {  	[spmem:s2] =	stream.indirect.scatter.add.f32 [tilespmem:s15], [sflag:$0x1], $0x80, s18, s16, $0xb8;
	[tilespmem:$0x1DC80] =	vst v63  }
0x46: {  	p0 =	por $0x1, $0x1;
	s20 =	sadd.s32 $0x2000, s11;
	_ =	swait.ge [sflag:s13], $0x2000  }
0x47: {  	s19 =	simm.s32 $0x13C00;
	s22 =	sshrl.u32 s20, $0x3;
	[sflag:s13] =	ssyncset.done $0x0  }
.LBB2_6:
0x48: {  	s22 =	sadd.s32 s4, s22;
	[sflag:s13] =	ssyncadd.s32 $0xFFFFE000;
	s19 =	sadd.s32 $0x80, s19  }
0x49: {  	[tilespmem:s15], [sflag:$0x1] =	stream.linear.gather [hbm4b:s22+s3], $0x2000, $0x38;
	[tilespmem:$0x1DC80] =	vst v63  }
0x4a: {  	p1 =	sne.s32 s21, $0x1;
	s21 =	sadd.s32 $0xFFFFFFFF, s21;
	_ =	swait.ge [sflag:s13], $0x2000  }
.Ltmp5:
0x4b: {  	[sflag:s13] =	ssyncset.done $0x0;
	(pc) =	sbr.rel @p1 .LBB2_6-.Ltmp5, $4  }
0x4c: {  	[sflag:s13] =	ssyncadd.s32 $0xFFFFE000  }
0x4d: {  	[spmem:s2] =	stream.indirect.scatter.add.f32 [tilespmem:s15], [sflag:$0x1], $0x80, s19, s16, $0xb8;
	[tilespmem:$0x1DC80] =	vst v63  }
0x4e: {  	s20 =	sadd.s32 $0x2000, s20;
	_ =	swait.ge [sflag:s13], $0x2000  }
0x4f: {  	s22 =	sshrl.u32 s20, $0x3;
	[sflag:s13] =	ssyncset.done $0x0  }
.Ltmp6:
0x50: {  	_ = 	snop;
	(pc) =	sbr.rel .LBB2_7-.Ltmp6, $1  }
0x51: {  	_ =	sdelay $0x3  }
.LBB2_5:
.Ltmp7:
0x52: {  	(pc) =	sbr.rel .LBB2_7-.Ltmp7, $2  }
0x53: {  	_ =	sdelay $0x2  }
0x54: {  	s19 =	simm.s32 $0x13C00  }
.LBB2_9:
0x55: {  	_ =	sfence.sel $0x180000  }
0x56: {  	[bflag:$0x0] =	sbarrier.arrive $0xFFFF  }
0x57: {  	p0 =	sne.s32 s1, $0x0;
	_ =	strace $0x9000004D  }
0x58: {  	s0 =	sadd.s32 @!p0 $0x100000, s0;
	[bflag:$0x2] =	sbarrier.arrive $0xFFFF  }
0x59: {  	[sflag:s0] =	ssyncadd.tile.s32 @!p0 $0x1;
	_ =	shalt  }
.Lfunc_end2:
_tile_overlayer_lowered:
.L_overlay_start_2:
0x5a: {  	(tag) =	ssettag $0x2  }
0x5b: {  	s0 =	rddreg [dreg:$0x0];
	s2 =	stileid.u32  }
0x5c: {  	s1 =	rddreg [dreg:$0x1];
	p0 =	sne.s32 s2, $0x0  }
0x5d: {  	s3 =	rddreg [dreg:$0x2];
	[bflag:$0x3] =	sbarrier.arrive $0xFFFF;
	s2 =	simm.s32 @!p0 $0x1C01  }
0x5e: {  	[timem:s3], [sflag:s2] =	dma.local @!p0 [hbm:s0], s1  }
0x5f: {  	s0 =	simm.s32 @!p0 $0x1  }
0x60: {  	_ =	swait.ge @!p0 [sflag:s0], s1  }
0x61: {  	s1 =	ssub.s32 @!p0 $0x0, s1;
	[sflag:s0] =	ssyncset.done @!p0 $0x0  }
0x62: {  	[sflag:s0] =	ssyncadd.s32 @!p0 s1  }
0x63: {  	[bflag:$0x3] =	sbarrier.arrive $0xFFFF  }
0x64: {  	_ =	shalt  }

// kernel: kernel.23.cloned.1.call-start
scs
__scs_entry_jumppad:
0x0: {  	(pc) =	sbr.rel $0x88, $3  }
0x1: {  	(tag) =	ssettag $0x0;
	lr =	simm.s32 $0x1  }
0x2: {  	[smem:$0x3F73] =	sst lr;
	_ =	strace $0xD0000000  }
0x3: {  	_ = 	snop  }
0x4: {  	_ = 	snop  }
0x5: {  	_ = 	snop  }
0x6: {  	_ = 	snop  }
0x7: {  	_ = 	snop  }
__scs_overlays_trampoline_lowered:
0x8: {  	[smem:$0x3F82] =	sst s0  }
0x9: {  	[smem:$0x3F83] =	sst s1  }
0xa: {  	[smem:$0x3F84] =	sst s2  }
0xb: {  	[smem:$0x3F85] =	sst s3  }
0xc: {  	[smem:$0x3F86] =	sst s4  }
0xd: {  	[smem:$0x3F87] =	sst s5  }
0xe: {  	[smem:$0x3F88] =	sst s6  }
0xf: {  	[smem:$0x3F89] =	sst s7  }
0x10: {  	[smem:$0x3F8A] =	sst s8  }
0x11: {  	[smem:$0x3F8B] =	sst s9;
	s0 =	simm.s32 @!p0 $0x0  }
0x12: {  	s1 =	sld [smem:$0x3F71];
	s0 =	simm.s32 @p0 $0x1  }
0x13: {  	[smem:$0x3F8C] =	sst s0;
	s0 =	simm.s32 @!p1 $0x0  }
0x14: {  	s2 =	sld [smem:$0x3F70];
	s0 =	simm.s32 @p1 $0x1  }
0x15: {  	[smem:$0x3F8D] =	sst s0;
	s0 =	simm.s32 @!p2 $0x0  }
0x16: {  	s3 =	sld [smem:$0x3FDB];
	s0 =	simm.s32 @p2 $0x1  }
0x17: {  	s4 =	simm.s32 $0x1BF5;
	[smem:$0x3F8F] =	sst s0  }
0x18: {  	s0 =	sld [smem:$0x3F72];
	_ =	swait.ge [sflag:s4], $0x0  }
0x19: {  	s7 =	sld [smem:$0x3F73]  }
0x1a: {  	s8 =	sadd.s32 $0xFFFFE003, lr  }
0x1b: {  	s9 =	sadd.s32 $0xFFFFFEF7, lr;
	s5 =	simm.s32 $0xFFFFFFFF;
	p2 =	slt.u32 s8, $0xFFFFF086  }
0x1c: {  	p1 =	slt.u32 s9, $0xF7A;
	s5 =	simm.s32 @!p2 $0x0  }
0x1d: {  	s5 =	simm.s32 @p1 $0x1;
	p0 =	seq.s32 s7, s2  }
0x1e: {  	s7 =	smul.u32 @!p0 $0xF7A, s2;
	p2 =	seq.s32 @!p0 s5, $0x0  }
0x1f: {  	s9 =	smul.u32 $0xF7A, s1;
	s8 =	simm.s32 @!p0 $0x1BF5;
	p2 =	por !p2, p0  }
0x20: {  	[sflag:s8] =	ssyncset.s32 @!p0 $0xFFFFF086;
	s6 =	sadd.s32 @!p0 s3, s7;
	s7 =	simm.s32 @!p0 $0x108  }
0x21: {  	s3 =	sadd.s32 s3, s9;
	s6 =	sadd.s32 @!p0 $0x88, s6;
	s7 =	simm.s32 @p2 $0x1082  }
0x22: {  	[simem:s7], [sflag:s8] =	dma.local @!p0 [hbm:s6], $0xF7A  }
0x23: {  	s9 =	sor.u32 $0xD0000000, s2;
	s6 =	simm.s32 $0x108;
	_ =	swait.ge @!p0 [sflag:s8], $0x0  }
0x24: {  	s3 =	sadd.s32 $0x88, s3;
	s6 =	simm.s32 @!p1 $0x1082;
	[sflag:s4] =	ssyncset.s32 $0xFFFFF086  }
0x25: {  	[simem:s6], [sflag:s4] =	dma.local [hbm:s3], $0xF7A  }
0x26: {  	[smem:$0x3F73] =	sst s1;
	(tag) =	ssettag s2;
	_ =	strace s9  }
0x27: {  	s1 =	sld [smem:$0x3F83]  }
0x28: {  	s2 =	sld [smem:$0x3F84]  }
0x29: {  	s4 =	sld [smem:$0x3F86]  }
0x2a: {  	p0 =	seq.s32 s5, $0x0;
	s5 =	sld [smem:$0x3F87]  }
0x2b: {  	s6 =	sld [smem:$0x3F88]  }
0x2c: {  	s7 =	sld [smem:$0x3F89]  }
0x2d: {  	s3 =	simm.s32 $0x108;
	s8 =	sld [smem:$0x3F8A]  }
0x2e: {  	s3 =	simm.s32 @!p0 $0x1082;
	s9 =	sld [smem:$0x3F8B]  }
0x2f: {  	lr =	sadd.s32 s0, s3;
	s0 =	sld [smem:$0x3F82]  }
0x30: {  	s3 =	sld [smem:$0x3F85]  }
0x31: {  	[smem:$0x3F8E] =	sst s10  }
0x32: {  	s10 =	sld [smem:$0x3F8C];
	_ =	sdelay $0x3  }
0x33: {  	p0 =	seq.s32 s10, $0x1;
	s10 =	sld [smem:$0x3F8E];
	_ =	sdelay $0x3  }
0x34: {  	[smem:$0x3F8E] =	sst s10  }
0x35: {  	s10 =	sld [smem:$0x3F8D];
	_ =	sdelay $0x3  }
0x36: {  	p1 =	seq.s32 s10, $0x1;
	s10 =	sld [smem:$0x3F8E];
	_ =	sdelay $0x3  }
0x37: {  	[smem:$0x3F8E] =	sst s10  }
0x38: {  	s10 =	sld [smem:$0x3F8F]  }
0x39: {  	_ = 	snop;
	(pc) =	sbr.ind lr, $3  }
0x3a: {  	_ = 	snop  }
0x3b: {  	_ = 	snop  }
0x3c: {  	p2 =	seq.s32 s10, $0x1;
	s10 =	sld [smem:$0x3F8E]  }
0x3d: {  	_ =	shalt  }
0x3e: {  	_ =	shalt  }
0x3f: {  	_ =	shalt  }
0x40: {  	_ =	shalt  }
0x41: {  	_ =	shalt  }
0x42: {  	_ =	shalt  }
0x43: {  	_ =	shalt  }
0x44: {  	_ =	shalt  }
0x45: {  	_ =	shalt  }
0x46: {  	_ =	shalt  }
0x47: {  	_ =	shalt  }
0x48: {  	_ =	shalt  }
0x49: {  	_ =	shalt  }
0x4a: {  	_ =	shalt  }
0x4b: {  	_ =	shalt  }
0x4c: {  	_ =	shalt  }
0x4d: {  	_ =	shalt  }
0x4e: {  	_ =	shalt  }
0x4f: {  	_ =	shalt  }
0x50: {  	_ =	shalt  }
0x51: {  	_ =	shalt  }
0x52: {  	_ =	shalt  }
0x53: {  	_ =	shalt  }
0x54: {  	_ =	shalt  }
0x55: {  	_ =	shalt  }
0x56: {  	_ =	shalt  }
0x57: {  	_ =	shalt  }
0x58: {  	_ =	shalt  }
0x59: {  	_ =	shalt  }
0x5a: {  	_ =	shalt  }
0x5b: {  	_ =	shalt  }
0x5c: {  	_ =	shalt  }
0x5d: {  	_ =	shalt  }
0x5e: {  	_ =	shalt  }
0x5f: {  	_ =	shalt  }
0x60: {  	_ =	shalt  }
0x61: {  	_ =	shalt  }
0x62: {  	_ =	shalt  }
0x63: {  	_ =	shalt  }
0x64: {  	_ =	shalt  }
0x65: {  	_ =	shalt  }
0x66: {  	_ =	shalt  }
0x67: {  	_ =	shalt  }
0x68: {  	_ =	shalt  }
0x69: {  	_ =	shalt  }
0x6a: {  	_ =	shalt  }
0x6b: {  	_ =	shalt  }
0x6c: {  	_ =	shalt  }
0x6d: {  	_ =	shalt  }
0x6e: {  	_ =	shalt  }
0x6f: {  	_ =	shalt  }
0x70: {  	_ =	shalt  }
0x71: {  	_ =	shalt  }
0x72: {  	_ =	shalt  }
0x73: {  	_ =	shalt  }
0x74: {  	_ =	shalt  }
0x75: {  	_ =	shalt  }
0x76: {  	_ =	shalt  }
0x77: {  	_ =	shalt  }
0x78: {  	_ =	shalt  }
0x79: {  	_ =	shalt  }
0x7a: {  	_ =	shalt  }
0x7b: {  	_ =	shalt  }
0x7c: {  	_ =	shalt  }
0x7d: {  	_ =	shalt  }
0x7e: {  	_ =	shalt  }
0x7f: {  	_ =	shalt  }
0x80: {  	_ =	shalt  }
0x81: {  	_ =	shalt  }
0x82: {  	_ =	shalt  }
0x83: {  	_ =	shalt  }
0x84: {  	_ =	shalt  }
0x85: {  	_ =	shalt  }
0x86: {  	_ =	shalt  }
0x87: {  	_ =	shalt  }
.Lfunc_end0:
.L_simem_size_0:
called_computation.3_lowered:
.L_overlay_start_0:
0x88: {  	s2 =	sld [smem:$0x3FD9]  }
0x89: {  	s3 =	sld [smem:$0x3FFE];
	_ =	sdelay $0x1  }
0x8a: {  	s1 =	srdreg.scid  }
0x8b: {  	s0 =	sand.u32 $0x1, s1  }
0x8c: {  	s16 =	sshll.u32 s0, $0xA;
	s2 =	sadd.s32 s3, s2  }
0x8d: {  	s2 =	sadd.s32 s2, s16  }
0x8e: {  	[smem:$0x3F9A] =	sst s2  }
0x8f: {  	_ = 	snop  }
0x90: {  	(tm) =	ssettm $0x1  }
0x91: {  	s17 =	sld [smem:$0x3FFB];
	_ =	sdelay $0x3  }
0x92: {  	_ =	strace s17  }
0x93: {  	s2 =	sld [smem:$0x3FFC];
	_ =	sdelay $0x3  }
0x94: {  	_ =	strace s2  }
0x95: {  	s2 =	sld [smem:$0x3FFD];
	_ =	sdelay $0x3  }
0x96: {  	_ =	strace s2  }
0x97: {  	_ =	strace $0x8FFFFFFF  }
0x98: {  	s18 =	sld [smem:$0x3FDB];
	_ =	sdelay $0x1  }
0x99: {  	s19 =	simm.s32 $_scs_section_size  }
0x9a: {  	s4 =	simm.s32 $_size__tile_overlayer_lowered;
	s5 =	simm.s32 $_tile_overlayer_lowered  }
0x9b: {  	s22 =	simm.s32 $0x1BFF;
	s21 =	sshll.u32 s5, $0x1;
	s2 =	sadd.s32 s19, s18  }
0x9c: {  	s6 =	simm.s32 $0x0;
	s20 =	sshll.u32 s4, $0x1;
	s4 =	sadd.s32 s21, s2  }
0x9d: {  	[timem:s6], [sflag:s22] =	dma.local [hbm:s4], s20  }
0x9e: {  	_ =	swait.ge [sflag:s22], s20  }
0x9f: {  	s3 =	ssub.s32 $0x0, s20;
	[sflag:s22] =	ssyncset.done $0x0  }
0xa0: {  	[sflag:s22] =	ssyncadd.s32 s3;
	_ =	sdelay $0x1  }
0xa1: {  	s23 =	simm.s32 $0x1B8B  }
0xa2: {  	_ =	swait.ge [sflag:s23], $0x1  }
0xa3: {  	[sflag:s23] =	ssyncset.done $0x0  }
0xa4: {  	s25 =	simm.s32 $0x1B8E;
	s24 =	sld [smem:$0x3FFE];
	[sflag:s23] =	ssyncadd.s32 $0xFFFFFFFF  }
0xa5: {  	s26 =	simm.s32 $execute0_lowered;
	[smem:$0x3FD2] =	sst s25  }
0xa6: {  	s4 =	sshll.u32 s26, $0x1;
	_ =	strace $0x8000004F;
	[dreg:$0x1] =	wrdreg $0xFFFFFFFF  }
0xa7: {  	s28 =	simm.s32 $_size_execute0_lowered;
	s2 =	sadd.s32 s2, s4;
	[dreg:$0x0] =	wrdreg $0x0  }
0xa8: {  	s4 =	sshll.u32 s28, $0x1;
	[dreg:$0x2] =	wrdreg s2  }
0xa9: {  	[dreg:$0x3] =	wrdreg s4  }
0xaa: {  	[dreg:$0x4] =	wrdreg $0xC0  }
0xab: {  	_ =	task [dreg:s6], $0x5FFFF  }
0xac: {  	[dreg:$0x1] =	wrdreg $0xFFFFFFFF  }
0xad: {  	[dreg:$0x0] =	wrdreg $0x60  }
0xae: {  	[dreg:$0x2] =	wrdreg s24  }
0xaf: {  	[dreg:$0x3] =	wrdreg $0x9  }
0xb0: {  	_ =	task.clear_ibuf [dreg:s6], $0x4FFFF;
	_ =	strace $0x9000004F  }
0xb1: {  	s29 =	simm.s32 $0x9;
	_ =	strace $0x80000051  }
0xb2: {  	_ =	swait.ge [sflag:s29], $0x1  }
0xb3: {  	[sflag:s29] =	ssyncadd.s32 $0xFFFFFFFF  }
0xb4: {  	_ =	strace $0x90000051  }
0xb5: {  	_ =	sfence  }
0xb6: {  	s30 =	sld [smem:$0x0];
	_ =	sdelay $0x2  }
0xb7: {  	s31 =	sshll.u32 s1, $0xD;
	s1 =	sshrl.u32 s1, $0x2  }
0xb8: {  	s3 =	sand.u32 $0x4000, s31;
	s1 =	sadd.s32 s1, s30  }
0xb9: {  	s0 =	sor.u32 s3, s0;
	s1 =	sshll.u32 s1, $0x11  }
0xba: {  	s0 =	sor.u32 s1, s0  }
0xbb: {  	s0 =	sadd.s32 $0x8F2B, s0  }
0xbc: {  	[sflag:s0] =	ssyncadd.remote.s32 $0x1  }
0xbd: {  	_ =	sfence.sel $0xFFFF  }
0xbe: {  	[dreg:$0x0] =	wrdreg $0xFFFFFFFF;
	(pc) =	sbr.abs _section_cstart, $3  }
0xbf: {  	[dreg:$0x1] =	wrdreg $0xFFFFFFFF  }
0xc0: {  	_ =	task.clear_ibuf [dreg:s6], $0x2FFFF;
	_ =	strace $0x9FFFFFFF  }
0xc1: {  	(tm) =	ssettm $0x7FFFFFFF  }
tec
execute0_lowered:
.L_overlay_start_1:
0x0: {  	(tag) =	ssettag $0x1  }
0x1: {  	s6 =	rddreg [dreg:$0x0]  }
0x2: {  	s0 =	rddreg [dreg:$0x1];
	s3 =	srdreg.scid;
	s2 =	simm.s32 $0x0  }
0x3: {  	s1 =	stileid.u32;
	s14 =	simm.s32 $0x1;
	s15 =	simm.s32 $0x10000  }
0x4: {  	s16 =	simm.s32 $0x8000;
	s17 =	simm.s32 $0xC000;
	s18 =	simm.s32 $0x0  }
0x5: {  	s10 =	sand.u32 $0x1, s3;
	[smem:$0x7FF] =	sst s2;
	s30 =	sshll.u32 s1, $0x8  }
0x6: {  	s5 =	sshrl.u32 s1, $0x2;
	s12 =	sshll.u32 s1, $0x16;
	s4 =	sshll.u32 s10, $0x7  }
0x7: {  	_ =	strace $0x80000050;
	s7 =	sshll.u32 s5, $0x11;
	s5 =	sshll.u32 s5, $0xA  }
0x8: {  	s31 =	ssub.s32 $0x2, s10;
	s13 =	sshll.u32 s10, $0x15;
	s3 =	sor.u32 s4, s30  }
0x9: {  	s11 =	sshrl.u32 s31, $0x1;
	s4 =	sand.u32 $0x380, s3;
	s3 =	sadd.s32 $0x73800, s6  }
0xa: {  	s11 =	ssub.s32 s31, s11;
	s7 =	sor.u32 s7, s4;
	s5 =	sor.u32 s5, s4  }
.Ltmp0:
0xb: {  	s4 =	sadd.s32 $0xDC00, s6;
	s10 =	smax.u32 s11, $0x1;
	(pc) =	sbr.rel .LBB2_1-.Ltmp0, $4  }
0xc: {  	s11 =	sor.u32 s13, s12;
	s12 =	simm.s32 $0x80;
	s7 =	sshrl.u32 s7, $0x3  }
0xd: {  	s13 =	simm.s32 $0x400;
	s5 =	sshrl.u32 s5, $0x3;
	s8 =	sadd.s32 s7, s6  }
0xe: {  	s9 =	sadd.s32 s5, s6;
	s5 =	sadd.s32 $0x9AA00, s6;
	s6 =	sadd.s32 $0x89AA00, s6  }
0xf: {  	s7 =	sadd.s32 $0x2C400, s8;
	s8 =	sadd.s32 $0x3C400, s8;
	s9 =	sadd.s32 $0x4C400, s9  }
.LBB2_4:
0x10: {  	[sflag:s14] =	ssyncadd.s32 $0xFFFFC000  }
.LBB2_5:
0x11: {  	s18 =	sadd.s32 $0x1, s18  }
0x12: {  	p0 =	sne.s32 s18, s10  }
.Ltmp1:
0x13: {  	_ = 	snop;
	(pc) =	sbr.rel @!p0 .LBB2_6-.Ltmp1, $1  }
0x14: {  	_ =	sdelay $0x3  }
.LBB2_1:
0x15: {  	[tilespmem:s2], [sflag:$0x1] =	stream.strided.gather [hbm4b:s7+s12], $0x4000, s13, s12, $0x38;
	[tilespmem:$0x10080] =	vst v63  }
0x16: {  	_ =	swait.ge [sflag:s14], $0x4000  }
0x17: {  	[sflag:s14] =	ssyncset.done $0x0  }
0x18: {  	s20 =	simm.s32 $0x4000;
	[sflag:s14] =	ssyncadd.s32 $0xFFFFC000  }
0x19: {  	[tilespmem:s20], [sflag:$0x1] =	stream.strided.gather [hbm4b:s8+s12], $0x4000, s13, s12, $0x38;
	[tilespmem:$0x10080] =	vst v63  }
0x1a: {  	_ =	swait.ge [sflag:s14], $0x4000  }
0x1b: {  	[sflag:s14] =	ssyncset.done $0x0  }
0x1c: {  	[sflag:s14] =	ssyncadd.s32 $0xFFFFC000  }
0x1d: {  	[tilespmem:s15], [sflag:$0x1] =	stream.linear.gather [hbm4b:s9+s2], $0x80, $0x38;
	[tilespmem:$0x10080] =	vst v63  }
0x1e: {  	_ =	swait.ge [sflag:s14], $0x80  }
0x1f: {  	[sflag:s14] =	ssyncset.done $0x0  }
0x20: {  	[sflag:s14] =	ssyncadd.s32 $0xFFFFFF80  }
0x21: {  	v0 =	vld [tilespmem:$0x10000];
	_ =	sdelay $0x4  }
0x22: {  	(v2sf) =	vpush v0, $0x0;
	_ =	sdelay $0xe  }
0x23: {  	s19 =	spop (v2sf)  }
0x24: {  	s19 =	sadd.s32 $0x7F, s19  }
0x25: {  	s21 =	sand.u32 $0x7F, s19  }
0x26: {  	s31 =	sshra.s32 s19, $0x1F;
	p1 =	slt.s32 s19, $0x1;
	p0 =	sne.s32 s21, $0x0  }
0x27: {  	s21 =	sshrl.u32 s31, $0x19;
	p0 =	por !p1, !p0  }
0x28: {  	s19 =	sadd.s32 s21, s19;
	s21 =	simm.s32 $0x1;
	p0 =	por !p0, !p0  }
0x29: {  	s19 =	sshra.s32 s19, $0x7;
	s21 =	simm.s32 @!p0 $0x0  }
0x2a: {  	s19 =	ssub.s32 s19, s21  }
0x2b: {  	p0 =	slt.s32 s19, $0x1  }
.Ltmp2:
0x2c: {  	_ = 	snop;
	(pc) =	sbr.rel @p0 .LBB2_5-.Ltmp2, $1  }
0x2d: {  	_ =	sdelay $0x3  }
0x2e: {  	[tilespmem:s16], [sflag:$0x1] =	stream.indirect.gather [hbm4b:s3+s12], $0x80, s2, s12, $0xb8;
	[tilespmem:$0x10080] =	vst v63  }
0x2f: {  	_ =	swait.ge [sflag:s14], $0x4000  }
0x30: {  	[sflag:s14] =	ssyncset.done $0x0  }
0x31: {  	[sflag:s14] =	ssyncadd.s32 $0xFFFFC000  }
0x32: {  	[tilespmem:s17], [sflag:$0x1] =	stream.indirect.gather [hbm4b:s4+s12], $0x80, s20, s12, $0xb8;
	[tilespmem:$0x10080] =	vst v63  }
0x33: {  	_ =	swait.ge [sflag:s14], $0x4000  }
0x34: {  	s21 =	sshrl.u32 s11, $0x3;
	[sflag:s14] =	ssyncset.done $0x0  }
0x35: {  	s22 =	sadd.s32 s5, s21;
	[sflag:s14] =	ssyncadd.s32 $0xFFFFC000  }
0x36: {  	[hbm4b:s22+s2] =	stream.linear.scatter [tilespmem:s16], [sflag:$0x1], $0x4000, $0x38;
	[tilespmem:$0x10080] =	vst v63  }
0x37: {  	p0 =	sne.s32 s19, $0x1;
	_ =	swait.ge [sflag:s14], $0x4000  }
.Ltmp3:
0x38: {  	[sflag:s14] =	ssyncset.done $0x0;
	(pc) =	sbr.rel @!p0 .LBB2_4-.Ltmp3, $4  }
0x39: {  	s21 =	sadd.s32 s6, s21;
	[sflag:s14] =	ssyncadd.s32 $0xFFFFC000  }
0x3a: {  	[hbm4b:s21+s2] =	stream.linear.scatter [tilespmem:s17], [sflag:$0x1], $0x4000, $0x38;
	[tilespmem:$0x10080] =	vst v63  }
0x3b: {  	s19 =	sadd.s32 $0xFFFFFFFF, s19;
	s20 =	sadd.s32 $0x80, s20;
	_ =	swait.ge [sflag:s14], $0x4000  }
0x3c: {  	s22 =	simm.s32 $0x0;
	s21 =	smov.u32 s11;
	[sflag:s14] =	ssyncset.done $0x0  }
.LBB2_3:
0x3d: {  	[sflag:s14] =	ssyncadd.s32 $0xFFFFC000;
	s21 =	sadd.s32 $0x4000, s21;
	s22 =	sadd.s32 $0x80, s22  }
0x3e: {  	[tilespmem:s16], [sflag:$0x1] =	stream.indirect.gather [hbm4b:s3+s12], $0x80, s22, s12, $0xb8;
	[tilespmem:$0x10080] =	vst v63  }
0x3f: {  	p0 =	sne.s32 s19, $0x1;
	s19 =	sadd.s32 $0xFFFFFFFF, s19;
	_ =	swait.ge [sflag:s14], $0x4000  }
0x40: {  	[sflag:s14] =	ssyncset.done $0x0  }
0x41: {  	[sflag:s14] =	ssyncadd.s32 $0xFFFFC000  }
0x42: {  	[tilespmem:s17], [sflag:$0x1] =	stream.indirect.gather [hbm4b:s4+s12], $0x80, s20, s12, $0xb8;
	[tilespmem:$0x10080] =	vst v63  }
0x43: {  	_ =	swait.ge [sflag:s14], $0x4000  }
0x44: {  	s23 =	sshrl.u32 s21, $0x3;
	[sflag:s14] =	ssyncset.done $0x0  }
0x45: {  	s24 =	sadd.s32 s5, s23;
	[sflag:s14] =	ssyncadd.s32 $0xFFFFC000  }
0x46: {  	[hbm4b:s24+s2] =	stream.linear.scatter [tilespmem:s16], [sflag:$0x1], $0x4000, $0x38;
	[tilespmem:$0x10080] =	vst v63  }
0x47: {  	_ =	swait.ge [sflag:s14], $0x4000  }
.Ltmp4:
0x48: {  	[sflag:s14] =	ssyncset.done $0x0;
	(pc) =	sbr.rel @p0 .LBB2_3-.Ltmp4, $4  }
0x49: {  	s23 =	sadd.s32 s6, s23;
	[sflag:s14] =	ssyncadd.s32 $0xFFFFC000  }
0x4a: {  	[hbm4b:s23+s2] =	stream.linear.scatter [tilespmem:s17], [sflag:$0x1], $0x4000, $0x38;
	[tilespmem:$0x10080] =	vst v63  }
0x4b: {  	_ =	swait.ge [sflag:s14], $0x4000  }
0x4c: {  	s20 =	sadd.s32 $0x80, s20;
	[sflag:s14] =	ssyncset.done $0x0  }
.Ltmp5:
0x4d: {  	_ = 	snop;
	(pc) =	sbr.rel .LBB2_4-.Ltmp5, $1  }
0x4e: {  	_ =	sdelay $0x3  }
.LBB2_6:
0x4f: {  	_ =	sfence.sel $0x180000  }
0x50: {  	[bflag:$0x0] =	sbarrier.arrive $0xFFFF  }
0x51: {  	p0 =	sne.s32 s1, $0x0;
	_ =	strace $0x90000050  }
0x52: {  	s0 =	sadd.s32 @!p0 $0x100000, s0;
	[bflag:$0x2] =	sbarrier.arrive $0xFFFF  }
0x53: {  	[sflag:s0] =	ssyncadd.tile.s32 @!p0 $0x1;
	_ =	shalt  }
.Lfunc_end2:
_tile_overlayer_lowered:
.L_overlay_start_2:
0x54: {  	(tag) =	ssettag $0x2  }
0x55: {  	s0 =	rddreg [dreg:$0x0];
	s2 =	stileid.u32  }
0x56: {  	s1 =	rddreg [dreg:$0x1];
	p0 =	sne.s32 s2, $0x0  }
0x57: {  	s3 =	rddreg [dreg:$0x2];
	[bflag:$0x3] =	sbarrier.arrive $0xFFFF;
	s2 =	simm.s32 @!p0 $0x1C01  }
0x58: {  	[timem:s3], [sflag:s2] =	dma.local @!p0 [hbm:s0], s1  }
0x59: {  	s0 =	simm.s32 @!p0 $0x1  }
0x5a: {  	_ =	swait.ge @!p0 [sflag:s0], s1  }
0x5b: {  	s1 =	ssub.s32 @!p0 $0x0, s1;
	[sflag:s0] =	ssyncset.done @!p0 $0x0  }
0x5c: {  	[sflag:s0] =	ssyncadd.s32 @!p0 s1  }
0x5d: {  	[bflag:$0x3] =	sbarrier.arrive $0xFFFF  }
0x5e: {  	_ =	shalt  }

// kernel: kernel.26.cloned.1.call-start
scs
__scs_entry_jumppad:
0x0: {  	(pc) =	sbr.rel $0x88, $3  }
0x1: {  	(tag) =	ssettag $0x0;
	lr =	simm.s32 $0x1  }
0x2: {  	[smem:$0x3F73] =	sst lr;
	_ =	strace $0xD0000000  }
0x3: {  	_ = 	snop  }
0x4: {  	_ = 	snop  }
0x5: {  	_ = 	snop  }
0x6: {  	_ = 	snop  }
0x7: {  	_ = 	snop  }
__scs_overlays_trampoline_lowered:
0x8: {  	[smem:$0x3F82] =	sst s0  }
0x9: {  	[smem:$0x3F83] =	sst s1  }
0xa: {  	[smem:$0x3F84] =	sst s2  }
0xb: {  	[smem:$0x3F85] =	sst s3  }
0xc: {  	[smem:$0x3F86] =	sst s4  }
0xd: {  	[smem:$0x3F87] =	sst s5  }
0xe: {  	[smem:$0x3F88] =	sst s6  }
0xf: {  	[smem:$0x3F89] =	sst s7  }
0x10: {  	[smem:$0x3F8A] =	sst s8  }
0x11: {  	[smem:$0x3F8B] =	sst s9;
	s0 =	simm.s32 @!p0 $0x0  }
0x12: {  	s1 =	sld [smem:$0x3F71];
	s0 =	simm.s32 @p0 $0x1  }
0x13: {  	[smem:$0x3F8C] =	sst s0;
	s0 =	simm.s32 @!p1 $0x0  }
0x14: {  	s2 =	sld [smem:$0x3F70];
	s0 =	simm.s32 @p1 $0x1  }
0x15: {  	[smem:$0x3F8D] =	sst s0;
	s0 =	simm.s32 @!p2 $0x0  }
0x16: {  	s3 =	sld [smem:$0x3FDB];
	s0 =	simm.s32 @p2 $0x1  }
0x17: {  	s4 =	simm.s32 $0x1BF5;
	[smem:$0x3F8F] =	sst s0  }
0x18: {  	s0 =	sld [smem:$0x3F72];
	_ =	swait.ge [sflag:s4], $0x0  }
0x19: {  	s7 =	sld [smem:$0x3F73]  }
0x1a: {  	s8 =	sadd.s32 $0xFFFFE003, lr  }
0x1b: {  	s9 =	sadd.s32 $0xFFFFFEF7, lr;
	s5 =	simm.s32 $0xFFFFFFFF;
	p2 =	slt.u32 s8, $0xFFFFF086  }
0x1c: {  	p1 =	slt.u32 s9, $0xF7A;
	s5 =	simm.s32 @!p2 $0x0  }
0x1d: {  	s5 =	simm.s32 @p1 $0x1;
	p0 =	seq.s32 s7, s2  }
0x1e: {  	s7 =	smul.u32 @!p0 $0xF7A, s2;
	p2 =	seq.s32 @!p0 s5, $0x0  }
0x1f: {  	s9 =	smul.u32 $0xF7A, s1;
	s8 =	simm.s32 @!p0 $0x1BF5;
	p2 =	por !p2, p0  }
0x20: {  	[sflag:s8] =	ssyncset.s32 @!p0 $0xFFFFF086;
	s6 =	sadd.s32 @!p0 s3, s7;
	s7 =	simm.s32 @!p0 $0x108  }
0x21: {  	s3 =	sadd.s32 s3, s9;
	s6 =	sadd.s32 @!p0 $0x88, s6;
	s7 =	simm.s32 @p2 $0x1082  }
0x22: {  	[simem:s7], [sflag:s8] =	dma.local @!p0 [hbm:s6], $0xF7A  }
0x23: {  	s9 =	sor.u32 $0xD0000000, s2;
	s6 =	simm.s32 $0x108;
	_ =	swait.ge @!p0 [sflag:s8], $0x0  }
0x24: {  	s3 =	sadd.s32 $0x88, s3;
	s6 =	simm.s32 @!p1 $0x1082;
	[sflag:s4] =	ssyncset.s32 $0xFFFFF086  }
0x25: {  	[simem:s6], [sflag:s4] =	dma.local [hbm:s3], $0xF7A  }
0x26: {  	[smem:$0x3F73] =	sst s1;
	(tag) =	ssettag s2;
	_ =	strace s9  }
0x27: {  	s1 =	sld [smem:$0x3F83]  }
0x28: {  	s2 =	sld [smem:$0x3F84]  }
0x29: {  	s4 =	sld [smem:$0x3F86]  }
0x2a: {  	p0 =	seq.s32 s5, $0x0;
	s5 =	sld [smem:$0x3F87]  }
0x2b: {  	s6 =	sld [smem:$0x3F88]  }
0x2c: {  	s7 =	sld [smem:$0x3F89]  }
0x2d: {  	s3 =	simm.s32 $0x108;
	s8 =	sld [smem:$0x3F8A]  }
0x2e: {  	s3 =	simm.s32 @!p0 $0x1082;
	s9 =	sld [smem:$0x3F8B]  }
0x2f: {  	lr =	sadd.s32 s0, s3;
	s0 =	sld [smem:$0x3F82]  }
0x30: {  	s3 =	sld [smem:$0x3F85]  }
0x31: {  	[smem:$0x3F8E] =	sst s10  }
0x32: {  	s10 =	sld [smem:$0x3F8C];
	_ =	sdelay $0x3  }
0x33: {  	p0 =	seq.s32 s10, $0x1;
	s10 =	sld [smem:$0x3F8E];
	_ =	sdelay $0x3  }
0x34: {  	[smem:$0x3F8E] =	sst s10  }
0x35: {  	s10 =	sld [smem:$0x3F8D];
	_ =	sdelay $0x3  }
0x36: {  	p1 =	seq.s32 s10, $0x1;
	s10 =	sld [smem:$0x3F8E];
	_ =	sdelay $0x3  }
0x37: {  	[smem:$0x3F8E] =	sst s10  }
0x38: {  	s10 =	sld [smem:$0x3F8F]  }
0x39: {  	_ = 	snop;
	(pc) =	sbr.ind lr, $3  }
0x3a: {  	_ = 	snop  }
0x3b: {  	_ = 	snop  }
0x3c: {  	p2 =	seq.s32 s10, $0x1;
	s10 =	sld [smem:$0x3F8E]  }
0x3d: {  	_ =	shalt  }
0x3e: {  	_ =	shalt  }
0x3f: {  	_ =	shalt  }
0x40: {  	_ =	shalt  }
0x41: {  	_ =	shalt  }
0x42: {  	_ =	shalt  }
0x43: {  	_ =	shalt  }
0x44: {  	_ =	shalt  }
0x45: {  	_ =	shalt  }
0x46: {  	_ =	shalt  }
0x47: {  	_ =	shalt  }
0x48: {  	_ =	shalt  }
0x49: {  	_ =	shalt  }
0x4a: {  	_ =	shalt  }
0x4b: {  	_ =	shalt  }
0x4c: {  	_ =	shalt  }
0x4d: {  	_ =	shalt  }
0x4e: {  	_ =	shalt  }
0x4f: {  	_ =	shalt  }
0x50: {  	_ =	shalt  }
0x51: {  	_ =	shalt  }
0x52: {  	_ =	shalt  }
0x53: {  	_ =	shalt  }
0x54: {  	_ =	shalt  }
0x55: {  	_ =	shalt  }
0x56: {  	_ =	shalt  }
0x57: {  	_ =	shalt  }
0x58: {  	_ =	shalt  }
0x59: {  	_ =	shalt  }
0x5a: {  	_ =	shalt  }
0x5b: {  	_ =	shalt  }
0x5c: {  	_ =	shalt  }
0x5d: {  	_ =	shalt  }
0x5e: {  	_ =	shalt  }
0x5f: {  	_ =	shalt  }
0x60: {  	_ =	shalt  }
0x61: {  	_ =	shalt  }
0x62: {  	_ =	shalt  }
0x63: {  	_ =	shalt  }
0x64: {  	_ =	shalt  }
0x65: {  	_ =	shalt  }
0x66: {  	_ =	shalt  }
0x67: {  	_ =	shalt  }
0x68: {  	_ =	shalt  }
0x69: {  	_ =	shalt  }
0x6a: {  	_ =	shalt  }
0x6b: {  	_ =	shalt  }
0x6c: {  	_ =	shalt  }
0x6d: {  	_ =	shalt  }
0x6e: {  	_ =	shalt  }
0x6f: {  	_ =	shalt  }
0x70: {  	_ =	shalt  }
0x71: {  	_ =	shalt  }
0x72: {  	_ =	shalt  }
0x73: {  	_ =	shalt  }
0x74: {  	_ =	shalt  }
0x75: {  	_ =	shalt  }
0x76: {  	_ =	shalt  }
0x77: {  	_ =	shalt  }
0x78: {  	_ =	shalt  }
0x79: {  	_ =	shalt  }
0x7a: {  	_ =	shalt  }
0x7b: {  	_ =	shalt  }
0x7c: {  	_ =	shalt  }
0x7d: {  	_ =	shalt  }
0x7e: {  	_ =	shalt  }
0x7f: {  	_ =	shalt  }
0x80: {  	_ =	shalt  }
0x81: {  	_ =	shalt  }
0x82: {  	_ =	shalt  }
0x83: {  	_ =	shalt  }
0x84: {  	_ =	shalt  }
0x85: {  	_ =	shalt  }
0x86: {  	_ =	shalt  }
0x87: {  	_ =	shalt  }
.Lfunc_end0:
.L_simem_size_0:
called_computation.4_lowered:
.L_overlay_start_0:
0x88: {  	s2 =	sld [smem:$0x3FD9]  }
0x89: {  	s3 =	sld [smem:$0x3FFE];
	_ =	sdelay $0x1  }
0x8a: {  	s1 =	srdreg.scid  }
0x8b: {  	s0 =	sand.u32 $0x1, s1  }
0x8c: {  	s16 =	sshll.u32 s0, $0xA;
	s2 =	sadd.s32 s3, s2  }
0x8d: {  	s2 =	sadd.s32 s2, s16  }
0x8e: {  	[smem:$0x3F9A] =	sst s2  }
0x8f: {  	_ = 	snop  }
0x90: {  	(tm) =	ssettm $0x1  }
0x91: {  	s17 =	sld [smem:$0x3FFB];
	_ =	sdelay $0x3  }
0x92: {  	_ =	strace s17  }
0x93: {  	s2 =	sld [smem:$0x3FFC];
	_ =	sdelay $0x3  }
0x94: {  	_ =	strace s2  }
0x95: {  	s2 =	sld [smem:$0x3FFD];
	_ =	sdelay $0x3  }
0x96: {  	_ =	strace s2  }
0x97: {  	_ =	strace $0x8FFFFFFF  }
0x98: {  	s18 =	sld [smem:$0x3FDB];
	_ =	sdelay $0x1  }
0x99: {  	s19 =	simm.s32 $_scs_section_size  }
0x9a: {  	s4 =	simm.s32 $_size__tile_overlayer_lowered;
	s5 =	simm.s32 $_tile_overlayer_lowered  }
0x9b: {  	s22 =	simm.s32 $0x1BFF;
	s21 =	sshll.u32 s5, $0x1;
	s2 =	sadd.s32 s19, s18  }
0x9c: {  	s6 =	simm.s32 $0x0;
	s20 =	sshll.u32 s4, $0x1;
	s4 =	sadd.s32 s21, s2  }
0x9d: {  	[timem:s6], [sflag:s22] =	dma.local [hbm:s4], s20  }
0x9e: {  	_ =	swait.ge [sflag:s22], s20  }
0x9f: {  	s3 =	ssub.s32 $0x0, s20;
	[sflag:s22] =	ssyncset.done $0x0  }
0xa0: {  	[sflag:s22] =	ssyncadd.s32 s3;
	_ =	sdelay $0x1  }
0xa1: {  	s23 =	simm.s32 $0x1B8B  }
0xa2: {  	_ =	swait.ge [sflag:s23], $0x1  }
0xa3: {  	[sflag:s23] =	ssyncset.done $0x0  }
0xa4: {  	s25 =	simm.s32 $0x1B8E;
	s24 =	sld [smem:$0x3FFE];
	[sflag:s23] =	ssyncadd.s32 $0xFFFFFFFF  }
0xa5: {  	s26 =	simm.s32 $execute0_lowered;
	[smem:$0x3FD2] =	sst s25  }
0xa6: {  	s4 =	sshll.u32 s26, $0x1;
	_ =	strace $0x80000052;
	[dreg:$0x1] =	wrdreg $0xFFFFFFFF  }
0xa7: {  	s28 =	simm.s32 $_size_execute0_lowered;
	s2 =	sadd.s32 s2, s4;
	[dreg:$0x0] =	wrdreg $0x0  }
0xa8: {  	s4 =	sshll.u32 s28, $0x1;
	[dreg:$0x2] =	wrdreg s2  }
0xa9: {  	[dreg:$0x3] =	wrdreg s4  }
0xaa: {  	[dreg:$0x4] =	wrdreg $0xC0  }
0xab: {  	_ =	task [dreg:s6], $0x5FFFF  }
0xac: {  	[dreg:$0x1] =	wrdreg $0xFFFFFFFF  }
0xad: {  	[dreg:$0x0] =	wrdreg $0x60  }
0xae: {  	[dreg:$0x2] =	wrdreg s24  }
0xaf: {  	[dreg:$0x3] =	wrdreg $0x0  }
0xb0: {  	[dreg:$0x4] =	wrdreg $0x9  }
0xb1: {  	_ =	task.clear_ibuf [dreg:s6], $0x5FFFF;
	_ =	strace $0x90000052  }
0xb2: {  	s29 =	simm.s32 $0x9;
	_ =	strace $0x80000054  }
0xb3: {  	_ =	swait.ge [sflag:s29], $0x1  }
0xb4: {  	[sflag:s29] =	ssyncadd.s32 $0xFFFFFFFF  }
0xb5: {  	_ =	strace $0x90000054  }
0xb6: {  	_ =	sfence  }
0xb7: {  	s30 =	sld [smem:$0x0];
	_ =	sdelay $0x2  }
0xb8: {  	s31 =	sshll.u32 s1, $0xD;
	s1 =	sshrl.u32 s1, $0x2  }
0xb9: {  	s3 =	sand.u32 $0x4000, s31;
	s1 =	sadd.s32 s1, s30  }
0xba: {  	s0 =	sor.u32 s3, s0;
	s1 =	sshll.u32 s1, $0x11  }
0xbb: {  	s0 =	sor.u32 s1, s0  }
0xbc: {  	s0 =	sadd.s32 $0x8F2B, s0  }
0xbd: {  	[sflag:s0] =	ssyncadd.remote.s32 $0x1  }
0xbe: {  	_ =	sfence.sel $0xFFFF  }
0xbf: {  	[dreg:$0x0] =	wrdreg $0xFFFFFFFF;
	(pc) =	sbr.abs _section_cstart, $3  }
0xc0: {  	[dreg:$0x1] =	wrdreg $0xFFFFFFFF  }
0xc1: {  	_ =	task.clear_ibuf [dreg:s6], $0x2FFFF;
	_ =	strace $0x9FFFFFFF  }
0xc2: {  	(tm) =	ssettm $0x7FFFFFFF  }
0xc3: {  	_ =	shalt  }
tec
execute0_lowered:
.L_overlay_start_1:
0x0: {  	(tag) =	ssettag $0x1  }
0x1: {  	s9 =	rddreg [dreg:$0x0]  }
0x2: {  	s2 =	rddreg [dreg:$0x1]  }
0x3: {  	s0 =	rddreg [dreg:$0x2];
	s3 =	simm.s32 $0x0;
	s4 =	srdreg.scid  }
0x4: {  	s1 =	stileid.u32;
	s17 =	simm.s32 $0x0;
	[smem:$0x7FF] =	sst s3  }
0x5: {  	s10 =	sand.u32 $0x1, s4;
	s29 =	sshll.u32 s1, $0x1;
	s30 =	smul.u32 $0x4F000, s1  }
0x6: {  	s4 =	sadd.s32 $0x20C1E00, s9;
	s13 =	sshll.u32 s1, $0x6;
	s14 =	smul.u32 $0x2780, s1  }
0x7: {  	s15 =	sshll.u32 s1, $0x16;
	_ =	strace $0x80000053;
	s5 =	sor.u32 s10, s29  }
0x8: {  	s11 =	ssub.s32 $0x2, s10;
	p0 =	seq.s32 s10, $0x1;
	s16 =	sshll.u32 s10, $0x15  }
0x9: {  	s6 =	sshll.u32 s5, $0xC;
	s5 =	sshll.u32 s5, $0x4;
	s12 =	sshrl.u32 s11, $0x1  }
0xa: {  	s7 =	sadd.s32 s6, s9;
	s8 =	sadd.s32 s5, s9;
	s6 =	sshrl.u32 s30, $0x2  }
0xb: {  	s5 =	sadd.s32 $0xB400, s9;
	s11 =	ssub.s32 s11, s12;
	s31 =	sadd.s32 s6, s2  }
.Ltmp0:
0xc: {  	s6 =	sor.u32 $0x1C01, s13;
	s13 =	simm.s32 $0x10C1E00;
	(pc) =	sbr.rel .LBB2_1-.Ltmp0, $4  }
0xd: {  	s7 =	sadd.s32 $0x10A1E00, s7;
	s8 =	sadd.s32 $0x4C400, s8;
	s13 =	simm.s32 @!p0 $0xDC00  }
0xe: {  	s12 =	sshrl.u32 s31, $0x3;
	s13 =	sadd.s32 s13, s9;
	s9 =	smax.u32 s11, $0x1  }
0xf: {  	s11 =	sor.u32 s16, s15;
	s15 =	simm.s32 $0x1BC00;
	s16 =	simm.s32 $0x40  }
0x10: {  	s10 =	sadd.s32 s13, s14;
	s13 =	simm.s32 $0x1;
	s14 =	simm.s32 $0x1DC00  }
.LBB2_3:
0x11: {  	s19 =	simm.s32 $0x13C00  }
.LBB2_7:
0x12: {  	s20 =	sadd.s32 s4, s22;
	[sflag:s13] =	ssyncadd.s32 @p0 $0xFFFFE000  }
0x13: {  	[tilespmem:s15], [sflag:$0x1] =	stream.linear.gather [hbm4b:s20+s3], $0x2000, $0x38;
	[tilespmem:$0x1DC80] =	vst v63  }
0x14: {  	_ =	swait.ge [sflag:s13], $0x2000  }
0x15: {  	s19 =	sadd.s32 @p0 $0x80, s19;
	[sflag:s13] =	ssyncset.done $0x0  }
0x16: {  	s18 =	smov.u32 @p0 s19;
	[sflag:s13] =	ssyncadd.s32 $0xFFFFE000  }
0x17: {  	[spmem:s2] =	stream.indirect.scatter.add.f32 [tilespmem:s15], [sflag:$0x1], $0x80, s18, s16, $0xb8;
	[tilespmem:$0x1DC80] =	vst v63  }
0x18: {  	_ =	swait.ge [sflag:s13], $0x2000  }
0x19: {  	[sflag:s13] =	ssyncset.done $0x0  }
0x1a: {  	[sflag:s13] =	ssyncadd.s32 $0xFFFFE000  }
.LBB2_8:
0x1b: {  	s17 =	sadd.s32 $0x1, s17  }
0x1c: {  	p0 =	sne.s32 s17, s9  }
.Ltmp1:
0x1d: {  	[bflag:$0x0] =	sbarrier.arrive $0xFFFF;
	(pc) =	sbr.rel @!p0 .LBB2_9-.Ltmp1, $4  }
0x1e: {  	[hbm:s10], [sflag:s6] =	dma.local [spmem:s12], $0x2780  }
0x1f: {  	_ =	swait.ge [sflag:s13], $0x2780  }
0x20: {  	[sflag:s13] =	ssyncset.done $0x0  }
0x21: {  	[sflag:s13] =	ssyncadd.s32 $0xFFFFD880  }
.LBB2_1:
0x22: {  	[spmem:s12], [sflag:s6] =	dma.local [hbm:s5], $0x2780  }
0x23: {  	_ =	swait.ge [sflag:s13], $0x2780  }
0x24: {  	[sflag:s13] =	ssyncset.done $0x0  }
0x25: {  	s18 =	simm.s32 $0x13C00;
	[sflag:s13] =	ssyncadd.s32 $0xFFFFD880  }
0x26: {  	[tilespmem:s18], [sflag:$0x1] =	stream.linear.gather [hbm4b:s7+s3], $0x8000, $0x38;
	[tilespmem:$0x1DC80] =	vst v63  }
0x27: {  	_ =	swait.ge [sflag:s13], $0x8000  }
0x28: {  	[sflag:s13] =	ssyncset.done $0x0  }
0x29: {  	[sflag:s13] =	ssyncadd.s32 $0xFFFF8000  }
0x2a: {  	[tilespmem:s14], [sflag:$0x1] =	stream.linear.gather [hbm4b:s8+s3], $0x80, $0x38;
	[tilespmem:$0x1DC80] =	vst v63  }
0x2b: {  	_ =	swait.ge [sflag:s13], $0x80  }
0x2c: {  	[sflag:s13] =	ssyncset.done $0x0  }
0x2d: {  	[sflag:s13] =	ssyncadd.s32 $0xFFFFFF80  }
0x2e: {  	v0 =	vld [tilespmem:$0x1DC00];
	_ =	sdelay $0x4  }
0x2f: {  	(v2sf) =	vpush v0, $0x0;
	_ =	sdelay $0xe  }
0x30: {  	s19 =	spop (v2sf)  }
0x31: {  	s19 =	sadd.s32 $0x3F, s19  }
0x32: {  	s20 =	sand.u32 $0x3F, s19  }
0x33: {  	s31 =	sshra.s32 s19, $0x1F;
	p1 =	slt.s32 s19, $0x1;
	p0 =	sne.s32 s20, $0x0  }
0x34: {  	s20 =	sshrl.u32 s31, $0x1A;
	p0 =	por !p1, !p0  }
0x35: {  	s19 =	sadd.s32 s20, s19;
	s20 =	simm.s32 $0x1;
	p0 =	por !p0, !p0  }
0x36: {  	s19 =	sshra.s32 s19, $0x6;
	s20 =	simm.s32 @!p0 $0x0  }
0x37: {  	s19 =	ssub.s32 s19, s20  }
0x38: {  	p0 =	slt.s32 s19, $0x1  }
.Ltmp2:
0x39: {  	_ = 	snop;
	(pc) =	sbr.rel @p0 .LBB2_8-.Ltmp2, $2  }
0x3a: {  	_ =	sdelay $0x1  }
0x3b: {  	[bflag:$0x0] =	sbarrier.arrive $0xFFFF;
	_ =	sdelay $0x1  }
0x3c: {  	p1 =	sne.s32 s19, $0x1  }
.Ltmp3:
0x3d: {  	_ = 	snop;
	(pc) =	sbr.rel @!p1 .LBB2_3-.Ltmp3, $2  }
0x3e: {  	_ =	sdelay $0x2  }
0x3f: {  	s19 =	sadd.s32 $0xFFFFFFFF, s19;
	s22 =	sshrl.u32 s11, $0x3;
	p0 =	por $0x0, $0x0  }
0x40: {  	s20 =	sadd.s32 s4, s22  }
0x41: {  	[tilespmem:s15], [sflag:$0x1] =	stream.linear.gather [hbm4b:s20+s3], $0x2000, $0x38;
	[tilespmem:$0x1DC80] =	vst v63  }
0x42: {  	p1 =	sne.s32 s19, $0x1;
	_ =	swait.ge [sflag:s13], $0x2000  }
.Ltmp4:
0x43: {  	[sflag:s13] =	ssyncset.done $0x0;
	(pc) =	sbr.rel @!p1 .LBB2_5-.Ltmp4, $4  }
0x44: {  	s21 =	sadd.s32 $0xFFFFFFFF, s19;
	[sflag:s13] =	ssyncadd.s32 $0xFFFFE000  }
0x45: {  	[spmem:s2] =	stream.indirect.scatter.add.f32 [tilespmem:s15], [sflag:$0x1], $0x80, s18, s16, $0xb8;
	[tilespmem:$0x1DC80] =	vst v63  }
0x46: {  	p0 =	por $0x1, $0x1;
	s20 =	sadd.s32 $0x2000, s11;
	_ =	swait.ge [sflag:s13], $0x2000  }
0x47: {  	s19 =	simm.s32 $0x13C00;
	s22 =	sshrl.u32 s20, $0x3;
	[sflag:s13] =	ssyncset.done $0x0  }
.LBB2_6:
0x48: {  	s22 =	sadd.s32 s4, s22;
	[sflag:s13] =	ssyncadd.s32 $0xFFFFE000;
	s19 =	sadd.s32 $0x80, s19  }
0x49: {  	[tilespmem:s15], [sflag:$0x1] =	stream.linear.gather [hbm4b:s22+s3], $0x2000, $0x38;
	[tilespmem:$0x1DC80] =	vst v63  }
0x4a: {  	p1 =	sne.s32 s21, $0x1;
	s21 =	sadd.s32 $0xFFFFFFFF, s21;
	_ =	swait.ge [sflag:s13], $0x2000  }
.Ltmp5:
0x4b: {  	[sflag:s13] =	ssyncset.done $0x0;
	(pc) =	sbr.rel @p1 .LBB2_6-.Ltmp5, $4  }
0x4c: {  	[sflag:s13] =	ssyncadd.s32 $0xFFFFE000  }
0x4d: {  	[spmem:s2] =	stream.indirect.scatter.add.f32 [tilespmem:s15], [sflag:$0x1], $0x80, s19, s16, $0xb8;
	[tilespmem:$0x1DC80] =	vst v63  }
0x4e: {  	s20 =	sadd.s32 $0x2000, s20;
	_ =	swait.ge [sflag:s13], $0x2000  }
0x4f: {  	s22 =	sshrl.u32 s20, $0x3;
	[sflag:s13] =	ssyncset.done $0x0  }
.Ltmp6:
0x50: {  	_ = 	snop;
	(pc) =	sbr.rel .LBB2_7-.Ltmp6, $1  }
0x51: {  	_ =	sdelay $0x3  }
.LBB2_5:
.Ltmp7:
0x52: {  	(pc) =	sbr.rel .LBB2_7-.Ltmp7, $2  }
0x53: {  	_ =	sdelay $0x2  }
0x54: {  	s19 =	simm.s32 $0x13C00  }
.LBB2_9:
0x55: {  	_ =	sfence.sel $0x180000  }
0x56: {  	[bflag:$0x0] =	sbarrier.arrive $0xFFFF  }
0x57: {  	p0 =	sne.s32 s1, $0x0;
	_ =	strace $0x90000053  }
0x58: {  	s0 =	sadd.s32 @!p0 $0x100000, s0;
	[bflag:$0x2] =	sbarrier.arrive $0xFFFF  }
0x59: {  	[sflag:s0] =	ssyncadd.tile.s32 @!p0 $0x1;
	_ =	shalt  }
.Lfunc_end2:
_tile_overlayer_lowered:
.L_overlay_start_2:
0x5a: {  	(tag) =	ssettag $0x2  }
0x5b: {  	s0 =	rddreg [dreg:$0x0];
	s2 =	stileid.u32  }
0x5c: {  	s1 =	rddreg [dreg:$0x1];
	p0 =	sne.s32 s2, $0x0  }
0x5d: {  	s3 =	rddreg [dreg:$0x2];
	[bflag:$0x3] =	sbarrier.arrive $0xFFFF;
	s2 =	simm.s32 @!p0 $0x1C01  }
0x5e: {  	[timem:s3], [sflag:s2] =	dma.local @!p0 [hbm:s0], s1  }
0x5f: {  	s0 =	simm.s32 @!p0 $0x1  }
0x60: {  	_ =	swait.ge @!p0 [sflag:s0], s1  }
0x61: {  	s1 =	ssub.s32 @!p0 $0x0, s1;
	[sflag:s0] =	ssyncset.done @!p0 $0x0  }
0x62: {  	[sflag:s0] =	ssyncadd.s32 @!p0 s1  }
0x63: {  	[bflag:$0x3] =	sbarrier.arrive $0xFFFF  }
0x64: {  	_ =	shalt  }

</sc_bundles>
